<compile_context>
chip_gen: v7x
topology: tpu7x:2x2x1
jax: 0.10.2.dev20260603
libtpu: 0.0.44.dev20260713+nightly
codegen_flags: <defaults>
</compile_context>

<pallas_src>
import functools

import jax
import jax.numpy as jnp
from jax import lax
from jax.experimental import pallas as pl
from jax.experimental.pallas import tpu as pltpu
from jax.experimental.pallas import tpu_sc as plsc

N = 10000
E = 160000
HID = 32
NGRAPH = 64

NC = 2
NS = 16
NW = NC * NS
CH = 128
D = 32

NHALF = 1
EH = E // NHALF
NCH = 40 // NHALF
EW = CH * NCH
EPADH = NW * EW


@functools.lru_cache(maxsize=None)
def _sc_mesh():
    return plsc.VectorSubcoreMesh(core_axis_name="c", subcore_axis_name="s",
                                  num_cores=NC, num_subcores=NS)


def _gather_body(x_hbm, idx_hbm, out_hbm, idx_v, buf0, buf1, gs0, gs1):
    cid = lax.axis_index("c")
    sid = lax.axis_index("s")
    wid = sid * NC + cid
    base = wid * EW
    pltpu.sync_copy(idx_hbm.at[pl.ds(wid * NCH, NCH)], idx_v)
    pltpu.async_copy(x_hbm.at[idx_v.at[0]], buf0, gs0)

    def step(t, carry):
        j = 2 * t
        pltpu.async_copy(x_hbm.at[idx_v.at[j + 1]], buf1, gs1)
        pltpu.make_async_copy(x_hbm.at[idx_v.at[j]], buf0, gs0).wait()
        pltpu.sync_copy(buf0, out_hbm.at[pl.ds(base + j * CH, CH)])

        @pl.when(j + 2 < NCH)
        def _():
            pltpu.async_copy(x_hbm.at[idx_v.at[j + 2]], buf0, gs0)

        pltpu.make_async_copy(x_hbm.at[idx_v.at[j + 1]], buf1, gs1).wait()
        pltpu.sync_copy(buf1, out_hbm.at[pl.ds(base + (j + 1) * CH, CH)])
        return carry

    lax.fori_loop(0, NCH // 2, step, 0)


@functools.lru_cache(maxsize=None)
def _gather_call():
    return pl.kernel(
        _gather_body,
        out_type=jax.ShapeDtypeStruct((EPADH, D), jnp.bfloat16),
        mesh=_sc_mesh(),
        compiler_params=pltpu.CompilerParams(use_tc_tiling_on_sc=False),
        scratch_types=[
            pltpu.VMEM((NCH, CH), jnp.int32),
            pltpu.VMEM((CH, D), jnp.bfloat16),
            pltpu.VMEM((CH, D), jnp.bfloat16),
            pltpu.SemaphoreType.DMA,
            pltpu.SemaphoreType.DMA,
        ],
    )


def _sc_gather(x, idx):
    return _gather_call()(x, idx)


def _scatter_body(with_cnt, msg_hbm, idx_hbm, zero_hbm, ones_hbm, *rest):
    if with_cnt:
        (out_hbm, cout_hbm, idx_v, buf0, buf1, ones_v, acc_sh, cacc_sh,
         gs0, gs1) = rest
    else:
        out_hbm, idx_v, buf0, buf1, acc_sh, gs0, gs1 = rest
    cid = lax.axis_index("c")
    sid = lax.axis_index("s")
    wid = sid * NC + cid
    base = wid * EW
    rb = N // NS
    pltpu.sync_copy(zero_hbm.at[pl.ds(sid * rb, rb)],
                    acc_sh.at[pl.ds(sid * rb, rb)])
    if with_cnt:
        pltpu.sync_copy(zero_hbm.at[pl.ds(sid * rb, rb)],
                        cacc_sh.at[pl.ds(sid * rb, rb)])
        pltpu.sync_copy(ones_hbm, ones_v)
    plsc.subcore_barrier()
    pltpu.sync_copy(idx_hbm.at[pl.ds(wid * NCH, NCH)], idx_v)
    pltpu.async_copy(msg_hbm.at[pl.ds(base, CH)], buf0, gs0)

    def add_one(j, buf):
        pltpu.sync_copy(buf, acc_sh.at[idx_v.at[j]], add=True)
        if with_cnt:
            @pl.when(base + j * CH < EH)
            def _():
                pltpu.sync_copy(ones_v, cacc_sh.at[idx_v.at[j]], add=True)

    def step(t, carry):
        j = 2 * t
        pltpu.async_copy(msg_hbm.at[pl.ds(base + (j + 1) * CH, CH)], buf1, gs1)
        pltpu.make_async_copy(msg_hbm.at[pl.ds(base + j * CH, CH)], buf0,
                              gs0).wait()
        add_one(j, buf0)

        @pl.when(j + 2 < NCH)
        def _():
            pltpu.async_copy(msg_hbm.at[pl.ds(base + (j + 2) * CH, CH)], buf0,
                             gs0)

        pltpu.make_async_copy(msg_hbm.at[pl.ds(base + (j + 1) * CH, CH)], buf1,
                              gs1).wait()
        add_one(j + 1, buf1)
        return carry

    lax.fori_loop(0, NCH // 2, step, 0)
    plsc.subcore_barrier()
    pltpu.sync_copy(acc_sh.at[pl.ds(sid * rb, rb)],
                    out_hbm.at[pl.ds(cid * N + sid * rb, rb)])
    if with_cnt:
        pltpu.sync_copy(cacc_sh.at[pl.ds(sid * rb, rb)],
                        cout_hbm.at[pl.ds(cid * N + sid * rb, rb)])


@functools.lru_cache(maxsize=None)
def _scatter_call(with_cnt):
    out_t = jax.ShapeDtypeStruct((NC * N, D), jnp.float32)
    scratch = [
        pltpu.VMEM((NCH, CH), jnp.int32),
        pltpu.VMEM((CH, D), jnp.float32),
        pltpu.VMEM((CH, D), jnp.float32),
    ]
    if with_cnt:
        scratch += [pltpu.VMEM((CH, D), jnp.float32)]
    scratch += [pltpu.VMEM_SHARED((N, D), jnp.float32)]
    if with_cnt:
        scratch += [pltpu.VMEM_SHARED((N, D), jnp.float32)]
    scratch += [pltpu.SemaphoreType.DMA, pltpu.SemaphoreType.DMA]
    return pl.kernel(
        functools.partial(_scatter_body, with_cnt),
        out_type=(out_t, out_t) if with_cnt else out_t,
        mesh=_sc_mesh(),
        compiler_params=pltpu.CompilerParams(use_tc_tiling_on_sc=False),
        scratch_types=scratch,
    )


def _sc_scatter(msg, idx, zeros, ones=None):
    if ones is None:
        return _scatter_call(False)(msg, idx, zeros, zeros[:CH])
    return _scatter_call(True)(msg, idx, zeros, ones)


BE = 2048


def _msg_body(c_real, ea_ref, xs_ref, w1t_ref, b1_ref, vp_ref, r_ref, s_ref,
              b2_ref, out_ref):
    pid = pl.program_id(0)
    h = jnp.dot(ea_ref[...], w1t_ref[...], preferred_element_type=jnp.float32)
    h = jnp.maximum(h + b1_ref[...], 0.0)
    xs = xs_ref[...]
    theta = jnp.dot(h.astype(jnp.bfloat16), vp_ref[...],
                    preferred_element_type=jnp.float32)
    til = jnp.dot(xs, r_ref[...], preferred_element_type=jnp.float32)
    p = (til * theta).astype(jnp.bfloat16)
    msg = jnp.dot(p, s_ref[...], preferred_element_type=jnp.float32)
    msg = msg + jnp.dot(xs.astype(jnp.float32), b2_ref[...],
                        preferred_element_type=jnp.float32)
    gid = pid * BE + lax.broadcasted_iota(jnp.int32, (BE, HID), 0)
    out_ref[...] = jnp.where(gid < EH, msg, 0.0)


def _make_msg(c_real):
    w = c_real * HID
    nbe = (EH + BE - 1) // BE - 1
    return pl.pallas_call(
        functools.partial(_msg_body, c_real),
        grid=(EPADH // BE,),
        in_specs=[
            pl.BlockSpec((BE, 4), lambda i: (jnp.minimum(i, nbe), 0)),
            pl.BlockSpec((BE, D), lambda i: (i, 0)),
            pl.BlockSpec((4, 128), lambda i: (0, 0)),
            pl.BlockSpec((1, 128), lambda i: (0, 0)),
            pl.BlockSpec((128, w), lambda i: (0, 0)),
            pl.BlockSpec((D, w), lambda i: (0, 0)),
            pl.BlockSpec((w, HID), lambda i: (0, 0)),
            pl.BlockSpec((D, HID), lambda i: (0, 0)),
        ],
        out_specs=pl.BlockSpec((BE, HID), lambda i: (i, 0)),
        out_shape=jax.ShapeDtypeStruct((EPADH, HID), jnp.float32),
    )


BN = 2000


def _pointwise_body(act, *refs):
    np_ = 2 * NHALF
    parts = refs[:np_]
    cnts = refs[np_:2 * np_]
    x_ref, rt_ref, cb_ref, g_ref, b_ref, out_ref, outb_ref = refs[2 * np_:]
    s = sum(pr[...] for pr in parts)
    cnt = sum(cr[...][:, :1] for cr in cnts)
    mean = s / jnp.maximum(cnt, 1.0)
    r = jnp.dot(x_ref[...], rt_ref[...], preferred_element_type=jnp.float32)
    t = mean + r + cb_ref[...]
    m = jnp.mean(t, axis=1, keepdims=True)
    d = t - m
    v = jnp.mean(d * d, axis=1, keepdims=True)
    y = d * lax.rsqrt(v + 1e-5) * g_ref[...] + b_ref[...]
    if act == "relu":
        y = jnp.maximum(y, 0.0)
    elif act == "elu":
        y = jnp.where(y > 0.0, y, jnp.exp(jnp.minimum(y, 0.0)) - 1.0)
    else:
        y = jnp.where(y > 0.0, y, 0.01 * y)
    out_ref[...] = y
    outb_ref[...] = y.astype(jnp.bfloat16)


def _make_pointwise(act):
    blk = lambda shape: pl.BlockSpec(shape, lambda i: (i, 0))
    full = lambda shape: pl.BlockSpec(shape, lambda i: (0, 0))
    return pl.pallas_call(
        functools.partial(_pointwise_body, act),
        grid=(N // BN,),
        in_specs=(
            [blk((BN, HID))] * (2 * NHALF) + [blk((BN, D))] * (2 * NHALF) +
            [blk((BN, D)), full((D, HID)), full((1, HID)), full((1, HID)),
             full((1, HID))]
        ),
        out_specs=(blk((BN, HID)), blk((BN, HID))),
        out_shape=(jax.ShapeDtypeStruct((N, HID), jnp.float32),
                   jax.ShapeDtypeStruct((N, HID), jnp.bfloat16)),
    )


BP = 400


def _pool_body(h_ref, bt_ref, ct_ref, ld_ref, wm_ref, wx_ref, wc_ref, wl_ref,
               lb_ref, out_ref, acc_s, acc_c, acc_m):
    pid = pl.program_id(0)

    @pl.when(pid == 0)
    def _():
        acc_s[...] = jnp.zeros((NGRAPH, HID), jnp.float32)
        acc_c[...] = jnp.zeros((NGRAPH, HID), jnp.float32)
        acc_m[...] = jnp.full((NGRAPH, HID), -jnp.inf, jnp.float32)

    h = h_ref[...]
    bt = bt_ref[...][:, :1]
    ohb = bt == lax.broadcasted_iota(jnp.int32, (BP, NGRAPH), 1)
    oh = ohb.astype(jnp.float32)
    dn = (((0,), (0,)), ((), ()))
    acc_s[...] += lax.dot_general(oh, h, dn, preferred_element_type=jnp.float32)
    acc_c[...] += lax.dot_general(oh, jnp.ones((BP, HID), jnp.float32), dn,
                                  preferred_element_type=jnp.float32)
    mx = jnp.concatenate(
        [jnp.max(jnp.where(bt == g, h, -jnp.inf), axis=0, keepdims=True)
         for g in range(NGRAPH)], axis=0)
    acc_m[...] = jnp.maximum(acc_m[...], mx)

    mean = acc_s[...] / jnp.maximum(acc_c[...], 1.0)
    out = jnp.dot(mean, wm_ref[...], preferred_element_type=jnp.float32)
    out += jnp.dot(acc_m[...], wx_ref[...], preferred_element_type=jnp.float32)
    out += jnp.dot(ct_ref[...], wc_ref[...], preferred_element_type=jnp.float32)
    out += jnp.dot(ld_ref[...], wl_ref[...], preferred_element_type=jnp.float32)
    out_ref[...] = out + lb_ref[...]


_pool = pl.pallas_call(
    _pool_body,
    grid=(N // BP,),
    in_specs=[
        pl.BlockSpec((BP, HID), lambda i: (i, 0)),
        pl.BlockSpec((BP, 8), lambda i: (i, 0)),
        pl.BlockSpec((NGRAPH, 4), lambda i: (0, 0)),
        pl.BlockSpec((NGRAPH, 1), lambda i: (0, 0)),
        pl.BlockSpec((HID, 2), lambda i: (0, 0)),
        pl.BlockSpec((HID, 2), lambda i: (0, 0)),
        pl.BlockSpec((4, 2), lambda i: (0, 0)),
        pl.BlockSpec((1, 2), lambda i: (0, 0)),
        pl.BlockSpec((1, 2), lambda i: (0, 0)),
    ],
    out_specs=pl.BlockSpec((NGRAPH, 2), lambda i: (0, 0)),
    out_shape=jax.ShapeDtypeStruct((NGRAPH, 2), jnp.float32),
    scratch_shapes=[
        pltpu.VMEM((NGRAPH, HID), jnp.float32),
        pltpu.VMEM((NGRAPH, HID), jnp.float32),
        pltpu.VMEM((NGRAPH, HID), jnp.float32),
    ],
)


def kernel(x, edge_index, edge_attr, batch, contingency_type, load_scale, params):
    p = params
    f32 = jnp.float32
    src, dst = edge_index[0], edge_index[1]
    pad = EPADH - EH
    zpad = jnp.zeros((pad,), jnp.int32)

    def half_idx(a):
        return a.reshape(EPADH // CH, CH)

    src_h = [half_idx(jnp.concatenate([src[k * EH:(k + 1) * EH], zpad]))
             for k in range(NHALF)]
    dst_h = [half_idx(jnp.concatenate([dst[k * EH:(k + 1) * EH], zpad]))
             for k in range(NHALF)]
    ea_h = [edge_attr[k * EH:(k + 1) * EH] for k in range(NHALF)]
    x_p = jnp.zeros((N, D), f32).at[:, :3].set(x)
    zeros_nd = jnp.zeros((N, D), f32)
    ones_ch = jnp.ones((CH, D), f32)
    batch8 = jnp.tile(batch[:, None], (1, 8))

    def layer_weights(i, c_real):
        w1 = p["nn%d_w1" % i]
        w2 = p["nn%d_w2" % i]
        w = c_real * HID
        w1t = w1.T
        b1 = p["nn%d_b1" % i][None, :]
        vp = w2.reshape(c_real, HID, 128).transpose(2, 1, 0).reshape(
            128, w).astype(jnp.bfloat16)
        m = jnp.arange(w)
        r = (jnp.arange(D)[:, None] == (m[None, :] % c_real)).astype(jnp.bfloat16)
        s = ((m[:, None] // c_real) == jnp.arange(HID)[None, :]).astype(
            jnp.bfloat16)
        b2 = jnp.zeros((D, HID), f32).at[:c_real, :].set(
            p["nn%d_b2" % i].reshape(c_real, HID))
        rw = p["root%d" % i]
        rt = jnp.zeros((D, HID), f32).at[:rw.shape[1], :].set(rw.T)
        cb = p["cbias%d" % i][None, :]
        g = p["ln%d_g" % i][None, :]
        b = p["ln%d_b" % i][None, :]
        return w1t, b1, vp, r, s, b2, rt, cb, g, b

    h = x_p
    hb = x_p.astype(jnp.bfloat16)
    cs = None
    for i, (c_real, act) in enumerate([(3, "relu"), (HID, "elu"), (HID, "leaky")],
                                      start=1):
        w1t, b1, vp, r, s, b2, rt, cb, g, b = layer_weights(i, c_real)
        mk = _make_msg(c_real)
        xs = [_sc_gather(hb, src_h[k]) for k in range(NHALF)]
        msg = [mk(ea_h[k], xs[k], w1t, b1, vp, r, s, b2) for k in range(NHALF)]
        ps = []
        if i == 1:
            cs = []
            for k in range(NHALF):
                pk, ck = _sc_scatter(msg[k], dst_h[k], zeros_nd, ones_ch)
                ps += [pk[:N], pk[N:]]
                cs += [ck[:N], ck[N:]]
        else:
            for k in range(NHALF):
                pk = _sc_scatter(msg[k], dst_h[k], zeros_nd)
                ps += [pk[:N], pk[N:]]
        h, hb = _make_pointwise(act)(*ps, *cs, h, rt, cb, g, b)

    lw = p["lin_w"]
    out = _pool(h, batch8, contingency_type, load_scale[:, None],
                lw[:, :HID].T, lw[:, HID:2 * HID].T, lw[:, 2 * HID:2 * HID + 4].T,
                lw[:, 2 * HID + 4:].T, p["lin_b"][None, :])
    return out

# --- scband reference (transcript-rebuilt; emitter-appended) ---
"""Pipeline reference for scband-gnn-45183055954600 (READ-ONLY COPY).

The authoritative reference and input builder live on the scoring server;
editing this copy changes nothing except your own understanding.
"""

import jax, jax.numpy as jnp
import numpy as np

N = 10000
E = 160000
IN_C = 3
EDGE_C = 4
HID = 32
NGRAPH = 64


def _init_params():
    k = jax.random.key(42)
    ks = jax.random.split(k, 16)
    def lin(ki, fin, fout):
        kw, kb = jax.random.split(ki)
        s = 1.0 / np.sqrt(fin)
        W = jax.random.uniform(kw, (fout, fin), jnp.float32, minval=-s, maxval=s)
        b = jax.random.uniform(kb, (fout,), jnp.float32, minval=-s, maxval=s)
        return W, b
    p = {}
    p['nn1_w1'], p['nn1_b1'] = lin(ks[0], EDGE_C, 128)
    p['nn1_w2'], p['nn1_b2'] = lin(ks[1], 128, IN_C * HID)
    p['nn2_w1'], p['nn2_b1'] = lin(ks[2], EDGE_C, 128)
    p['nn2_w2'], p['nn2_b2'] = lin(ks[3], 128, HID * HID)
    p['nn3_w1'], p['nn3_b1'] = lin(ks[4], EDGE_C, 128)
    p['nn3_w2'], p['nn3_b2'] = lin(ks[5], 128, HID * HID)
    p['root1'], p['cbias1'] = lin(ks[6], IN_C, HID)
    p['root2'], p['cbias2'] = lin(ks[7], HID, HID)
    p['root3'], p['cbias3'] = lin(ks[8], HID, HID)
    for i in (1, 2, 3):
        p['ln%d_g' % i] = jnp.ones((HID,), jnp.float32)
        p['ln%d_b' % i] = jnp.zeros((HID,), jnp.float32)
    p['lin_w'], p['lin_b'] = lin(ks[9], 2 * HID + 4 + 1, 2)
    return p


def setup_inputs(seed: int = 0):
    key = jax.random.key(seed)
    k1, k2, k3, k4, k5, k6 = jax.random.split(key, 6)
    x = jax.random.normal(k1, (N, IN_C), jnp.float32)
    edge_index = jax.random.randint(k2, (2, E), 0, N, dtype=jnp.int32)
    edge_attr = jax.random.normal(k3, (E, EDGE_C), jnp.float32)
    batch = jnp.sort(jax.random.randint(k4, (N,), 0, NGRAPH, dtype=jnp.int32))
    contingency_type = jax.random.normal(k5, (NGRAPH, 4), jnp.float32)
    load_scale = jax.random.uniform(k6, (NGRAPH,), jnp.float32)
    return {'x': x, 'edge_index': edge_index, 'edge_attr': edge_attr,
            'batch': batch, 'contingency_type': contingency_type,
            'load_scale': load_scale, 'params': _init_params()}


def _ln(h, g, b):
    m = h.mean(-1, keepdims=True)
    v = h.var(-1, keepdims=True)
    return (h - m) / jnp.sqrt(v + 1e-5) * g + b


def _nnconv(x, src, dst, theta, root_w, bias):
    # NNConv: per-edge weight matrix theta[e] in R^{in x out}
    msg = jnp.einsum('ei,eio->eo', x[src], theta)
    s = jax.ops.segment_sum(msg, dst, num_segments=N)
    cnt = jax.ops.segment_sum(jnp.ones((E,), jnp.float32), dst, num_segments=N)
    mean = s / jnp.maximum(cnt, 1.0)[:, None]
    return mean + x @ root_w.T + bias


def _forward(x, edge_attr, contingency_type, load_scale, params, src, dst, batch):
    p = params
    def mlp(w1, b1, w2, b2):
        h = jax.nn.relu(edge_attr @ w1.T + b1)
        return h @ w2.T + b2
    th1 = mlp(p['nn1_w1'], p['nn1_b1'], p['nn1_w2'], p['nn1_b2']).reshape(E, IN_C, HID)
    h = _nnconv(x, src, dst, th1, p['root1'], p['cbias1'])
    h = jax.nn.relu(_ln(h, p['ln1_g'], p['ln1_b']))  # dropout = identity (eval)
    th2 = mlp(p['nn2_w1'], p['nn2_b1'], p['nn2_w2'], p['nn2_b2']).reshape(E, HID, HID)
    h = _nnconv(h, src, dst, th2, p['root2'], p['cbias2'])
    h = jax.nn.elu(_ln(h, p['ln2_g'], p['ln2_b']))
    th3 = mlp(p['nn3_w1'], p['nn3_b1'], p['nn3_w2'], p['nn3_b2']).reshape(E, HID, HID)
    h = _nnconv(h, src, dst, th3, p['root3'], p['cbias3'])
    h = jax.nn.leaky_relu(_ln(h, p['ln3_g'], p['ln3_b']), negative_slope=0.01)
    pool_sum = jax.ops.segment_sum(h, batch, num_segments=NGRAPH)
    pool_cnt = jax.ops.segment_sum(jnp.ones((N,), jnp.float32), batch, num_segments=NGRAPH)
    x_mean = pool_sum / jnp.maximum(pool_cnt, 1.0)[:, None]
    x_max = jax.ops.segment_max(h, batch, num_segments=NGRAPH)
    x_pool = jnp.concatenate([x_mean, x_max], axis=1)
    x_cat = jnp.concatenate([x_pool, contingency_type, load_scale[:, None]], axis=1)
    return x_cat @ p['lin_w'].T + p['lin_b']


def reference(x, edge_index, edge_attr, batch, contingency_type, load_scale, params):
    src, dst = edge_index[0], edge_index[1]
    return _forward(x, edge_attr, contingency_type, load_scale, params, src, dst, batch)

if __name__ == "__main__":
    import jax
    _d = setup_inputs()
    print(jax.jit(kernel)(*tuple(_d.values())))

</pallas_src>

<mosaic_0001>
#map = affine_map<(d0, d1) -> (0, 0)>
module attributes {stable_mosaic.version = 14 : i64} {
  func.func @_gather_body(%arg0: i32, %arg1: i32, %arg2: memref<10000x32xbf16, #tpu.memory_space<hbm>>, %arg3: memref<1280x128xi32, #tpu.memory_space<hbm>>, %arg4: memref<163840x32xbf16, #tpu.memory_space<hbm>>, %arg5: memref<40x128xi32, #tpu.memory_space<vmem>>, %arg6: memref<128x32xbf16, #tpu.memory_space<vmem>>, %arg7: memref<128x32xbf16, #tpu.memory_space<vmem>>, %arg8: memref<!tpu.dma_semaphore, #tpu.memory_space<semaphore_mem>>, %arg9: memref<!tpu.dma_semaphore, #tpu.memory_space<semaphore_mem>>) attributes {dimension_semantics = [#tpu.dimension_semantics<core_parallel>, #tpu.dimension_semantics<subcore_parallel>], iteration_bounds = array<i64: 2, 16>, scalar_prefetch = 0 : i64, scratch_operands = 5 : i64, tpu.core_type = #tpu.core_type<sc_vector_subcore>, window_params = [{transform_indices = #map}, {transform_indices = #map}, {transform_indices = #map}]} {
    %mul3A = arith.constant 2 : i32
    %mul3A_0 = arith.muli %arg1, %mul3A : i32
    %add3A = arith.addi %mul3A_0, %arg0 : i32
    %mul3A_1 = arith.constant 5120 : i32
    %mul3A_2 = arith.muli %add3A, %mul3A_1 : i32
    %mul3A_3 = arith.constant 40 : i32
    %mul3A_4 = arith.muli %add3A, %mul3A_3 : i32
    "tpu.region"() ({
      %run_scoped3A = tpu.sem_alloc : memref<!tpu.dma_semaphore, #tpu.memory_space<semaphore_mem>>
      %dma_start3A_16 = arith.constant 0 : i32
      %dma_start3A_17 = tpu.memref_slice %arg3[%mul3A_4, %dma_start3A_16] : memref<1280x128xi32, #tpu.memory_space<hbm>> -> memref<40x128xi32, #tpu.memory_space<hbm>>
      %dma_start3A_18 = arith.constant 0 : i32
      %dma_start3A_19 = tpu.memref_slice %arg3[%mul3A_4, %dma_start3A_18] : memref<1280x128xi32, #tpu.memory_space<hbm>> -> memref<40x128xi32, #tpu.memory_space<hbm>>
      tpu.enqueue_dma source(%dma_start3A_19 : memref<40x128xi32, #tpu.memory_space<hbm>>) target(%arg5 : memref<40x128xi32, #tpu.memory_space<vmem>>) target_semaphore(%run_scoped3A : memref<!tpu.dma_semaphore, #tpu.memory_space<semaphore_mem>>)
      %dma_wait3A = arith.constant 0 : i32
      %dma_wait3A_20 = tpu.memref_slice %arg3[%mul3A_4, %dma_wait3A] : memref<1280x128xi32, #tpu.memory_space<hbm>> -> memref<40x128xi32, #tpu.memory_space<hbm>>
      %dma_wait3A_21 = arith.constant 0 : i32
      %dma_wait3A_22 = tpu.memref_slice %arg3[%mul3A_4, %dma_wait3A_21] : memref<1280x128xi32, #tpu.memory_space<hbm>> -> memref<40x128xi32, #tpu.memory_space<hbm>>
      tpu.wait_dma2 semaphore(%run_scoped3A : memref<!tpu.dma_semaphore, #tpu.memory_space<semaphore_mem>>) src(%dma_wait3A_22 : memref<40x128xi32, #tpu.memory_space<hbm>>) dst(%arg5 : memref<40x128xi32, #tpu.memory_space<vmem>>)
      tpu.yield
    }) : () -> ()
    %dma_start3A = arith.constant 0 : i32
    %dma_start3A_5 = arith.constant 0 : i32
    %dma_start3A_6 = tpu.memref_slice %arg5[%dma_start3A, %dma_start3A_5] : memref<40x128xi32, #tpu.memory_space<vmem>> -> memref<1x128xi32, #tpu.memory_space<vmem>>
    %dma_start3A_7 = tpu.memref_squeeze %dma_start3A_6 : memref<1x128xi32, #tpu.memory_space<vmem>> -> memref<128xi32, #tpu.memory_space<vmem>>
    %dma_start3A_8 = arith.constant 0 : i32
    %dma_start3A_9 = arith.constant 0 : i32
    %dma_start3A_10 = tpu.memref_slice %arg2[%dma_start3A_8, %dma_start3A_9] : memref<10000x32xbf16, #tpu.memory_space<hbm>> -> memref<10000x32xbf16, #tpu.memory_space<hbm>>
    tpu.enqueue_indirect_dma source(%dma_start3A_10 : memref<10000x32xbf16, #tpu.memory_space<hbm>>) target(%arg6 : memref<128x32xbf16, #tpu.memory_space<vmem>>) offsets(%dma_start3A_7 : memref<128xi32, #tpu.memory_space<vmem>>) semaphore(%arg8 : memref<!tpu.dma_semaphore, #tpu.memory_space<semaphore_mem>>)
    %scan3A = arith.constant 0 : i32
    %scan3A_11 = arith.constant 0 : i32
    %scan3A_12 = arith.constant 20 : i32
    %scan3A_13 = arith.addi %scan3A_11, %scan3A_12 : i32
    %scan3A_14 = arith.constant 1 : i32
    scf.for %scan3A_16 = %scan3A_11 to %scan3A_13 step %scan3A_14  : i32 {
      %mul3A_17 = arith.constant 2 : i32
      %mul3A_18 = arith.muli %mul3A_17, %scan3A_16 : i32
      %add3A_19 = arith.constant 1 : i32
      %add3A_20 = arith.addi %mul3A_18, %add3A_19 : i32
      %dma_start3A_21 = arith.constant 0 : i32
      %dma_start3A_22 = tpu.memref_slice %arg5[%add3A_20, %dma_start3A_21] : memref<40x128xi32, #tpu.memory_space<vmem>> -> memref<1x128xi32, #tpu.memory_space<vmem>>
      %dma_start3A_23 = tpu.memref_squeeze %dma_start3A_22 : memref<1x128xi32, #tpu.memory_space<vmem>> -> memref<128xi32, #tpu.memory_space<vmem>>
      %dma_start3A_24 = arith.constant 0 : i32
      %dma_start3A_25 = arith.constant 0 : i32
      %dma_start3A_26 = tpu.memref_slice %arg2[%dma_start3A_24, %dma_start3A_25] : memref<10000x32xbf16, #tpu.memory_space<hbm>> -> memref<10000x32xbf16, #tpu.memory_space<hbm>>
      tpu.enqueue_indirect_dma source(%dma_start3A_26 : memref<10000x32xbf16, #tpu.memory_space<hbm>>) target(%arg7 : memref<128x32xbf16, #tpu.memory_space<vmem>>) offsets(%dma_start3A_23 : memref<128xi32, #tpu.memory_space<vmem>>) semaphore(%arg9 : memref<!tpu.dma_semaphore, #tpu.memory_space<semaphore_mem>>)
      %dma_wait3A = arith.constant 0 : i32
      %dma_wait3A_27 = tpu.memref_slice %arg5[%mul3A_18, %dma_wait3A] : memref<40x128xi32, #tpu.memory_space<vmem>> -> memref<1x128xi32, #tpu.memory_space<vmem>>
      %dma_wait3A_28 = tpu.memref_squeeze %dma_wait3A_27 : memref<1x128xi32, #tpu.memory_space<vmem>> -> memref<128xi32, #tpu.memory_space<vmem>>
      %dma_wait3A_29 = arith.constant 0 : i32
      %dma_wait3A_30 = arith.constant 0 : i32
      %dma_wait3A_31 = tpu.memref_slice %arg2[%dma_wait3A_29, %dma_wait3A_30] : memref<10000x32xbf16, #tpu.memory_space<hbm>> -> memref<10000x32xbf16, #tpu.memory_space<hbm>>
      tpu.wait_indirect_dma semaphore(%arg8 : memref<!tpu.dma_semaphore, #tpu.memory_space<semaphore_mem>>) src(%dma_wait3A_31 : memref<10000x32xbf16, #tpu.memory_space<hbm>>) dst(%arg6 : memref<128x32xbf16, #tpu.memory_space<vmem>>)
      %mul3A_32 = arith.constant 128 : i32
      %mul3A_33 = arith.muli %mul3A_18, %mul3A_32 : i32
      %add3A_34 = arith.addi %mul3A_2, %mul3A_33 : i32
      "tpu.region"() ({
        %run_scoped3A = tpu.sem_alloc : memref<!tpu.dma_semaphore, #tpu.memory_space<semaphore_mem>>
        %dma_start3A_52 = arith.constant 0 : i32
        %dma_start3A_53 = tpu.memref_slice %arg4[%add3A_34, %dma_start3A_52] : memref<163840x32xbf16, #tpu.memory_space<hbm>> -> memref<128x32xbf16, #tpu.memory_space<hbm>>
        %dma_start3A_54 = arith.constant 0 : i32
        %dma_start3A_55 = tpu.memref_slice %arg4[%add3A_34, %dma_start3A_54] : memref<163840x32xbf16, #tpu.memory_space<hbm>> -> memref<128x32xbf16, #tpu.memory_space<hbm>>
        tpu.enqueue_dma source(%arg6 : memref<128x32xbf16, #tpu.memory_space<vmem>>) target(%dma_start3A_55 : memref<128x32xbf16, #tpu.memory_space<hbm>>) target_semaphore(%run_scoped3A : memref<!tpu.dma_semaphore, #tpu.memory_space<semaphore_mem>>)
        %dma_wait3A_56 = arith.constant 0 : i32
        %dma_wait3A_57 = tpu.memref_slice %arg4[%add3A_34, %dma_wait3A_56] : memref<163840x32xbf16, #tpu.memory_space<hbm>> -> memref<128x32xbf16, #tpu.memory_space<hbm>>
        %dma_wait3A_58 = arith.constant 0 : i32
        %dma_wait3A_59 = tpu.memref_slice %arg4[%add3A_34, %dma_wait3A_58] : memref<163840x32xbf16, #tpu.memory_space<hbm>> -> memref<128x32xbf16, #tpu.memory_space<hbm>>
        tpu.wait_dma2 semaphore(%run_scoped3A : memref<!tpu.dma_semaphore, #tpu.memory_space<semaphore_mem>>) src(%arg6 : memref<128x32xbf16, #tpu.memory_space<vmem>>) dst(%dma_wait3A_59 : memref<128x32xbf16, #tpu.memory_space<hbm>>)
        tpu.yield
      }) : () -> ()
      %add3A_35 = arith.constant 2 : i32
      %add3A_36 = arith.addi %mul3A_18, %add3A_35 : i32
      %lt3A = arith.constant 40 : i32
      %lt3A_37 = arith.cmpi slt, %add3A_36, %lt3A : i32
      %convert_element_type3A = arith.extui %lt3A_37 : i1 to i32
      %cond3A = arith.constant 0 : i32
      %cond3A_38 = arith.cmpi ne, %convert_element_type3A, %cond3A : i32
      scf.if %cond3A_38 {
        %add3A_52 = arith.constant 2 : i32
        %add3A_53 = arith.addi %mul3A_18, %add3A_52 : i32
        %dma_start3A_54 = arith.constant 0 : i32
        %dma_start3A_55 = tpu.memref_slice %arg5[%add3A_53, %dma_start3A_54] : memref<40x128xi32, #tpu.memory_space<vmem>> -> memref<1x128xi32, #tpu.memory_space<vmem>>
        %dma_start3A_56 = tpu.memref_squeeze %dma_start3A_55 : memref<1x128xi32, #tpu.memory_space<vmem>> -> memref<128xi32, #tpu.memory_space<vmem>>
        %dma_start3A_57 = arith.constant 0 : i32
        %dma_start3A_58 = arith.constant 0 : i32
        %dma_start3A_59 = tpu.memref_slice %arg2[%dma_start3A_57, %dma_start3A_58] : memref<10000x32xbf16, #tpu.memory_space<hbm>> -> memref<10000x32xbf16, #tpu.memory_space<hbm>>
        tpu.enqueue_indirect_dma source(%dma_start3A_59 : memref<10000x32xbf16, #tpu.memory_space<hbm>>) target(%arg6 : memref<128x32xbf16, #tpu.memory_space<vmem>>) offsets(%dma_start3A_56 : memref<128xi32, #tpu.memory_space<vmem>>) semaphore(%arg8 : memref<!tpu.dma_semaphore, #tpu.memory_space<semaphore_mem>>)
      } else {
      }
      %add3A_39 = arith.constant 1 : i32
      %add3A_40 = arith.addi %mul3A_18, %add3A_39 : i32
      %dma_wait3A_41 = arith.constant 0 : i32
      %dma_wait3A_42 = tpu.memref_slice %arg5[%add3A_40, %dma_wait3A_41] : memref<40x128xi32, #tpu.memory_space<vmem>> -> memref<1x128xi32, #tpu.memory_space<vmem>>
      %dma_wait3A_43 = tpu.memref_squeeze %dma_wait3A_42 : memref<1x128xi32, #tpu.memory_space<vmem>> -> memref<128xi32, #tpu.memory_space<vmem>>
      %dma_wait3A_44 = arith.constant 0 : i32
      %dma_wait3A_45 = arith.constant 0 : i32
      %dma_wait3A_46 = tpu.memref_slice %arg2[%dma_wait3A_44, %dma_wait3A_45] : memref<10000x32xbf16, #tpu.memory_space<hbm>> -> memref<10000x32xbf16, #tpu.memory_space<hbm>>
      tpu.wait_indirect_dma semaphore(%arg9 : memref<!tpu.dma_semaphore, #tpu.memory_space<semaphore_mem>>) src(%dma_wait3A_46 : memref<10000x32xbf16, #tpu.memory_space<hbm>>) dst(%arg7 : memref<128x32xbf16, #tpu.memory_space<vmem>>)
      %add3A_47 = arith.constant 1 : i32
      %add3A_48 = arith.addi %mul3A_18, %add3A_47 : i32
      %mul3A_49 = arith.constant 128 : i32
      %mul3A_50 = arith.muli %add3A_48, %mul3A_49 : i32
      %add3A_51 = arith.addi %mul3A_2, %mul3A_50 : i32
      "tpu.region"() ({
        %run_scoped3A = tpu.sem_alloc : memref<!tpu.dma_semaphore, #tpu.memory_space<semaphore_mem>>
        %dma_start3A_52 = arith.constant 0 : i32
        %dma_start3A_53 = tpu.memref_slice %arg4[%add3A_51, %dma_start3A_52] : memref<163840x32xbf16, #tpu.memory_space<hbm>> -> memref<128x32xbf16, #tpu.memory_space<hbm>>
        %dma_start3A_54 = arith.constant 0 : i32
        %dma_start3A_55 = tpu.memref_slice %arg4[%add3A_51, %dma_start3A_54] : memref<163840x32xbf16, #tpu.memory_space<hbm>> -> memref<128x32xbf16, #tpu.memory_space<hbm>>
        tpu.enqueue_dma source(%arg7 : memref<128x32xbf16, #tpu.memory_space<vmem>>) target(%dma_start3A_55 : memref<128x32xbf16, #tpu.memory_space<hbm>>) target_semaphore(%run_scoped3A : memref<!tpu.dma_semaphore, #tpu.memory_space<semaphore_mem>>)
        %dma_wait3A_56 = arith.constant 0 : i32
        %dma_wait3A_57 = tpu.memref_slice %arg4[%add3A_51, %dma_wait3A_56] : memref<163840x32xbf16, #tpu.memory_space<hbm>> -> memref<128x32xbf16, #tpu.memory_space<hbm>>
        %dma_wait3A_58 = arith.constant 0 : i32
        %dma_wait3A_59 = tpu.memref_slice %arg4[%add3A_51, %dma_wait3A_58] : memref<163840x32xbf16, #tpu.memory_space<hbm>> -> memref<128x32xbf16, #tpu.memory_space<hbm>>
        tpu.wait_dma2 semaphore(%run_scoped3A : memref<!tpu.dma_semaphore, #tpu.memory_space<semaphore_mem>>) src(%arg7 : memref<128x32xbf16, #tpu.memory_space<vmem>>) dst(%dma_wait3A_59 : memref<128x32xbf16, #tpu.memory_space<hbm>>)
        tpu.yield
      }) : () -> ()
    }
    %scan3A_15 = arith.constant 20 : i32
    return
  }
}

#map = affine_map<(d0, d1) -> (0, 0)>
module attributes {stable_mosaic.version = 14 : i64} {
  func.func @_gather_body(%arg0: i32, %arg1: i32, %arg2: memref<10000x32xbf16, #tpu.memory_space<hbm>>, %arg3: memref<1280x128xi32, #tpu.memory_space<hbm>>, %arg4: memref<163840x32xbf16, #tpu.memory_space<hbm>>, %arg5: memref<40x128xi32, #tpu.memory_space<vmem>>, %arg6: memref<128x32xbf16, #tpu.memory_space<vmem>>, %arg7: memref<128x32xbf16, #tpu.memory_space<vmem>>, %arg8: memref<!tpu.dma_semaphore, #tpu.memory_space<semaphore_mem>>, %arg9: memref<!tpu.dma_semaphore, #tpu.memory_space<semaphore_mem>>) attributes {dimension_semantics = [#tpu.dimension_semantics<core_parallel>, #tpu.dimension_semantics<subcore_parallel>], iteration_bounds = array<i64: 2, 16>, scalar_prefetch = 0 : i64, scratch_operands = 5 : i64, tpu.core_type = #tpu.core_type<sc_vector_subcore>, window_params = [{transform_indices = #map}, {transform_indices = #map}, {transform_indices = #map}]} {
    %mul3A = arith.constant 2 : i32
    %mul3A_0 = arith.muli %arg1, %mul3A : i32
    %add3A = arith.addi %mul3A_0, %arg0 : i32
    %mul3A_1 = arith.constant 5120 : i32
    %mul3A_2 = arith.muli %add3A, %mul3A_1 : i32
    %mul3A_3 = arith.constant 40 : i32
    %mul3A_4 = arith.muli %add3A, %mul3A_3 : i32
    "tpu.region"() ({
      %run_scoped3A = tpu.sem_alloc : memref<!tpu.dma_semaphore, #tpu.memory_space<semaphore_mem>>
      %dma_start3A_16 = arith.constant 0 : i32
      %dma_start3A_17 = tpu.memref_slice %arg3[%mul3A_4, %dma_start3A_16] : memref<1280x128xi32, #tpu.memory_space<hbm>> -> memref<40x128xi32, #tpu.memory_space<hbm>>
      %dma_start3A_18 = arith.constant 0 : i32
      %dma_start3A_19 = tpu.memref_slice %arg3[%mul3A_4, %dma_start3A_18] : memref<1280x128xi32, #tpu.memory_space<hbm>> -> memref<40x128xi32, #tpu.memory_space<hbm>>
      tpu.enqueue_dma source(%dma_start3A_19 : memref<40x128xi32, #tpu.memory_space<hbm>>) target(%arg5 : memref<40x128xi32, #tpu.memory_space<vmem>>) target_semaphore(%run_scoped3A : memref<!tpu.dma_semaphore, #tpu.memory_space<semaphore_mem>>)
      %dma_wait3A = arith.constant 0 : i32
      %dma_wait3A_20 = tpu.memref_slice %arg3[%mul3A_4, %dma_wait3A] : memref<1280x128xi32, #tpu.memory_space<hbm>> -> memref<40x128xi32, #tpu.memory_space<hbm>>
      %dma_wait3A_21 = arith.constant 0 : i32
      %dma_wait3A_22 = tpu.memref_slice %arg3[%mul3A_4, %dma_wait3A_21] : memref<1280x128xi32, #tpu.memory_space<hbm>> -> memref<40x128xi32, #tpu.memory_space<hbm>>
      tpu.wait_dma2 semaphore(%run_scoped3A : memref<!tpu.dma_semaphore, #tpu.memory_space<semaphore_mem>>) src(%dma_wait3A_22 : memref<40x128xi32, #tpu.memory_space<hbm>>) dst(%arg5 : memref<40x128xi32, #tpu.memory_space<vmem>>)
      tpu.yield
    }) : () -> ()
    %dma_start3A = arith.constant 0 : i32
    %dma_start3A_5 = arith.constant 0 : i32
    %dma_start3A_6 = tpu.memref_slice %arg5[%dma_start3A, %dma_start3A_5] : memref<40x128xi32, #tpu.memory_space<vmem>> -> memref<1x128xi32, #tpu.memory_space<vmem>>
    %dma_start3A_7 = tpu.memref_squeeze %dma_start3A_6 : memref<1x128xi32, #tpu.memory_space<vmem>> -> memref<128xi32, #tpu.memory_space<vmem>>
    %dma_start3A_8 = arith.constant 0 : i32
    %dma_start3A_9 = arith.constant 0 : i32
    %dma_start3A_10 = tpu.memref_slice %arg2[%dma_start3A_8, %dma_start3A_9] : memref<10000x32xbf16, #tpu.memory_space<hbm>> -> memref<10000x32xbf16, #tpu.memory_space<hbm>>
    tpu.enqueue_indirect_dma source(%dma_start3A_10 : memref<10000x32xbf16, #tpu.memory_space<hbm>>) target(%arg6 : memref<128x32xbf16, #tpu.memory_space<vmem>>) offsets(%dma_start3A_7 : memref<128xi32, #tpu.memory_space<vmem>>) semaphore(%arg8 : memref<!tpu.dma_semaphore, #tpu.memory_space<semaphore_mem>>)
    %scan3A = arith.constant 0 : i32
    %scan3A_11 = arith.constant 0 : i32
    %scan3A_12 = arith.constant 20 : i32
    %scan3A_13 = arith.addi %scan3A_11, %scan3A_12 : i32
    %scan3A_14 = arith.constant 1 : i32
    scf.for %scan3A_16 = %scan3A_11 to %scan3A_13 step %scan3A_14  : i32 {
      %mul3A_17 = arith.constant 2 : i32
      %mul3A_18 = arith.muli %mul3A_17, %scan3A_16 : i32
      %add3A_19 = arith.constant 1 : i32
      %add3A_20 = arith.addi %mul3A_18, %add3A_19 : i32
      %dma_start3A_21 = arith.constant 0 : i32
      %dma_start3A_22 = tpu.memref_slice %arg5[%add3A_20, %dma_start3A_21] : memref<40x128xi32, #tpu.memory_space<vmem>> -> memref<1x128xi32, #tpu.memory_space<vmem>>
      %dma_start3A_23 = tpu.memref_squeeze %dma_start3A_22 : memref<1x128xi32, #tpu.memory_space<vmem>> -> memref<128xi32, #tpu.memory_space<vmem>>
      %dma_start3A_24 = arith.constant 0 : i32
      %dma_start3A_25 = arith.constant 0 : i32
      %dma_start3A_26 = tpu.memref_slice %arg2[%dma_start3A_24, %dma_start3A_25] : memref<10000x32xbf16, #tpu.memory_space<hbm>> -> memref<10000x32xbf16, #tpu.memory_space<hbm>>
      tpu.enqueue_indirect_dma source(%dma_start3A_26 : memref<10000x32xbf16, #tpu.memory_space<hbm>>) target(%arg7 : memref<128x32xbf16, #tpu.memory_space<vmem>>) offsets(%dma_start3A_23 : memref<128xi32, #tpu.memory_space<vmem>>) semaphore(%arg9 : memref<!tpu.dma_semaphore, #tpu.memory_space<semaphore_mem>>)
      %dma_wait3A = arith.constant 0 : i32
      %dma_wait3A_27 = tpu.memref_slice %arg5[%mul3A_18, %dma_wait3A] : memref<40x128xi32, #tpu.memory_space<vmem>> -> memref<1x128xi32, #tpu.memory_space<vmem>>
      %dma_wait3A_28 = tpu.memref_squeeze %dma_wait3A_27 : memref<1x128xi32, #tpu.memory_space<vmem>> -> memref<128xi32, #tpu.memory_space<vmem>>
      %dma_wait3A_29 = arith.constant 0 : i32
      %dma_wait3A_30 = arith.constant 0 : i32
      %dma_wait3A_31 = tpu.memref_slice %arg2[%dma_wait3A_29, %dma_wait3A_30] : memref<10000x32xbf16, #tpu.memory_space<hbm>> -> memref<10000x32xbf16, #tpu.memory_space<hbm>>
      tpu.wait_indirect_dma semaphore(%arg8 : memref<!tpu.dma_semaphore, #tpu.memory_space<semaphore_mem>>) src(%dma_wait3A_31 : memref<10000x32xbf16, #tpu.memory_space<hbm>>) dst(%arg6 : memref<128x32xbf16, #tpu.memory_space<vmem>>)
      %mul3A_32 = arith.constant 128 : i32
      %mul3A_33 = arith.muli %mul3A_18, %mul3A_32 : i32
      %add3A_34 = arith.addi %mul3A_2, %mul3A_33 : i32
      "tpu.region"() ({
        %run_scoped3A = tpu.sem_alloc : memref<!tpu.dma_semaphore, #tpu.memory_space<semaphore_mem>>
        %dma_start3A_52 = arith.constant 0 : i32
        %dma_start3A_53 = tpu.memref_slice %arg4[%add3A_34, %dma_start3A_52] : memref<163840x32xbf16, #tpu.memory_space<hbm>> -> memref<128x32xbf16, #tpu.memory_space<hbm>>
        %dma_start3A_54 = arith.constant 0 : i32
        %dma_start3A_55 = tpu.memref_slice %arg4[%add3A_34, %dma_start3A_54] : memref<163840x32xbf16, #tpu.memory_space<hbm>> -> memref<128x32xbf16, #tpu.memory_space<hbm>>
        tpu.enqueue_dma source(%arg6 : memref<128x32xbf16, #tpu.memory_space<vmem>>) target(%dma_start3A_55 : memref<128x32xbf16, #tpu.memory_space<hbm>>) target_semaphore(%run_scoped3A : memref<!tpu.dma_semaphore, #tpu.memory_space<semaphore_mem>>)
        %dma_wait3A_56 = arith.constant 0 : i32
        %dma_wait3A_57 = tpu.memref_slice %arg4[%add3A_34, %dma_wait3A_56] : memref<163840x32xbf16, #tpu.memory_space<hbm>> -> memref<128x32xbf16, #tpu.memory_space<hbm>>
        %dma_wait3A_58 = arith.constant 0 : i32
        %dma_wait3A_59 = tpu.memref_slice %arg4[%add3A_34, %dma_wait3A_58] : memref<163840x32xbf16, #tpu.memory_space<hbm>> -> memref<128x32xbf16, #tpu.memory_space<hbm>>
        tpu.wait_dma2 semaphore(%run_scoped3A : memref<!tpu.dma_semaphore, #tpu.memory_space<semaphore_mem>>) src(%arg6 : memref<128x32xbf16, #tpu.memory_space<vmem>>) dst(%dma_wait3A_59 : memref<128x32xbf16, #tpu.memory_space<hbm>>)
        tpu.yield
      }) : () -> ()
      %add3A_35 = arith.constant 2 : i32
      %add3A_36 = arith.addi %mul3A_18, %add3A_35 : i32
      %lt3A = arith.constant 40 : i32
      %lt3A_37 = arith.cmpi slt, %add3A_36, %lt3A : i32
      %convert_element_type3A = arith.extui %lt3A_37 : i1 to i32
      %cond3A = arith.constant 0 : i32
      %cond3A_38 = arith.cmpi ne, %convert_element_type3A, %cond3A : i32
      scf.if %cond3A_38 {
        %add3A_52 = arith.constant 2 : i32
        %add3A_53 = arith.addi %mul3A_18, %add3A_52 : i32
        %dma_start3A_54 = arith.constant 0 : i32
        %dma_start3A_55 = tpu.memref_slice %arg5[%add3A_53, %dma_start3A_54] : memref<40x128xi32, #tpu.memory_space<vmem>> -> memref<1x128xi32, #tpu.memory_space<vmem>>
        %dma_start3A_56 = tpu.memref_squeeze %dma_start3A_55 : memref<1x128xi32, #tpu.memory_space<vmem>> -> memref<128xi32, #tpu.memory_space<vmem>>
        %dma_start3A_57 = arith.constant 0 : i32
        %dma_start3A_58 = arith.constant 0 : i32
        %dma_start3A_59 = tpu.memref_slice %arg2[%dma_start3A_57, %dma_start3A_58] : memref<10000x32xbf16, #tpu.memory_space<hbm>> -> memref<10000x32xbf16, #tpu.memory_space<hbm>>
        tpu.enqueue_indirect_dma source(%dma_start3A_59 : memref<10000x32xbf16, #tpu.memory_space<hbm>>) target(%arg6 : memref<128x32xbf16, #tpu.memory_space<vmem>>) offsets(%dma_start3A_56 : memref<128xi32, #tpu.memory_space<vmem>>) semaphore(%arg8 : memref<!tpu.dma_semaphore, #tpu.memory_space<semaphore_mem>>)
      } else {
      }
      %add3A_39 = arith.constant 1 : i32
      %add3A_40 = arith.addi %mul3A_18, %add3A_39 : i32
      %dma_wait3A_41 = arith.constant 0 : i32
      %dma_wait3A_42 = tpu.memref_slice %arg5[%add3A_40, %dma_wait3A_41] : memref<40x128xi32, #tpu.memory_space<vmem>> -> memref<1x128xi32, #tpu.memory_space<vmem>>
      %dma_wait3A_43 = tpu.memref_squeeze %dma_wait3A_42 : memref<1x128xi32, #tpu.memory_space<vmem>> -> memref<128xi32, #tpu.memory_space<vmem>>
      %dma_wait3A_44 = arith.constant 0 : i32
      %dma_wait3A_45 = arith.constant 0 : i32
      %dma_wait3A_46 = tpu.memref_slice %arg2[%dma_wait3A_44, %dma_wait3A_45] : memref<10000x32xbf16, #tpu.memory_space<hbm>> -> memref<10000x32xbf16, #tpu.memory_space<hbm>>
      tpu.wait_indirect_dma semaphore(%arg9 : memref<!tpu.dma_semaphore, #tpu.memory_space<semaphore_mem>>) src(%dma_wait3A_46 : memref<10000x32xbf16, #tpu.memory_space<hbm>>) dst(%arg7 : memref<128x32xbf16, #tpu.memory_space<vmem>>)
      %add3A_47 = arith.constant 1 : i32
      %add3A_48 = arith.addi %mul3A_18, %add3A_47 : i32
      %mul3A_49 = arith.constant 128 : i32
      %mul3A_50 = arith.muli %add3A_48, %mul3A_49 : i32
      %add3A_51 = arith.addi %mul3A_2, %mul3A_50 : i32
      "tpu.region"() ({
        %run_scoped3A = tpu.sem_alloc : memref<!tpu.dma_semaphore, #tpu.memory_space<semaphore_mem>>
        %dma_start3A_52 = arith.constant 0 : i32
        %dma_start3A_53 = tpu.memref_slice %arg4[%add3A_51, %dma_start3A_52] : memref<163840x32xbf16, #tpu.memory_space<hbm>> -> memref<128x32xbf16, #tpu.memory_space<hbm>>
        %dma_start3A_54 = arith.constant 0 : i32
        %dma_start3A_55 = tpu.memref_slice %arg4[%add3A_51, %dma_start3A_54] : memref<163840x32xbf16, #tpu.memory_space<hbm>> -> memref<128x32xbf16, #tpu.memory_space<hbm>>
        tpu.enqueue_dma source(%arg7 : memref<128x32xbf16, #tpu.memory_space<vmem>>) target(%dma_start3A_55 : memref<128x32xbf16, #tpu.memory_space<hbm>>) target_semaphore(%run_scoped3A : memref<!tpu.dma_semaphore, #tpu.memory_space<semaphore_mem>>)
        %dma_wait3A_56 = arith.constant 0 : i32
        %dma_wait3A_57 = tpu.memref_slice %arg4[%add3A_51, %dma_wait3A_56] : memref<163840x32xbf16, #tpu.memory_space<hbm>> -> memref<128x32xbf16, #tpu.memory_space<hbm>>
        %dma_wait3A_58 = arith.constant 0 : i32
        %dma_wait3A_59 = tpu.memref_slice %arg4[%add3A_51, %dma_wait3A_58] : memref<163840x32xbf16, #tpu.memory_space<hbm>> -> memref<128x32xbf16, #tpu.memory_space<hbm>>
        tpu.wait_dma2 semaphore(%run_scoped3A : memref<!tpu.dma_semaphore, #tpu.memory_space<semaphore_mem>>) src(%arg7 : memref<128x32xbf16, #tpu.memory_space<vmem>>) dst(%dma_wait3A_59 : memref<128x32xbf16, #tpu.memory_space<hbm>>)
        tpu.yield
      }) : () -> ()
    }
    %scan3A_15 = arith.constant 20 : i32
    return
  }
}

#map = affine_map<(d0, d1) -> (0, 0)>
module attributes {stable_mosaic.version = 14 : i64} {
  func.func @_scatter_body(%arg0: i32, %arg1: i32, %arg2: memref<163840x32xf32, #tpu.memory_space<hbm>>, %arg3: memref<1280x128xi32, #tpu.memory_space<hbm>>, %arg4: memref<10000x32xf32, #tpu.memory_space<hbm>>, %arg5: memref<128x32xf32, #tpu.memory_space<hbm>>, %arg6: memref<20000x32xf32, #tpu.memory_space<hbm>>, %arg7: memref<40x128xi32, #tpu.memory_space<vmem>>, %arg8: memref<128x32xf32, #tpu.memory_space<vmem>>, %arg9: memref<128x32xf32, #tpu.memory_space<vmem>>, %arg10: memref<10000x32xf32, #tpu.memory_space<vmem_shared>>, %arg11: memref<!tpu.dma_semaphore, #tpu.memory_space<semaphore_mem>>, %arg12: memref<!tpu.dma_semaphore, #tpu.memory_space<semaphore_mem>>) attributes {dimension_semantics = [#tpu.dimension_semantics<core_parallel>, #tpu.dimension_semantics<subcore_parallel>], iteration_bounds = array<i64: 2, 16>, scalar_prefetch = 0 : i64, scratch_operands = 6 : i64, tpu.core_type = #tpu.core_type<sc_vector_subcore>, window_params = [{transform_indices = #map}, {transform_indices = #map}, {transform_indices = #map}, {transform_indices = #map}, {transform_indices = #map}]} {
    %mul3A = arith.constant 2 : i32
    %mul3A_0 = arith.muli %arg1, %mul3A : i32
    %add3A = arith.addi %mul3A_0, %arg0 : i32
    %mul3A_1 = arith.constant 5120 : i32
    %mul3A_2 = arith.muli %add3A, %mul3A_1 : i32
    %mul3A_3 = arith.constant 625 : i32
    %mul3A_4 = arith.muli %arg1, %mul3A_3 : i32
    %mul3A_5 = arith.constant 625 : i32
    %mul3A_6 = arith.muli %arg1, %mul3A_5 : i32
    "tpu.region"() ({
      %run_scoped3A = tpu.sem_alloc : memref<!tpu.dma_semaphore, #tpu.memory_space<semaphore_mem>>
      %dma_start3A_25 = arith.constant 0 : i32
      %dma_start3A_26 = tpu.memref_slice %arg10[%mul3A_6, %dma_start3A_25] : memref<10000x32xf32, #tpu.memory_space<vmem_shared>> -> memref<625x32xf32, #tpu.memory_space<vmem_shared>>
      %dma_start3A_27 = arith.constant 0 : i32
      %dma_start3A_28 = tpu.memref_slice %arg4[%mul3A_4, %dma_start3A_27] : memref<10000x32xf32, #tpu.memory_space<hbm>> -> memref<625x32xf32, #tpu.memory_space<hbm>>
      tpu.enqueue_dma source(%dma_start3A_28 : memref<625x32xf32, #tpu.memory_space<hbm>>) target(%dma_start3A_26 : memref<625x32xf32, #tpu.memory_space<vmem_shared>>) target_semaphore(%run_scoped3A : memref<!tpu.dma_semaphore, #tpu.memory_space<semaphore_mem>>)
      %dma_wait3A = arith.constant 0 : i32
      %dma_wait3A_29 = tpu.memref_slice %arg10[%mul3A_6, %dma_wait3A] : memref<10000x32xf32, #tpu.memory_space<vmem_shared>> -> memref<625x32xf32, #tpu.memory_space<vmem_shared>>
      %dma_wait3A_30 = arith.constant 0 : i32
      %dma_wait3A_31 = tpu.memref_slice %arg4[%mul3A_4, %dma_wait3A_30] : memref<10000x32xf32, #tpu.memory_space<hbm>> -> memref<625x32xf32, #tpu.memory_space<hbm>>
      tpu.wait_dma2 semaphore(%run_scoped3A : memref<!tpu.dma_semaphore, #tpu.memory_space<semaphore_mem>>) src(%dma_wait3A_31 : memref<625x32xf32, #tpu.memory_space<hbm>>) dst(%dma_wait3A_29 : memref<625x32xf32, #tpu.memory_space<vmem_shared>>)
      tpu.yield
    }) : () -> ()
    %barrier3A = arith.constant 0 : index
    tpu.barrier barrier_id(%barrier3A)
    %mul3A_7 = arith.constant 40 : i32
    %mul3A_8 = arith.muli %add3A, %mul3A_7 : i32
    "tpu.region"() ({
      %run_scoped3A = tpu.sem_alloc : memref<!tpu.dma_semaphore, #tpu.memory_space<semaphore_mem>>
      %dma_start3A_25 = arith.constant 0 : i32
      %dma_start3A_26 = tpu.memref_slice %arg3[%mul3A_8, %dma_start3A_25] : memref<1280x128xi32, #tpu.memory_space<hbm>> -> memref<40x128xi32, #tpu.memory_space<hbm>>
      %dma_start3A_27 = arith.constant 0 : i32
      %dma_start3A_28 = tpu.memref_slice %arg3[%mul3A_8, %dma_start3A_27] : memref<1280x128xi32, #tpu.memory_space<hbm>> -> memref<40x128xi32, #tpu.memory_space<hbm>>
      tpu.enqueue_dma source(%dma_start3A_28 : memref<40x128xi32, #tpu.memory_space<hbm>>) target(%arg7 : memref<40x128xi32, #tpu.memory_space<vmem>>) target_semaphore(%run_scoped3A : memref<!tpu.dma_semaphore, #tpu.memory_space<semaphore_mem>>)
      %dma_wait3A = arith.constant 0 : i32
      %dma_wait3A_29 = tpu.memref_slice %arg3[%mul3A_8, %dma_wait3A] : memref<1280x128xi32, #tpu.memory_space<hbm>> -> memref<40x128xi32, #tpu.memory_space<hbm>>
      %dma_wait3A_30 = arith.constant 0 : i32
      %dma_wait3A_31 = tpu.memref_slice %arg3[%mul3A_8, %dma_wait3A_30] : memref<1280x128xi32, #tpu.memory_space<hbm>> -> memref<40x128xi32, #tpu.memory_space<hbm>>
      tpu.wait_dma2 semaphore(%run_scoped3A : memref<!tpu.dma_semaphore, #tpu.memory_space<semaphore_mem>>) src(%dma_wait3A_31 : memref<40x128xi32, #tpu.memory_space<hbm>>) dst(%arg7 : memref<40x128xi32, #tpu.memory_space<vmem>>)
      tpu.yield
    }) : () -> ()
    %dma_start3A = arith.constant 0 : i32
    %dma_start3A_9 = tpu.memref_slice %arg2[%mul3A_2, %dma_start3A] : memref<163840x32xf32, #tpu.memory_space<hbm>> -> memref<128x32xf32, #tpu.memory_space<hbm>>
    %dma_start3A_10 = arith.constant 0 : i32
    %dma_start3A_11 = tpu.memref_slice %arg2[%mul3A_2, %dma_start3A_10] : memref<163840x32xf32, #tpu.memory_space<hbm>> -> memref<128x32xf32, #tpu.memory_space<hbm>>
    tpu.enqueue_dma source(%dma_start3A_11 : memref<128x32xf32, #tpu.memory_space<hbm>>) target(%arg8 : memref<128x32xf32, #tpu.memory_space<vmem>>) target_semaphore(%arg11 : memref<!tpu.dma_semaphore, #tpu.memory_space<semaphore_mem>>)
    %scan3A = arith.constant 0 : i32
    %scan3A_12 = arith.constant 0 : i32
    %scan3A_13 = arith.constant 20 : i32
    %scan3A_14 = arith.addi %scan3A_12, %scan3A_13 : i32
    %scan3A_15 = arith.constant 1 : i32
    scf.for %scan3A_25 = %scan3A_12 to %scan3A_14 step %scan3A_15  : i32 {
      %mul3A_26 = arith.constant 2 : i32
      %mul3A_27 = arith.muli %mul3A_26, %scan3A_25 : i32
      %add3A_28 = arith.constant 1 : i32
      %add3A_29 = arith.addi %mul3A_27, %add3A_28 : i32
      %mul3A_30 = arith.constant 128 : i32
      %mul3A_31 = arith.muli %add3A_29, %mul3A_30 : i32
      %add3A_32 = arith.addi %mul3A_2, %mul3A_31 : i32
      %dma_start3A_33 = arith.constant 0 : i32
      %dma_start3A_34 = tpu.memref_slice %arg2[%add3A_32, %dma_start3A_33] : memref<163840x32xf32, #tpu.memory_space<hbm>> -> memref<128x32xf32, #tpu.memory_space<hbm>>
      %dma_start3A_35 = arith.constant 0 : i32
      %dma_start3A_36 = tpu.memref_slice %arg2[%add3A_32, %dma_start3A_35] : memref<163840x32xf32, #tpu.memory_space<hbm>> -> memref<128x32xf32, #tpu.memory_space<hbm>>
      tpu.enqueue_dma source(%dma_start3A_36 : memref<128x32xf32, #tpu.memory_space<hbm>>) target(%arg9 : memref<128x32xf32, #tpu.memory_space<vmem>>) target_semaphore(%arg12 : memref<!tpu.dma_semaphore, #tpu.memory_space<semaphore_mem>>)
      %mul3A_37 = arith.constant 128 : i32
      %mul3A_38 = arith.muli %mul3A_27, %mul3A_37 : i32
      %add3A_39 = arith.addi %mul3A_2, %mul3A_38 : i32
      %dma_wait3A = arith.constant 0 : i32
      %dma_wait3A_40 = tpu.memref_slice %arg2[%add3A_39, %dma_wait3A] : memref<163840x32xf32, #tpu.memory_space<hbm>> -> memref<128x32xf32, #tpu.memory_space<hbm>>
      %dma_wait3A_41 = arith.constant 0 : i32
      %dma_wait3A_42 = tpu.memref_slice %arg2[%add3A_39, %dma_wait3A_41] : memref<163840x32xf32, #tpu.memory_space<hbm>> -> memref<128x32xf32, #tpu.memory_space<hbm>>
      tpu.wait_dma2 semaphore(%arg11 : memref<!tpu.dma_semaphore, #tpu.memory_space<semaphore_mem>>) src(%dma_wait3A_42 : memref<128x32xf32, #tpu.memory_space<hbm>>) dst(%arg8 : memref<128x32xf32, #tpu.memory_space<vmem>>)
      "tpu.region"() ({
        %run_scoped3A = tpu.sem_alloc : memref<!tpu.dma_semaphore, #tpu.memory_space<semaphore_mem>>
        %dma_start3A_58 = arith.constant 0 : i32
        %dma_start3A_59 = tpu.memref_slice %arg7[%mul3A_27, %dma_start3A_58] : memref<40x128xi32, #tpu.memory_space<vmem>> -> memref<1x128xi32, #tpu.memory_space<vmem>>
        %dma_start3A_60 = tpu.memref_squeeze %dma_start3A_59 : memref<1x128xi32, #tpu.memory_space<vmem>> -> memref<128xi32, #tpu.memory_space<vmem>>
        %dma_start3A_61 = arith.constant 0 : i32
        %dma_start3A_62 = arith.constant 0 : i32
        %dma_start3A_63 = tpu.memref_slice %arg10[%dma_start3A_61, %dma_start3A_62] : memref<10000x32xf32, #tpu.memory_space<vmem_shared>> -> memref<10000x32xf32, #tpu.memory_space<vmem_shared>>
        tpu.enqueue_indirect_dma source(%arg8 : memref<128x32xf32, #tpu.memory_space<vmem>>) target(%dma_start3A_63 : memref<10000x32xf32, #tpu.memory_space<vmem_shared>>) offsets(%dma_start3A_60 : memref<128xi32, #tpu.memory_space<vmem>>) semaphore(%run_scoped3A : memref<!tpu.dma_semaphore, #tpu.memory_space<semaphore_mem>>) {add = true}
        %dma_wait3A_64 = arith.constant 0 : i32
        %dma_wait3A_65 = tpu.memref_slice %arg7[%mul3A_27, %dma_wait3A_64] : memref<40x128xi32, #tpu.memory_space<vmem>> -> memref<1x128xi32, #tpu.memory_space<vmem>>
        %dma_wait3A_66 = tpu.memref_squeeze %dma_wait3A_65 : memref<1x128xi32, #tpu.memory_space<vmem>> -> memref<128xi32, #tpu.memory_space<vmem>>
        %dma_wait3A_67 = arith.constant 0 : i32
        %dma_wait3A_68 = arith.constant 0 : i32
        %dma_wait3A_69 = tpu.memref_slice %arg10[%dma_wait3A_67, %dma_wait3A_68] : memref<10000x32xf32, #tpu.memory_space<vmem_shared>> -> memref<10000x32xf32, #tpu.memory_space<vmem_shared>>
        tpu.wait_indirect_dma semaphore(%run_scoped3A : memref<!tpu.dma_semaphore, #tpu.memory_space<semaphore_mem>>) src(%arg8 : memref<128x32xf32, #tpu.memory_space<vmem>>) dst(%dma_wait3A_69 : memref<10000x32xf32, #tpu.memory_space<vmem_shared>>)
        tpu.yield
      }) : () -> ()
      %add3A_43 = arith.constant 2 : i32
      %add3A_44 = arith.addi %mul3A_27, %add3A_43 : i32
      %lt3A = arith.constant 40 : i32
      %lt3A_45 = arith.cmpi slt, %add3A_44, %lt3A : i32
      %convert_element_type3A = arith.extui %lt3A_45 : i1 to i32
      %cond3A = arith.constant 0 : i32
      %cond3A_46 = arith.cmpi ne, %convert_element_type3A, %cond3A : i32
      scf.if %cond3A_46 {
        %add3A_58 = arith.constant 2 : i32
        %add3A_59 = arith.addi %mul3A_27, %add3A_58 : i32
        %mul3A_60 = arith.constant 128 : i32
        %mul3A_61 = arith.muli %add3A_59, %mul3A_60 : i32
        %add3A_62 = arith.addi %mul3A_2, %mul3A_61 : i32
        %dma_start3A_63 = arith.constant 0 : i32
        %dma_start3A_64 = tpu.memref_slice %arg2[%add3A_62, %dma_start3A_63] : memref<163840x32xf32, #tpu.memory_space<hbm>> -> memref<128x32xf32, #tpu.memory_space<hbm>>
        %dma_start3A_65 = arith.constant 0 : i32
        %dma_start3A_66 = tpu.memref_slice %arg2[%add3A_62, %dma_start3A_65] : memref<163840x32xf32, #tpu.memory_space<hbm>> -> memref<128x32xf32, #tpu.memory_space<hbm>>
        tpu.enqueue_dma source(%dma_start3A_66 : memref<128x32xf32, #tpu.memory_space<hbm>>) target(%arg8 : memref<128x32xf32, #tpu.memory_space<vmem>>) target_semaphore(%arg11 : memref<!tpu.dma_semaphore, #tpu.memory_space<semaphore_mem>>)
      } else {
      }
      %add3A_47 = arith.constant 1 : i32
      %add3A_48 = arith.addi %mul3A_27, %add3A_47 : i32
      %mul3A_49 = arith.constant 128 : i32
      %mul3A_50 = arith.muli %add3A_48, %mul3A_49 : i32
      %add3A_51 = arith.addi %mul3A_2, %mul3A_50 : i32
      %dma_wait3A_52 = arith.constant 0 : i32
      %dma_wait3A_53 = tpu.memref_slice %arg2[%add3A_51, %dma_wait3A_52] : memref<163840x32xf32, #tpu.memory_space<hbm>> -> memref<128x32xf32, #tpu.memory_space<hbm>>
      %dma_wait3A_54 = arith.constant 0 : i32
      %dma_wait3A_55 = tpu.memref_slice %arg2[%add3A_51, %dma_wait3A_54] : memref<163840x32xf32, #tpu.memory_space<hbm>> -> memref<128x32xf32, #tpu.memory_space<hbm>>
      tpu.wait_dma2 semaphore(%arg12 : memref<!tpu.dma_semaphore, #tpu.memory_space<semaphore_mem>>) src(%dma_wait3A_55 : memref<128x32xf32, #tpu.memory_space<hbm>>) dst(%arg9 : memref<128x32xf32, #tpu.memory_space<vmem>>)
      %add3A_56 = arith.constant 1 : i32
      %add3A_57 = arith.addi %mul3A_27, %add3A_56 : i32
      "tpu.region"() ({
        %run_scoped3A = tpu.sem_alloc : memref<!tpu.dma_semaphore, #tpu.memory_space<semaphore_mem>>
        %dma_start3A_58 = arith.constant 0 : i32
        %dma_start3A_59 = tpu.memref_slice %arg7[%add3A_57, %dma_start3A_58] : memref<40x128xi32, #tpu.memory_space<vmem>> -> memref<1x128xi32, #tpu.memory_space<vmem>>
        %dma_start3A_60 = tpu.memref_squeeze %dma_start3A_59 : memref<1x128xi32, #tpu.memory_space<vmem>> -> memref<128xi32, #tpu.memory_space<vmem>>
        %dma_start3A_61 = arith.constant 0 : i32
        %dma_start3A_62 = arith.constant 0 : i32
        %dma_start3A_63 = tpu.memref_slice %arg10[%dma_start3A_61, %dma_start3A_62] : memref<10000x32xf32, #tpu.memory_space<vmem_shared>> -> memref<10000x32xf32, #tpu.memory_space<vmem_shared>>
        tpu.enqueue_indirect_dma source(%arg9 : memref<128x32xf32, #tpu.memory_space<vmem>>) target(%dma_start3A_63 : memref<10000x32xf32, #tpu.memory_space<vmem_shared>>) offsets(%dma_start3A_60 : memref<128xi32, #tpu.memory_space<vmem>>) semaphore(%run_scoped3A : memref<!tpu.dma_semaphore, #tpu.memory_space<semaphore_mem>>) {add = true}
        %dma_wait3A_64 = arith.constant 0 : i32
        %dma_wait3A_65 = tpu.memref_slice %arg7[%add3A_57, %dma_wait3A_64] : memref<40x128xi32, #tpu.memory_space<vmem>> -> memref<1x128xi32, #tpu.memory_space<vmem>>
        %dma_wait3A_66 = tpu.memref_squeeze %dma_wait3A_65 : memref<1x128xi32, #tpu.memory_space<vmem>> -> memref<128xi32, #tpu.memory_space<vmem>>
        %dma_wait3A_67 = arith.constant 0 : i32
        %dma_wait3A_68 = arith.constant 0 : i32
        %dma_wait3A_69 = tpu.memref_slice %arg10[%dma_wait3A_67, %dma_wait3A_68] : memref<10000x32xf32, #tpu.memory_space<vmem_shared>> -> memref<10000x32xf32, #tpu.memory_space<vmem_shared>>
        tpu.wait_indirect_dma semaphore(%run_scoped3A : memref<!tpu.dma_semaphore, #tpu.memory_space<semaphore_mem>>) src(%arg9 : memref<128x32xf32, #tpu.memory_space<vmem>>) dst(%dma_wait3A_69 : memref<10000x32xf32, #tpu.memory_space<vmem_shared>>)
        tpu.yield
      }) : () -> ()
    }
    %scan3A_16 = arith.constant 20 : i32
    %barrier3A_17 = arith.constant 0 : index
    tpu.barrier barrier_id(%barrier3A_17)
    %mul3A_18 = arith.constant 625 : i32
    %mul3A_19 = arith.muli %arg1, %mul3A_18 : i32
    %mul3A_20 = arith.constant 10000 : i32
    %mul3A_21 = arith.muli %arg0, %mul3A_20 : i32
    %mul3A_22 = arith.constant 625 : i32
    %mul3A_23 = arith.muli %arg1, %mul3A_22 : i32
    %add3A_24 = arith.addi %mul3A_21, %mul3A_23 : i32
    "tpu.region"() ({
      %run_scoped3A = tpu.sem_alloc : memref<!tpu.dma_semaphore, #tpu.memory_space<semaphore_mem>>
      %dma_start3A_25 = arith.constant 0 : i32
      %dma_start3A_26 = tpu.memref_slice %arg6[%add3A_24, %dma_start3A_25] : memref<20000x32xf32, #tpu.memory_space<hbm>> -> memref<625x32xf32, #tpu.memory_space<hbm>>
      %dma_start3A_27 = arith.constant 0 : i32
      %dma_start3A_28 = tpu.memref_slice %arg10[%mul3A_19, %dma_start3A_27] : memref<10000x32xf32, #tpu.memory_space<vmem_shared>> -> memref<625x32xf32, #tpu.memory_space<vmem_shared>>
      tpu.enqueue_dma source(%dma_start3A_28 : memref<625x32xf32, #tpu.memory_space<vmem_shared>>) target(%dma_start3A_26 : memref<625x32xf32, #tpu.memory_space<hbm>>) target_semaphore(%run_scoped3A : memref<!tpu.dma_semaphore, #tpu.memory_space<semaphore_mem>>)
      %dma_wait3A = arith.constant 0 : i32
      %dma_wait3A_29 = tpu.memref_slice %arg6[%add3A_24, %dma_wait3A] : memref<20000x32xf32, #tpu.memory_space<hbm>> -> memref<625x32xf32, #tpu.memory_space<hbm>>
      %dma_wait3A_30 = arith.constant 0 : i32
      %dma_wait3A_31 = tpu.memref_slice %arg10[%mul3A_19, %dma_wait3A_30] : memref<10000x32xf32, #tpu.memory_space<vmem_shared>> -> memref<625x32xf32, #tpu.memory_space<vmem_shared>>
      tpu.wait_dma2 semaphore(%run_scoped3A : memref<!tpu.dma_semaphore, #tpu.memory_space<semaphore_mem>>) src(%dma_wait3A_31 : memref<625x32xf32, #tpu.memory_space<vmem_shared>>) dst(%dma_wait3A_29 : memref<625x32xf32, #tpu.memory_space<hbm>>)
      tpu.yield
    }) : () -> ()
    return
  }
}

#map = affine_map<(d0, d1) -> (0, 0)>
module attributes {stable_mosaic.version = 14 : i64} {
  func.func @_scatter_body(%arg0: i32, %arg1: i32, %arg2: memref<163840x32xf32, #tpu.memory_space<hbm>>, %arg3: memref<1280x128xi32, #tpu.memory_space<hbm>>, %arg4: memref<10000x32xf32, #tpu.memory_space<hbm>>, %arg5: memref<128x32xf32, #tpu.memory_space<hbm>>, %arg6: memref<20000x32xf32, #tpu.memory_space<hbm>>, %arg7: memref<20000x32xf32, #tpu.memory_space<hbm>>, %arg8: memref<40x128xi32, #tpu.memory_space<vmem>>, %arg9: memref<128x32xf32, #tpu.memory_space<vmem>>, %arg10: memref<128x32xf32, #tpu.memory_space<vmem>>, %arg11: memref<128x32xf32, #tpu.memory_space<vmem>>, %arg12: memref<10000x32xf32, #tpu.memory_space<vmem_shared>>, %arg13: memref<10000x32xf32, #tpu.memory_space<vmem_shared>>, %arg14: memref<!tpu.dma_semaphore, #tpu.memory_space<semaphore_mem>>, %arg15: memref<!tpu.dma_semaphore, #tpu.memory_space<semaphore_mem>>) attributes {dimension_semantics = [#tpu.dimension_semantics<core_parallel>, #tpu.dimension_semantics<subcore_parallel>], iteration_bounds = array<i64: 2, 16>, scalar_prefetch = 0 : i64, scratch_operands = 8 : i64, tpu.core_type = #tpu.core_type<sc_vector_subcore>, window_params = [{transform_indices = #map}, {transform_indices = #map}, {transform_indices = #map}, {transform_indices = #map}, {transform_indices = #map}, {transform_indices = #map}]} {
    %mul3A = arith.constant 2 : i32
    %mul3A_0 = arith.muli %arg1, %mul3A : i32
    %add3A = arith.addi %mul3A_0, %arg0 : i32
    %mul3A_1 = arith.constant 5120 : i32
    %mul3A_2 = arith.muli %add3A, %mul3A_1 : i32
    %mul3A_3 = arith.constant 625 : i32
    %mul3A_4 = arith.muli %arg1, %mul3A_3 : i32
    %mul3A_5 = arith.constant 625 : i32
    %mul3A_6 = arith.muli %arg1, %mul3A_5 : i32
    "tpu.region"() ({
      %run_scoped3A = tpu.sem_alloc : memref<!tpu.dma_semaphore, #tpu.memory_space<semaphore_mem>>
      %dma_start3A_36 = arith.constant 0 : i32
      %dma_start3A_37 = tpu.memref_slice %arg12[%mul3A_6, %dma_start3A_36] : memref<10000x32xf32, #tpu.memory_space<vmem_shared>> -> memref<625x32xf32, #tpu.memory_space<vmem_shared>>
      %dma_start3A_38 = arith.constant 0 : i32
      %dma_start3A_39 = tpu.memref_slice %arg4[%mul3A_4, %dma_start3A_38] : memref<10000x32xf32, #tpu.memory_space<hbm>> -> memref<625x32xf32, #tpu.memory_space<hbm>>
      tpu.enqueue_dma source(%dma_start3A_39 : memref<625x32xf32, #tpu.memory_space<hbm>>) target(%dma_start3A_37 : memref<625x32xf32, #tpu.memory_space<vmem_shared>>) target_semaphore(%run_scoped3A : memref<!tpu.dma_semaphore, #tpu.memory_space<semaphore_mem>>)
      %dma_wait3A = arith.constant 0 : i32
      %dma_wait3A_40 = tpu.memref_slice %arg12[%mul3A_6, %dma_wait3A] : memref<10000x32xf32, #tpu.memory_space<vmem_shared>> -> memref<625x32xf32, #tpu.memory_space<vmem_shared>>
      %dma_wait3A_41 = arith.constant 0 : i32
      %dma_wait3A_42 = tpu.memref_slice %arg4[%mul3A_4, %dma_wait3A_41] : memref<10000x32xf32, #tpu.memory_space<hbm>> -> memref<625x32xf32, #tpu.memory_space<hbm>>
      tpu.wait_dma2 semaphore(%run_scoped3A : memref<!tpu.dma_semaphore, #tpu.memory_space<semaphore_mem>>) src(%dma_wait3A_42 : memref<625x32xf32, #tpu.memory_space<hbm>>) dst(%dma_wait3A_40 : memref<625x32xf32, #tpu.memory_space<vmem_shared>>)
      tpu.yield
    }) : () -> ()
    %mul3A_7 = arith.constant 625 : i32
    %mul3A_8 = arith.muli %arg1, %mul3A_7 : i32
    %mul3A_9 = arith.constant 625 : i32
    %mul3A_10 = arith.muli %arg1, %mul3A_9 : i32
    "tpu.region"() ({
      %run_scoped3A = tpu.sem_alloc : memref<!tpu.dma_semaphore, #tpu.memory_space<semaphore_mem>>
      %dma_start3A_36 = arith.constant 0 : i32
      %dma_start3A_37 = tpu.memref_slice %arg13[%mul3A_10, %dma_start3A_36] : memref<10000x32xf32, #tpu.memory_space<vmem_shared>> -> memref<625x32xf32, #tpu.memory_space<vmem_shared>>
      %dma_start3A_38 = arith.constant 0 : i32
      %dma_start3A_39 = tpu.memref_slice %arg4[%mul3A_8, %dma_start3A_38] : memref<10000x32xf32, #tpu.memory_space<hbm>> -> memref<625x32xf32, #tpu.memory_space<hbm>>
      tpu.enqueue_dma source(%dma_start3A_39 : memref<625x32xf32, #tpu.memory_space<hbm>>) target(%dma_start3A_37 : memref<625x32xf32, #tpu.memory_space<vmem_shared>>) target_semaphore(%run_scoped3A : memref<!tpu.dma_semaphore, #tpu.memory_space<semaphore_mem>>)
      %dma_wait3A = arith.constant 0 : i32
      %dma_wait3A_40 = tpu.memref_slice %arg13[%mul3A_10, %dma_wait3A] : memref<10000x32xf32, #tpu.memory_space<vmem_shared>> -> memref<625x32xf32, #tpu.memory_space<vmem_shared>>
      %dma_wait3A_41 = arith.constant 0 : i32
      %dma_wait3A_42 = tpu.memref_slice %arg4[%mul3A_8, %dma_wait3A_41] : memref<10000x32xf32, #tpu.memory_space<hbm>> -> memref<625x32xf32, #tpu.memory_space<hbm>>
      tpu.wait_dma2 semaphore(%run_scoped3A : memref<!tpu.dma_semaphore, #tpu.memory_space<semaphore_mem>>) src(%dma_wait3A_42 : memref<625x32xf32, #tpu.memory_space<hbm>>) dst(%dma_wait3A_40 : memref<625x32xf32, #tpu.memory_space<vmem_shared>>)
      tpu.yield
    }) : () -> ()
    "tpu.region"() ({
      %run_scoped3A = tpu.sem_alloc : memref<!tpu.dma_semaphore, #tpu.memory_space<semaphore_mem>>
      tpu.enqueue_dma source(%arg5 : memref<128x32xf32, #tpu.memory_space<hbm>>) target(%arg11 : memref<128x32xf32, #tpu.memory_space<vmem>>) target_semaphore(%run_scoped3A : memref<!tpu.dma_semaphore, #tpu.memory_space<semaphore_mem>>)
      tpu.wait_dma2 semaphore(%run_scoped3A : memref<!tpu.dma_semaphore, #tpu.memory_space<semaphore_mem>>) src(%arg5 : memref<128x32xf32, #tpu.memory_space<hbm>>) dst(%arg11 : memref<128x32xf32, #tpu.memory_space<vmem>>)
      tpu.yield
    }) : () -> ()
    %barrier3A = arith.constant 0 : index
    tpu.barrier barrier_id(%barrier3A)
    %mul3A_11 = arith.constant 40 : i32
    %mul3A_12 = arith.muli %add3A, %mul3A_11 : i32
    "tpu.region"() ({
      %run_scoped3A = tpu.sem_alloc : memref<!tpu.dma_semaphore, #tpu.memory_space<semaphore_mem>>
      %dma_start3A_36 = arith.constant 0 : i32
      %dma_start3A_37 = tpu.memref_slice %arg3[%mul3A_12, %dma_start3A_36] : memref<1280x128xi32, #tpu.memory_space<hbm>> -> memref<40x128xi32, #tpu.memory_space<hbm>>
      %dma_start3A_38 = arith.constant 0 : i32
      %dma_start3A_39 = tpu.memref_slice %arg3[%mul3A_12, %dma_start3A_38] : memref<1280x128xi32, #tpu.memory_space<hbm>> -> memref<40x128xi32, #tpu.memory_space<hbm>>
      tpu.enqueue_dma source(%dma_start3A_39 : memref<40x128xi32, #tpu.memory_space<hbm>>) target(%arg8 : memref<40x128xi32, #tpu.memory_space<vmem>>) target_semaphore(%run_scoped3A : memref<!tpu.dma_semaphore, #tpu.memory_space<semaphore_mem>>)
      %dma_wait3A = arith.constant 0 : i32
      %dma_wait3A_40 = tpu.memref_slice %arg3[%mul3A_12, %dma_wait3A] : memref<1280x128xi32, #tpu.memory_space<hbm>> -> memref<40x128xi32, #tpu.memory_space<hbm>>
      %dma_wait3A_41 = arith.constant 0 : i32
      %dma_wait3A_42 = tpu.memref_slice %arg3[%mul3A_12, %dma_wait3A_41] : memref<1280x128xi32, #tpu.memory_space<hbm>> -> memref<40x128xi32, #tpu.memory_space<hbm>>
      tpu.wait_dma2 semaphore(%run_scoped3A : memref<!tpu.dma_semaphore, #tpu.memory_space<semaphore_mem>>) src(%dma_wait3A_42 : memref<40x128xi32, #tpu.memory_space<hbm>>) dst(%arg8 : memref<40x128xi32, #tpu.memory_space<vmem>>)
      tpu.yield
    }) : () -> ()
    %dma_start3A = arith.constant 0 : i32
    %dma_start3A_13 = tpu.memref_slice %arg2[%mul3A_2, %dma_start3A] : memref<163840x32xf32, #tpu.memory_space<hbm>> -> memref<128x32xf32, #tpu.memory_space<hbm>>
    %dma_start3A_14 = arith.constant 0 : i32
    %dma_start3A_15 = tpu.memref_slice %arg2[%mul3A_2, %dma_start3A_14] : memref<163840x32xf32, #tpu.memory_space<hbm>> -> memref<128x32xf32, #tpu.memory_space<hbm>>
    tpu.enqueue_dma source(%dma_start3A_15 : memref<128x32xf32, #tpu.memory_space<hbm>>) target(%arg9 : memref<128x32xf32, #tpu.memory_space<vmem>>) target_semaphore(%arg14 : memref<!tpu.dma_semaphore, #tpu.memory_space<semaphore_mem>>)
    %scan3A = arith.constant 0 : i32
    %scan3A_16 = arith.constant 0 : i32
    %scan3A_17 = arith.constant 20 : i32
    %scan3A_18 = arith.addi %scan3A_16, %scan3A_17 : i32
    %scan3A_19 = arith.constant 1 : i32
    scf.for %scan3A_36 = %scan3A_16 to %scan3A_18 step %scan3A_19  : i32 {
      %mul3A_37 = arith.constant 2 : i32
      %mul3A_38 = arith.muli %mul3A_37, %scan3A_36 : i32
      %add3A_39 = arith.constant 1 : i32
      %add3A_40 = arith.addi %mul3A_38, %add3A_39 : i32
      %mul3A_41 = arith.constant 128 : i32
      %mul3A_42 = arith.muli %add3A_40, %mul3A_41 : i32
      %add3A_43 = arith.addi %mul3A_2, %mul3A_42 : i32
      %dma_start3A_44 = arith.constant 0 : i32
      %dma_start3A_45 = tpu.memref_slice %arg2[%add3A_43, %dma_start3A_44] : memref<163840x32xf32, #tpu.memory_space<hbm>> -> memref<128x32xf32, #tpu.memory_space<hbm>>
      %dma_start3A_46 = arith.constant 0 : i32
      %dma_start3A_47 = tpu.memref_slice %arg2[%add3A_43, %dma_start3A_46] : memref<163840x32xf32, #tpu.memory_space<hbm>> -> memref<128x32xf32, #tpu.memory_space<hbm>>
      tpu.enqueue_dma source(%dma_start3A_47 : memref<128x32xf32, #tpu.memory_space<hbm>>) target(%arg10 : memref<128x32xf32, #tpu.memory_space<vmem>>) target_semaphore(%arg15 : memref<!tpu.dma_semaphore, #tpu.memory_space<semaphore_mem>>)
      %mul3A_48 = arith.constant 128 : i32
      %mul3A_49 = arith.muli %mul3A_38, %mul3A_48 : i32
      %add3A_50 = arith.addi %mul3A_2, %mul3A_49 : i32
      %dma_wait3A = arith.constant 0 : i32
      %dma_wait3A_51 = tpu.memref_slice %arg2[%add3A_50, %dma_wait3A] : memref<163840x32xf32, #tpu.memory_space<hbm>> -> memref<128x32xf32, #tpu.memory_space<hbm>>
      %dma_wait3A_52 = arith.constant 0 : i32
      %dma_wait3A_53 = tpu.memref_slice %arg2[%add3A_50, %dma_wait3A_52] : memref<163840x32xf32, #tpu.memory_space<hbm>> -> memref<128x32xf32, #tpu.memory_space<hbm>>
      tpu.wait_dma2 semaphore(%arg14 : memref<!tpu.dma_semaphore, #tpu.memory_space<semaphore_mem>>) src(%dma_wait3A_53 : memref<128x32xf32, #tpu.memory_space<hbm>>) dst(%arg9 : memref<128x32xf32, #tpu.memory_space<vmem>>)
      "tpu.region"() ({
        %run_scoped3A = tpu.sem_alloc : memref<!tpu.dma_semaphore, #tpu.memory_space<semaphore_mem>>
        %dma_start3A_85 = arith.constant 0 : i32
        %dma_start3A_86 = tpu.memref_slice %arg8[%mul3A_38, %dma_start3A_85] : memref<40x128xi32, #tpu.memory_space<vmem>> -> memref<1x128xi32, #tpu.memory_space<vmem>>
        %dma_start3A_87 = tpu.memref_squeeze %dma_start3A_86 : memref<1x128xi32, #tpu.memory_space<vmem>> -> memref<128xi32, #tpu.memory_space<vmem>>
        %dma_start3A_88 = arith.constant 0 : i32
        %dma_start3A_89 = arith.constant 0 : i32
        %dma_start3A_90 = tpu.memref_slice %arg12[%dma_start3A_88, %dma_start3A_89] : memref<10000x32xf32, #tpu.memory_space<vmem_shared>> -> memref<10000x32xf32, #tpu.memory_space<vmem_shared>>
        tpu.enqueue_indirect_dma source(%arg9 : memref<128x32xf32, #tpu.memory_space<vmem>>) target(%dma_start3A_90 : memref<10000x32xf32, #tpu.memory_space<vmem_shared>>) offsets(%dma_start3A_87 : memref<128xi32, #tpu.memory_space<vmem>>) semaphore(%run_scoped3A : memref<!tpu.dma_semaphore, #tpu.memory_space<semaphore_mem>>) {add = true}
        %dma_wait3A_91 = arith.constant 0 : i32
        %dma_wait3A_92 = tpu.memref_slice %arg8[%mul3A_38, %dma_wait3A_91] : memref<40x128xi32, #tpu.memory_space<vmem>> -> memref<1x128xi32, #tpu.memory_space<vmem>>
        %dma_wait3A_93 = tpu.memref_squeeze %dma_wait3A_92 : memref<1x128xi32, #tpu.memory_space<vmem>> -> memref<128xi32, #tpu.memory_space<vmem>>
        %dma_wait3A_94 = arith.constant 0 : i32
        %dma_wait3A_95 = arith.constant 0 : i32
        %dma_wait3A_96 = tpu.memref_slice %arg12[%dma_wait3A_94, %dma_wait3A_95] : memref<10000x32xf32, #tpu.memory_space<vmem_shared>> -> memref<10000x32xf32, #tpu.memory_space<vmem_shared>>
        tpu.wait_indirect_dma semaphore(%run_scoped3A : memref<!tpu.dma_semaphore, #tpu.memory_space<semaphore_mem>>) src(%arg9 : memref<128x32xf32, #tpu.memory_space<vmem>>) dst(%dma_wait3A_96 : memref<10000x32xf32, #tpu.memory_space<vmem_shared>>)
        tpu.yield
      }) : () -> ()
      %mul3A_54 = arith.constant 128 : i32
      %mul3A_55 = arith.muli %mul3A_38, %mul3A_54 : i32
      %add3A_56 = arith.addi %mul3A_2, %mul3A_55 : i32
      %lt3A = arith.constant 160000 : i32
      %lt3A_57 = arith.cmpi slt, %add3A_56, %lt3A : i32
      %convert_element_type3A = arith.extui %lt3A_57 : i1 to i32
      %cond3A = arith.constant 0 : i32
      %cond3A_58 = arith.cmpi ne, %convert_element_type3A, %cond3A : i32
      scf.if %cond3A_58 {
        "tpu.region"() ({
          %run_scoped3A = tpu.sem_alloc : memref<!tpu.dma_semaphore, #tpu.memory_space<semaphore_mem>>
          %dma_start3A_85 = arith.constant 0 : i32
          %dma_start3A_86 = tpu.memref_slice %arg8[%mul3A_38, %dma_start3A_85] : memref<40x128xi32, #tpu.memory_space<vmem>> -> memref<1x128xi32, #tpu.memory_space<vmem>>
          %dma_start3A_87 = tpu.memref_squeeze %dma_start3A_86 : memref<1x128xi32, #tpu.memory_space<vmem>> -> memref<128xi32, #tpu.memory_space<vmem>>
          %dma_start3A_88 = arith.constant 0 : i32
          %dma_start3A_89 = arith.constant 0 : i32
          %dma_start3A_90 = tpu.memref_slice %arg13[%dma_start3A_88, %dma_start3A_89] : memref<10000x32xf32, #tpu.memory_space<vmem_shared>> -> memref<10000x32xf32, #tpu.memory_space<vmem_shared>>
          tpu.enqueue_indirect_dma source(%arg11 : memref<128x32xf32, #tpu.memory_space<vmem>>) target(%dma_start3A_90 : memref<10000x32xf32, #tpu.memory_space<vmem_shared>>) offsets(%dma_start3A_87 : memref<128xi32, #tpu.memory_space<vmem>>) semaphore(%run_scoped3A : memref<!tpu.dma_semaphore, #tpu.memory_space<semaphore_mem>>) {add = true}
          %dma_wait3A_91 = arith.constant 0 : i32
          %dma_wait3A_92 = tpu.memref_slice %arg8[%mul3A_38, %dma_wait3A_91] : memref<40x128xi32, #tpu.memory_space<vmem>> -> memref<1x128xi32, #tpu.memory_space<vmem>>
          %dma_wait3A_93 = tpu.memref_squeeze %dma_wait3A_92 : memref<1x128xi32, #tpu.memory_space<vmem>> -> memref<128xi32, #tpu.memory_space<vmem>>
          %dma_wait3A_94 = arith.constant 0 : i32
          %dma_wait3A_95 = arith.constant 0 : i32
          %dma_wait3A_96 = tpu.memref_slice %arg13[%dma_wait3A_94, %dma_wait3A_95] : memref<10000x32xf32, #tpu.memory_space<vmem_shared>> -> memref<10000x32xf32, #tpu.memory_space<vmem_shared>>
          tpu.wait_indirect_dma semaphore(%run_scoped3A : memref<!tpu.dma_semaphore, #tpu.memory_space<semaphore_mem>>) src(%arg11 : memref<128x32xf32, #tpu.memory_space<vmem>>) dst(%dma_wait3A_96 : memref<10000x32xf32, #tpu.memory_space<vmem_shared>>)
          tpu.yield
        }) : () -> ()
      } else {
      }
      %add3A_59 = arith.constant 2 : i32
      %add3A_60 = arith.addi %mul3A_38, %add3A_59 : i32
      %lt3A_61 = arith.constant 40 : i32
      %lt3A_62 = arith.cmpi slt, %add3A_60, %lt3A_61 : i32
      %convert_element_type3A_63 = arith.extui %lt3A_62 : i1 to i32
      %cond3A_64 = arith.constant 0 : i32
      %cond3A_65 = arith.cmpi ne, %convert_element_type3A_63, %cond3A_64 : i32
      scf.if %cond3A_65 {
        %add3A_85 = arith.constant 2 : i32
        %add3A_86 = arith.addi %mul3A_38, %add3A_85 : i32
        %mul3A_87 = arith.constant 128 : i32
        %mul3A_88 = arith.muli %add3A_86, %mul3A_87 : i32
        %add3A_89 = arith.addi %mul3A_2, %mul3A_88 : i32
        %dma_start3A_90 = arith.constant 0 : i32
        %dma_start3A_91 = tpu.memref_slice %arg2[%add3A_89, %dma_start3A_90] : memref<163840x32xf32, #tpu.memory_space<hbm>> -> memref<128x32xf32, #tpu.memory_space<hbm>>
        %dma_start3A_92 = arith.constant 0 : i32
        %dma_start3A_93 = tpu.memref_slice %arg2[%add3A_89, %dma_start3A_92] : memref<163840x32xf32, #tpu.memory_space<hbm>> -> memref<128x32xf32, #tpu.memory_space<hbm>>
        tpu.enqueue_dma source(%dma_start3A_93 : memref<128x32xf32, #tpu.memory_space<hbm>>) target(%arg9 : memref<128x32xf32, #tpu.memory_space<vmem>>) target_semaphore(%arg14 : memref<!tpu.dma_semaphore, #tpu.memory_space<semaphore_mem>>)
      } else {
      }
      %add3A_66 = arith.constant 1 : i32
      %add3A_67 = arith.addi %mul3A_38, %add3A_66 : i32
      %mul3A_68 = arith.constant 128 : i32
      %mul3A_69 = arith.muli %add3A_67, %mul3A_68 : i32
      %add3A_70 = arith.addi %mul3A_2, %mul3A_69 : i32
      %dma_wait3A_71 = arith.constant 0 : i32
      %dma_wait3A_72 = tpu.memref_slice %arg2[%add3A_70, %dma_wait3A_71] : memref<163840x32xf32, #tpu.memory_space<hbm>> -> memref<128x32xf32, #tpu.memory_space<hbm>>
      %dma_wait3A_73 = arith.constant 0 : i32
      %dma_wait3A_74 = tpu.memref_slice %arg2[%add3A_70, %dma_wait3A_73] : memref<163840x32xf32, #tpu.memory_space<hbm>> -> memref<128x32xf32, #tpu.memory_space<hbm>>
      tpu.wait_dma2 semaphore(%arg15 : memref<!tpu.dma_semaphore, #tpu.memory_space<semaphore_mem>>) src(%dma_wait3A_74 : memref<128x32xf32, #tpu.memory_space<hbm>>) dst(%arg10 : memref<128x32xf32, #tpu.memory_space<vmem>>)
      %add3A_75 = arith.constant 1 : i32
      %add3A_76 = arith.addi %mul3A_38, %add3A_75 : i32
      "tpu.region"() ({
        %run_scoped3A = tpu.sem_alloc : memref<!tpu.dma_semaphore, #tpu.memory_space<semaphore_mem>>
        %dma_start3A_85 = arith.constant 0 : i32
        %dma_start3A_86 = tpu.memref_slice %arg8[%add3A_76, %dma_start3A_85] : memref<40x128xi32, #tpu.memory_space<vmem>> -> memref<1x128xi32, #tpu.memory_space<vmem>>
        %dma_start3A_87 = tpu.memref_squeeze %dma_start3A_86 : memref<1x128xi32, #tpu.memory_space<vmem>> -> memref<128xi32, #tpu.memory_space<vmem>>
        %dma_start3A_88 = arith.constant 0 : i32
        %dma_start3A_89 = arith.constant 0 : i32
        %dma_start3A_90 = tpu.memref_slice %arg12[%dma_start3A_88, %dma_start3A_89] : memref<10000x32xf32, #tpu.memory_space<vmem_shared>> -> memref<10000x32xf32, #tpu.memory_space<vmem_shared>>
        tpu.enqueue_indirect_dma source(%arg10 : memref<128x32xf32, #tpu.memory_space<vmem>>) target(%dma_start3A_90 : memref<10000x32xf32, #tpu.memory_space<vmem_shared>>) offsets(%dma_start3A_87 : memref<128xi32, #tpu.memory_space<vmem>>) semaphore(%run_scoped3A : memref<!tpu.dma_semaphore, #tpu.memory_space<semaphore_mem>>) {add = true}
        %dma_wait3A_91 = arith.constant 0 : i32
        %dma_wait3A_92 = tpu.memref_slice %arg8[%add3A_76, %dma_wait3A_91] : memref<40x128xi32, #tpu.memory_space<vmem>> -> memref<1x128xi32, #tpu.memory_space<vmem>>
        %dma_wait3A_93 = tpu.memref_squeeze %dma_wait3A_92 : memref<1x128xi32, #tpu.memory_space<vmem>> -> memref<128xi32, #tpu.memory_space<vmem>>
        %dma_wait3A_94 = arith.constant 0 : i32
        %dma_wait3A_95 = arith.constant 0 : i32
        %dma_wait3A_96 = tpu.memref_slice %arg12[%dma_wait3A_94, %dma_wait3A_95] : memref<10000x32xf32, #tpu.memory_space<vmem_shared>> -> memref<10000x32xf32, #tpu.memory_space<vmem_shared>>
        tpu.wait_indirect_dma semaphore(%run_scoped3A : memref<!tpu.dma_semaphore, #tpu.memory_space<semaphore_mem>>) src(%arg10 : memref<128x32xf32, #tpu.memory_space<vmem>>) dst(%dma_wait3A_96 : memref<10000x32xf32, #tpu.memory_space<vmem_shared>>)
        tpu.yield
      }) : () -> ()
      %mul3A_77 = arith.constant 128 : i32
      %mul3A_78 = arith.muli %add3A_76, %mul3A_77 : i32
      %add3A_79 = arith.addi %mul3A_2, %mul3A_78 : i32
      %lt3A_80 = arith.constant 160000 : i32
      %lt3A_81 = arith.cmpi slt, %add3A_79, %lt3A_80 : i32
      %convert_element_type3A_82 = arith.extui %lt3A_81 : i1 to i32
      %cond3A_83 = arith.constant 0 : i32
      %cond3A_84 = arith.cmpi ne, %convert_element_type3A_82, %cond3A_83 : i32
      scf.if %cond3A_84 {
        "tpu.region"() ({
          %run_scoped3A = tpu.sem_alloc : memref<!tpu.dma_semaphore, #tpu.memory_space<semaphore_mem>>
          %dma_start3A_85 = arith.constant 0 : i32
          %dma_start3A_86 = tpu.memref_slice %arg8[%add3A_76, %dma_start3A_85] : memref<40x128xi32, #tpu.memory_space<vmem>> -> memref<1x128xi32, #tpu.memory_space<vmem>>
          %dma_start3A_87 = tpu.memref_squeeze %dma_start3A_86 : memref<1x128xi32, #tpu.memory_space<vmem>> -> memref<128xi32, #tpu.memory_space<vmem>>
          %dma_start3A_88 = arith.constant 0 : i32
          %dma_start3A_89 = arith.constant 0 : i32
          %dma_start3A_90 = tpu.memref_slice %arg13[%dma_start3A_88, %dma_start3A_89] : memref<10000x32xf32, #tpu.memory_space<vmem_shared>> -> memref<10000x32xf32, #tpu.memory_space<vmem_shared>>
          tpu.enqueue_indirect_dma source(%arg11 : memref<128x32xf32, #tpu.memory_space<vmem>>) target(%dma_start3A_90 : memref<10000x32xf32, #tpu.memory_space<vmem_shared>>) offsets(%dma_start3A_87 : memref<128xi32, #tpu.memory_space<vmem>>) semaphore(%run_scoped3A : memref<!tpu.dma_semaphore, #tpu.memory_space<semaphore_mem>>) {add = true}
          %dma_wait3A_91 = arith.constant 0 : i32
          %dma_wait3A_92 = tpu.memref_slice %arg8[%add3A_76, %dma_wait3A_91] : memref<40x128xi32, #tpu.memory_space<vmem>> -> memref<1x128xi32, #tpu.memory_space<vmem>>
          %dma_wait3A_93 = tpu.memref_squeeze %dma_wait3A_92 : memref<1x128xi32, #tpu.memory_space<vmem>> -> memref<128xi32, #tpu.memory_space<vmem>>
          %dma_wait3A_94 = arith.constant 0 : i32
          %dma_wait3A_95 = arith.constant 0 : i32
          %dma_wait3A_96 = tpu.memref_slice %arg13[%dma_wait3A_94, %dma_wait3A_95] : memref<10000x32xf32, #tpu.memory_space<vmem_shared>> -> memref<10000x32xf32, #tpu.memory_space<vmem_shared>>
          tpu.wait_indirect_dma semaphore(%run_scoped3A : memref<!tpu.dma_semaphore, #tpu.memory_space<semaphore_mem>>) src(%arg11 : memref<128x32xf32, #tpu.memory_space<vmem>>) dst(%dma_wait3A_96 : memref<10000x32xf32, #tpu.memory_space<vmem_shared>>)
          tpu.yield
        }) : () -> ()
      } else {
      }
    }
    %scan3A_20 = arith.constant 20 : i32
    %barrier3A_21 = arith.constant 0 : index
    tpu.barrier barrier_id(%barrier3A_21)
    %mul3A_22 = arith.constant 625 : i32
    %mul3A_23 = arith.muli %arg1, %mul3A_22 : i32
    %mul3A_24 = arith.constant 10000 : i32
    %mul3A_25 = arith.muli %arg0, %mul3A_24 : i32
    %mul3A_26 = arith.constant 625 : i32
    %mul3A_27 = arith.muli %arg1, %mul3A_26 : i32
    %add3A_28 = arith.addi %mul3A_25, %mul3A_27 : i32
    "tpu.region"() ({
      %run_scoped3A = tpu.sem_alloc : memref<!tpu.dma_semaphore, #tpu.memory_space<semaphore_mem>>
      %dma_start3A_36 = arith.constant 0 : i32
      %dma_start3A_37 = tpu.memref_slice %arg6[%add3A_28, %dma_start3A_36] : memref<20000x32xf32, #tpu.memory_space<hbm>> -> memref<625x32xf32, #tpu.memory_space<hbm>>
      %dma_start3A_38 = arith.constant 0 : i32
      %dma_start3A_39 = tpu.memref_slice %arg12[%mul3A_23, %dma_start3A_38] : memref<10000x32xf32, #tpu.memory_space<vmem_shared>> -> memref<625x32xf32, #tpu.memory_space<vmem_shared>>
      tpu.enqueue_dma source(%dma_start3A_39 : memref<625x32xf32, #tpu.memory_space<vmem_shared>>) target(%dma_start3A_37 : memref<625x32xf32, #tpu.memory_space<hbm>>) target_semaphore(%run_scoped3A : memref<!tpu.dma_semaphore, #tpu.memory_space<semaphore_mem>>)
      %dma_wait3A = arith.constant 0 : i32
      %dma_wait3A_40 = tpu.memref_slice %arg6[%add3A_28, %dma_wait3A] : memref<20000x32xf32, #tpu.memory_space<hbm>> -> memref<625x32xf32, #tpu.memory_space<hbm>>
      %dma_wait3A_41 = arith.constant 0 : i32
      %dma_wait3A_42 = tpu.memref_slice %arg12[%mul3A_23, %dma_wait3A_41] : memref<10000x32xf32, #tpu.memory_space<vmem_shared>> -> memref<625x32xf32, #tpu.memory_space<vmem_shared>>
      tpu.wait_dma2 semaphore(%run_scoped3A : memref<!tpu.dma_semaphore, #tpu.memory_space<semaphore_mem>>) src(%dma_wait3A_42 : memref<625x32xf32, #tpu.memory_space<vmem_shared>>) dst(%dma_wait3A_40 : memref<625x32xf32, #tpu.memory_space<hbm>>)
      tpu.yield
    }) : () -> ()
    %mul3A_29 = arith.constant 625 : i32
    %mul3A_30 = arith.muli %arg1, %mul3A_29 : i32
    %mul3A_31 = arith.constant 10000 : i32
    %mul3A_32 = arith.muli %arg0, %mul3A_31 : i32
    %mul3A_33 = arith.constant 625 : i32
    %mul3A_34 = arith.muli %arg1, %mul3A_33 : i32
    %add3A_35 = arith.addi %mul3A_32, %mul3A_34 : i32
    "tpu.region"() ({
      %run_scoped3A = tpu.sem_alloc : memref<!tpu.dma_semaphore, #tpu.memory_space<semaphore_mem>>
      %dma_start3A_36 = arith.constant 0 : i32
      %dma_start3A_37 = tpu.memref_slice %arg7[%add3A_35, %dma_start3A_36] : memref<20000x32xf32, #tpu.memory_space<hbm>> -> memref<625x32xf32, #tpu.memory_space<hbm>>
      %dma_start3A_38 = arith.constant 0 : i32
      %dma_start3A_39 = tpu.memref_slice %arg13[%mul3A_30, %dma_start3A_38] : memref<10000x32xf32, #tpu.memory_space<vmem_shared>> -> memref<625x32xf32, #tpu.memory_space<vmem_shared>>
      tpu.enqueue_dma source(%dma_start3A_39 : memref<625x32xf32, #tpu.memory_space<vmem_shared>>) target(%dma_start3A_37 : memref<625x32xf32, #tpu.memory_space<hbm>>) target_semaphore(%run_scoped3A : memref<!tpu.dma_semaphore, #tpu.memory_space<semaphore_mem>>)
      %dma_wait3A = arith.constant 0 : i32
      %dma_wait3A_40 = tpu.memref_slice %arg7[%add3A_35, %dma_wait3A] : memref<20000x32xf32, #tpu.memory_space<hbm>> -> memref<625x32xf32, #tpu.memory_space<hbm>>
      %dma_wait3A_41 = arith.constant 0 : i32
      %dma_wait3A_42 = tpu.memref_slice %arg13[%mul3A_30, %dma_wait3A_41] : memref<10000x32xf32, #tpu.memory_space<vmem_shared>> -> memref<625x32xf32, #tpu.memory_space<vmem_shared>>
      tpu.wait_dma2 semaphore(%run_scoped3A : memref<!tpu.dma_semaphore, #tpu.memory_space<semaphore_mem>>) src(%dma_wait3A_42 : memref<625x32xf32, #tpu.memory_space<vmem_shared>>) dst(%dma_wait3A_40 : memref<625x32xf32, #tpu.memory_space<hbm>>)
      tpu.yield
    }) : () -> ()
    return
  }
}

#map = affine_map<(d0, d1) -> (0, 0)>
module attributes {stable_mosaic.version = 14 : i64} {
  func.func @_gather_body(%arg0: i32, %arg1: i32, %arg2: memref<10000x32xbf16, #tpu.memory_space<hbm>>, %arg3: memref<1280x128xi32, #tpu.memory_space<hbm>>, %arg4: memref<163840x32xbf16, #tpu.memory_space<hbm>>, %arg5: memref<40x128xi32, #tpu.memory_space<vmem>>, %arg6: memref<128x32xbf16, #tpu.memory_space<vmem>>, %arg7: memref<128x32xbf16, #tpu.memory_space<vmem>>, %arg8: memref<!tpu.dma_semaphore, #tpu.memory_space<semaphore_mem>>, %arg9: memref<!tpu.dma_semaphore, #tpu.memory_space<semaphore_mem>>) attributes {dimension_semantics = [#tpu.dimension_semantics<core_parallel>, #tpu.dimension_semantics<subcore_parallel>], iteration_bounds = array<i64: 2, 16>, scalar_prefetch = 0 : i64, scratch_operands = 5 : i64, tpu.core_type = #tpu.core_type<sc_vector_subcore>, window_params = [{transform_indices = #map}, {transform_indices = #map}, {transform_indices = #map}]} {
    %mul3A = arith.constant 2 : i32
    %mul3A_0 = arith.muli %arg1, %mul3A : i32
    %add3A = arith.addi %mul3A_0, %arg0 : i32
    %mul3A_1 = arith.constant 5120 : i32
    %mul3A_2 = arith.muli %add3A, %mul3A_1 : i32
    %mul3A_3 = arith.constant 40 : i32
    %mul3A_4 = arith.muli %add3A, %mul3A_3 : i32
    "tpu.region"() ({
      %run_scoped3A = tpu.sem_alloc : memref<!tpu.dma_semaphore, #tpu.memory_space<semaphore_mem>>
      %dma_start3A_16 = arith.constant 0 : i32
      %dma_start3A_17 = tpu.memref_slice %arg3[%mul3A_4, %dma_start3A_16] : memref<1280x128xi32, #tpu.memory_space<hbm>> -> memref<40x128xi32, #tpu.memory_space<hbm>>
      %dma_start3A_18 = arith.constant 0 : i32
      %dma_start3A_19 = tpu.memref_slice %arg3[%mul3A_4, %dma_start3A_18] : memref<1280x128xi32, #tpu.memory_space<hbm>> -> memref<40x128xi32, #tpu.memory_space<hbm>>
      tpu.enqueue_dma source(%dma_start3A_19 : memref<40x128xi32, #tpu.memory_space<hbm>>) target(%arg5 : memref<40x128xi32, #tpu.memory_space<vmem>>) target_semaphore(%run_scoped3A : memref<!tpu.dma_semaphore, #tpu.memory_space<semaphore_mem>>)
      %dma_wait3A = arith.constant 0 : i32
      %dma_wait3A_20 = tpu.memref_slice %arg3[%mul3A_4, %dma_wait3A] : memref<1280x128xi32, #tpu.memory_space<hbm>> -> memref<40x128xi32, #tpu.memory_space<hbm>>
      %dma_wait3A_21 = arith.constant 0 : i32
      %dma_wait3A_22 = tpu.memref_slice %arg3[%mul3A_4, %dma_wait3A_21] : memref<1280x128xi32, #tpu.memory_space<hbm>> -> memref<40x128xi32, #tpu.memory_space<hbm>>
      tpu.wait_dma2 semaphore(%run_scoped3A : memref<!tpu.dma_semaphore, #tpu.memory_space<semaphore_mem>>) src(%dma_wait3A_22 : memref<40x128xi32, #tpu.memory_space<hbm>>) dst(%arg5 : memref<40x128xi32, #tpu.memory_space<vmem>>)
      tpu.yield
    }) : () -> ()
    %dma_start3A = arith.constant 0 : i32
    %dma_start3A_5 = arith.constant 0 : i32
    %dma_start3A_6 = tpu.memref_slice %arg5[%dma_start3A, %dma_start3A_5] : memref<40x128xi32, #tpu.memory_space<vmem>> -> memref<1x128xi32, #tpu.memory_space<vmem>>
    %dma_start3A_7 = tpu.memref_squeeze %dma_start3A_6 : memref<1x128xi32, #tpu.memory_space<vmem>> -> memref<128xi32, #tpu.memory_space<vmem>>
    %dma_start3A_8 = arith.constant 0 : i32
    %dma_start3A_9 = arith.constant 0 : i32
    %dma_start3A_10 = tpu.memref_slice %arg2[%dma_start3A_8, %dma_start3A_9] : memref<10000x32xbf16, #tpu.memory_space<hbm>> -> memref<10000x32xbf16, #tpu.memory_space<hbm>>
    tpu.enqueue_indirect_dma source(%dma_start3A_10 : memref<10000x32xbf16, #tpu.memory_space<hbm>>) target(%arg6 : memref<128x32xbf16, #tpu.memory_space<vmem>>) offsets(%dma_start3A_7 : memref<128xi32, #tpu.memory_space<vmem>>) semaphore(%arg8 : memref<!tpu.dma_semaphore, #tpu.memory_space<semaphore_mem>>)
    %scan3A = arith.constant 0 : i32
    %scan3A_11 = arith.constant 0 : i32
    %scan3A_12 = arith.constant 20 : i32
    %scan3A_13 = arith.addi %scan3A_11, %scan3A_12 : i32
    %scan3A_14 = arith.constant 1 : i32
    scf.for %scan3A_16 = %scan3A_11 to %scan3A_13 step %scan3A_14  : i32 {
      %mul3A_17 = arith.constant 2 : i32
      %mul3A_18 = arith.muli %mul3A_17, %scan3A_16 : i32
      %add3A_19 = arith.constant 1 : i32
      %add3A_20 = arith.addi %mul3A_18, %add3A_19 : i32
      %dma_start3A_21 = arith.constant 0 : i32
      %dma_start3A_22 = tpu.memref_slice %arg5[%add3A_20, %dma_start3A_21] : memref<40x128xi32, #tpu.memory_space<vmem>> -> memref<1x128xi32, #tpu.memory_space<vmem>>
      %dma_start3A_23 = tpu.memref_squeeze %dma_start3A_22 : memref<1x128xi32, #tpu.memory_space<vmem>> -> memref<128xi32, #tpu.memory_space<vmem>>
      %dma_start3A_24 = arith.constant 0 : i32
      %dma_start3A_25 = arith.constant 0 : i32
      %dma_start3A_26 = tpu.memref_slice %arg2[%dma_start3A_24, %dma_start3A_25] : memref<10000x32xbf16, #tpu.memory_space<hbm>> -> memref<10000x32xbf16, #tpu.memory_space<hbm>>
      tpu.enqueue_indirect_dma source(%dma_start3A_26 : memref<10000x32xbf16, #tpu.memory_space<hbm>>) target(%arg7 : memref<128x32xbf16, #tpu.memory_space<vmem>>) offsets(%dma_start3A_23 : memref<128xi32, #tpu.memory_space<vmem>>) semaphore(%arg9 : memref<!tpu.dma_semaphore, #tpu.memory_space<semaphore_mem>>)
      %dma_wait3A = arith.constant 0 : i32
      %dma_wait3A_27 = tpu.memref_slice %arg5[%mul3A_18, %dma_wait3A] : memref<40x128xi32, #tpu.memory_space<vmem>> -> memref<1x128xi32, #tpu.memory_space<vmem>>
      %dma_wait3A_28 = tpu.memref_squeeze %dma_wait3A_27 : memref<1x128xi32, #tpu.memory_space<vmem>> -> memref<128xi32, #tpu.memory_space<vmem>>
      %dma_wait3A_29 = arith.constant 0 : i32
      %dma_wait3A_30 = arith.constant 0 : i32
      %dma_wait3A_31 = tpu.memref_slice %arg2[%dma_wait3A_29, %dma_wait3A_30] : memref<10000x32xbf16, #tpu.memory_space<hbm>> -> memref<10000x32xbf16, #tpu.memory_space<hbm>>
      tpu.wait_indirect_dma semaphore(%arg8 : memref<!tpu.dma_semaphore, #tpu.memory_space<semaphore_mem>>) src(%dma_wait3A_31 : memref<10000x32xbf16, #tpu.memory_space<hbm>>) dst(%arg6 : memref<128x32xbf16, #tpu.memory_space<vmem>>)
      %mul3A_32 = arith.constant 128 : i32
      %mul3A_33 = arith.muli %mul3A_18, %mul3A_32 : i32
      %add3A_34 = arith.addi %mul3A_2, %mul3A_33 : i32
      "tpu.region"() ({
        %run_scoped3A = tpu.sem_alloc : memref<!tpu.dma_semaphore, #tpu.memory_space<semaphore_mem>>
        %dma_start3A_52 = arith.constant 0 : i32
        %dma_start3A_53 = tpu.memref_slice %arg4[%add3A_34, %dma_start3A_52] : memref<163840x32xbf16, #tpu.memory_space<hbm>> -> memref<128x32xbf16, #tpu.memory_space<hbm>>
        %dma_start3A_54 = arith.constant 0 : i32
        %dma_start3A_55 = tpu.memref_slice %arg4[%add3A_34, %dma_start3A_54] : memref<163840x32xbf16, #tpu.memory_space<hbm>> -> memref<128x32xbf16, #tpu.memory_space<hbm>>
        tpu.enqueue_dma source(%arg6 : memref<128x32xbf16, #tpu.memory_space<vmem>>) target(%dma_start3A_55 : memref<128x32xbf16, #tpu.memory_space<hbm>>) target_semaphore(%run_scoped3A : memref<!tpu.dma_semaphore, #tpu.memory_space<semaphore_mem>>)
        %dma_wait3A_56 = arith.constant 0 : i32
        %dma_wait3A_57 = tpu.memref_slice %arg4[%add3A_34, %dma_wait3A_56] : memref<163840x32xbf16, #tpu.memory_space<hbm>> -> memref<128x32xbf16, #tpu.memory_space<hbm>>
        %dma_wait3A_58 = arith.constant 0 : i32
        %dma_wait3A_59 = tpu.memref_slice %arg4[%add3A_34, %dma_wait3A_58] : memref<163840x32xbf16, #tpu.memory_space<hbm>> -> memref<128x32xbf16, #tpu.memory_space<hbm>>
        tpu.wait_dma2 semaphore(%run_scoped3A : memref<!tpu.dma_semaphore, #tpu.memory_space<semaphore_mem>>) src(%arg6 : memref<128x32xbf16, #tpu.memory_space<vmem>>) dst(%dma_wait3A_59 : memref<128x32xbf16, #tpu.memory_space<hbm>>)
        tpu.yield
      }) : () -> ()
      %add3A_35 = arith.constant 2 : i32
      %add3A_36 = arith.addi %mul3A_18, %add3A_35 : i32
      %lt3A = arith.constant 40 : i32
      %lt3A_37 = arith.cmpi slt, %add3A_36, %lt3A : i32
      %convert_element_type3A = arith.extui %lt3A_37 : i1 to i32
      %cond3A = arith.constant 0 : i32
      %cond3A_38 = arith.cmpi ne, %convert_element_type3A, %cond3A : i32
      scf.if %cond3A_38 {
        %add3A_52 = arith.constant 2 : i32
        %add3A_53 = arith.addi %mul3A_18, %add3A_52 : i32
        %dma_start3A_54 = arith.constant 0 : i32
        %dma_start3A_55 = tpu.memref_slice %arg5[%add3A_53, %dma_start3A_54] : memref<40x128xi32, #tpu.memory_space<vmem>> -> memref<1x128xi32, #tpu.memory_space<vmem>>
        %dma_start3A_56 = tpu.memref_squeeze %dma_start3A_55 : memref<1x128xi32, #tpu.memory_space<vmem>> -> memref<128xi32, #tpu.memory_space<vmem>>
        %dma_start3A_57 = arith.constant 0 : i32
        %dma_start3A_58 = arith.constant 0 : i32
        %dma_start3A_59 = tpu.memref_slice %arg2[%dma_start3A_57, %dma_start3A_58] : memref<10000x32xbf16, #tpu.memory_space<hbm>> -> memref<10000x32xbf16, #tpu.memory_space<hbm>>
        tpu.enqueue_indirect_dma source(%dma_start3A_59 : memref<10000x32xbf16, #tpu.memory_space<hbm>>) target(%arg6 : memref<128x32xbf16, #tpu.memory_space<vmem>>) offsets(%dma_start3A_56 : memref<128xi32, #tpu.memory_space<vmem>>) semaphore(%arg8 : memref<!tpu.dma_semaphore, #tpu.memory_space<semaphore_mem>>)
      } else {
      }
      %add3A_39 = arith.constant 1 : i32
      %add3A_40 = arith.addi %mul3A_18, %add3A_39 : i32
      %dma_wait3A_41 = arith.constant 0 : i32
      %dma_wait3A_42 = tpu.memref_slice %arg5[%add3A_40, %dma_wait3A_41] : memref<40x128xi32, #tpu.memory_space<vmem>> -> memref<1x128xi32, #tpu.memory_space<vmem>>
      %dma_wait3A_43 = tpu.memref_squeeze %dma_wait3A_42 : memref<1x128xi32, #tpu.memory_space<vmem>> -> memref<128xi32, #tpu.memory_space<vmem>>
      %dma_wait3A_44 = arith.constant 0 : i32
      %dma_wait3A_45 = arith.constant 0 : i32
      %dma_wait3A_46 = tpu.memref_slice %arg2[%dma_wait3A_44, %dma_wait3A_45] : memref<10000x32xbf16, #tpu.memory_space<hbm>> -> memref<10000x32xbf16, #tpu.memory_space<hbm>>
      tpu.wait_indirect_dma semaphore(%arg9 : memref<!tpu.dma_semaphore, #tpu.memory_space<semaphore_mem>>) src(%dma_wait3A_46 : memref<10000x32xbf16, #tpu.memory_space<hbm>>) dst(%arg7 : memref<128x32xbf16, #tpu.memory_space<vmem>>)
      %add3A_47 = arith.constant 1 : i32
      %add3A_48 = arith.addi %mul3A_18, %add3A_47 : i32
      %mul3A_49 = arith.constant 128 : i32
      %mul3A_50 = arith.muli %add3A_48, %mul3A_49 : i32
      %add3A_51 = arith.addi %mul3A_2, %mul3A_50 : i32
      "tpu.region"() ({
        %run_scoped3A = tpu.sem_alloc : memref<!tpu.dma_semaphore, #tpu.memory_space<semaphore_mem>>
        %dma_start3A_52 = arith.constant 0 : i32
        %dma_start3A_53 = tpu.memref_slice %arg4[%add3A_51, %dma_start3A_52] : memref<163840x32xbf16, #tpu.memory_space<hbm>> -> memref<128x32xbf16, #tpu.memory_space<hbm>>
        %dma_start3A_54 = arith.constant 0 : i32
        %dma_start3A_55 = tpu.memref_slice %arg4[%add3A_51, %dma_start3A_54] : memref<163840x32xbf16, #tpu.memory_space<hbm>> -> memref<128x32xbf16, #tpu.memory_space<hbm>>
        tpu.enqueue_dma source(%arg7 : memref<128x32xbf16, #tpu.memory_space<vmem>>) target(%dma_start3A_55 : memref<128x32xbf16, #tpu.memory_space<hbm>>) target_semaphore(%run_scoped3A : memref<!tpu.dma_semaphore, #tpu.memory_space<semaphore_mem>>)
        %dma_wait3A_56 = arith.constant 0 : i32
        %dma_wait3A_57 = tpu.memref_slice %arg4[%add3A_51, %dma_wait3A_56] : memref<163840x32xbf16, #tpu.memory_space<hbm>> -> memref<128x32xbf16, #tpu.memory_space<hbm>>
        %dma_wait3A_58 = arith.constant 0 : i32
        %dma_wait3A_59 = tpu.memref_slice %arg4[%add3A_51, %dma_wait3A_58] : memref<163840x32xbf16, #tpu.memory_space<hbm>> -> memref<128x32xbf16, #tpu.memory_space<hbm>>
        tpu.wait_dma2 semaphore(%run_scoped3A : memref<!tpu.dma_semaphore, #tpu.memory_space<semaphore_mem>>) src(%arg7 : memref<128x32xbf16, #tpu.memory_space<vmem>>) dst(%dma_wait3A_59 : memref<128x32xbf16, #tpu.memory_space<hbm>>)
        tpu.yield
      }) : () -> ()
    }
    %scan3A_15 = arith.constant 20 : i32
    return
  }
}

#map = affine_map<(d0, d1) -> (0, 0)>
module attributes {stable_mosaic.version = 14 : i64} {
  func.func @_scatter_body(%arg0: i32, %arg1: i32, %arg2: memref<163840x32xf32, #tpu.memory_space<hbm>>, %arg3: memref<1280x128xi32, #tpu.memory_space<hbm>>, %arg4: memref<10000x32xf32, #tpu.memory_space<hbm>>, %arg5: memref<128x32xf32, #tpu.memory_space<hbm>>, %arg6: memref<20000x32xf32, #tpu.memory_space<hbm>>, %arg7: memref<40x128xi32, #tpu.memory_space<vmem>>, %arg8: memref<128x32xf32, #tpu.memory_space<vmem>>, %arg9: memref<128x32xf32, #tpu.memory_space<vmem>>, %arg10: memref<10000x32xf32, #tpu.memory_space<vmem_shared>>, %arg11: memref<!tpu.dma_semaphore, #tpu.memory_space<semaphore_mem>>, %arg12: memref<!tpu.dma_semaphore, #tpu.memory_space<semaphore_mem>>) attributes {dimension_semantics = [#tpu.dimension_semantics<core_parallel>, #tpu.dimension_semantics<subcore_parallel>], iteration_bounds = array<i64: 2, 16>, scalar_prefetch = 0 : i64, scratch_operands = 6 : i64, tpu.core_type = #tpu.core_type<sc_vector_subcore>, window_params = [{transform_indices = #map}, {transform_indices = #map}, {transform_indices = #map}, {transform_indices = #map}, {transform_indices = #map}]} {
    %mul3A = arith.constant 2 : i32
    %mul3A_0 = arith.muli %arg1, %mul3A : i32
    %add3A = arith.addi %mul3A_0, %arg0 : i32
    %mul3A_1 = arith.constant 5120 : i32
    %mul3A_2 = arith.muli %add3A, %mul3A_1 : i32
    %mul3A_3 = arith.constant 625 : i32
    %mul3A_4 = arith.muli %arg1, %mul3A_3 : i32
    %mul3A_5 = arith.constant 625 : i32
    %mul3A_6 = arith.muli %arg1, %mul3A_5 : i32
    "tpu.region"() ({
      %run_scoped3A = tpu.sem_alloc : memref<!tpu.dma_semaphore, #tpu.memory_space<semaphore_mem>>
      %dma_start3A_25 = arith.constant 0 : i32
      %dma_start3A_26 = tpu.memref_slice %arg10[%mul3A_6, %dma_start3A_25] : memref<10000x32xf32, #tpu.memory_space<vmem_shared>> -> memref<625x32xf32, #tpu.memory_space<vmem_shared>>
      %dma_start3A_27 = arith.constant 0 : i32
      %dma_start3A_28 = tpu.memref_slice %arg4[%mul3A_4, %dma_start3A_27] : memref<10000x32xf32, #tpu.memory_space<hbm>> -> memref<625x32xf32, #tpu.memory_space<hbm>>
      tpu.enqueue_dma source(%dma_start3A_28 : memref<625x32xf32, #tpu.memory_space<hbm>>) target(%dma_start3A_26 : memref<625x32xf32, #tpu.memory_space<vmem_shared>>) target_semaphore(%run_scoped3A : memref<!tpu.dma_semaphore, #tpu.memory_space<semaphore_mem>>)
      %dma_wait3A = arith.constant 0 : i32
      %dma_wait3A_29 = tpu.memref_slice %arg10[%mul3A_6, %dma_wait3A] : memref<10000x32xf32, #tpu.memory_space<vmem_shared>> -> memref<625x32xf32, #tpu.memory_space<vmem_shared>>
      %dma_wait3A_30 = arith.constant 0 : i32
      %dma_wait3A_31 = tpu.memref_slice %arg4[%mul3A_4, %dma_wait3A_30] : memref<10000x32xf32, #tpu.memory_space<hbm>> -> memref<625x32xf32, #tpu.memory_space<hbm>>
      tpu.wait_dma2 semaphore(%run_scoped3A : memref<!tpu.dma_semaphore, #tpu.memory_space<semaphore_mem>>) src(%dma_wait3A_31 : memref<625x32xf32, #tpu.memory_space<hbm>>) dst(%dma_wait3A_29 : memref<625x32xf32, #tpu.memory_space<vmem_shared>>)
      tpu.yield
    }) : () -> ()
    %barrier3A = arith.constant 0 : index
    tpu.barrier barrier_id(%barrier3A)
    %mul3A_7 = arith.constant 40 : i32
    %mul3A_8 = arith.muli %add3A, %mul3A_7 : i32
    "tpu.region"() ({
      %run_scoped3A = tpu.sem_alloc : memref<!tpu.dma_semaphore, #tpu.memory_space<semaphore_mem>>
      %dma_start3A_25 = arith.constant 0 : i32
      %dma_start3A_26 = tpu.memref_slice %arg3[%mul3A_8, %dma_start3A_25] : memref<1280x128xi32, #tpu.memory_space<hbm>> -> memref<40x128xi32, #tpu.memory_space<hbm>>
      %dma_start3A_27 = arith.constant 0 : i32
      %dma_start3A_28 = tpu.memref_slice %arg3[%mul3A_8, %dma_start3A_27] : memref<1280x128xi32, #tpu.memory_space<hbm>> -> memref<40x128xi32, #tpu.memory_space<hbm>>
      tpu.enqueue_dma source(%dma_start3A_28 : memref<40x128xi32, #tpu.memory_space<hbm>>) target(%arg7 : memref<40x128xi32, #tpu.memory_space<vmem>>) target_semaphore(%run_scoped3A : memref<!tpu.dma_semaphore, #tpu.memory_space<semaphore_mem>>)
      %dma_wait3A = arith.constant 0 : i32
      %dma_wait3A_29 = tpu.memref_slice %arg3[%mul3A_8, %dma_wait3A] : memref<1280x128xi32, #tpu.memory_space<hbm>> -> memref<40x128xi32, #tpu.memory_space<hbm>>
      %dma_wait3A_30 = arith.constant 0 : i32
      %dma_wait3A_31 = tpu.memref_slice %arg3[%mul3A_8, %dma_wait3A_30] : memref<1280x128xi32, #tpu.memory_space<hbm>> -> memref<40x128xi32, #tpu.memory_space<hbm>>
      tpu.wait_dma2 semaphore(%run_scoped3A : memref<!tpu.dma_semaphore, #tpu.memory_space<semaphore_mem>>) src(%dma_wait3A_31 : memref<40x128xi32, #tpu.memory_space<hbm>>) dst(%arg7 : memref<40x128xi32, #tpu.memory_space<vmem>>)
      tpu.yield
    }) : () -> ()
    %dma_start3A = arith.constant 0 : i32
    %dma_start3A_9 = tpu.memref_slice %arg2[%mul3A_2, %dma_start3A] : memref<163840x32xf32, #tpu.memory_space<hbm>> -> memref<128x32xf32, #tpu.memory_space<hbm>>
    %dma_start3A_10 = arith.constant 0 : i32
    %dma_start3A_11 = tpu.memref_slice %arg2[%mul3A_2, %dma_start3A_10] : memref<163840x32xf32, #tpu.memory_space<hbm>> -> memref<128x32xf32, #tpu.memory_space<hbm>>
    tpu.enqueue_dma source(%dma_start3A_11 : memref<128x32xf32, #tpu.memory_space<hbm>>) target(%arg8 : memref<128x32xf32, #tpu.memory_space<vmem>>) target_semaphore(%arg11 : memref<!tpu.dma_semaphore, #tpu.memory_space<semaphore_mem>>)
    %scan3A = arith.constant 0 : i32
    %scan3A_12 = arith.constant 0 : i32
    %scan3A_13 = arith.constant 20 : i32
    %scan3A_14 = arith.addi %scan3A_12, %scan3A_13 : i32
    %scan3A_15 = arith.constant 1 : i32
    scf.for %scan3A_25 = %scan3A_12 to %scan3A_14 step %scan3A_15  : i32 {
      %mul3A_26 = arith.constant 2 : i32
      %mul3A_27 = arith.muli %mul3A_26, %scan3A_25 : i32
      %add3A_28 = arith.constant 1 : i32
      %add3A_29 = arith.addi %mul3A_27, %add3A_28 : i32
      %mul3A_30 = arith.constant 128 : i32
      %mul3A_31 = arith.muli %add3A_29, %mul3A_30 : i32
      %add3A_32 = arith.addi %mul3A_2, %mul3A_31 : i32
      %dma_start3A_33 = arith.constant 0 : i32
      %dma_start3A_34 = tpu.memref_slice %arg2[%add3A_32, %dma_start3A_33] : memref<163840x32xf32, #tpu.memory_space<hbm>> -> memref<128x32xf32, #tpu.memory_space<hbm>>
      %dma_start3A_35 = arith.constant 0 : i32
      %dma_start3A_36 = tpu.memref_slice %arg2[%add3A_32, %dma_start3A_35] : memref<163840x32xf32, #tpu.memory_space<hbm>> -> memref<128x32xf32, #tpu.memory_space<hbm>>
      tpu.enqueue_dma source(%dma_start3A_36 : memref<128x32xf32, #tpu.memory_space<hbm>>) target(%arg9 : memref<128x32xf32, #tpu.memory_space<vmem>>) target_semaphore(%arg12 : memref<!tpu.dma_semaphore, #tpu.memory_space<semaphore_mem>>)
      %mul3A_37 = arith.constant 128 : i32
      %mul3A_38 = arith.muli %mul3A_27, %mul3A_37 : i32
      %add3A_39 = arith.addi %mul3A_2, %mul3A_38 : i32
      %dma_wait3A = arith.constant 0 : i32
      %dma_wait3A_40 = tpu.memref_slice %arg2[%add3A_39, %dma_wait3A] : memref<163840x32xf32, #tpu.memory_space<hbm>> -> memref<128x32xf32, #tpu.memory_space<hbm>>
      %dma_wait3A_41 = arith.constant 0 : i32
      %dma_wait3A_42 = tpu.memref_slice %arg2[%add3A_39, %dma_wait3A_41] : memref<163840x32xf32, #tpu.memory_space<hbm>> -> memref<128x32xf32, #tpu.memory_space<hbm>>
      tpu.wait_dma2 semaphore(%arg11 : memref<!tpu.dma_semaphore, #tpu.memory_space<semaphore_mem>>) src(%dma_wait3A_42 : memref<128x32xf32, #tpu.memory_space<hbm>>) dst(%arg8 : memref<128x32xf32, #tpu.memory_space<vmem>>)
      "tpu.region"() ({
        %run_scoped3A = tpu.sem_alloc : memref<!tpu.dma_semaphore, #tpu.memory_space<semaphore_mem>>
        %dma_start3A_58 = arith.constant 0 : i32
        %dma_start3A_59 = tpu.memref_slice %arg7[%mul3A_27, %dma_start3A_58] : memref<40x128xi32, #tpu.memory_space<vmem>> -> memref<1x128xi32, #tpu.memory_space<vmem>>
        %dma_start3A_60 = tpu.memref_squeeze %dma_start3A_59 : memref<1x128xi32, #tpu.memory_space<vmem>> -> memref<128xi32, #tpu.memory_space<vmem>>
        %dma_start3A_61 = arith.constant 0 : i32
        %dma_start3A_62 = arith.constant 0 : i32
        %dma_start3A_63 = tpu.memref_slice %arg10[%dma_start3A_61, %dma_start3A_62] : memref<10000x32xf32, #tpu.memory_space<vmem_shared>> -> memref<10000x32xf32, #tpu.memory_space<vmem_shared>>
        tpu.enqueue_indirect_dma source(%arg8 : memref<128x32xf32, #tpu.memory_space<vmem>>) target(%dma_start3A_63 : memref<10000x32xf32, #tpu.memory_space<vmem_shared>>) offsets(%dma_start3A_60 : memref<128xi32, #tpu.memory_space<vmem>>) semaphore(%run_scoped3A : memref<!tpu.dma_semaphore, #tpu.memory_space<semaphore_mem>>) {add = true}
        %dma_wait3A_64 = arith.constant 0 : i32
        %dma_wait3A_65 = tpu.memref_slice %arg7[%mul3A_27, %dma_wait3A_64] : memref<40x128xi32, #tpu.memory_space<vmem>> -> memref<1x128xi32, #tpu.memory_space<vmem>>
        %dma_wait3A_66 = tpu.memref_squeeze %dma_wait3A_65 : memref<1x128xi32, #tpu.memory_space<vmem>> -> memref<128xi32, #tpu.memory_space<vmem>>
        %dma_wait3A_67 = arith.constant 0 : i32
        %dma_wait3A_68 = arith.constant 0 : i32
        %dma_wait3A_69 = tpu.memref_slice %arg10[%dma_wait3A_67, %dma_wait3A_68] : memref<10000x32xf32, #tpu.memory_space<vmem_shared>> -> memref<10000x32xf32, #tpu.memory_space<vmem_shared>>
        tpu.wait_indirect_dma semaphore(%run_scoped3A : memref<!tpu.dma_semaphore, #tpu.memory_space<semaphore_mem>>) src(%arg8 : memref<128x32xf32, #tpu.memory_space<vmem>>) dst(%dma_wait3A_69 : memref<10000x32xf32, #tpu.memory_space<vmem_shared>>)
        tpu.yield
      }) : () -> ()
      %add3A_43 = arith.constant 2 : i32
      %add3A_44 = arith.addi %mul3A_27, %add3A_43 : i32
      %lt3A = arith.constant 40 : i32
      %lt3A_45 = arith.cmpi slt, %add3A_44, %lt3A : i32
      %convert_element_type3A = arith.extui %lt3A_45 : i1 to i32
      %cond3A = arith.constant 0 : i32
      %cond3A_46 = arith.cmpi ne, %convert_element_type3A, %cond3A : i32
      scf.if %cond3A_46 {
        %add3A_58 = arith.constant 2 : i32
        %add3A_59 = arith.addi %mul3A_27, %add3A_58 : i32
        %mul3A_60 = arith.constant 128 : i32
        %mul3A_61 = arith.muli %add3A_59, %mul3A_60 : i32
        %add3A_62 = arith.addi %mul3A_2, %mul3A_61 : i32
        %dma_start3A_63 = arith.constant 0 : i32
        %dma_start3A_64 = tpu.memref_slice %arg2[%add3A_62, %dma_start3A_63] : memref<163840x32xf32, #tpu.memory_space<hbm>> -> memref<128x32xf32, #tpu.memory_space<hbm>>
        %dma_start3A_65 = arith.constant 0 : i32
        %dma_start3A_66 = tpu.memref_slice %arg2[%add3A_62, %dma_start3A_65] : memref<163840x32xf32, #tpu.memory_space<hbm>> -> memref<128x32xf32, #tpu.memory_space<hbm>>
        tpu.enqueue_dma source(%dma_start3A_66 : memref<128x32xf32, #tpu.memory_space<hbm>>) target(%arg8 : memref<128x32xf32, #tpu.memory_space<vmem>>) target_semaphore(%arg11 : memref<!tpu.dma_semaphore, #tpu.memory_space<semaphore_mem>>)
      } else {
      }
      %add3A_47 = arith.constant 1 : i32
      %add3A_48 = arith.addi %mul3A_27, %add3A_47 : i32
      %mul3A_49 = arith.constant 128 : i32
      %mul3A_50 = arith.muli %add3A_48, %mul3A_49 : i32
      %add3A_51 = arith.addi %mul3A_2, %mul3A_50 : i32
      %dma_wait3A_52 = arith.constant 0 : i32
      %dma_wait3A_53 = tpu.memref_slice %arg2[%add3A_51, %dma_wait3A_52] : memref<163840x32xf32, #tpu.memory_space<hbm>> -> memref<128x32xf32, #tpu.memory_space<hbm>>
      %dma_wait3A_54 = arith.constant 0 : i32
      %dma_wait3A_55 = tpu.memref_slice %arg2[%add3A_51, %dma_wait3A_54] : memref<163840x32xf32, #tpu.memory_space<hbm>> -> memref<128x32xf32, #tpu.memory_space<hbm>>
      tpu.wait_dma2 semaphore(%arg12 : memref<!tpu.dma_semaphore, #tpu.memory_space<semaphore_mem>>) src(%dma_wait3A_55 : memref<128x32xf32, #tpu.memory_space<hbm>>) dst(%arg9 : memref<128x32xf32, #tpu.memory_space<vmem>>)
      %add3A_56 = arith.constant 1 : i32
      %add3A_57 = arith.addi %mul3A_27, %add3A_56 : i32
      "tpu.region"() ({
        %run_scoped3A = tpu.sem_alloc : memref<!tpu.dma_semaphore, #tpu.memory_space<semaphore_mem>>
        %dma_start3A_58 = arith.constant 0 : i32
        %dma_start3A_59 = tpu.memref_slice %arg7[%add3A_57, %dma_start3A_58] : memref<40x128xi32, #tpu.memory_space<vmem>> -> memref<1x128xi32, #tpu.memory_space<vmem>>
        %dma_start3A_60 = tpu.memref_squeeze %dma_start3A_59 : memref<1x128xi32, #tpu.memory_space<vmem>> -> memref<128xi32, #tpu.memory_space<vmem>>
        %dma_start3A_61 = arith.constant 0 : i32
        %dma_start3A_62 = arith.constant 0 : i32
        %dma_start3A_63 = tpu.memref_slice %arg10[%dma_start3A_61, %dma_start3A_62] : memref<10000x32xf32, #tpu.memory_space<vmem_shared>> -> memref<10000x32xf32, #tpu.memory_space<vmem_shared>>
        tpu.enqueue_indirect_dma source(%arg9 : memref<128x32xf32, #tpu.memory_space<vmem>>) target(%dma_start3A_63 : memref<10000x32xf32, #tpu.memory_space<vmem_shared>>) offsets(%dma_start3A_60 : memref<128xi32, #tpu.memory_space<vmem>>) semaphore(%run_scoped3A : memref<!tpu.dma_semaphore, #tpu.memory_space<semaphore_mem>>) {add = true}
        %dma_wait3A_64 = arith.constant 0 : i32
        %dma_wait3A_65 = tpu.memref_slice %arg7[%add3A_57, %dma_wait3A_64] : memref<40x128xi32, #tpu.memory_space<vmem>> -> memref<1x128xi32, #tpu.memory_space<vmem>>
        %dma_wait3A_66 = tpu.memref_squeeze %dma_wait3A_65 : memref<1x128xi32, #tpu.memory_space<vmem>> -> memref<128xi32, #tpu.memory_space<vmem>>
        %dma_wait3A_67 = arith.constant 0 : i32
        %dma_wait3A_68 = arith.constant 0 : i32
        %dma_wait3A_69 = tpu.memref_slice %arg10[%dma_wait3A_67, %dma_wait3A_68] : memref<10000x32xf32, #tpu.memory_space<vmem_shared>> -> memref<10000x32xf32, #tpu.memory_space<vmem_shared>>
        tpu.wait_indirect_dma semaphore(%run_scoped3A : memref<!tpu.dma_semaphore, #tpu.memory_space<semaphore_mem>>) src(%arg9 : memref<128x32xf32, #tpu.memory_space<vmem>>) dst(%dma_wait3A_69 : memref<10000x32xf32, #tpu.memory_space<vmem_shared>>)
        tpu.yield
      }) : () -> ()
    }
    %scan3A_16 = arith.constant 20 : i32
    %barrier3A_17 = arith.constant 0 : index
    tpu.barrier barrier_id(%barrier3A_17)
    %mul3A_18 = arith.constant 625 : i32
    %mul3A_19 = arith.muli %arg1, %mul3A_18 : i32
    %mul3A_20 = arith.constant 10000 : i32
    %mul3A_21 = arith.muli %arg0, %mul3A_20 : i32
    %mul3A_22 = arith.constant 625 : i32
    %mul3A_23 = arith.muli %arg1, %mul3A_22 : i32
    %add3A_24 = arith.addi %mul3A_21, %mul3A_23 : i32
    "tpu.region"() ({
      %run_scoped3A = tpu.sem_alloc : memref<!tpu.dma_semaphore, #tpu.memory_space<semaphore_mem>>
      %dma_start3A_25 = arith.constant 0 : i32
      %dma_start3A_26 = tpu.memref_slice %arg6[%add3A_24, %dma_start3A_25] : memref<20000x32xf32, #tpu.memory_space<hbm>> -> memref<625x32xf32, #tpu.memory_space<hbm>>
      %dma_start3A_27 = arith.constant 0 : i32
      %dma_start3A_28 = tpu.memref_slice %arg10[%mul3A_19, %dma_start3A_27] : memref<10000x32xf32, #tpu.memory_space<vmem_shared>> -> memref<625x32xf32, #tpu.memory_space<vmem_shared>>
      tpu.enqueue_dma source(%dma_start3A_28 : memref<625x32xf32, #tpu.memory_space<vmem_shared>>) target(%dma_start3A_26 : memref<625x32xf32, #tpu.memory_space<hbm>>) target_semaphore(%run_scoped3A : memref<!tpu.dma_semaphore, #tpu.memory_space<semaphore_mem>>)
      %dma_wait3A = arith.constant 0 : i32
      %dma_wait3A_29 = tpu.memref_slice %arg6[%add3A_24, %dma_wait3A] : memref<20000x32xf32, #tpu.memory_space<hbm>> -> memref<625x32xf32, #tpu.memory_space<hbm>>
      %dma_wait3A_30 = arith.constant 0 : i32
      %dma_wait3A_31 = tpu.memref_slice %arg10[%mul3A_19, %dma_wait3A_30] : memref<10000x32xf32, #tpu.memory_space<vmem_shared>> -> memref<625x32xf32, #tpu.memory_space<vmem_shared>>
      tpu.wait_dma2 semaphore(%run_scoped3A : memref<!tpu.dma_semaphore, #tpu.memory_space<semaphore_mem>>) src(%dma_wait3A_31 : memref<625x32xf32, #tpu.memory_space<vmem_shared>>) dst(%dma_wait3A_29 : memref<625x32xf32, #tpu.memory_space<hbm>>)
      tpu.yield
    }) : () -> ()
    return
  }
}

module attributes {stable_mosaic.version = 14 : i64} {
  func.func @_msg_body(%arg0: i32, %arg1: memref<2048x4xf32, #tpu.memory_space<vmem>>, %arg2: memref<2048x32xbf16, #tpu.memory_space<vmem>>, %arg3: memref<4x128xf32, #tpu.memory_space<vmem>>, %arg4: memref<1x128xf32, #tpu.memory_space<vmem>>, %arg5: memref<128x96xbf16, #tpu.memory_space<vmem>>, %arg6: memref<32x96xbf16, #tpu.memory_space<vmem>>, %arg7: memref<96x32xbf16, #tpu.memory_space<vmem>>, %arg8: memref<32x32xf32, #tpu.memory_space<vmem>>, %arg9: memref<2048x32xf32, #tpu.memory_space<vmem>>) attributes {dimension_semantics = [#tpu.dimension_semantics<arbitrary>], iteration_bounds = array<i64: 80>, scalar_prefetch = 0 : i64, scratch_operands = 0 : i64, tpu.core_type = #tpu.core_type<tc>, window_params = [{transform_indices = @transform_0, window_bounds = array<i64: 2048, 4>}, {transform_indices = @transform_1, window_bounds = array<i64: 2048, 32>}, {pipeline_mode = #tpu.pipeline_mode<synchronous>, transform_indices = @transform_2, window_bounds = array<i64: 4, 128>}, {pipeline_mode = #tpu.pipeline_mode<synchronous>, transform_indices = @transform_3, window_bounds = array<i64: 1, 128>}, {pipeline_mode = #tpu.pipeline_mode<synchronous>, transform_indices = @transform_4, window_bounds = array<i64: 128, 96>}, {pipeline_mode = #tpu.pipeline_mode<synchronous>, transform_indices = @transform_5, window_bounds = array<i64: 32, 96>}, {pipeline_mode = #tpu.pipeline_mode<synchronous>, transform_indices = @transform_6, window_bounds = array<i64: 96, 32>}, {pipeline_mode = #tpu.pipeline_mode<synchronous>, transform_indices = @transform_7, window_bounds = array<i64: 32, 32>}, {transform_indices = @transform_8, window_bounds = array<i64: 2048, 32>}]} {
    %get3A = arith.constant 0 : index
    %get3A_0 = arith.constant 0 : index
    %get3A_1 = vector.load %arg1[%get3A, %get3A_0] : memref<2048x4xf32, #tpu.memory_space<vmem>>, vector<2048x4xf32>
    %get3A_2 = arith.constant 0 : index
    %get3A_3 = arith.constant 0 : index
    %get3A_4 = vector.load %arg3[%get3A_2, %get3A_3] : memref<4x128xf32, #tpu.memory_space<vmem>>, vector<4x128xf32>
    %dot_general3A = arith.constant dense<0.000000e+00> : vector<2048x128xf32>
    %dot_general3A_5 = tpu.matmul %get3A_1, %get3A_4, %dot_general3A {dimension_numbers = #tpu.dot_dimension_numbers<[1], [0], [0], [1], [0, 0, 1, 1], [], []>, transpose_lhs_hint = false} : vector<2048x4xf32>, vector<4x128xf32>, vector<2048x128xf32> -> vector<2048x128xf32>
    %get3A_6 = arith.constant 0 : index
    %get3A_7 = arith.constant 0 : index
    %get3A_8 = vector.load %arg4[%get3A_6, %get3A_7] : memref<1x128xf32, #tpu.memory_space<vmem>>, vector<1x128xf32>
    %add3A = vector.broadcast %get3A_8 : vector<1x128xf32> to vector<2048x128xf32>
    %add3A_9 = arith.addf %dot_general3A_5, %add3A : vector<2048x128xf32>
    %max3A = arith.constant 0.000000e+00 : f32
    %max3A_10 = vector.broadcast %max3A : f32 to vector<2048x128xf32>
    %max3A_11 = arith.maximumf %add3A_9, %max3A_10 : vector<2048x128xf32>
    %get3A_12 = arith.constant 0 : index
    %get3A_13 = arith.constant 0 : index
    %get3A_14 = vector.load %arg2[%get3A_12, %get3A_13] : memref<2048x32xbf16, #tpu.memory_space<vmem>>, vector<2048x32xbf16>
    %convert_element_type3A = arith.truncf %max3A_11 : vector<2048x128xf32> to vector<2048x128xbf16>
    %get3A_15 = arith.constant 0 : index
    %get3A_16 = arith.constant 0 : index
    %get3A_17 = vector.load %arg5[%get3A_15, %get3A_16] : memref<128x96xbf16, #tpu.memory_space<vmem>>, vector<128x96xbf16>
    %dot_general3A_18 = arith.constant dense<0.000000e+00> : vector<2048x96xf32>
    %dot_general3A_19 = tpu.matmul %convert_element_type3A, %get3A_17, %dot_general3A_18 {dimension_numbers = #tpu.dot_dimension_numbers<[1], [0], [0], [1], [0, 0, 1, 1], [], []>, transpose_lhs_hint = false} : vector<2048x128xbf16>, vector<128x96xbf16>, vector<2048x96xf32> -> vector<2048x96xf32>
    %get3A_20 = arith.constant 0 : index
    %get3A_21 = arith.constant 0 : index
    %get3A_22 = vector.load %arg6[%get3A_20, %get3A_21] : memref<32x96xbf16, #tpu.memory_space<vmem>>, vector<32x96xbf16>
    %dot_general3A_23 = arith.constant dense<0.000000e+00> : vector<2048x96xf32>
    %dot_general3A_24 = tpu.matmul %get3A_14, %get3A_22, %dot_general3A_23 {dimension_numbers = #tpu.dot_dimension_numbers<[1], [0], [0], [1], [0, 0, 1, 1], [], []>, transpose_lhs_hint = false} : vector<2048x32xbf16>, vector<32x96xbf16>, vector<2048x96xf32> -> vector<2048x96xf32>
    %mul3A = arith.mulf %dot_general3A_24, %dot_general3A_19 : vector<2048x96xf32>
    %convert_element_type3A_25 = arith.truncf %mul3A : vector<2048x96xf32> to vector<2048x96xbf16>
    %get3A_26 = arith.constant 0 : index
    %get3A_27 = arith.constant 0 : index
    %get3A_28 = vector.load %arg7[%get3A_26, %get3A_27] : memref<96x32xbf16, #tpu.memory_space<vmem>>, vector<96x32xbf16>
    %dot_general3A_29 = arith.constant dense<0.000000e+00> : vector<2048x32xf32>
    %dot_general3A_30 = tpu.matmul %convert_element_type3A_25, %get3A_28, %dot_general3A_29 {dimension_numbers = #tpu.dot_dimension_numbers<[1], [0], [0], [1], [0, 0, 1, 1], [], []>, transpose_lhs_hint = false} : vector<2048x96xbf16>, vector<96x32xbf16>, vector<2048x32xf32> -> vector<2048x32xf32>
    %convert_element_type3A_31 = arith.extf %get3A_14 : vector<2048x32xbf16> to vector<2048x32xf32>
    %get3A_32 = arith.constant 0 : index
    %get3A_33 = arith.constant 0 : index
    %get3A_34 = vector.load %arg8[%get3A_32, %get3A_33] : memref<32x32xf32, #tpu.memory_space<vmem>>, vector<32x32xf32>
    %dot_general3A_35 = arith.constant dense<0.000000e+00> : vector<2048x32xf32>
    %dot_general3A_36 = tpu.matmul %convert_element_type3A_31, %get3A_34, %dot_general3A_35 {dimension_numbers = #tpu.dot_dimension_numbers<[1], [0], [0], [1], [0, 0, 1, 1], [], []>, transpose_lhs_hint = false} : vector<2048x32xf32>, vector<32x32xf32>, vector<2048x32xf32> -> vector<2048x32xf32>
    %add3A_37 = arith.addf %dot_general3A_30, %dot_general3A_36 : vector<2048x32xf32>
    %mul3A_38 = arith.constant 2048 : i32
    %mul3A_39 = arith.muli %arg0, %mul3A_38 : i32
    %iota3A = tpu.iota {dimensions = array<i32: 0>} : vector<2048x32xi32>
    %add3A_40 = vector.broadcast %mul3A_39 : i32 to vector<2048x32xi32>
    %add3A_41 = arith.addi %add3A_40, %iota3A : vector<2048x32xi32>
    %lt3A = arith.constant 160000 : i32
    %lt3A_42 = vector.broadcast %lt3A : i32 to vector<2048x32xi32>
    %lt3A_43 = arith.cmpi slt, %add3A_41, %lt3A_42 : vector<2048x32xi32>
    %jit3A = arith.constant 0.000000e+00 : f32
    %broadcast_in_dim3A = vector.broadcast %jit3A : f32 to vector<2048x32xf32>
    %select_n3A = arith.select %lt3A_43, %add3A_37, %broadcast_in_dim3A : vector<2048x32xi1>, vector<2048x32xf32>
    %swap3A = arith.constant 0 : index
    %swap3A_44 = arith.constant 0 : index
    %swap3A_45 = vector.load %arg9[%swap3A, %swap3A_44] : memref<2048x32xf32, #tpu.memory_space<vmem>>, vector<2048x32xf32>
    tpu.vector_store %arg9[%swap3A, %swap3A_44], %select_n3A {strides = array<i32>} : memref<2048x32xf32, #tpu.memory_space<vmem>>, vector<2048x32xf32>,
    return
  }
  func.func @transform_0(%arg0: i32) -> (i32, i32) {
    %min3A = arith.constant 78 : i32
    %min3A_0 = arith.minsi %arg0, %min3A : i32
    %c0_i32 = arith.constant 0 : i32
    %c0_i32_1 = arith.constant 0 : i32
    return %min3A_0, %c0_i32 : i32, i32
  }
  func.func @transform_1(%arg0: i32) -> (i32, i32) {
    %c0_i32 = arith.constant 0 : i32
    %c0_i32_0 = arith.constant 0 : i32
    return %arg0, %c0_i32 : i32, i32
  }
  func.func @transform_2(%arg0: i32) -> (i32, i32) {
    %c0_i32 = arith.constant 0 : i32
    %c0_i32_0 = arith.constant 0 : i32
    %c0_i32_1 = arith.constant 0 : i32
    return %c0_i32, %c0_i32_0 : i32, i32
  }
  func.func @transform_3(%arg0: i32) -> (i32, i32) {
    %c0_i32 = arith.constant 0 : i32
    %c0_i32_0 = arith.constant 0 : i32
    %c0_i32_1 = arith.constant 0 : i32
    return %c0_i32, %c0_i32_0 : i32, i32
  }
  func.func @transform_4(%arg0: i32) -> (i32, i32) {
    %c0_i32 = arith.constant 0 : i32
    %c0_i32_0 = arith.constant 0 : i32
    %c0_i32_1 = arith.constant 0 : i32
    return %c0_i32, %c0_i32_0 : i32, i32
  }
  func.func @transform_5(%arg0: i32) -> (i32, i32) {
    %c0_i32 = arith.constant 0 : i32
    %c0_i32_0 = arith.constant 0 : i32
    %c0_i32_1 = arith.constant 0 : i32
    return %c0_i32, %c0_i32_0 : i32, i32
  }
  func.func @transform_6(%arg0: i32) -> (i32, i32) {
    %c0_i32 = arith.constant 0 : i32
    %c0_i32_0 = arith.constant 0 : i32
    %c0_i32_1 = arith.constant 0 : i32
    return %c0_i32, %c0_i32_0 : i32, i32
  }
  func.func @transform_7(%arg0: i32) -> (i32, i32) {
    %c0_i32 = arith.constant 0 : i32
    %c0_i32_0 = arith.constant 0 : i32
    %c0_i32_1 = arith.constant 0 : i32
    return %c0_i32, %c0_i32_0 : i32, i32
  }
  func.func @transform_8(%arg0: i32) -> (i32, i32) {
    %c0_i32 = arith.constant 0 : i32
    %c0_i32_0 = arith.constant 0 : i32
    return %arg0, %c0_i32 : i32, i32
  }
}

module attributes {stable_mosaic.version = 14 : i64} {
  func.func @_pointwise_body(%arg0: i32, %arg1: memref<2000x32xf32, #tpu.memory_space<vmem>>, %arg2: memref<2000x32xf32, #tpu.memory_space<vmem>>, %arg3: memref<2000x32xf32, #tpu.memory_space<vmem>>, %arg4: memref<2000x32xf32, #tpu.memory_space<vmem>>, %arg5: memref<2000x32xf32, #tpu.memory_space<vmem>>, %arg6: memref<32x32xf32, #tpu.memory_space<vmem>>, %arg7: memref<1x32xf32, #tpu.memory_space<vmem>>, %arg8: memref<1x32xf32, #tpu.memory_space<vmem>>, %arg9: memref<1x32xf32, #tpu.memory_space<vmem>>, %arg10: memref<2000x32xf32, #tpu.memory_space<vmem>>, %arg11: memref<2000x32xbf16, #tpu.memory_space<vmem>>) attributes {dimension_semantics = [#tpu.dimension_semantics<arbitrary>], iteration_bounds = array<i64: 5>, scalar_prefetch = 0 : i64, scratch_operands = 0 : i64, tpu.core_type = #tpu.core_type<tc>, window_params = [{transform_indices = @transform_0, window_bounds = array<i64: 2000, 32>}, {transform_indices = @transform_1, window_bounds = array<i64: 2000, 32>}, {transform_indices = @transform_2, window_bounds = array<i64: 2000, 32>}, {transform_indices = @transform_3, window_bounds = array<i64: 2000, 32>}, {transform_indices = @transform_4, window_bounds = array<i64: 2000, 32>}, {pipeline_mode = #tpu.pipeline_mode<synchronous>, transform_indices = @transform_5, window_bounds = array<i64: 32, 32>}, {pipeline_mode = #tpu.pipeline_mode<synchronous>, transform_indices = @transform_6, window_bounds = array<i64: 1, 32>}, {pipeline_mode = #tpu.pipeline_mode<synchronous>, transform_indices = @transform_7, window_bounds = array<i64: 1, 32>}, {pipeline_mode = #tpu.pipeline_mode<synchronous>, transform_indices = @transform_8, window_bounds = array<i64: 1, 32>}, {transform_indices = @transform_9, window_bounds = array<i64: 2000, 32>}, {transform_indices = @transform_10, window_bounds = array<i64: 2000, 32>}]} {
    %get3A = arith.constant 0 : index
    %get3A_0 = arith.constant 0 : index
    %get3A_1 = vector.load %arg1[%get3A, %get3A_0] : memref<2000x32xf32, #tpu.memory_space<vmem>>, vector<2000x32xf32>
    %add3A = arith.constant 0.000000e+00 : f32
    %add3A_2 = vector.broadcast %add3A : f32 to vector<2000x32xf32>
    %add3A_3 = arith.addf %add3A_2, %get3A_1 : vector<2000x32xf32>
    %get3A_4 = arith.constant 0 : index
    %get3A_5 = arith.constant 0 : index
    %get3A_6 = vector.load %arg2[%get3A_4, %get3A_5] : memref<2000x32xf32, #tpu.memory_space<vmem>>, vector<2000x32xf32>
    %add3A_7 = arith.addf %add3A_3, %get3A_6 : vector<2000x32xf32>
    %get3A_8 = arith.constant 0 : index
    %get3A_9 = arith.constant 0 : index
    %get3A_10 = vector.load %arg3[%get3A_8, %get3A_9] : memref<2000x32xf32, #tpu.memory_space<vmem>>, vector<2000x32xf32>
    %slice3A = vector.extract_strided_slice %get3A_10 {offsets = [0, 0], sizes = [2000, 1], strides = [1, 1]} : vector<2000x32xf32> to vector<2000x1xf32>
    %add3A_11 = arith.constant 0.000000e+00 : f32
    %add3A_12 = vector.broadcast %add3A_11 : f32 to vector<2000x1xf32>
    %add3A_13 = arith.addf %add3A_12, %slice3A : vector<2000x1xf32>
    %get3A_14 = arith.constant 0 : index
    %get3A_15 = arith.constant 0 : index
    %get3A_16 = vector.load %arg4[%get3A_14, %get3A_15] : memref<2000x32xf32, #tpu.memory_space<vmem>>, vector<2000x32xf32>
    %slice3A_17 = vector.extract_strided_slice %get3A_16 {offsets = [0, 0], sizes = [2000, 1], strides = [1, 1]} : vector<2000x32xf32> to vector<2000x1xf32>
    %add3A_18 = arith.addf %add3A_13, %slice3A_17 : vector<2000x1xf32>
    %max3A = arith.constant 1.000000e+00 : f32
    %max3A_19 = vector.broadcast %max3A : f32 to vector<2000x1xf32>
    %max3A_20 = arith.maximumf %add3A_18, %max3A_19 : vector<2000x1xf32>
    %div3A = vector.broadcast %max3A_20 : vector<2000x1xf32> to vector<2000x32xf32>
    %div3A_21 = arith.divf %add3A_7, %div3A : vector<2000x32xf32>
    %get3A_22 = arith.constant 0 : index
    %get3A_23 = arith.constant 0 : index
    %get3A_24 = vector.load %arg5[%get3A_22, %get3A_23] : memref<2000x32xf32, #tpu.memory_space<vmem>>, vector<2000x32xf32>
    %get3A_25 = arith.constant 0 : index
    %get3A_26 = arith.constant 0 : index
    %get3A_27 = vector.load %arg6[%get3A_25, %get3A_26] : memref<32x32xf32, #tpu.memory_space<vmem>>, vector<32x32xf32>
    %dot_general3A = arith.constant dense<0.000000e+00> : vector<2000x32xf32>
    %dot_general3A_28 = tpu.matmul %get3A_24, %get3A_27, %dot_general3A {dimension_numbers = #tpu.dot_dimension_numbers<[1], [0], [0], [1], [0, 0, 1, 1], [], []>, transpose_lhs_hint = false} : vector<2000x32xf32>, vector<32x32xf32>, vector<2000x32xf32> -> vector<2000x32xf32>
    %add3A_29 = arith.addf %div3A_21, %dot_general3A_28 : vector<2000x32xf32>
    %get3A_30 = arith.constant 0 : index
    %get3A_31 = arith.constant 0 : index
    %get3A_32 = vector.load %arg7[%get3A_30, %get3A_31] : memref<1x32xf32, #tpu.memory_space<vmem>>, vector<1x32xf32>
    %add3A_33 = vector.broadcast %get3A_32 : vector<1x32xf32> to vector<2000x32xf32>
    %add3A_34 = arith.addf %add3A_29, %add3A_33 : vector<2000x32xf32>
    %reduce_sum3A = arith.constant dense<0.000000e+00> : vector<2000xf32>
    %reduce_sum3A_35 = vector.multi_reduction <add>, %add3A_34, %reduce_sum3A [1] : vector<2000x32xf32> to vector<2000xf32>
    %broadcast_in_dim3A = vector.shape_cast %reduce_sum3A_35 : vector<2000xf32> to vector<2000x1xf32>
    %div3A_36 = arith.constant 3.200000e+01 : f32
    %div3A_37 = vector.broadcast %div3A_36 : f32 to vector<2000x1xf32>
    %div3A_38 = arith.divf %broadcast_in_dim3A, %div3A_37 : vector<2000x1xf32>
    %sub3A = vector.broadcast %div3A_38 : vector<2000x1xf32> to vector<2000x32xf32>
    %sub3A_39 = arith.subf %add3A_34, %sub3A : vector<2000x32xf32>
    %mul3A = arith.mulf %sub3A_39, %sub3A_39 : vector<2000x32xf32>
    %reduce_sum3A_40 = arith.constant dense<0.000000e+00> : vector<2000xf32>
    %reduce_sum3A_41 = vector.multi_reduction <add>, %mul3A, %reduce_sum3A_40 [1] : vector<2000x32xf32> to vector<2000xf32>
    %broadcast_in_dim3A_42 = vector.shape_cast %reduce_sum3A_41 : vector<2000xf32> to vector<2000x1xf32>
    %div3A_43 = arith.constant 3.200000e+01 : f32
    %div3A_44 = vector.broadcast %div3A_43 : f32 to vector<2000x1xf32>
    %div3A_45 = arith.divf %broadcast_in_dim3A_42, %div3A_44 : vector<2000x1xf32>
    %add3A_46 = arith.constant 9.99999974E-6 : f32
    %add3A_47 = vector.broadcast %add3A_46 : f32 to vector<2000x1xf32>
    %add3A_48 = arith.addf %div3A_45, %add3A_47 : vector<2000x1xf32>
    %rsqrt3A = math.rsqrt %add3A_48 : vector<2000x1xf32>
    %mul3A_49 = vector.broadcast %rsqrt3A : vector<2000x1xf32> to vector<2000x32xf32>
    %mul3A_50 = arith.mulf %sub3A_39, %mul3A_49 : vector<2000x32xf32>
    %get3A_51 = arith.constant 0 : index
    %get3A_52 = arith.constant 0 : index
    %get3A_53 = vector.load %arg8[%get3A_51, %get3A_52] : memref<1x32xf32, #tpu.memory_space<vmem>>, vector<1x32xf32>
    %mul3A_54 = vector.broadcast %get3A_53 : vector<1x32xf32> to vector<2000x32xf32>
    %mul3A_55 = arith.mulf %mul3A_50, %mul3A_54 : vector<2000x32xf32>
    %get3A_56 = arith.constant 0 : index
    %get3A_57 = arith.constant 0 : index
    %get3A_58 = vector.load %arg9[%get3A_56, %get3A_57] : memref<1x32xf32, #tpu.memory_space<vmem>>, vector<1x32xf32>
    %add3A_59 = vector.broadcast %get3A_58 : vector<1x32xf32> to vector<2000x32xf32>
    %add3A_60 = arith.addf %mul3A_55, %add3A_59 : vector<2000x32xf32>
    %max3A_61 = arith.constant 0.000000e+00 : f32
    %max3A_62 = vector.broadcast %max3A_61 : f32 to vector<2000x32xf32>
    %max3A_63 = arith.maximumf %add3A_60, %max3A_62 : vector<2000x32xf32>
    %swap3A = arith.constant 0 : index
    %swap3A_64 = arith.constant 0 : index
    %swap3A_65 = vector.load %arg10[%swap3A, %swap3A_64] : memref<2000x32xf32, #tpu.memory_space<vmem>>, vector<2000x32xf32>
    tpu.vector_store %arg10[%swap3A, %swap3A_64], %max3A_63 {strides = array<i32>} : memref<2000x32xf32, #tpu.memory_space<vmem>>, vector<2000x32xf32>,
    %convert_element_type3A = arith.truncf %max3A_63 : vector<2000x32xf32> to vector<2000x32xbf16>
    %swap3A_66 = arith.constant 0 : index
    %swap3A_67 = arith.constant 0 : index
    %swap3A_68 = vector.load %arg11[%swap3A_66, %swap3A_67] : memref<2000x32xbf16, #tpu.memory_space<vmem>>, vector<2000x32xbf16>
    tpu.vector_store %arg11[%swap3A_66, %swap3A_67], %convert_element_type3A {strides = array<i32>} : memref<2000x32xbf16, #tpu.memory_space<vmem>>, vector<2000x32xbf16>,
    return
  }
  func.func @transform_0(%arg0: i32) -> (i32, i32) {
    %c0_i32 = arith.constant 0 : i32
    %c0_i32_0 = arith.constant 0 : i32
    return %arg0, %c0_i32 : i32, i32
  }
  func.func @transform_1(%arg0: i32) -> (i32, i32) {
    %c0_i32 = arith.constant 0 : i32
    %c0_i32_0 = arith.constant 0 : i32
    return %arg0, %c0_i32 : i32, i32
  }
  func.func @transform_2(%arg0: i32) -> (i32, i32) {
    %c0_i32 = arith.constant 0 : i32
    %c0_i32_0 = arith.constant 0 : i32
    return %arg0, %c0_i32 : i32, i32
  }
  func.func @transform_3(%arg0: i32) -> (i32, i32) {
    %c0_i32 = arith.constant 0 : i32
    %c0_i32_0 = arith.constant 0 : i32
    return %arg0, %c0_i32 : i32, i32
  }
  func.func @transform_4(%arg0: i32) -> (i32, i32) {
    %c0_i32 = arith.constant 0 : i32
    %c0_i32_0 = arith.constant 0 : i32
    return %arg0, %c0_i32 : i32, i32
  }
  func.func @transform_5(%arg0: i32) -> (i32, i32) {
    %c0_i32 = arith.constant 0 : i32
    %c0_i32_0 = arith.constant 0 : i32
    %c0_i32_1 = arith.constant 0 : i32
    return %c0_i32, %c0_i32_0 : i32, i32
  }
  func.func @transform_6(%arg0: i32) -> (i32, i32) {
    %c0_i32 = arith.constant 0 : i32
    %c0_i32_0 = arith.constant 0 : i32
    %c0_i32_1 = arith.constant 0 : i32
    return %c0_i32, %c0_i32_0 : i32, i32
  }
  func.func @transform_7(%arg0: i32) -> (i32, i32) {
    %c0_i32 = arith.constant 0 : i32
    %c0_i32_0 = arith.constant 0 : i32
    %c0_i32_1 = arith.constant 0 : i32
    return %c0_i32, %c0_i32_0 : i32, i32
  }
  func.func @transform_8(%arg0: i32) -> (i32, i32) {
    %c0_i32 = arith.constant 0 : i32
    %c0_i32_0 = arith.constant 0 : i32
    %c0_i32_1 = arith.constant 0 : i32
    return %c0_i32, %c0_i32_0 : i32, i32
  }
  func.func @transform_9(%arg0: i32) -> (i32, i32) {
    %c0_i32 = arith.constant 0 : i32
    %c0_i32_0 = arith.constant 0 : i32
    return %arg0, %c0_i32 : i32, i32
  }
  func.func @transform_10(%arg0: i32) -> (i32, i32) {
    %c0_i32 = arith.constant 0 : i32
    %c0_i32_0 = arith.constant 0 : i32
    return %arg0, %c0_i32 : i32, i32
  }
}

module attributes {stable_mosaic.version = 14 : i64} {
  func.func @_msg_body(%arg0: i32, %arg1: memref<2048x4xf32, #tpu.memory_space<vmem>>, %arg2: memref<2048x32xbf16, #tpu.memory_space<vmem>>, %arg3: memref<4x128xf32, #tpu.memory_space<vmem>>, %arg4: memref<1x128xf32, #tpu.memory_space<vmem>>, %arg5: memref<128x1024xbf16, #tpu.memory_space<vmem>>, %arg6: memref<32x1024xbf16, #tpu.memory_space<vmem>>, %arg7: memref<1024x32xbf16, #tpu.memory_space<vmem>>, %arg8: memref<32x32xf32, #tpu.memory_space<vmem>>, %arg9: memref<2048x32xf32, #tpu.memory_space<vmem>>) attributes {dimension_semantics = [#tpu.dimension_semantics<arbitrary>], iteration_bounds = array<i64: 80>, scalar_prefetch = 0 : i64, scratch_operands = 0 : i64, tpu.core_type = #tpu.core_type<tc>, window_params = [{transform_indices = @transform_0, window_bounds = array<i64: 2048, 4>}, {transform_indices = @transform_1, window_bounds = array<i64: 2048, 32>}, {pipeline_mode = #tpu.pipeline_mode<synchronous>, transform_indices = @transform_2, window_bounds = array<i64: 4, 128>}, {pipeline_mode = #tpu.pipeline_mode<synchronous>, transform_indices = @transform_3, window_bounds = array<i64: 1, 128>}, {pipeline_mode = #tpu.pipeline_mode<synchronous>, transform_indices = @transform_4, window_bounds = array<i64: 128, 1024>}, {pipeline_mode = #tpu.pipeline_mode<synchronous>, transform_indices = @transform_5, window_bounds = array<i64: 32, 1024>}, {pipeline_mode = #tpu.pipeline_mode<synchronous>, transform_indices = @transform_6, window_bounds = array<i64: 1024, 32>}, {pipeline_mode = #tpu.pipeline_mode<synchronous>, transform_indices = @transform_7, window_bounds = array<i64: 32, 32>}, {transform_indices = @transform_8, window_bounds = array<i64: 2048, 32>}]} {
    %get3A = arith.constant 0 : index
    %get3A_0 = arith.constant 0 : index
    %get3A_1 = vector.load %arg1[%get3A, %get3A_0] : memref<2048x4xf32, #tpu.memory_space<vmem>>, vector<2048x4xf32>
    %get3A_2 = arith.constant 0 : index
    %get3A_3 = arith.constant 0 : index
    %get3A_4 = vector.load %arg3[%get3A_2, %get3A_3] : memref<4x128xf32, #tpu.memory_space<vmem>>, vector<4x128xf32>
    %dot_general3A = arith.constant dense<0.000000e+00> : vector<2048x128xf32>
    %dot_general3A_5 = tpu.matmul %get3A_1, %get3A_4, %dot_general3A {dimension_numbers = #tpu.dot_dimension_numbers<[1], [0], [0], [1], [0, 0, 1, 1], [], []>, transpose_lhs_hint = false} : vector<2048x4xf32>, vector<4x128xf32>, vector<2048x128xf32> -> vector<2048x128xf32>
    %get3A_6 = arith.constant 0 : index
    %get3A_7 = arith.constant 0 : index
    %get3A_8 = vector.load %arg4[%get3A_6, %get3A_7] : memref<1x128xf32, #tpu.memory_space<vmem>>, vector<1x128xf32>
    %add3A = vector.broadcast %get3A_8 : vector<1x128xf32> to vector<2048x128xf32>
    %add3A_9 = arith.addf %dot_general3A_5, %add3A : vector<2048x128xf32>
    %max3A = arith.constant 0.000000e+00 : f32
    %max3A_10 = vector.broadcast %max3A : f32 to vector<2048x128xf32>
    %max3A_11 = arith.maximumf %add3A_9, %max3A_10 : vector<2048x128xf32>
    %get3A_12 = arith.constant 0 : index
    %get3A_13 = arith.constant 0 : index
    %get3A_14 = vector.load %arg2[%get3A_12, %get3A_13] : memref<2048x32xbf16, #tpu.memory_space<vmem>>, vector<2048x32xbf16>
    %convert_element_type3A = arith.truncf %max3A_11 : vector<2048x128xf32> to vector<2048x128xbf16>
    %get3A_15 = arith.constant 0 : index
    %get3A_16 = arith.constant 0 : index
    %get3A_17 = vector.load %arg5[%get3A_15, %get3A_16] : memref<128x1024xbf16, #tpu.memory_space<vmem>>, vector<128x1024xbf16>
    %dot_general3A_18 = arith.constant dense<0.000000e+00> : vector<2048x1024xf32>
    %dot_general3A_19 = tpu.matmul %convert_element_type3A, %get3A_17, %dot_general3A_18 {dimension_numbers = #tpu.dot_dimension_numbers<[1], [0], [0], [1], [0, 0, 1, 1], [], []>, transpose_lhs_hint = false} : vector<2048x128xbf16>, vector<128x1024xbf16>, vector<2048x1024xf32> -> vector<2048x1024xf32>
    %get3A_20 = arith.constant 0 : index
    %get3A_21 = arith.constant 0 : index
    %get3A_22 = vector.load %arg6[%get3A_20, %get3A_21] : memref<32x1024xbf16, #tpu.memory_space<vmem>>, vector<32x1024xbf16>
    %dot_general3A_23 = arith.constant dense<0.000000e+00> : vector<2048x1024xf32>
    %dot_general3A_24 = tpu.matmul %get3A_14, %get3A_22, %dot_general3A_23 {dimension_numbers = #tpu.dot_dimension_numbers<[1], [0], [0], [1], [0, 0, 1, 1], [], []>, transpose_lhs_hint = false} : vector<2048x32xbf16>, vector<32x1024xbf16>, vector<2048x1024xf32> -> vector<2048x1024xf32>
    %mul3A = arith.mulf %dot_general3A_24, %dot_general3A_19 : vector<2048x1024xf32>
    %convert_element_type3A_25 = arith.truncf %mul3A : vector<2048x1024xf32> to vector<2048x1024xbf16>
    %get3A_26 = arith.constant 0 : index
    %get3A_27 = arith.constant 0 : index
    %get3A_28 = vector.load %arg7[%get3A_26, %get3A_27] : memref<1024x32xbf16, #tpu.memory_space<vmem>>, vector<1024x32xbf16>
    %dot_general3A_29 = arith.constant dense<0.000000e+00> : vector<2048x32xf32>
    %dot_general3A_30 = tpu.matmul %convert_element_type3A_25, %get3A_28, %dot_general3A_29 {dimension_numbers = #tpu.dot_dimension_numbers<[1], [0], [0], [1], [0, 0, 1, 1], [], []>, transpose_lhs_hint = false} : vector<2048x1024xbf16>, vector<1024x32xbf16>, vector<2048x32xf32> -> vector<2048x32xf32>
    %convert_element_type3A_31 = arith.extf %get3A_14 : vector<2048x32xbf16> to vector<2048x32xf32>
    %get3A_32 = arith.constant 0 : index
    %get3A_33 = arith.constant 0 : index
    %get3A_34 = vector.load %arg8[%get3A_32, %get3A_33] : memref<32x32xf32, #tpu.memory_space<vmem>>, vector<32x32xf32>
    %dot_general3A_35 = arith.constant dense<0.000000e+00> : vector<2048x32xf32>
    %dot_general3A_36 = tpu.matmul %convert_element_type3A_31, %get3A_34, %dot_general3A_35 {dimension_numbers = #tpu.dot_dimension_numbers<[1], [0], [0], [1], [0, 0, 1, 1], [], []>, transpose_lhs_hint = false} : vector<2048x32xf32>, vector<32x32xf32>, vector<2048x32xf32> -> vector<2048x32xf32>
    %add3A_37 = arith.addf %dot_general3A_30, %dot_general3A_36 : vector<2048x32xf32>
    %mul3A_38 = arith.constant 2048 : i32
    %mul3A_39 = arith.muli %arg0, %mul3A_38 : i32
    %iota3A = tpu.iota {dimensions = array<i32: 0>} : vector<2048x32xi32>
    %add3A_40 = vector.broadcast %mul3A_39 : i32 to vector<2048x32xi32>
    %add3A_41 = arith.addi %add3A_40, %iota3A : vector<2048x32xi32>
    %lt3A = arith.constant 160000 : i32
    %lt3A_42 = vector.broadcast %lt3A : i32 to vector<2048x32xi32>
    %lt3A_43 = arith.cmpi slt, %add3A_41, %lt3A_42 : vector<2048x32xi32>
    %jit3A = arith.constant 0.000000e+00 : f32
    %broadcast_in_dim3A = vector.broadcast %jit3A : f32 to vector<2048x32xf32>
    %select_n3A = arith.select %lt3A_43, %add3A_37, %broadcast_in_dim3A : vector<2048x32xi1>, vector<2048x32xf32>
    %swap3A = arith.constant 0 : index
    %swap3A_44 = arith.constant 0 : index
    %swap3A_45 = vector.load %arg9[%swap3A, %swap3A_44] : memref<2048x32xf32, #tpu.memory_space<vmem>>, vector<2048x32xf32>
    tpu.vector_store %arg9[%swap3A, %swap3A_44], %select_n3A {strides = array<i32>} : memref<2048x32xf32, #tpu.memory_space<vmem>>, vector<2048x32xf32>,
    return
  }
  func.func @transform_0(%arg0: i32) -> (i32, i32) {
    %min3A = arith.constant 78 : i32
    %min3A_0 = arith.minsi %arg0, %min3A : i32
    %c0_i32 = arith.constant 0 : i32
    %c0_i32_1 = arith.constant 0 : i32
    return %min3A_0, %c0_i32 : i32, i32
  }
  func.func @transform_1(%arg0: i32) -> (i32, i32) {
    %c0_i32 = arith.constant 0 : i32
    %c0_i32_0 = arith.constant 0 : i32
    return %arg0, %c0_i32 : i32, i32
  }
  func.func @transform_2(%arg0: i32) -> (i32, i32) {
    %c0_i32 = arith.constant 0 : i32
    %c0_i32_0 = arith.constant 0 : i32
    %c0_i32_1 = arith.constant 0 : i32
    return %c0_i32, %c0_i32_0 : i32, i32
  }
  func.func @transform_3(%arg0: i32) -> (i32, i32) {
    %c0_i32 = arith.constant 0 : i32
    %c0_i32_0 = arith.constant 0 : i32
    %c0_i32_1 = arith.constant 0 : i32
    return %c0_i32, %c0_i32_0 : i32, i32
  }
  func.func @transform_4(%arg0: i32) -> (i32, i32) {
    %c0_i32 = arith.constant 0 : i32
    %c0_i32_0 = arith.constant 0 : i32
    %c0_i32_1 = arith.constant 0 : i32
    return %c0_i32, %c0_i32_0 : i32, i32
  }
  func.func @transform_5(%arg0: i32) -> (i32, i32) {
    %c0_i32 = arith.constant 0 : i32
    %c0_i32_0 = arith.constant 0 : i32
    %c0_i32_1 = arith.constant 0 : i32
    return %c0_i32, %c0_i32_0 : i32, i32
  }
  func.func @transform_6(%arg0: i32) -> (i32, i32) {
    %c0_i32 = arith.constant 0 : i32
    %c0_i32_0 = arith.constant 0 : i32
    %c0_i32_1 = arith.constant 0 : i32
    return %c0_i32, %c0_i32_0 : i32, i32
  }
  func.func @transform_7(%arg0: i32) -> (i32, i32) {
    %c0_i32 = arith.constant 0 : i32
    %c0_i32_0 = arith.constant 0 : i32
    %c0_i32_1 = arith.constant 0 : i32
    return %c0_i32, %c0_i32_0 : i32, i32
  }
  func.func @transform_8(%arg0: i32) -> (i32, i32) {
    %c0_i32 = arith.constant 0 : i32
    %c0_i32_0 = arith.constant 0 : i32
    return %arg0, %c0_i32 : i32, i32
  }
}

module attributes {stable_mosaic.version = 14 : i64} {
  func.func @_pointwise_body(%arg0: i32, %arg1: memref<2000x32xf32, #tpu.memory_space<vmem>>, %arg2: memref<2000x32xf32, #tpu.memory_space<vmem>>, %arg3: memref<2000x32xf32, #tpu.memory_space<vmem>>, %arg4: memref<2000x32xf32, #tpu.memory_space<vmem>>, %arg5: memref<2000x32xf32, #tpu.memory_space<vmem>>, %arg6: memref<32x32xf32, #tpu.memory_space<vmem>>, %arg7: memref<1x32xf32, #tpu.memory_space<vmem>>, %arg8: memref<1x32xf32, #tpu.memory_space<vmem>>, %arg9: memref<1x32xf32, #tpu.memory_space<vmem>>, %arg10: memref<2000x32xf32, #tpu.memory_space<vmem>>, %arg11: memref<2000x32xbf16, #tpu.memory_space<vmem>>) attributes {dimension_semantics = [#tpu.dimension_semantics<arbitrary>], iteration_bounds = array<i64: 5>, scalar_prefetch = 0 : i64, scratch_operands = 0 : i64, tpu.core_type = #tpu.core_type<tc>, window_params = [{transform_indices = @transform_0, window_bounds = array<i64: 2000, 32>}, {transform_indices = @transform_1, window_bounds = array<i64: 2000, 32>}, {transform_indices = @transform_2, window_bounds = array<i64: 2000, 32>}, {transform_indices = @transform_3, window_bounds = array<i64: 2000, 32>}, {transform_indices = @transform_4, window_bounds = array<i64: 2000, 32>}, {pipeline_mode = #tpu.pipeline_mode<synchronous>, transform_indices = @transform_5, window_bounds = array<i64: 32, 32>}, {pipeline_mode = #tpu.pipeline_mode<synchronous>, transform_indices = @transform_6, window_bounds = array<i64: 1, 32>}, {pipeline_mode = #tpu.pipeline_mode<synchronous>, transform_indices = @transform_7, window_bounds = array<i64: 1, 32>}, {pipeline_mode = #tpu.pipeline_mode<synchronous>, transform_indices = @transform_8, window_bounds = array<i64: 1, 32>}, {transform_indices = @transform_9, window_bounds = array<i64: 2000, 32>}, {transform_indices = @transform_10, window_bounds = array<i64: 2000, 32>}]} {
    %get3A = arith.constant 0 : index
    %get3A_0 = arith.constant 0 : index
    %get3A_1 = vector.load %arg1[%get3A, %get3A_0] : memref<2000x32xf32, #tpu.memory_space<vmem>>, vector<2000x32xf32>
    %add3A = arith.constant 0.000000e+00 : f32
    %add3A_2 = vector.broadcast %add3A : f32 to vector<2000x32xf32>
    %add3A_3 = arith.addf %add3A_2, %get3A_1 : vector<2000x32xf32>
    %get3A_4 = arith.constant 0 : index
    %get3A_5 = arith.constant 0 : index
    %get3A_6 = vector.load %arg2[%get3A_4, %get3A_5] : memref<2000x32xf32, #tpu.memory_space<vmem>>, vector<2000x32xf32>
    %add3A_7 = arith.addf %add3A_3, %get3A_6 : vector<2000x32xf32>
    %get3A_8 = arith.constant 0 : index
    %get3A_9 = arith.constant 0 : index
    %get3A_10 = vector.load %arg3[%get3A_8, %get3A_9] : memref<2000x32xf32, #tpu.memory_space<vmem>>, vector<2000x32xf32>
    %slice3A = vector.extract_strided_slice %get3A_10 {offsets = [0, 0], sizes = [2000, 1], strides = [1, 1]} : vector<2000x32xf32> to vector<2000x1xf32>
    %add3A_11 = arith.constant 0.000000e+00 : f32
    %add3A_12 = vector.broadcast %add3A_11 : f32 to vector<2000x1xf32>
    %add3A_13 = arith.addf %add3A_12, %slice3A : vector<2000x1xf32>
    %get3A_14 = arith.constant 0 : index
    %get3A_15 = arith.constant 0 : index
    %get3A_16 = vector.load %arg4[%get3A_14, %get3A_15] : memref<2000x32xf32, #tpu.memory_space<vmem>>, vector<2000x32xf32>
    %slice3A_17 = vector.extract_strided_slice %get3A_16 {offsets = [0, 0], sizes = [2000, 1], strides = [1, 1]} : vector<2000x32xf32> to vector<2000x1xf32>
    %add3A_18 = arith.addf %add3A_13, %slice3A_17 : vector<2000x1xf32>
    %max3A = arith.constant 1.000000e+00 : f32
    %max3A_19 = vector.broadcast %max3A : f32 to vector<2000x1xf32>
    %max3A_20 = arith.maximumf %add3A_18, %max3A_19 : vector<2000x1xf32>
    %div3A = vector.broadcast %max3A_20 : vector<2000x1xf32> to vector<2000x32xf32>
    %div3A_21 = arith.divf %add3A_7, %div3A : vector<2000x32xf32>
    %get3A_22 = arith.constant 0 : index
    %get3A_23 = arith.constant 0 : index
    %get3A_24 = vector.load %arg5[%get3A_22, %get3A_23] : memref<2000x32xf32, #tpu.memory_space<vmem>>, vector<2000x32xf32>
    %get3A_25 = arith.constant 0 : index
    %get3A_26 = arith.constant 0 : index
    %get3A_27 = vector.load %arg6[%get3A_25, %get3A_26] : memref<32x32xf32, #tpu.memory_space<vmem>>, vector<32x32xf32>
    %dot_general3A = arith.constant dense<0.000000e+00> : vector<2000x32xf32>
    %dot_general3A_28 = tpu.matmul %get3A_24, %get3A_27, %dot_general3A {dimension_numbers = #tpu.dot_dimension_numbers<[1], [0], [0], [1], [0, 0, 1, 1], [], []>, transpose_lhs_hint = false} : vector<2000x32xf32>, vector<32x32xf32>, vector<2000x32xf32> -> vector<2000x32xf32>
    %add3A_29 = arith.addf %div3A_21, %dot_general3A_28 : vector<2000x32xf32>
    %get3A_30 = arith.constant 0 : index
    %get3A_31 = arith.constant 0 : index
    %get3A_32 = vector.load %arg7[%get3A_30, %get3A_31] : memref<1x32xf32, #tpu.memory_space<vmem>>, vector<1x32xf32>
    %add3A_33 = vector.broadcast %get3A_32 : vector<1x32xf32> to vector<2000x32xf32>
    %add3A_34 = arith.addf %add3A_29, %add3A_33 : vector<2000x32xf32>
    %reduce_sum3A = arith.constant dense<0.000000e+00> : vector<2000xf32>
    %reduce_sum3A_35 = vector.multi_reduction <add>, %add3A_34, %reduce_sum3A [1] : vector<2000x32xf32> to vector<2000xf32>
    %broadcast_in_dim3A = vector.shape_cast %reduce_sum3A_35 : vector<2000xf32> to vector<2000x1xf32>
    %div3A_36 = arith.constant 3.200000e+01 : f32
    %div3A_37 = vector.broadcast %div3A_36 : f32 to vector<2000x1xf32>
    %div3A_38 = arith.divf %broadcast_in_dim3A, %div3A_37 : vector<2000x1xf32>
    %sub3A = vector.broadcast %div3A_38 : vector<2000x1xf32> to vector<2000x32xf32>
    %sub3A_39 = arith.subf %add3A_34, %sub3A : vector<2000x32xf32>
    %mul3A = arith.mulf %sub3A_39, %sub3A_39 : vector<2000x32xf32>
    %reduce_sum3A_40 = arith.constant dense<0.000000e+00> : vector<2000xf32>
    %reduce_sum3A_41 = vector.multi_reduction <add>, %mul3A, %reduce_sum3A_40 [1] : vector<2000x32xf32> to vector<2000xf32>
    %broadcast_in_dim3A_42 = vector.shape_cast %reduce_sum3A_41 : vector<2000xf32> to vector<2000x1xf32>
    %div3A_43 = arith.constant 3.200000e+01 : f32
    %div3A_44 = vector.broadcast %div3A_43 : f32 to vector<2000x1xf32>
    %div3A_45 = arith.divf %broadcast_in_dim3A_42, %div3A_44 : vector<2000x1xf32>
    %add3A_46 = arith.constant 9.99999974E-6 : f32
    %add3A_47 = vector.broadcast %add3A_46 : f32 to vector<2000x1xf32>
    %add3A_48 = arith.addf %div3A_45, %add3A_47 : vector<2000x1xf32>
    %rsqrt3A = math.rsqrt %add3A_48 : vector<2000x1xf32>
    %mul3A_49 = vector.broadcast %rsqrt3A : vector<2000x1xf32> to vector<2000x32xf32>
    %mul3A_50 = arith.mulf %sub3A_39, %mul3A_49 : vector<2000x32xf32>
    %get3A_51 = arith.constant 0 : index
    %get3A_52 = arith.constant 0 : index
    %get3A_53 = vector.load %arg8[%get3A_51, %get3A_52] : memref<1x32xf32, #tpu.memory_space<vmem>>, vector<1x32xf32>
    %mul3A_54 = vector.broadcast %get3A_53 : vector<1x32xf32> to vector<2000x32xf32>
    %mul3A_55 = arith.mulf %mul3A_50, %mul3A_54 : vector<2000x32xf32>
    %get3A_56 = arith.constant 0 : index
    %get3A_57 = arith.constant 0 : index
    %get3A_58 = vector.load %arg9[%get3A_56, %get3A_57] : memref<1x32xf32, #tpu.memory_space<vmem>>, vector<1x32xf32>
    %add3A_59 = vector.broadcast %get3A_58 : vector<1x32xf32> to vector<2000x32xf32>
    %add3A_60 = arith.addf %mul3A_55, %add3A_59 : vector<2000x32xf32>
    %gt3A = arith.constant 0.000000e+00 : f32
    %gt3A_61 = vector.broadcast %gt3A : f32 to vector<2000x32xf32>
    %gt3A_62 = arith.cmpf ogt, %add3A_60, %gt3A_61 : vector<2000x32xf32>
    %min3A = arith.constant 0.000000e+00 : f32
    %min3A_63 = vector.broadcast %min3A : f32 to vector<2000x32xf32>
    %min3A_64 = arith.minimumf %add3A_60, %min3A_63 : vector<2000x32xf32>
    %exp3A = math.exp %min3A_64 : vector<2000x32xf32>
    %sub3A_65 = arith.constant 1.000000e+00 : f32
    %sub3A_66 = vector.broadcast %sub3A_65 : f32 to vector<2000x32xf32>
    %sub3A_67 = arith.subf %exp3A, %sub3A_66 : vector<2000x32xf32>
    %select_n3A = arith.select %gt3A_62, %add3A_60, %sub3A_67 : vector<2000x32xi1>, vector<2000x32xf32>
    %swap3A = arith.constant 0 : index
    %swap3A_68 = arith.constant 0 : index
    %swap3A_69 = vector.load %arg10[%swap3A, %swap3A_68] : memref<2000x32xf32, #tpu.memory_space<vmem>>, vector<2000x32xf32>
    tpu.vector_store %arg10[%swap3A, %swap3A_68], %select_n3A {strides = array<i32>} : memref<2000x32xf32, #tpu.memory_space<vmem>>, vector<2000x32xf32>,
    %convert_element_type3A = arith.truncf %select_n3A : vector<2000x32xf32> to vector<2000x32xbf16>
    %swap3A_70 = arith.constant 0 : index
    %swap3A_71 = arith.constant 0 : index
    %swap3A_72 = vector.load %arg11[%swap3A_70, %swap3A_71] : memref<2000x32xbf16, #tpu.memory_space<vmem>>, vector<2000x32xbf16>
    tpu.vector_store %arg11[%swap3A_70, %swap3A_71], %convert_element_type3A {strides = array<i32>} : memref<2000x32xbf16, #tpu.memory_space<vmem>>, vector<2000x32xbf16>,
    return
  }
  func.func @transform_0(%arg0: i32) -> (i32, i32) {
    %c0_i32 = arith.constant 0 : i32
    %c0_i32_0 = arith.constant 0 : i32
    return %arg0, %c0_i32 : i32, i32
  }
  func.func @transform_1(%arg0: i32) -> (i32, i32) {
    %c0_i32 = arith.constant 0 : i32
    %c0_i32_0 = arith.constant 0 : i32
    return %arg0, %c0_i32 : i32, i32
  }
  func.func @transform_2(%arg0: i32) -> (i32, i32) {
    %c0_i32 = arith.constant 0 : i32
    %c0_i32_0 = arith.constant 0 : i32
    return %arg0, %c0_i32 : i32, i32
  }
  func.func @transform_3(%arg0: i32) -> (i32, i32) {
    %c0_i32 = arith.constant 0 : i32
    %c0_i32_0 = arith.constant 0 : i32
    return %arg0, %c0_i32 : i32, i32
  }
  func.func @transform_4(%arg0: i32) -> (i32, i32) {
    %c0_i32 = arith.constant 0 : i32
    %c0_i32_0 = arith.constant 0 : i32
    return %arg0, %c0_i32 : i32, i32
  }
  func.func @transform_5(%arg0: i32) -> (i32, i32) {
    %c0_i32 = arith.constant 0 : i32
    %c0_i32_0 = arith.constant 0 : i32
    %c0_i32_1 = arith.constant 0 : i32
    return %c0_i32, %c0_i32_0 : i32, i32
  }
  func.func @transform_6(%arg0: i32) -> (i32, i32) {
    %c0_i32 = arith.constant 0 : i32
    %c0_i32_0 = arith.constant 0 : i32
    %c0_i32_1 = arith.constant 0 : i32
    return %c0_i32, %c0_i32_0 : i32, i32
  }
  func.func @transform_7(%arg0: i32) -> (i32, i32) {
    %c0_i32 = arith.constant 0 : i32
    %c0_i32_0 = arith.constant 0 : i32
    %c0_i32_1 = arith.constant 0 : i32
    return %c0_i32, %c0_i32_0 : i32, i32
  }
  func.func @transform_8(%arg0: i32) -> (i32, i32) {
    %c0_i32 = arith.constant 0 : i32
    %c0_i32_0 = arith.constant 0 : i32
    %c0_i32_1 = arith.constant 0 : i32
    return %c0_i32, %c0_i32_0 : i32, i32
  }
  func.func @transform_9(%arg0: i32) -> (i32, i32) {
    %c0_i32 = arith.constant 0 : i32
    %c0_i32_0 = arith.constant 0 : i32
    return %arg0, %c0_i32 : i32, i32
  }
  func.func @transform_10(%arg0: i32) -> (i32, i32) {
    %c0_i32 = arith.constant 0 : i32
    %c0_i32_0 = arith.constant 0 : i32
    return %arg0, %c0_i32 : i32, i32
  }
}

module attributes {stable_mosaic.version = 14 : i64} {
  func.func @_pointwise_body(%arg0: i32, %arg1: memref<2000x32xf32, #tpu.memory_space<vmem>>, %arg2: memref<2000x32xf32, #tpu.memory_space<vmem>>, %arg3: memref<2000x32xf32, #tpu.memory_space<vmem>>, %arg4: memref<2000x32xf32, #tpu.memory_space<vmem>>, %arg5: memref<2000x32xf32, #tpu.memory_space<vmem>>, %arg6: memref<32x32xf32, #tpu.memory_space<vmem>>, %arg7: memref<1x32xf32, #tpu.memory_space<vmem>>, %arg8: memref<1x32xf32, #tpu.memory_space<vmem>>, %arg9: memref<1x32xf32, #tpu.memory_space<vmem>>, %arg10: memref<2000x32xf32, #tpu.memory_space<vmem>>, %arg11: memref<2000x32xbf16, #tpu.memory_space<vmem>>) attributes {dimension_semantics = [#tpu.dimension_semantics<arbitrary>], iteration_bounds = array<i64: 5>, scalar_prefetch = 0 : i64, scratch_operands = 0 : i64, tpu.core_type = #tpu.core_type<tc>, window_params = [{transform_indices = @transform_0, window_bounds = array<i64: 2000, 32>}, {transform_indices = @transform_1, window_bounds = array<i64: 2000, 32>}, {transform_indices = @transform_2, window_bounds = array<i64: 2000, 32>}, {transform_indices = @transform_3, window_bounds = array<i64: 2000, 32>}, {transform_indices = @transform_4, window_bounds = array<i64: 2000, 32>}, {pipeline_mode = #tpu.pipeline_mode<synchronous>, transform_indices = @transform_5, window_bounds = array<i64: 32, 32>}, {pipeline_mode = #tpu.pipeline_mode<synchronous>, transform_indices = @transform_6, window_bounds = array<i64: 1, 32>}, {pipeline_mode = #tpu.pipeline_mode<synchronous>, transform_indices = @transform_7, window_bounds = array<i64: 1, 32>}, {pipeline_mode = #tpu.pipeline_mode<synchronous>, transform_indices = @transform_8, window_bounds = array<i64: 1, 32>}, {transform_indices = @transform_9, window_bounds = array<i64: 2000, 32>}, {transform_indices = @transform_10, window_bounds = array<i64: 2000, 32>}]} {
    %get3A = arith.constant 0 : index
    %get3A_0 = arith.constant 0 : index
    %get3A_1 = vector.load %arg1[%get3A, %get3A_0] : memref<2000x32xf32, #tpu.memory_space<vmem>>, vector<2000x32xf32>
    %add3A = arith.constant 0.000000e+00 : f32
    %add3A_2 = vector.broadcast %add3A : f32 to vector<2000x32xf32>
    %add3A_3 = arith.addf %add3A_2, %get3A_1 : vector<2000x32xf32>
    %get3A_4 = arith.constant 0 : index
    %get3A_5 = arith.constant 0 : index
    %get3A_6 = vector.load %arg2[%get3A_4, %get3A_5] : memref<2000x32xf32, #tpu.memory_space<vmem>>, vector<2000x32xf32>
    %add3A_7 = arith.addf %add3A_3, %get3A_6 : vector<2000x32xf32>
    %get3A_8 = arith.constant 0 : index
    %get3A_9 = arith.constant 0 : index
    %get3A_10 = vector.load %arg3[%get3A_8, %get3A_9] : memref<2000x32xf32, #tpu.memory_space<vmem>>, vector<2000x32xf32>
    %slice3A = vector.extract_strided_slice %get3A_10 {offsets = [0, 0], sizes = [2000, 1], strides = [1, 1]} : vector<2000x32xf32> to vector<2000x1xf32>
    %add3A_11 = arith.constant 0.000000e+00 : f32
    %add3A_12 = vector.broadcast %add3A_11 : f32 to vector<2000x1xf32>
    %add3A_13 = arith.addf %add3A_12, %slice3A : vector<2000x1xf32>
    %get3A_14 = arith.constant 0 : index
    %get3A_15 = arith.constant 0 : index
    %get3A_16 = vector.load %arg4[%get3A_14, %get3A_15] : memref<2000x32xf32, #tpu.memory_space<vmem>>, vector<2000x32xf32>
    %slice3A_17 = vector.extract_strided_slice %get3A_16 {offsets = [0, 0], sizes = [2000, 1], strides = [1, 1]} : vector<2000x32xf32> to vector<2000x1xf32>
    %add3A_18 = arith.addf %add3A_13, %slice3A_17 : vector<2000x1xf32>
    %max3A = arith.constant 1.000000e+00 : f32
    %max3A_19 = vector.broadcast %max3A : f32 to vector<2000x1xf32>
    %max3A_20 = arith.maximumf %add3A_18, %max3A_19 : vector<2000x1xf32>
    %div3A = vector.broadcast %max3A_20 : vector<2000x1xf32> to vector<2000x32xf32>
    %div3A_21 = arith.divf %add3A_7, %div3A : vector<2000x32xf32>
    %get3A_22 = arith.constant 0 : index
    %get3A_23 = arith.constant 0 : index
    %get3A_24 = vector.load %arg5[%get3A_22, %get3A_23] : memref<2000x32xf32, #tpu.memory_space<vmem>>, vector<2000x32xf32>
    %get3A_25 = arith.constant 0 : index
    %get3A_26 = arith.constant 0 : index
    %get3A_27 = vector.load %arg6[%get3A_25, %get3A_26] : memref<32x32xf32, #tpu.memory_space<vmem>>, vector<32x32xf32>
    %dot_general3A = arith.constant dense<0.000000e+00> : vector<2000x32xf32>
    %dot_general3A_28 = tpu.matmul %get3A_24, %get3A_27, %dot_general3A {dimension_numbers = #tpu.dot_dimension_numbers<[1], [0], [0], [1], [0, 0, 1, 1], [], []>, transpose_lhs_hint = false} : vector<2000x32xf32>, vector<32x32xf32>, vector<2000x32xf32> -> vector<2000x32xf32>
    %add3A_29 = arith.addf %div3A_21, %dot_general3A_28 : vector<2000x32xf32>
    %get3A_30 = arith.constant 0 : index
    %get3A_31 = arith.constant 0 : index
    %get3A_32 = vector.load %arg7[%get3A_30, %get3A_31] : memref<1x32xf32, #tpu.memory_space<vmem>>, vector<1x32xf32>
    %add3A_33 = vector.broadcast %get3A_32 : vector<1x32xf32> to vector<2000x32xf32>
    %add3A_34 = arith.addf %add3A_29, %add3A_33 : vector<2000x32xf32>
    %reduce_sum3A = arith.constant dense<0.000000e+00> : vector<2000xf32>
    %reduce_sum3A_35 = vector.multi_reduction <add>, %add3A_34, %reduce_sum3A [1] : vector<2000x32xf32> to vector<2000xf32>
    %broadcast_in_dim3A = vector.shape_cast %reduce_sum3A_35 : vector<2000xf32> to vector<2000x1xf32>
    %div3A_36 = arith.constant 3.200000e+01 : f32
    %div3A_37 = vector.broadcast %div3A_36 : f32 to vector<2000x1xf32>
    %div3A_38 = arith.divf %broadcast_in_dim3A, %div3A_37 : vector<2000x1xf32>
    %sub3A = vector.broadcast %div3A_38 : vector<2000x1xf32> to vector<2000x32xf32>
    %sub3A_39 = arith.subf %add3A_34, %sub3A : vector<2000x32xf32>
    %mul3A = arith.mulf %sub3A_39, %sub3A_39 : vector<2000x32xf32>
    %reduce_sum3A_40 = arith.constant dense<0.000000e+00> : vector<2000xf32>
    %reduce_sum3A_41 = vector.multi_reduction <add>, %mul3A, %reduce_sum3A_40 [1] : vector<2000x32xf32> to vector<2000xf32>
    %broadcast_in_dim3A_42 = vector.shape_cast %reduce_sum3A_41 : vector<2000xf32> to vector<2000x1xf32>
    %div3A_43 = arith.constant 3.200000e+01 : f32
    %div3A_44 = vector.broadcast %div3A_43 : f32 to vector<2000x1xf32>
    %div3A_45 = arith.divf %broadcast_in_dim3A_42, %div3A_44 : vector<2000x1xf32>
    %add3A_46 = arith.constant 9.99999974E-6 : f32
    %add3A_47 = vector.broadcast %add3A_46 : f32 to vector<2000x1xf32>
    %add3A_48 = arith.addf %div3A_45, %add3A_47 : vector<2000x1xf32>
    %rsqrt3A = math.rsqrt %add3A_48 : vector<2000x1xf32>
    %mul3A_49 = vector.broadcast %rsqrt3A : vector<2000x1xf32> to vector<2000x32xf32>
    %mul3A_50 = arith.mulf %sub3A_39, %mul3A_49 : vector<2000x32xf32>
    %get3A_51 = arith.constant 0 : index
    %get3A_52 = arith.constant 0 : index
    %get3A_53 = vector.load %arg8[%get3A_51, %get3A_52] : memref<1x32xf32, #tpu.memory_space<vmem>>, vector<1x32xf32>
    %mul3A_54 = vector.broadcast %get3A_53 : vector<1x32xf32> to vector<2000x32xf32>
    %mul3A_55 = arith.mulf %mul3A_50, %mul3A_54 : vector<2000x32xf32>
    %get3A_56 = arith.constant 0 : index
    %get3A_57 = arith.constant 0 : index
    %get3A_58 = vector.load %arg9[%get3A_56, %get3A_57] : memref<1x32xf32, #tpu.memory_space<vmem>>, vector<1x32xf32>
    %add3A_59 = vector.broadcast %get3A_58 : vector<1x32xf32> to vector<2000x32xf32>
    %add3A_60 = arith.addf %mul3A_55, %add3A_59 : vector<2000x32xf32>
    %gt3A = arith.constant 0.000000e+00 : f32
    %gt3A_61 = vector.broadcast %gt3A : f32 to vector<2000x32xf32>
    %gt3A_62 = arith.cmpf ogt, %add3A_60, %gt3A_61 : vector<2000x32xf32>
    %mul3A_63 = arith.constant 0.00999999977 : f32
    %mul3A_64 = vector.broadcast %mul3A_63 : f32 to vector<2000x32xf32>
    %mul3A_65 = arith.mulf %mul3A_64, %add3A_60 : vector<2000x32xf32>
    %select_n3A = arith.select %gt3A_62, %add3A_60, %mul3A_65 : vector<2000x32xi1>, vector<2000x32xf32>
    %swap3A = arith.constant 0 : index
    %swap3A_66 = arith.constant 0 : index
    %swap3A_67 = vector.load %arg10[%swap3A, %swap3A_66] : memref<2000x32xf32, #tpu.memory_space<vmem>>, vector<2000x32xf32>
    tpu.vector_store %arg10[%swap3A, %swap3A_66], %select_n3A {strides = array<i32>} : memref<2000x32xf32, #tpu.memory_space<vmem>>, vector<2000x32xf32>,
    %convert_element_type3A = arith.truncf %select_n3A : vector<2000x32xf32> to vector<2000x32xbf16>
    %swap3A_68 = arith.constant 0 : index
    %swap3A_69 = arith.constant 0 : index
    %swap3A_70 = vector.load %arg11[%swap3A_68, %swap3A_69] : memref<2000x32xbf16, #tpu.memory_space<vmem>>, vector<2000x32xbf16>
    tpu.vector_store %arg11[%swap3A_68, %swap3A_69], %convert_element_type3A {strides = array<i32>} : memref<2000x32xbf16, #tpu.memory_space<vmem>>, vector<2000x32xbf16>,
    return
  }
  func.func @transform_0(%arg0: i32) -> (i32, i32) {
    %c0_i32 = arith.constant 0 : i32
    %c0_i32_0 = arith.constant 0 : i32
    return %arg0, %c0_i32 : i32, i32
  }
  func.func @transform_1(%arg0: i32) -> (i32, i32) {
    %c0_i32 = arith.constant 0 : i32
    %c0_i32_0 = arith.constant 0 : i32
    return %arg0, %c0_i32 : i32, i32
  }
  func.func @transform_2(%arg0: i32) -> (i32, i32) {
    %c0_i32 = arith.constant 0 : i32
    %c0_i32_0 = arith.constant 0 : i32
    return %arg0, %c0_i32 : i32, i32
  }
  func.func @transform_3(%arg0: i32) -> (i32, i32) {
    %c0_i32 = arith.constant 0 : i32
    %c0_i32_0 = arith.constant 0 : i32
    return %arg0, %c0_i32 : i32, i32
  }
  func.func @transform_4(%arg0: i32) -> (i32, i32) {
    %c0_i32 = arith.constant 0 : i32
    %c0_i32_0 = arith.constant 0 : i32
    return %arg0, %c0_i32 : i32, i32
  }
  func.func @transform_5(%arg0: i32) -> (i32, i32) {
    %c0_i32 = arith.constant 0 : i32
    %c0_i32_0 = arith.constant 0 : i32
    %c0_i32_1 = arith.constant 0 : i32
    return %c0_i32, %c0_i32_0 : i32, i32
  }
  func.func @transform_6(%arg0: i32) -> (i32, i32) {
    %c0_i32 = arith.constant 0 : i32
    %c0_i32_0 = arith.constant 0 : i32
    %c0_i32_1 = arith.constant 0 : i32
    return %c0_i32, %c0_i32_0 : i32, i32
  }
  func.func @transform_7(%arg0: i32) -> (i32, i32) {
    %c0_i32 = arith.constant 0 : i32
    %c0_i32_0 = arith.constant 0 : i32
    %c0_i32_1 = arith.constant 0 : i32
    return %c0_i32, %c0_i32_0 : i32, i32
  }
  func.func @transform_8(%arg0: i32) -> (i32, i32) {
    %c0_i32 = arith.constant 0 : i32
    %c0_i32_0 = arith.constant 0 : i32
    %c0_i32_1 = arith.constant 0 : i32
    return %c0_i32, %c0_i32_0 : i32, i32
  }
  func.func @transform_9(%arg0: i32) -> (i32, i32) {
    %c0_i32 = arith.constant 0 : i32
    %c0_i32_0 = arith.constant 0 : i32
    return %arg0, %c0_i32 : i32, i32
  }
  func.func @transform_10(%arg0: i32) -> (i32, i32) {
    %c0_i32 = arith.constant 0 : i32
    %c0_i32_0 = arith.constant 0 : i32
    return %arg0, %c0_i32 : i32, i32
  }
}

module attributes {stable_mosaic.version = 14 : i64} {
  func.func @_pool_body(%arg0: i32, %arg1: memref<400x32xf32, #tpu.memory_space<vmem>>, %arg2: memref<400x8xi32, #tpu.memory_space<vmem>>, %arg3: memref<64x4xf32, #tpu.memory_space<vmem>>, %arg4: memref<64x1xf32, #tpu.memory_space<vmem>>, %arg5: memref<32x2xf32, #tpu.memory_space<vmem>>, %arg6: memref<32x2xf32, #tpu.memory_space<vmem>>, %arg7: memref<4x2xf32, #tpu.memory_space<vmem>>, %arg8: memref<1x2xf32, #tpu.memory_space<vmem>>, %arg9: memref<1x2xf32, #tpu.memory_space<vmem>>, %arg10: memref<64x2xf32, #tpu.memory_space<vmem>>, %arg11: memref<64x32xf32, #tpu.memory_space<vmem>>, %arg12: memref<64x32xf32, #tpu.memory_space<vmem>>, %arg13: memref<64x32xf32, #tpu.memory_space<vmem>>) attributes {dimension_semantics = [#tpu.dimension_semantics<arbitrary>], iteration_bounds = array<i64: 25>, scalar_prefetch = 0 : i64, scratch_operands = 3 : i64, tpu.core_type = #tpu.core_type<tc>, window_params = [{transform_indices = @transform_0, window_bounds = array<i64: 400, 32>}, {transform_indices = @transform_1, window_bounds = array<i64: 400, 8>}, {pipeline_mode = #tpu.pipeline_mode<synchronous>, transform_indices = @transform_2, window_bounds = array<i64: 64, 4>}, {pipeline_mode = #tpu.pipeline_mode<synchronous>, transform_indices = @transform_3, window_bounds = array<i64: 64, 1>}, {pipeline_mode = #tpu.pipeline_mode<synchronous>, transform_indices = @transform_4, window_bounds = array<i64: 32, 2>}, {pipeline_mode = #tpu.pipeline_mode<synchronous>, transform_indices = @transform_5, window_bounds = array<i64: 32, 2>}, {pipeline_mode = #tpu.pipeline_mode<synchronous>, transform_indices = @transform_6, window_bounds = array<i64: 4, 2>}, {pipeline_mode = #tpu.pipeline_mode<synchronous>, transform_indices = @transform_7, window_bounds = array<i64: 1, 2>}, {pipeline_mode = #tpu.pipeline_mode<synchronous>, transform_indices = @transform_8, window_bounds = array<i64: 1, 2>}, {pipeline_mode = #tpu.pipeline_mode<synchronous>, transform_indices = @transform_9, window_bounds = array<i64: 64, 2>}]} {
    %eq3A = arith.constant 0 : i32
    %eq3A_0 = arith.cmpi eq, %arg0, %eq3A : i32
    %convert_element_type3A = arith.extui %eq3A_0 : i1 to i32
    %cond3A = arith.constant 0 : i32
    %cond3A_1 = arith.cmpi ne, %convert_element_type3A, %cond3A : i32
    scf.if %cond3A_1 {
      %broadcast_in_dim3A_783 = arith.constant 0.000000e+00 : f32
      %broadcast_in_dim3A_784 = vector.broadcast %broadcast_in_dim3A_783 : f32 to vector<64x32xf32>
      %swap3A_785 = arith.constant 0 : index
      %swap3A_786 = arith.constant 0 : index
      %swap3A_787 = vector.load %arg11[%swap3A_785, %swap3A_786] : memref<64x32xf32, #tpu.memory_space<vmem>>, vector<64x32xf32>
      tpu.vector_store %arg11[%swap3A_785, %swap3A_786], %broadcast_in_dim3A_784 {strides = array<i32>} : memref<64x32xf32, #tpu.memory_space<vmem>>, vector<64x32xf32>,
      %broadcast_in_dim3A_788 = arith.constant 0.000000e+00 : f32
      %broadcast_in_dim3A_789 = vector.broadcast %broadcast_in_dim3A_788 : f32 to vector<64x32xf32>
      %swap3A_790 = arith.constant 0 : index
      %swap3A_791 = arith.constant 0 : index
      %swap3A_792 = vector.load %arg12[%swap3A_790, %swap3A_791] : memref<64x32xf32, #tpu.memory_space<vmem>>, vector<64x32xf32>
      tpu.vector_store %arg12[%swap3A_790, %swap3A_791], %broadcast_in_dim3A_789 {strides = array<i32>} : memref<64x32xf32, #tpu.memory_space<vmem>>, vector<64x32xf32>,
      %broadcast_in_dim3A_793 = arith.constant 0xFF800000 : f32
      %broadcast_in_dim3A_794 = vector.broadcast %broadcast_in_dim3A_793 : f32 to vector<64x32xf32>
      %swap3A_795 = arith.constant 0 : index
      %swap3A_796 = arith.constant 0 : index
      %swap3A_797 = vector.load %arg13[%swap3A_795, %swap3A_796] : memref<64x32xf32, #tpu.memory_space<vmem>>, vector<64x32xf32>
      tpu.vector_store %arg13[%swap3A_795, %swap3A_796], %broadcast_in_dim3A_794 {strides = array<i32>} : memref<64x32xf32, #tpu.memory_space<vmem>>, vector<64x32xf32>,
    } else {
    }
    %get3A = arith.constant 0 : index
    %get3A_2 = arith.constant 0 : index
    %get3A_3 = vector.load %arg1[%get3A, %get3A_2] : memref<400x32xf32, #tpu.memory_space<vmem>>, vector<400x32xf32>
    %get3A_4 = arith.constant 0 : index
    %get3A_5 = arith.constant 0 : index
    %get3A_6 = vector.load %arg2[%get3A_4, %get3A_5] : memref<400x8xi32, #tpu.memory_space<vmem>>, vector<400x8xi32>
    %slice3A = vector.extract_strided_slice %get3A_6 {offsets = [0, 0], sizes = [400, 1], strides = [1, 1]} : vector<400x8xi32> to vector<400x1xi32>
    %iota3A = tpu.iota {dimensions = array<i32: 1>} : vector<400x64xi32>
    %eq3A_7 = vector.broadcast %slice3A : vector<400x1xi32> to vector<400x64xi32>
    %eq3A_8 = arith.cmpi eq, %eq3A_7, %iota3A : vector<400x64xi32>
    %convert_element_type3A_9 = arith.extui %eq3A_8 : vector<400x64xi1> to vector<400x64xi32>
    %convert_element_type3A_10 = arith.sitofp %convert_element_type3A_9 : vector<400x64xi32> to vector<400x64xf32>
    %get3A_11 = arith.constant 0 : index
    %get3A_12 = arith.constant 0 : index
    %get3A_13 = vector.load %arg11[%get3A_11, %get3A_12] : memref<64x32xf32, #tpu.memory_space<vmem>>, vector<64x32xf32>
    %dot_general3A = arith.constant dense<0.000000e+00> : vector<64x32xf32>
    %dot_general3A_14 = tpu.matmul %convert_element_type3A_10, %get3A_3, %dot_general3A {dimension_numbers = #tpu.dot_dimension_numbers<[0], [0], [1], [1], [0, 1, 1, 1], [], []>, transpose_lhs_hint = false} : vector<400x64xf32>, vector<400x32xf32>, vector<64x32xf32> -> vector<64x32xf32>
    %add3A = arith.addf %get3A_13, %dot_general3A_14 : vector<64x32xf32>
    %swap3A = arith.constant 0 : index
    %swap3A_15 = arith.constant 0 : index
    %swap3A_16 = vector.load %arg11[%swap3A, %swap3A_15] : memref<64x32xf32, #tpu.memory_space<vmem>>, vector<64x32xf32>
    tpu.vector_store %arg11[%swap3A, %swap3A_15], %add3A {strides = array<i32>} : memref<64x32xf32, #tpu.memory_space<vmem>>, vector<64x32xf32>,
    %get3A_17 = arith.constant 0 : index
    %get3A_18 = arith.constant 0 : index
    %get3A_19 = vector.load %arg12[%get3A_17, %get3A_18] : memref<64x32xf32, #tpu.memory_space<vmem>>, vector<64x32xf32>
    %broadcast_in_dim3A = arith.constant 1.000000e+00 : f32
    %broadcast_in_dim3A_20 = vector.broadcast %broadcast_in_dim3A : f32 to vector<400x32xf32>
    %dot_general3A_21 = arith.constant dense<0.000000e+00> : vector<64x32xf32>
    %dot_general3A_22 = tpu.matmul %convert_element_type3A_10, %broadcast_in_dim3A_20, %dot_general3A_21 {dimension_numbers = #tpu.dot_dimension_numbers<[0], [0], [1], [1], [0, 1, 1, 1], [], []>, transpose_lhs_hint = false} : vector<400x64xf32>, vector<400x32xf32>, vector<64x32xf32> -> vector<64x32xf32>
    %add3A_23 = arith.addf %get3A_19, %dot_general3A_22 : vector<64x32xf32>
    %swap3A_24 = arith.constant 0 : index
    %swap3A_25 = arith.constant 0 : index
    %swap3A_26 = vector.load %arg12[%swap3A_24, %swap3A_25] : memref<64x32xf32, #tpu.memory_space<vmem>>, vector<64x32xf32>
    tpu.vector_store %arg12[%swap3A_24, %swap3A_25], %add3A_23 {strides = array<i32>} : memref<64x32xf32, #tpu.memory_space<vmem>>, vector<64x32xf32>,
    %eq3A_27 = arith.constant 0 : i32
    %eq3A_28 = vector.broadcast %eq3A_27 : i32 to vector<400x1xi32>
    %eq3A_29 = arith.cmpi eq, %slice3A, %eq3A_28 : vector<400x1xi32>
    %jit3A = arith.constant 0xFF800000 : f32
    %broadcast_in_dim3A_30 = vector.shape_cast %eq3A_29 : vector<400x1xi1> to vector<400x1xi1>
    %broadcast_in_dim3A_31 = vector.broadcast %broadcast_in_dim3A_30 : vector<400x1xi1> to vector<400x32xi1>
    %broadcast_in_dim3A_32 = vector.broadcast %jit3A : f32 to vector<400x32xf32>
    %select_n3A = arith.select %broadcast_in_dim3A_31, %get3A_3, %broadcast_in_dim3A_32 : vector<400x32xi1>, vector<400x32xf32>
    %reduce_max3A = arith.constant dense<0xFF800000> : vector<32xf32>
    %reduce_max3A_33 = vector.multi_reduction <maximumf>, %select_n3A, %reduce_max3A [0] : vector<400x32xf32> to vector<32xf32>
    %broadcast_in_dim3A_34 = vector.shape_cast %reduce_max3A_33 : vector<32xf32> to vector<1x32xf32>
    %eq3A_35 = arith.constant 1 : i32
    %eq3A_36 = vector.broadcast %eq3A_35 : i32 to vector<400x1xi32>
    %eq3A_37 = arith.cmpi eq, %slice3A, %eq3A_36 : vector<400x1xi32>
    %jit3A_38 = arith.constant 0xFF800000 : f32
    %broadcast_in_dim3A_39 = vector.shape_cast %eq3A_37 : vector<400x1xi1> to vector<400x1xi1>
    %broadcast_in_dim3A_40 = vector.broadcast %broadcast_in_dim3A_39 : vector<400x1xi1> to vector<400x32xi1>
    %broadcast_in_dim3A_41 = vector.broadcast %jit3A_38 : f32 to vector<400x32xf32>
    %select_n3A_42 = arith.select %broadcast_in_dim3A_40, %get3A_3, %broadcast_in_dim3A_41 : vector<400x32xi1>, vector<400x32xf32>
    %reduce_max3A_43 = arith.constant dense<0xFF800000> : vector<32xf32>
    %reduce_max3A_44 = vector.multi_reduction <maximumf>, %select_n3A_42, %reduce_max3A_43 [0] : vector<400x32xf32> to vector<32xf32>
    %broadcast_in_dim3A_45 = vector.shape_cast %reduce_max3A_44 : vector<32xf32> to vector<1x32xf32>
    %eq3A_46 = arith.constant 2 : i32
    %eq3A_47 = vector.broadcast %eq3A_46 : i32 to vector<400x1xi32>
    %eq3A_48 = arith.cmpi eq, %slice3A, %eq3A_47 : vector<400x1xi32>
    %jit3A_49 = arith.constant 0xFF800000 : f32
    %broadcast_in_dim3A_50 = vector.shape_cast %eq3A_48 : vector<400x1xi1> to vector<400x1xi1>
    %broadcast_in_dim3A_51 = vector.broadcast %broadcast_in_dim3A_50 : vector<400x1xi1> to vector<400x32xi1>
    %broadcast_in_dim3A_52 = vector.broadcast %jit3A_49 : f32 to vector<400x32xf32>
    %select_n3A_53 = arith.select %broadcast_in_dim3A_51, %get3A_3, %broadcast_in_dim3A_52 : vector<400x32xi1>, vector<400x32xf32>
    %reduce_max3A_54 = arith.constant dense<0xFF800000> : vector<32xf32>
    %reduce_max3A_55 = vector.multi_reduction <maximumf>, %select_n3A_53, %reduce_max3A_54 [0] : vector<400x32xf32> to vector<32xf32>
    %broadcast_in_dim3A_56 = vector.shape_cast %reduce_max3A_55 : vector<32xf32> to vector<1x32xf32>
    %eq3A_57 = arith.constant 3 : i32
    %eq3A_58 = vector.broadcast %eq3A_57 : i32 to vector<400x1xi32>
    %eq3A_59 = arith.cmpi eq, %slice3A, %eq3A_58 : vector<400x1xi32>
    %jit3A_60 = arith.constant 0xFF800000 : f32
    %broadcast_in_dim3A_61 = vector.shape_cast %eq3A_59 : vector<400x1xi1> to vector<400x1xi1>
    %broadcast_in_dim3A_62 = vector.broadcast %broadcast_in_dim3A_61 : vector<400x1xi1> to vector<400x32xi1>
    %broadcast_in_dim3A_63 = vector.broadcast %jit3A_60 : f32 to vector<400x32xf32>
    %select_n3A_64 = arith.select %broadcast_in_dim3A_62, %get3A_3, %broadcast_in_dim3A_63 : vector<400x32xi1>, vector<400x32xf32>
    %reduce_max3A_65 = arith.constant dense<0xFF800000> : vector<32xf32>
    %reduce_max3A_66 = vector.multi_reduction <maximumf>, %select_n3A_64, %reduce_max3A_65 [0] : vector<400x32xf32> to vector<32xf32>
    %broadcast_in_dim3A_67 = vector.shape_cast %reduce_max3A_66 : vector<32xf32> to vector<1x32xf32>
    %eq3A_68 = arith.constant 4 : i32
    %eq3A_69 = vector.broadcast %eq3A_68 : i32 to vector<400x1xi32>
    %eq3A_70 = arith.cmpi eq, %slice3A, %eq3A_69 : vector<400x1xi32>
    %jit3A_71 = arith.constant 0xFF800000 : f32
    %broadcast_in_dim3A_72 = vector.shape_cast %eq3A_70 : vector<400x1xi1> to vector<400x1xi1>
    %broadcast_in_dim3A_73 = vector.broadcast %broadcast_in_dim3A_72 : vector<400x1xi1> to vector<400x32xi1>
    %broadcast_in_dim3A_74 = vector.broadcast %jit3A_71 : f32 to vector<400x32xf32>
    %select_n3A_75 = arith.select %broadcast_in_dim3A_73, %get3A_3, %broadcast_in_dim3A_74 : vector<400x32xi1>, vector<400x32xf32>
    %reduce_max3A_76 = arith.constant dense<0xFF800000> : vector<32xf32>
    %reduce_max3A_77 = vector.multi_reduction <maximumf>, %select_n3A_75, %reduce_max3A_76 [0] : vector<400x32xf32> to vector<32xf32>
    %broadcast_in_dim3A_78 = vector.shape_cast %reduce_max3A_77 : vector<32xf32> to vector<1x32xf32>
    %eq3A_79 = arith.constant 5 : i32
    %eq3A_80 = vector.broadcast %eq3A_79 : i32 to vector<400x1xi32>
    %eq3A_81 = arith.cmpi eq, %slice3A, %eq3A_80 : vector<400x1xi32>
    %jit3A_82 = arith.constant 0xFF800000 : f32
    %broadcast_in_dim3A_83 = vector.shape_cast %eq3A_81 : vector<400x1xi1> to vector<400x1xi1>
    %broadcast_in_dim3A_84 = vector.broadcast %broadcast_in_dim3A_83 : vector<400x1xi1> to vector<400x32xi1>
    %broadcast_in_dim3A_85 = vector.broadcast %jit3A_82 : f32 to vector<400x32xf32>
    %select_n3A_86 = arith.select %broadcast_in_dim3A_84, %get3A_3, %broadcast_in_dim3A_85 : vector<400x32xi1>, vector<400x32xf32>
    %reduce_max3A_87 = arith.constant dense<0xFF800000> : vector<32xf32>
    %reduce_max3A_88 = vector.multi_reduction <maximumf>, %select_n3A_86, %reduce_max3A_87 [0] : vector<400x32xf32> to vector<32xf32>
    %broadcast_in_dim3A_89 = vector.shape_cast %reduce_max3A_88 : vector<32xf32> to vector<1x32xf32>
    %eq3A_90 = arith.constant 6 : i32
    %eq3A_91 = vector.broadcast %eq3A_90 : i32 to vector<400x1xi32>
    %eq3A_92 = arith.cmpi eq, %slice3A, %eq3A_91 : vector<400x1xi32>
    %jit3A_93 = arith.constant 0xFF800000 : f32
    %broadcast_in_dim3A_94 = vector.shape_cast %eq3A_92 : vector<400x1xi1> to vector<400x1xi1>
    %broadcast_in_dim3A_95 = vector.broadcast %broadcast_in_dim3A_94 : vector<400x1xi1> to vector<400x32xi1>
    %broadcast_in_dim3A_96 = vector.broadcast %jit3A_93 : f32 to vector<400x32xf32>
    %select_n3A_97 = arith.select %broadcast_in_dim3A_95, %get3A_3, %broadcast_in_dim3A_96 : vector<400x32xi1>, vector<400x32xf32>
    %reduce_max3A_98 = arith.constant dense<0xFF800000> : vector<32xf32>
    %reduce_max3A_99 = vector.multi_reduction <maximumf>, %select_n3A_97, %reduce_max3A_98 [0] : vector<400x32xf32> to vector<32xf32>
    %broadcast_in_dim3A_100 = vector.shape_cast %reduce_max3A_99 : vector<32xf32> to vector<1x32xf32>
    %eq3A_101 = arith.constant 7 : i32
    %eq3A_102 = vector.broadcast %eq3A_101 : i32 to vector<400x1xi32>
    %eq3A_103 = arith.cmpi eq, %slice3A, %eq3A_102 : vector<400x1xi32>
    %jit3A_104 = arith.constant 0xFF800000 : f32
    %broadcast_in_dim3A_105 = vector.shape_cast %eq3A_103 : vector<400x1xi1> to vector<400x1xi1>
    %broadcast_in_dim3A_106 = vector.broadcast %broadcast_in_dim3A_105 : vector<400x1xi1> to vector<400x32xi1>
    %broadcast_in_dim3A_107 = vector.broadcast %jit3A_104 : f32 to vector<400x32xf32>
    %select_n3A_108 = arith.select %broadcast_in_dim3A_106, %get3A_3, %broadcast_in_dim3A_107 : vector<400x32xi1>, vector<400x32xf32>
    %reduce_max3A_109 = arith.constant dense<0xFF800000> : vector<32xf32>
    %reduce_max3A_110 = vector.multi_reduction <maximumf>, %select_n3A_108, %reduce_max3A_109 [0] : vector<400x32xf32> to vector<32xf32>
    %broadcast_in_dim3A_111 = vector.shape_cast %reduce_max3A_110 : vector<32xf32> to vector<1x32xf32>
    %eq3A_112 = arith.constant 8 : i32
    %eq3A_113 = vector.broadcast %eq3A_112 : i32 to vector<400x1xi32>
    %eq3A_114 = arith.cmpi eq, %slice3A, %eq3A_113 : vector<400x1xi32>
    %jit3A_115 = arith.constant 0xFF800000 : f32
    %broadcast_in_dim3A_116 = vector.shape_cast %eq3A_114 : vector<400x1xi1> to vector<400x1xi1>
    %broadcast_in_dim3A_117 = vector.broadcast %broadcast_in_dim3A_116 : vector<400x1xi1> to vector<400x32xi1>
    %broadcast_in_dim3A_118 = vector.broadcast %jit3A_115 : f32 to vector<400x32xf32>
    %select_n3A_119 = arith.select %broadcast_in_dim3A_117, %get3A_3, %broadcast_in_dim3A_118 : vector<400x32xi1>, vector<400x32xf32>
    %reduce_max3A_120 = arith.constant dense<0xFF800000> : vector<32xf32>
    %reduce_max3A_121 = vector.multi_reduction <maximumf>, %select_n3A_119, %reduce_max3A_120 [0] : vector<400x32xf32> to vector<32xf32>
    %broadcast_in_dim3A_122 = vector.shape_cast %reduce_max3A_121 : vector<32xf32> to vector<1x32xf32>
    %eq3A_123 = arith.constant 9 : i32
    %eq3A_124 = vector.broadcast %eq3A_123 : i32 to vector<400x1xi32>
    %eq3A_125 = arith.cmpi eq, %slice3A, %eq3A_124 : vector<400x1xi32>
    %jit3A_126 = arith.constant 0xFF800000 : f32
    %broadcast_in_dim3A_127 = vector.shape_cast %eq3A_125 : vector<400x1xi1> to vector<400x1xi1>
    %broadcast_in_dim3A_128 = vector.broadcast %broadcast_in_dim3A_127 : vector<400x1xi1> to vector<400x32xi1>
    %broadcast_in_dim3A_129 = vector.broadcast %jit3A_126 : f32 to vector<400x32xf32>
    %select_n3A_130 = arith.select %broadcast_in_dim3A_128, %get3A_3, %broadcast_in_dim3A_129 : vector<400x32xi1>, vector<400x32xf32>
    %reduce_max3A_131 = arith.constant dense<0xFF800000> : vector<32xf32>
    %reduce_max3A_132 = vector.multi_reduction <maximumf>, %select_n3A_130, %reduce_max3A_131 [0] : vector<400x32xf32> to vector<32xf32>
    %broadcast_in_dim3A_133 = vector.shape_cast %reduce_max3A_132 : vector<32xf32> to vector<1x32xf32>
    %eq3A_134 = arith.constant 10 : i32
    %eq3A_135 = vector.broadcast %eq3A_134 : i32 to vector<400x1xi32>
    %eq3A_136 = arith.cmpi eq, %slice3A, %eq3A_135 : vector<400x1xi32>
    %jit3A_137 = arith.constant 0xFF800000 : f32
    %broadcast_in_dim3A_138 = vector.shape_cast %eq3A_136 : vector<400x1xi1> to vector<400x1xi1>
    %broadcast_in_dim3A_139 = vector.broadcast %broadcast_in_dim3A_138 : vector<400x1xi1> to vector<400x32xi1>
    %broadcast_in_dim3A_140 = vector.broadcast %jit3A_137 : f32 to vector<400x32xf32>
    %select_n3A_141 = arith.select %broadcast_in_dim3A_139, %get3A_3, %broadcast_in_dim3A_140 : vector<400x32xi1>, vector<400x32xf32>
    %reduce_max3A_142 = arith.constant dense<0xFF800000> : vector<32xf32>
    %reduce_max3A_143 = vector.multi_reduction <maximumf>, %select_n3A_141, %reduce_max3A_142 [0] : vector<400x32xf32> to vector<32xf32>
    %broadcast_in_dim3A_144 = vector.shape_cast %reduce_max3A_143 : vector<32xf32> to vector<1x32xf32>
    %eq3A_145 = arith.constant 11 : i32
    %eq3A_146 = vector.broadcast %eq3A_145 : i32 to vector<400x1xi32>
    %eq3A_147 = arith.cmpi eq, %slice3A, %eq3A_146 : vector<400x1xi32>
    %jit3A_148 = arith.constant 0xFF800000 : f32
    %broadcast_in_dim3A_149 = vector.shape_cast %eq3A_147 : vector<400x1xi1> to vector<400x1xi1>
    %broadcast_in_dim3A_150 = vector.broadcast %broadcast_in_dim3A_149 : vector<400x1xi1> to vector<400x32xi1>
    %broadcast_in_dim3A_151 = vector.broadcast %jit3A_148 : f32 to vector<400x32xf32>
    %select_n3A_152 = arith.select %broadcast_in_dim3A_150, %get3A_3, %broadcast_in_dim3A_151 : vector<400x32xi1>, vector<400x32xf32>
    %reduce_max3A_153 = arith.constant dense<0xFF800000> : vector<32xf32>
    %reduce_max3A_154 = vector.multi_reduction <maximumf>, %select_n3A_152, %reduce_max3A_153 [0] : vector<400x32xf32> to vector<32xf32>
    %broadcast_in_dim3A_155 = vector.shape_cast %reduce_max3A_154 : vector<32xf32> to vector<1x32xf32>
    %eq3A_156 = arith.constant 12 : i32
    %eq3A_157 = vector.broadcast %eq3A_156 : i32 to vector<400x1xi32>
    %eq3A_158 = arith.cmpi eq, %slice3A, %eq3A_157 : vector<400x1xi32>
    %jit3A_159 = arith.constant 0xFF800000 : f32
    %broadcast_in_dim3A_160 = vector.shape_cast %eq3A_158 : vector<400x1xi1> to vector<400x1xi1>
    %broadcast_in_dim3A_161 = vector.broadcast %broadcast_in_dim3A_160 : vector<400x1xi1> to vector<400x32xi1>
    %broadcast_in_dim3A_162 = vector.broadcast %jit3A_159 : f32 to vector<400x32xf32>
    %select_n3A_163 = arith.select %broadcast_in_dim3A_161, %get3A_3, %broadcast_in_dim3A_162 : vector<400x32xi1>, vector<400x32xf32>
    %reduce_max3A_164 = arith.constant dense<0xFF800000> : vector<32xf32>
    %reduce_max3A_165 = vector.multi_reduction <maximumf>, %select_n3A_163, %reduce_max3A_164 [0] : vector<400x32xf32> to vector<32xf32>
    %broadcast_in_dim3A_166 = vector.shape_cast %reduce_max3A_165 : vector<32xf32> to vector<1x32xf32>
    %eq3A_167 = arith.constant 13 : i32
    %eq3A_168 = vector.broadcast %eq3A_167 : i32 to vector<400x1xi32>
    %eq3A_169 = arith.cmpi eq, %slice3A, %eq3A_168 : vector<400x1xi32>
    %jit3A_170 = arith.constant 0xFF800000 : f32
    %broadcast_in_dim3A_171 = vector.shape_cast %eq3A_169 : vector<400x1xi1> to vector<400x1xi1>
    %broadcast_in_dim3A_172 = vector.broadcast %broadcast_in_dim3A_171 : vector<400x1xi1> to vector<400x32xi1>
    %broadcast_in_dim3A_173 = vector.broadcast %jit3A_170 : f32 to vector<400x32xf32>
    %select_n3A_174 = arith.select %broadcast_in_dim3A_172, %get3A_3, %broadcast_in_dim3A_173 : vector<400x32xi1>, vector<400x32xf32>
    %reduce_max3A_175 = arith.constant dense<0xFF800000> : vector<32xf32>
    %reduce_max3A_176 = vector.multi_reduction <maximumf>, %select_n3A_174, %reduce_max3A_175 [0] : vector<400x32xf32> to vector<32xf32>
    %broadcast_in_dim3A_177 = vector.shape_cast %reduce_max3A_176 : vector<32xf32> to vector<1x32xf32>
    %eq3A_178 = arith.constant 14 : i32
    %eq3A_179 = vector.broadcast %eq3A_178 : i32 to vector<400x1xi32>
    %eq3A_180 = arith.cmpi eq, %slice3A, %eq3A_179 : vector<400x1xi32>
    %jit3A_181 = arith.constant 0xFF800000 : f32
    %broadcast_in_dim3A_182 = vector.shape_cast %eq3A_180 : vector<400x1xi1> to vector<400x1xi1>
    %broadcast_in_dim3A_183 = vector.broadcast %broadcast_in_dim3A_182 : vector<400x1xi1> to vector<400x32xi1>
    %broadcast_in_dim3A_184 = vector.broadcast %jit3A_181 : f32 to vector<400x32xf32>
    %select_n3A_185 = arith.select %broadcast_in_dim3A_183, %get3A_3, %broadcast_in_dim3A_184 : vector<400x32xi1>, vector<400x32xf32>
    %reduce_max3A_186 = arith.constant dense<0xFF800000> : vector<32xf32>
    %reduce_max3A_187 = vector.multi_reduction <maximumf>, %select_n3A_185, %reduce_max3A_186 [0] : vector<400x32xf32> to vector<32xf32>
    %broadcast_in_dim3A_188 = vector.shape_cast %reduce_max3A_187 : vector<32xf32> to vector<1x32xf32>
    %eq3A_189 = arith.constant 15 : i32
    %eq3A_190 = vector.broadcast %eq3A_189 : i32 to vector<400x1xi32>
    %eq3A_191 = arith.cmpi eq, %slice3A, %eq3A_190 : vector<400x1xi32>
    %jit3A_192 = arith.constant 0xFF800000 : f32
    %broadcast_in_dim3A_193 = vector.shape_cast %eq3A_191 : vector<400x1xi1> to vector<400x1xi1>
    %broadcast_in_dim3A_194 = vector.broadcast %broadcast_in_dim3A_193 : vector<400x1xi1> to vector<400x32xi1>
    %broadcast_in_dim3A_195 = vector.broadcast %jit3A_192 : f32 to vector<400x32xf32>
    %select_n3A_196 = arith.select %broadcast_in_dim3A_194, %get3A_3, %broadcast_in_dim3A_195 : vector<400x32xi1>, vector<400x32xf32>
    %reduce_max3A_197 = arith.constant dense<0xFF800000> : vector<32xf32>
    %reduce_max3A_198 = vector.multi_reduction <maximumf>, %select_n3A_196, %reduce_max3A_197 [0] : vector<400x32xf32> to vector<32xf32>
    %broadcast_in_dim3A_199 = vector.shape_cast %reduce_max3A_198 : vector<32xf32> to vector<1x32xf32>
    %eq3A_200 = arith.constant 16 : i32
    %eq3A_201 = vector.broadcast %eq3A_200 : i32 to vector<400x1xi32>
    %eq3A_202 = arith.cmpi eq, %slice3A, %eq3A_201 : vector<400x1xi32>
    %jit3A_203 = arith.constant 0xFF800000 : f32
    %broadcast_in_dim3A_204 = vector.shape_cast %eq3A_202 : vector<400x1xi1> to vector<400x1xi1>
    %broadcast_in_dim3A_205 = vector.broadcast %broadcast_in_dim3A_204 : vector<400x1xi1> to vector<400x32xi1>
    %broadcast_in_dim3A_206 = vector.broadcast %jit3A_203 : f32 to vector<400x32xf32>
    %select_n3A_207 = arith.select %broadcast_in_dim3A_205, %get3A_3, %broadcast_in_dim3A_206 : vector<400x32xi1>, vector<400x32xf32>
    %reduce_max3A_208 = arith.constant dense<0xFF800000> : vector<32xf32>
    %reduce_max3A_209 = vector.multi_reduction <maximumf>, %select_n3A_207, %reduce_max3A_208 [0] : vector<400x32xf32> to vector<32xf32>
    %broadcast_in_dim3A_210 = vector.shape_cast %reduce_max3A_209 : vector<32xf32> to vector<1x32xf32>
    %eq3A_211 = arith.constant 17 : i32
    %eq3A_212 = vector.broadcast %eq3A_211 : i32 to vector<400x1xi32>
    %eq3A_213 = arith.cmpi eq, %slice3A, %eq3A_212 : vector<400x1xi32>
    %jit3A_214 = arith.constant 0xFF800000 : f32
    %broadcast_in_dim3A_215 = vector.shape_cast %eq3A_213 : vector<400x1xi1> to vector<400x1xi1>
    %broadcast_in_dim3A_216 = vector.broadcast %broadcast_in_dim3A_215 : vector<400x1xi1> to vector<400x32xi1>
    %broadcast_in_dim3A_217 = vector.broadcast %jit3A_214 : f32 to vector<400x32xf32>
    %select_n3A_218 = arith.select %broadcast_in_dim3A_216, %get3A_3, %broadcast_in_dim3A_217 : vector<400x32xi1>, vector<400x32xf32>
    %reduce_max3A_219 = arith.constant dense<0xFF800000> : vector<32xf32>
    %reduce_max3A_220 = vector.multi_reduction <maximumf>, %select_n3A_218, %reduce_max3A_219 [0] : vector<400x32xf32> to vector<32xf32>
    %broadcast_in_dim3A_221 = vector.shape_cast %reduce_max3A_220 : vector<32xf32> to vector<1x32xf32>
    %eq3A_222 = arith.constant 18 : i32
    %eq3A_223 = vector.broadcast %eq3A_222 : i32 to vector<400x1xi32>
    %eq3A_224 = arith.cmpi eq, %slice3A, %eq3A_223 : vector<400x1xi32>
    %jit3A_225 = arith.constant 0xFF800000 : f32
    %broadcast_in_dim3A_226 = vector.shape_cast %eq3A_224 : vector<400x1xi1> to vector<400x1xi1>
    %broadcast_in_dim3A_227 = vector.broadcast %broadcast_in_dim3A_226 : vector<400x1xi1> to vector<400x32xi1>
    %broadcast_in_dim3A_228 = vector.broadcast %jit3A_225 : f32 to vector<400x32xf32>
    %select_n3A_229 = arith.select %broadcast_in_dim3A_227, %get3A_3, %broadcast_in_dim3A_228 : vector<400x32xi1>, vector<400x32xf32>
    %reduce_max3A_230 = arith.constant dense<0xFF800000> : vector<32xf32>
    %reduce_max3A_231 = vector.multi_reduction <maximumf>, %select_n3A_229, %reduce_max3A_230 [0] : vector<400x32xf32> to vector<32xf32>
    %broadcast_in_dim3A_232 = vector.shape_cast %reduce_max3A_231 : vector<32xf32> to vector<1x32xf32>
    %eq3A_233 = arith.constant 19 : i32
    %eq3A_234 = vector.broadcast %eq3A_233 : i32 to vector<400x1xi32>
    %eq3A_235 = arith.cmpi eq, %slice3A, %eq3A_234 : vector<400x1xi32>
    %jit3A_236 = arith.constant 0xFF800000 : f32
    %broadcast_in_dim3A_237 = vector.shape_cast %eq3A_235 : vector<400x1xi1> to vector<400x1xi1>
    %broadcast_in_dim3A_238 = vector.broadcast %broadcast_in_dim3A_237 : vector<400x1xi1> to vector<400x32xi1>
    %broadcast_in_dim3A_239 = vector.broadcast %jit3A_236 : f32 to vector<400x32xf32>
    %select_n3A_240 = arith.select %broadcast_in_dim3A_238, %get3A_3, %broadcast_in_dim3A_239 : vector<400x32xi1>, vector<400x32xf32>
    %reduce_max3A_241 = arith.constant dense<0xFF800000> : vector<32xf32>
    %reduce_max3A_242 = vector.multi_reduction <maximumf>, %select_n3A_240, %reduce_max3A_241 [0] : vector<400x32xf32> to vector<32xf32>
    %broadcast_in_dim3A_243 = vector.shape_cast %reduce_max3A_242 : vector<32xf32> to vector<1x32xf32>
    %eq3A_244 = arith.constant 20 : i32
    %eq3A_245 = vector.broadcast %eq3A_244 : i32 to vector<400x1xi32>
    %eq3A_246 = arith.cmpi eq, %slice3A, %eq3A_245 : vector<400x1xi32>
    %jit3A_247 = arith.constant 0xFF800000 : f32
    %broadcast_in_dim3A_248 = vector.shape_cast %eq3A_246 : vector<400x1xi1> to vector<400x1xi1>
    %broadcast_in_dim3A_249 = vector.broadcast %broadcast_in_dim3A_248 : vector<400x1xi1> to vector<400x32xi1>
    %broadcast_in_dim3A_250 = vector.broadcast %jit3A_247 : f32 to vector<400x32xf32>
    %select_n3A_251 = arith.select %broadcast_in_dim3A_249, %get3A_3, %broadcast_in_dim3A_250 : vector<400x32xi1>, vector<400x32xf32>
    %reduce_max3A_252 = arith.constant dense<0xFF800000> : vector<32xf32>
    %reduce_max3A_253 = vector.multi_reduction <maximumf>, %select_n3A_251, %reduce_max3A_252 [0] : vector<400x32xf32> to vector<32xf32>
    %broadcast_in_dim3A_254 = vector.shape_cast %reduce_max3A_253 : vector<32xf32> to vector<1x32xf32>
    %eq3A_255 = arith.constant 21 : i32
    %eq3A_256 = vector.broadcast %eq3A_255 : i32 to vector<400x1xi32>
    %eq3A_257 = arith.cmpi eq, %slice3A, %eq3A_256 : vector<400x1xi32>
    %jit3A_258 = arith.constant 0xFF800000 : f32
    %broadcast_in_dim3A_259 = vector.shape_cast %eq3A_257 : vector<400x1xi1> to vector<400x1xi1>
    %broadcast_in_dim3A_260 = vector.broadcast %broadcast_in_dim3A_259 : vector<400x1xi1> to vector<400x32xi1>
    %broadcast_in_dim3A_261 = vector.broadcast %jit3A_258 : f32 to vector<400x32xf32>
    %select_n3A_262 = arith.select %broadcast_in_dim3A_260, %get3A_3, %broadcast_in_dim3A_261 : vector<400x32xi1>, vector<400x32xf32>
    %reduce_max3A_263 = arith.constant dense<0xFF800000> : vector<32xf32>
    %reduce_max3A_264 = vector.multi_reduction <maximumf>, %select_n3A_262, %reduce_max3A_263 [0] : vector<400x32xf32> to vector<32xf32>
    %broadcast_in_dim3A_265 = vector.shape_cast %reduce_max3A_264 : vector<32xf32> to vector<1x32xf32>
    %eq3A_266 = arith.constant 22 : i32
    %eq3A_267 = vector.broadcast %eq3A_266 : i32 to vector<400x1xi32>
    %eq3A_268 = arith.cmpi eq, %slice3A, %eq3A_267 : vector<400x1xi32>
    %jit3A_269 = arith.constant 0xFF800000 : f32
    %broadcast_in_dim3A_270 = vector.shape_cast %eq3A_268 : vector<400x1xi1> to vector<400x1xi1>
    %broadcast_in_dim3A_271 = vector.broadcast %broadcast_in_dim3A_270 : vector<400x1xi1> to vector<400x32xi1>
    %broadcast_in_dim3A_272 = vector.broadcast %jit3A_269 : f32 to vector<400x32xf32>
    %select_n3A_273 = arith.select %broadcast_in_dim3A_271, %get3A_3, %broadcast_in_dim3A_272 : vector<400x32xi1>, vector<400x32xf32>
    %reduce_max3A_274 = arith.constant dense<0xFF800000> : vector<32xf32>
    %reduce_max3A_275 = vector.multi_reduction <maximumf>, %select_n3A_273, %reduce_max3A_274 [0] : vector<400x32xf32> to vector<32xf32>
    %broadcast_in_dim3A_276 = vector.shape_cast %reduce_max3A_275 : vector<32xf32> to vector<1x32xf32>
    %eq3A_277 = arith.constant 23 : i32
    %eq3A_278 = vector.broadcast %eq3A_277 : i32 to vector<400x1xi32>
    %eq3A_279 = arith.cmpi eq, %slice3A, %eq3A_278 : vector<400x1xi32>
    %jit3A_280 = arith.constant 0xFF800000 : f32
    %broadcast_in_dim3A_281 = vector.shape_cast %eq3A_279 : vector<400x1xi1> to vector<400x1xi1>
    %broadcast_in_dim3A_282 = vector.broadcast %broadcast_in_dim3A_281 : vector<400x1xi1> to vector<400x32xi1>
    %broadcast_in_dim3A_283 = vector.broadcast %jit3A_280 : f32 to vector<400x32xf32>
    %select_n3A_284 = arith.select %broadcast_in_dim3A_282, %get3A_3, %broadcast_in_dim3A_283 : vector<400x32xi1>, vector<400x32xf32>
    %reduce_max3A_285 = arith.constant dense<0xFF800000> : vector<32xf32>
    %reduce_max3A_286 = vector.multi_reduction <maximumf>, %select_n3A_284, %reduce_max3A_285 [0] : vector<400x32xf32> to vector<32xf32>
    %broadcast_in_dim3A_287 = vector.shape_cast %reduce_max3A_286 : vector<32xf32> to vector<1x32xf32>
    %eq3A_288 = arith.constant 24 : i32
    %eq3A_289 = vector.broadcast %eq3A_288 : i32 to vector<400x1xi32>
    %eq3A_290 = arith.cmpi eq, %slice3A, %eq3A_289 : vector<400x1xi32>
    %jit3A_291 = arith.constant 0xFF800000 : f32
    %broadcast_in_dim3A_292 = vector.shape_cast %eq3A_290 : vector<400x1xi1> to vector<400x1xi1>
    %broadcast_in_dim3A_293 = vector.broadcast %broadcast_in_dim3A_292 : vector<400x1xi1> to vector<400x32xi1>
    %broadcast_in_dim3A_294 = vector.broadcast %jit3A_291 : f32 to vector<400x32xf32>
    %select_n3A_295 = arith.select %broadcast_in_dim3A_293, %get3A_3, %broadcast_in_dim3A_294 : vector<400x32xi1>, vector<400x32xf32>
    %reduce_max3A_296 = arith.constant dense<0xFF800000> : vector<32xf32>
    %reduce_max3A_297 = vector.multi_reduction <maximumf>, %select_n3A_295, %reduce_max3A_296 [0] : vector<400x32xf32> to vector<32xf32>
    %broadcast_in_dim3A_298 = vector.shape_cast %reduce_max3A_297 : vector<32xf32> to vector<1x32xf32>
    %eq3A_299 = arith.constant 25 : i32
    %eq3A_300 = vector.broadcast %eq3A_299 : i32 to vector<400x1xi32>
    %eq3A_301 = arith.cmpi eq, %slice3A, %eq3A_300 : vector<400x1xi32>
    %jit3A_302 = arith.constant 0xFF800000 : f32
    %broadcast_in_dim3A_303 = vector.shape_cast %eq3A_301 : vector<400x1xi1> to vector<400x1xi1>
    %broadcast_in_dim3A_304 = vector.broadcast %broadcast_in_dim3A_303 : vector<400x1xi1> to vector<400x32xi1>
    %broadcast_in_dim3A_305 = vector.broadcast %jit3A_302 : f32 to vector<400x32xf32>
    %select_n3A_306 = arith.select %broadcast_in_dim3A_304, %get3A_3, %broadcast_in_dim3A_305 : vector<400x32xi1>, vector<400x32xf32>
    %reduce_max3A_307 = arith.constant dense<0xFF800000> : vector<32xf32>
    %reduce_max3A_308 = vector.multi_reduction <maximumf>, %select_n3A_306, %reduce_max3A_307 [0] : vector<400x32xf32> to vector<32xf32>
    %broadcast_in_dim3A_309 = vector.shape_cast %reduce_max3A_308 : vector<32xf32> to vector<1x32xf32>
    %eq3A_310 = arith.constant 26 : i32
    %eq3A_311 = vector.broadcast %eq3A_310 : i32 to vector<400x1xi32>
    %eq3A_312 = arith.cmpi eq, %slice3A, %eq3A_311 : vector<400x1xi32>
    %jit3A_313 = arith.constant 0xFF800000 : f32
    %broadcast_in_dim3A_314 = vector.shape_cast %eq3A_312 : vector<400x1xi1> to vector<400x1xi1>
    %broadcast_in_dim3A_315 = vector.broadcast %broadcast_in_dim3A_314 : vector<400x1xi1> to vector<400x32xi1>
    %broadcast_in_dim3A_316 = vector.broadcast %jit3A_313 : f32 to vector<400x32xf32>
    %select_n3A_317 = arith.select %broadcast_in_dim3A_315, %get3A_3, %broadcast_in_dim3A_316 : vector<400x32xi1>, vector<400x32xf32>
    %reduce_max3A_318 = arith.constant dense<0xFF800000> : vector<32xf32>
    %reduce_max3A_319 = vector.multi_reduction <maximumf>, %select_n3A_317, %reduce_max3A_318 [0] : vector<400x32xf32> to vector<32xf32>
    %broadcast_in_dim3A_320 = vector.shape_cast %reduce_max3A_319 : vector<32xf32> to vector<1x32xf32>
    %eq3A_321 = arith.constant 27 : i32
    %eq3A_322 = vector.broadcast %eq3A_321 : i32 to vector<400x1xi32>
    %eq3A_323 = arith.cmpi eq, %slice3A, %eq3A_322 : vector<400x1xi32>
    %jit3A_324 = arith.constant 0xFF800000 : f32
    %broadcast_in_dim3A_325 = vector.shape_cast %eq3A_323 : vector<400x1xi1> to vector<400x1xi1>
    %broadcast_in_dim3A_326 = vector.broadcast %broadcast_in_dim3A_325 : vector<400x1xi1> to vector<400x32xi1>
    %broadcast_in_dim3A_327 = vector.broadcast %jit3A_324 : f32 to vector<400x32xf32>
    %select_n3A_328 = arith.select %broadcast_in_dim3A_326, %get3A_3, %broadcast_in_dim3A_327 : vector<400x32xi1>, vector<400x32xf32>
    %reduce_max3A_329 = arith.constant dense<0xFF800000> : vector<32xf32>
    %reduce_max3A_330 = vector.multi_reduction <maximumf>, %select_n3A_328, %reduce_max3A_329 [0] : vector<400x32xf32> to vector<32xf32>
    %broadcast_in_dim3A_331 = vector.shape_cast %reduce_max3A_330 : vector<32xf32> to vector<1x32xf32>
    %eq3A_332 = arith.constant 28 : i32
    %eq3A_333 = vector.broadcast %eq3A_332 : i32 to vector<400x1xi32>
    %eq3A_334 = arith.cmpi eq, %slice3A, %eq3A_333 : vector<400x1xi32>
    %jit3A_335 = arith.constant 0xFF800000 : f32
    %broadcast_in_dim3A_336 = vector.shape_cast %eq3A_334 : vector<400x1xi1> to vector<400x1xi1>
    %broadcast_in_dim3A_337 = vector.broadcast %broadcast_in_dim3A_336 : vector<400x1xi1> to vector<400x32xi1>
    %broadcast_in_dim3A_338 = vector.broadcast %jit3A_335 : f32 to vector<400x32xf32>
    %select_n3A_339 = arith.select %broadcast_in_dim3A_337, %get3A_3, %broadcast_in_dim3A_338 : vector<400x32xi1>, vector<400x32xf32>
    %reduce_max3A_340 = arith.constant dense<0xFF800000> : vector<32xf32>
    %reduce_max3A_341 = vector.multi_reduction <maximumf>, %select_n3A_339, %reduce_max3A_340 [0] : vector<400x32xf32> to vector<32xf32>
    %broadcast_in_dim3A_342 = vector.shape_cast %reduce_max3A_341 : vector<32xf32> to vector<1x32xf32>
    %eq3A_343 = arith.constant 29 : i32
    %eq3A_344 = vector.broadcast %eq3A_343 : i32 to vector<400x1xi32>
    %eq3A_345 = arith.cmpi eq, %slice3A, %eq3A_344 : vector<400x1xi32>
    %jit3A_346 = arith.constant 0xFF800000 : f32
    %broadcast_in_dim3A_347 = vector.shape_cast %eq3A_345 : vector<400x1xi1> to vector<400x1xi1>
    %broadcast_in_dim3A_348 = vector.broadcast %broadcast_in_dim3A_347 : vector<400x1xi1> to vector<400x32xi1>
    %broadcast_in_dim3A_349 = vector.broadcast %jit3A_346 : f32 to vector<400x32xf32>
    %select_n3A_350 = arith.select %broadcast_in_dim3A_348, %get3A_3, %broadcast_in_dim3A_349 : vector<400x32xi1>, vector<400x32xf32>
    %reduce_max3A_351 = arith.constant dense<0xFF800000> : vector<32xf32>
    %reduce_max3A_352 = vector.multi_reduction <maximumf>, %select_n3A_350, %reduce_max3A_351 [0] : vector<400x32xf32> to vector<32xf32>
    %broadcast_in_dim3A_353 = vector.shape_cast %reduce_max3A_352 : vector<32xf32> to vector<1x32xf32>
    %eq3A_354 = arith.constant 30 : i32
    %eq3A_355 = vector.broadcast %eq3A_354 : i32 to vector<400x1xi32>
    %eq3A_356 = arith.cmpi eq, %slice3A, %eq3A_355 : vector<400x1xi32>
    %jit3A_357 = arith.constant 0xFF800000 : f32
    %broadcast_in_dim3A_358 = vector.shape_cast %eq3A_356 : vector<400x1xi1> to vector<400x1xi1>
    %broadcast_in_dim3A_359 = vector.broadcast %broadcast_in_dim3A_358 : vector<400x1xi1> to vector<400x32xi1>
    %broadcast_in_dim3A_360 = vector.broadcast %jit3A_357 : f32 to vector<400x32xf32>
    %select_n3A_361 = arith.select %broadcast_in_dim3A_359, %get3A_3, %broadcast_in_dim3A_360 : vector<400x32xi1>, vector<400x32xf32>
    %reduce_max3A_362 = arith.constant dense<0xFF800000> : vector<32xf32>
    %reduce_max3A_363 = vector.multi_reduction <maximumf>, %select_n3A_361, %reduce_max3A_362 [0] : vector<400x32xf32> to vector<32xf32>
    %broadcast_in_dim3A_364 = vector.shape_cast %reduce_max3A_363 : vector<32xf32> to vector<1x32xf32>
    %eq3A_365 = arith.constant 31 : i32
    %eq3A_366 = vector.broadcast %eq3A_365 : i32 to vector<400x1xi32>
    %eq3A_367 = arith.cmpi eq, %slice3A, %eq3A_366 : vector<400x1xi32>
    %jit3A_368 = arith.constant 0xFF800000 : f32
    %broadcast_in_dim3A_369 = vector.shape_cast %eq3A_367 : vector<400x1xi1> to vector<400x1xi1>
    %broadcast_in_dim3A_370 = vector.broadcast %broadcast_in_dim3A_369 : vector<400x1xi1> to vector<400x32xi1>
    %broadcast_in_dim3A_371 = vector.broadcast %jit3A_368 : f32 to vector<400x32xf32>
    %select_n3A_372 = arith.select %broadcast_in_dim3A_370, %get3A_3, %broadcast_in_dim3A_371 : vector<400x32xi1>, vector<400x32xf32>
    %reduce_max3A_373 = arith.constant dense<0xFF800000> : vector<32xf32>
    %reduce_max3A_374 = vector.multi_reduction <maximumf>, %select_n3A_372, %reduce_max3A_373 [0] : vector<400x32xf32> to vector<32xf32>
    %broadcast_in_dim3A_375 = vector.shape_cast %reduce_max3A_374 : vector<32xf32> to vector<1x32xf32>
    %eq3A_376 = arith.constant 32 : i32
    %eq3A_377 = vector.broadcast %eq3A_376 : i32 to vector<400x1xi32>
    %eq3A_378 = arith.cmpi eq, %slice3A, %eq3A_377 : vector<400x1xi32>
    %jit3A_379 = arith.constant 0xFF800000 : f32
    %broadcast_in_dim3A_380 = vector.shape_cast %eq3A_378 : vector<400x1xi1> to vector<400x1xi1>
    %broadcast_in_dim3A_381 = vector.broadcast %broadcast_in_dim3A_380 : vector<400x1xi1> to vector<400x32xi1>
    %broadcast_in_dim3A_382 = vector.broadcast %jit3A_379 : f32 to vector<400x32xf32>
    %select_n3A_383 = arith.select %broadcast_in_dim3A_381, %get3A_3, %broadcast_in_dim3A_382 : vector<400x32xi1>, vector<400x32xf32>
    %reduce_max3A_384 = arith.constant dense<0xFF800000> : vector<32xf32>
    %reduce_max3A_385 = vector.multi_reduction <maximumf>, %select_n3A_383, %reduce_max3A_384 [0] : vector<400x32xf32> to vector<32xf32>
    %broadcast_in_dim3A_386 = vector.shape_cast %reduce_max3A_385 : vector<32xf32> to vector<1x32xf32>
    %eq3A_387 = arith.constant 33 : i32
    %eq3A_388 = vector.broadcast %eq3A_387 : i32 to vector<400x1xi32>
    %eq3A_389 = arith.cmpi eq, %slice3A, %eq3A_388 : vector<400x1xi32>
    %jit3A_390 = arith.constant 0xFF800000 : f32
    %broadcast_in_dim3A_391 = vector.shape_cast %eq3A_389 : vector<400x1xi1> to vector<400x1xi1>
    %broadcast_in_dim3A_392 = vector.broadcast %broadcast_in_dim3A_391 : vector<400x1xi1> to vector<400x32xi1>
    %broadcast_in_dim3A_393 = vector.broadcast %jit3A_390 : f32 to vector<400x32xf32>
    %select_n3A_394 = arith.select %broadcast_in_dim3A_392, %get3A_3, %broadcast_in_dim3A_393 : vector<400x32xi1>, vector<400x32xf32>
    %reduce_max3A_395 = arith.constant dense<0xFF800000> : vector<32xf32>
    %reduce_max3A_396 = vector.multi_reduction <maximumf>, %select_n3A_394, %reduce_max3A_395 [0] : vector<400x32xf32> to vector<32xf32>
    %broadcast_in_dim3A_397 = vector.shape_cast %reduce_max3A_396 : vector<32xf32> to vector<1x32xf32>
    %eq3A_398 = arith.constant 34 : i32
    %eq3A_399 = vector.broadcast %eq3A_398 : i32 to vector<400x1xi32>
    %eq3A_400 = arith.cmpi eq, %slice3A, %eq3A_399 : vector<400x1xi32>
    %jit3A_401 = arith.constant 0xFF800000 : f32
    %broadcast_in_dim3A_402 = vector.shape_cast %eq3A_400 : vector<400x1xi1> to vector<400x1xi1>
    %broadcast_in_dim3A_403 = vector.broadcast %broadcast_in_dim3A_402 : vector<400x1xi1> to vector<400x32xi1>
    %broadcast_in_dim3A_404 = vector.broadcast %jit3A_401 : f32 to vector<400x32xf32>
    %select_n3A_405 = arith.select %broadcast_in_dim3A_403, %get3A_3, %broadcast_in_dim3A_404 : vector<400x32xi1>, vector<400x32xf32>
    %reduce_max3A_406 = arith.constant dense<0xFF800000> : vector<32xf32>
    %reduce_max3A_407 = vector.multi_reduction <maximumf>, %select_n3A_405, %reduce_max3A_406 [0] : vector<400x32xf32> to vector<32xf32>
    %broadcast_in_dim3A_408 = vector.shape_cast %reduce_max3A_407 : vector<32xf32> to vector<1x32xf32>
    %eq3A_409 = arith.constant 35 : i32
    %eq3A_410 = vector.broadcast %eq3A_409 : i32 to vector<400x1xi32>
    %eq3A_411 = arith.cmpi eq, %slice3A, %eq3A_410 : vector<400x1xi32>
    %jit3A_412 = arith.constant 0xFF800000 : f32
    %broadcast_in_dim3A_413 = vector.shape_cast %eq3A_411 : vector<400x1xi1> to vector<400x1xi1>
    %broadcast_in_dim3A_414 = vector.broadcast %broadcast_in_dim3A_413 : vector<400x1xi1> to vector<400x32xi1>
    %broadcast_in_dim3A_415 = vector.broadcast %jit3A_412 : f32 to vector<400x32xf32>
    %select_n3A_416 = arith.select %broadcast_in_dim3A_414, %get3A_3, %broadcast_in_dim3A_415 : vector<400x32xi1>, vector<400x32xf32>
    %reduce_max3A_417 = arith.constant dense<0xFF800000> : vector<32xf32>
    %reduce_max3A_418 = vector.multi_reduction <maximumf>, %select_n3A_416, %reduce_max3A_417 [0] : vector<400x32xf32> to vector<32xf32>
    %broadcast_in_dim3A_419 = vector.shape_cast %reduce_max3A_418 : vector<32xf32> to vector<1x32xf32>
    %eq3A_420 = arith.constant 36 : i32
    %eq3A_421 = vector.broadcast %eq3A_420 : i32 to vector<400x1xi32>
    %eq3A_422 = arith.cmpi eq, %slice3A, %eq3A_421 : vector<400x1xi32>
    %jit3A_423 = arith.constant 0xFF800000 : f32
    %broadcast_in_dim3A_424 = vector.shape_cast %eq3A_422 : vector<400x1xi1> to vector<400x1xi1>
    %broadcast_in_dim3A_425 = vector.broadcast %broadcast_in_dim3A_424 : vector<400x1xi1> to vector<400x32xi1>
    %broadcast_in_dim3A_426 = vector.broadcast %jit3A_423 : f32 to vector<400x32xf32>
    %select_n3A_427 = arith.select %broadcast_in_dim3A_425, %get3A_3, %broadcast_in_dim3A_426 : vector<400x32xi1>, vector<400x32xf32>
    %reduce_max3A_428 = arith.constant dense<0xFF800000> : vector<32xf32>
    %reduce_max3A_429 = vector.multi_reduction <maximumf>, %select_n3A_427, %reduce_max3A_428 [0] : vector<400x32xf32> to vector<32xf32>
    %broadcast_in_dim3A_430 = vector.shape_cast %reduce_max3A_429 : vector<32xf32> to vector<1x32xf32>
    %eq3A_431 = arith.constant 37 : i32
    %eq3A_432 = vector.broadcast %eq3A_431 : i32 to vector<400x1xi32>
    %eq3A_433 = arith.cmpi eq, %slice3A, %eq3A_432 : vector<400x1xi32>
    %jit3A_434 = arith.constant 0xFF800000 : f32
    %broadcast_in_dim3A_435 = vector.shape_cast %eq3A_433 : vector<400x1xi1> to vector<400x1xi1>
    %broadcast_in_dim3A_436 = vector.broadcast %broadcast_in_dim3A_435 : vector<400x1xi1> to vector<400x32xi1>
    %broadcast_in_dim3A_437 = vector.broadcast %jit3A_434 : f32 to vector<400x32xf32>
    %select_n3A_438 = arith.select %broadcast_in_dim3A_436, %get3A_3, %broadcast_in_dim3A_437 : vector<400x32xi1>, vector<400x32xf32>
    %reduce_max3A_439 = arith.constant dense<0xFF800000> : vector<32xf32>
    %reduce_max3A_440 = vector.multi_reduction <maximumf>, %select_n3A_438, %reduce_max3A_439 [0] : vector<400x32xf32> to vector<32xf32>
    %broadcast_in_dim3A_441 = vector.shape_cast %reduce_max3A_440 : vector<32xf32> to vector<1x32xf32>
    %eq3A_442 = arith.constant 38 : i32
    %eq3A_443 = vector.broadcast %eq3A_442 : i32 to vector<400x1xi32>
    %eq3A_444 = arith.cmpi eq, %slice3A, %eq3A_443 : vector<400x1xi32>
    %jit3A_445 = arith.constant 0xFF800000 : f32
    %broadcast_in_dim3A_446 = vector.shape_cast %eq3A_444 : vector<400x1xi1> to vector<400x1xi1>
    %broadcast_in_dim3A_447 = vector.broadcast %broadcast_in_dim3A_446 : vector<400x1xi1> to vector<400x32xi1>
    %broadcast_in_dim3A_448 = vector.broadcast %jit3A_445 : f32 to vector<400x32xf32>
    %select_n3A_449 = arith.select %broadcast_in_dim3A_447, %get3A_3, %broadcast_in_dim3A_448 : vector<400x32xi1>, vector<400x32xf32>
    %reduce_max3A_450 = arith.constant dense<0xFF800000> : vector<32xf32>
    %reduce_max3A_451 = vector.multi_reduction <maximumf>, %select_n3A_449, %reduce_max3A_450 [0] : vector<400x32xf32> to vector<32xf32>
    %broadcast_in_dim3A_452 = vector.shape_cast %reduce_max3A_451 : vector<32xf32> to vector<1x32xf32>
    %eq3A_453 = arith.constant 39 : i32
    %eq3A_454 = vector.broadcast %eq3A_453 : i32 to vector<400x1xi32>
    %eq3A_455 = arith.cmpi eq, %slice3A, %eq3A_454 : vector<400x1xi32>
    %jit3A_456 = arith.constant 0xFF800000 : f32
    %broadcast_in_dim3A_457 = vector.shape_cast %eq3A_455 : vector<400x1xi1> to vector<400x1xi1>
    %broadcast_in_dim3A_458 = vector.broadcast %broadcast_in_dim3A_457 : vector<400x1xi1> to vector<400x32xi1>
    %broadcast_in_dim3A_459 = vector.broadcast %jit3A_456 : f32 to vector<400x32xf32>
    %select_n3A_460 = arith.select %broadcast_in_dim3A_458, %get3A_3, %broadcast_in_dim3A_459 : vector<400x32xi1>, vector<400x32xf32>
    %reduce_max3A_461 = arith.constant dense<0xFF800000> : vector<32xf32>
    %reduce_max3A_462 = vector.multi_reduction <maximumf>, %select_n3A_460, %reduce_max3A_461 [0] : vector<400x32xf32> to vector<32xf32>
    %broadcast_in_dim3A_463 = vector.shape_cast %reduce_max3A_462 : vector<32xf32> to vector<1x32xf32>
    %eq3A_464 = arith.constant 40 : i32
    %eq3A_465 = vector.broadcast %eq3A_464 : i32 to vector<400x1xi32>
    %eq3A_466 = arith.cmpi eq, %slice3A, %eq3A_465 : vector<400x1xi32>
    %jit3A_467 = arith.constant 0xFF800000 : f32
    %broadcast_in_dim3A_468 = vector.shape_cast %eq3A_466 : vector<400x1xi1> to vector<400x1xi1>
    %broadcast_in_dim3A_469 = vector.broadcast %broadcast_in_dim3A_468 : vector<400x1xi1> to vector<400x32xi1>
    %broadcast_in_dim3A_470 = vector.broadcast %jit3A_467 : f32 to vector<400x32xf32>
    %select_n3A_471 = arith.select %broadcast_in_dim3A_469, %get3A_3, %broadcast_in_dim3A_470 : vector<400x32xi1>, vector<400x32xf32>
    %reduce_max3A_472 = arith.constant dense<0xFF800000> : vector<32xf32>
    %reduce_max3A_473 = vector.multi_reduction <maximumf>, %select_n3A_471, %reduce_max3A_472 [0] : vector<400x32xf32> to vector<32xf32>
    %broadcast_in_dim3A_474 = vector.shape_cast %reduce_max3A_473 : vector<32xf32> to vector<1x32xf32>
    %eq3A_475 = arith.constant 41 : i32
    %eq3A_476 = vector.broadcast %eq3A_475 : i32 to vector<400x1xi32>
    %eq3A_477 = arith.cmpi eq, %slice3A, %eq3A_476 : vector<400x1xi32>
    %jit3A_478 = arith.constant 0xFF800000 : f32
    %broadcast_in_dim3A_479 = vector.shape_cast %eq3A_477 : vector<400x1xi1> to vector<400x1xi1>
    %broadcast_in_dim3A_480 = vector.broadcast %broadcast_in_dim3A_479 : vector<400x1xi1> to vector<400x32xi1>
    %broadcast_in_dim3A_481 = vector.broadcast %jit3A_478 : f32 to vector<400x32xf32>
    %select_n3A_482 = arith.select %broadcast_in_dim3A_480, %get3A_3, %broadcast_in_dim3A_481 : vector<400x32xi1>, vector<400x32xf32>
    %reduce_max3A_483 = arith.constant dense<0xFF800000> : vector<32xf32>
    %reduce_max3A_484 = vector.multi_reduction <maximumf>, %select_n3A_482, %reduce_max3A_483 [0] : vector<400x32xf32> to vector<32xf32>
    %broadcast_in_dim3A_485 = vector.shape_cast %reduce_max3A_484 : vector<32xf32> to vector<1x32xf32>
    %eq3A_486 = arith.constant 42 : i32
    %eq3A_487 = vector.broadcast %eq3A_486 : i32 to vector<400x1xi32>
    %eq3A_488 = arith.cmpi eq, %slice3A, %eq3A_487 : vector<400x1xi32>
    %jit3A_489 = arith.constant 0xFF800000 : f32
    %broadcast_in_dim3A_490 = vector.shape_cast %eq3A_488 : vector<400x1xi1> to vector<400x1xi1>
    %broadcast_in_dim3A_491 = vector.broadcast %broadcast_in_dim3A_490 : vector<400x1xi1> to vector<400x32xi1>
    %broadcast_in_dim3A_492 = vector.broadcast %jit3A_489 : f32 to vector<400x32xf32>
    %select_n3A_493 = arith.select %broadcast_in_dim3A_491, %get3A_3, %broadcast_in_dim3A_492 : vector<400x32xi1>, vector<400x32xf32>
    %reduce_max3A_494 = arith.constant dense<0xFF800000> : vector<32xf32>
    %reduce_max3A_495 = vector.multi_reduction <maximumf>, %select_n3A_493, %reduce_max3A_494 [0] : vector<400x32xf32> to vector<32xf32>
    %broadcast_in_dim3A_496 = vector.shape_cast %reduce_max3A_495 : vector<32xf32> to vector<1x32xf32>
    %eq3A_497 = arith.constant 43 : i32
    %eq3A_498 = vector.broadcast %eq3A_497 : i32 to vector<400x1xi32>
    %eq3A_499 = arith.cmpi eq, %slice3A, %eq3A_498 : vector<400x1xi32>
    %jit3A_500 = arith.constant 0xFF800000 : f32
    %broadcast_in_dim3A_501 = vector.shape_cast %eq3A_499 : vector<400x1xi1> to vector<400x1xi1>
    %broadcast_in_dim3A_502 = vector.broadcast %broadcast_in_dim3A_501 : vector<400x1xi1> to vector<400x32xi1>
    %broadcast_in_dim3A_503 = vector.broadcast %jit3A_500 : f32 to vector<400x32xf32>
    %select_n3A_504 = arith.select %broadcast_in_dim3A_502, %get3A_3, %broadcast_in_dim3A_503 : vector<400x32xi1>, vector<400x32xf32>
    %reduce_max3A_505 = arith.constant dense<0xFF800000> : vector<32xf32>
    %reduce_max3A_506 = vector.multi_reduction <maximumf>, %select_n3A_504, %reduce_max3A_505 [0] : vector<400x32xf32> to vector<32xf32>
    %broadcast_in_dim3A_507 = vector.shape_cast %reduce_max3A_506 : vector<32xf32> to vector<1x32xf32>
    %eq3A_508 = arith.constant 44 : i32
    %eq3A_509 = vector.broadcast %eq3A_508 : i32 to vector<400x1xi32>
    %eq3A_510 = arith.cmpi eq, %slice3A, %eq3A_509 : vector<400x1xi32>
    %jit3A_511 = arith.constant 0xFF800000 : f32
    %broadcast_in_dim3A_512 = vector.shape_cast %eq3A_510 : vector<400x1xi1> to vector<400x1xi1>
    %broadcast_in_dim3A_513 = vector.broadcast %broadcast_in_dim3A_512 : vector<400x1xi1> to vector<400x32xi1>
    %broadcast_in_dim3A_514 = vector.broadcast %jit3A_511 : f32 to vector<400x32xf32>
    %select_n3A_515 = arith.select %broadcast_in_dim3A_513, %get3A_3, %broadcast_in_dim3A_514 : vector<400x32xi1>, vector<400x32xf32>
    %reduce_max3A_516 = arith.constant dense<0xFF800000> : vector<32xf32>
    %reduce_max3A_517 = vector.multi_reduction <maximumf>, %select_n3A_515, %reduce_max3A_516 [0] : vector<400x32xf32> to vector<32xf32>
    %broadcast_in_dim3A_518 = vector.shape_cast %reduce_max3A_517 : vector<32xf32> to vector<1x32xf32>
    %eq3A_519 = arith.constant 45 : i32
    %eq3A_520 = vector.broadcast %eq3A_519 : i32 to vector<400x1xi32>
    %eq3A_521 = arith.cmpi eq, %slice3A, %eq3A_520 : vector<400x1xi32>
    %jit3A_522 = arith.constant 0xFF800000 : f32
    %broadcast_in_dim3A_523 = vector.shape_cast %eq3A_521 : vector<400x1xi1> to vector<400x1xi1>
    %broadcast_in_dim3A_524 = vector.broadcast %broadcast_in_dim3A_523 : vector<400x1xi1> to vector<400x32xi1>
    %broadcast_in_dim3A_525 = vector.broadcast %jit3A_522 : f32 to vector<400x32xf32>
    %select_n3A_526 = arith.select %broadcast_in_dim3A_524, %get3A_3, %broadcast_in_dim3A_525 : vector<400x32xi1>, vector<400x32xf32>
    %reduce_max3A_527 = arith.constant dense<0xFF800000> : vector<32xf32>
    %reduce_max3A_528 = vector.multi_reduction <maximumf>, %select_n3A_526, %reduce_max3A_527 [0] : vector<400x32xf32> to vector<32xf32>
    %broadcast_in_dim3A_529 = vector.shape_cast %reduce_max3A_528 : vector<32xf32> to vector<1x32xf32>
    %eq3A_530 = arith.constant 46 : i32
    %eq3A_531 = vector.broadcast %eq3A_530 : i32 to vector<400x1xi32>
    %eq3A_532 = arith.cmpi eq, %slice3A, %eq3A_531 : vector<400x1xi32>
    %jit3A_533 = arith.constant 0xFF800000 : f32
    %broadcast_in_dim3A_534 = vector.shape_cast %eq3A_532 : vector<400x1xi1> to vector<400x1xi1>
    %broadcast_in_dim3A_535 = vector.broadcast %broadcast_in_dim3A_534 : vector<400x1xi1> to vector<400x32xi1>
    %broadcast_in_dim3A_536 = vector.broadcast %jit3A_533 : f32 to vector<400x32xf32>
    %select_n3A_537 = arith.select %broadcast_in_dim3A_535, %get3A_3, %broadcast_in_dim3A_536 : vector<400x32xi1>, vector<400x32xf32>
    %reduce_max3A_538 = arith.constant dense<0xFF800000> : vector<32xf32>
    %reduce_max3A_539 = vector.multi_reduction <maximumf>, %select_n3A_537, %reduce_max3A_538 [0] : vector<400x32xf32> to vector<32xf32>
    %broadcast_in_dim3A_540 = vector.shape_cast %reduce_max3A_539 : vector<32xf32> to vector<1x32xf32>
    %eq3A_541 = arith.constant 47 : i32
    %eq3A_542 = vector.broadcast %eq3A_541 : i32 to vector<400x1xi32>
    %eq3A_543 = arith.cmpi eq, %slice3A, %eq3A_542 : vector<400x1xi32>
    %jit3A_544 = arith.constant 0xFF800000 : f32
    %broadcast_in_dim3A_545 = vector.shape_cast %eq3A_543 : vector<400x1xi1> to vector<400x1xi1>
    %broadcast_in_dim3A_546 = vector.broadcast %broadcast_in_dim3A_545 : vector<400x1xi1> to vector<400x32xi1>
    %broadcast_in_dim3A_547 = vector.broadcast %jit3A_544 : f32 to vector<400x32xf32>
    %select_n3A_548 = arith.select %broadcast_in_dim3A_546, %get3A_3, %broadcast_in_dim3A_547 : vector<400x32xi1>, vector<400x32xf32>
    %reduce_max3A_549 = arith.constant dense<0xFF800000> : vector<32xf32>
    %reduce_max3A_550 = vector.multi_reduction <maximumf>, %select_n3A_548, %reduce_max3A_549 [0] : vector<400x32xf32> to vector<32xf32>
    %broadcast_in_dim3A_551 = vector.shape_cast %reduce_max3A_550 : vector<32xf32> to vector<1x32xf32>
    %eq3A_552 = arith.constant 48 : i32
    %eq3A_553 = vector.broadcast %eq3A_552 : i32 to vector<400x1xi32>
    %eq3A_554 = arith.cmpi eq, %slice3A, %eq3A_553 : vector<400x1xi32>
    %jit3A_555 = arith.constant 0xFF800000 : f32
    %broadcast_in_dim3A_556 = vector.shape_cast %eq3A_554 : vector<400x1xi1> to vector<400x1xi1>
    %broadcast_in_dim3A_557 = vector.broadcast %broadcast_in_dim3A_556 : vector<400x1xi1> to vector<400x32xi1>
    %broadcast_in_dim3A_558 = vector.broadcast %jit3A_555 : f32 to vector<400x32xf32>
    %select_n3A_559 = arith.select %broadcast_in_dim3A_557, %get3A_3, %broadcast_in_dim3A_558 : vector<400x32xi1>, vector<400x32xf32>
    %reduce_max3A_560 = arith.constant dense<0xFF800000> : vector<32xf32>
    %reduce_max3A_561 = vector.multi_reduction <maximumf>, %select_n3A_559, %reduce_max3A_560 [0] : vector<400x32xf32> to vector<32xf32>
    %broadcast_in_dim3A_562 = vector.shape_cast %reduce_max3A_561 : vector<32xf32> to vector<1x32xf32>
    %eq3A_563 = arith.constant 49 : i32
    %eq3A_564 = vector.broadcast %eq3A_563 : i32 to vector<400x1xi32>
    %eq3A_565 = arith.cmpi eq, %slice3A, %eq3A_564 : vector<400x1xi32>
    %jit3A_566 = arith.constant 0xFF800000 : f32
    %broadcast_in_dim3A_567 = vector.shape_cast %eq3A_565 : vector<400x1xi1> to vector<400x1xi1>
    %broadcast_in_dim3A_568 = vector.broadcast %broadcast_in_dim3A_567 : vector<400x1xi1> to vector<400x32xi1>
    %broadcast_in_dim3A_569 = vector.broadcast %jit3A_566 : f32 to vector<400x32xf32>
    %select_n3A_570 = arith.select %broadcast_in_dim3A_568, %get3A_3, %broadcast_in_dim3A_569 : vector<400x32xi1>, vector<400x32xf32>
    %reduce_max3A_571 = arith.constant dense<0xFF800000> : vector<32xf32>
    %reduce_max3A_572 = vector.multi_reduction <maximumf>, %select_n3A_570, %reduce_max3A_571 [0] : vector<400x32xf32> to vector<32xf32>
    %broadcast_in_dim3A_573 = vector.shape_cast %reduce_max3A_572 : vector<32xf32> to vector<1x32xf32>
    %eq3A_574 = arith.constant 50 : i32
    %eq3A_575 = vector.broadcast %eq3A_574 : i32 to vector<400x1xi32>
    %eq3A_576 = arith.cmpi eq, %slice3A, %eq3A_575 : vector<400x1xi32>
    %jit3A_577 = arith.constant 0xFF800000 : f32
    %broadcast_in_dim3A_578 = vector.shape_cast %eq3A_576 : vector<400x1xi1> to vector<400x1xi1>
    %broadcast_in_dim3A_579 = vector.broadcast %broadcast_in_dim3A_578 : vector<400x1xi1> to vector<400x32xi1>
    %broadcast_in_dim3A_580 = vector.broadcast %jit3A_577 : f32 to vector<400x32xf32>
    %select_n3A_581 = arith.select %broadcast_in_dim3A_579, %get3A_3, %broadcast_in_dim3A_580 : vector<400x32xi1>, vector<400x32xf32>
    %reduce_max3A_582 = arith.constant dense<0xFF800000> : vector<32xf32>
    %reduce_max3A_583 = vector.multi_reduction <maximumf>, %select_n3A_581, %reduce_max3A_582 [0] : vector<400x32xf32> to vector<32xf32>
    %broadcast_in_dim3A_584 = vector.shape_cast %reduce_max3A_583 : vector<32xf32> to vector<1x32xf32>
    %eq3A_585 = arith.constant 51 : i32
    %eq3A_586 = vector.broadcast %eq3A_585 : i32 to vector<400x1xi32>
    %eq3A_587 = arith.cmpi eq, %slice3A, %eq3A_586 : vector<400x1xi32>
    %jit3A_588 = arith.constant 0xFF800000 : f32
    %broadcast_in_dim3A_589 = vector.shape_cast %eq3A_587 : vector<400x1xi1> to vector<400x1xi1>
    %broadcast_in_dim3A_590 = vector.broadcast %broadcast_in_dim3A_589 : vector<400x1xi1> to vector<400x32xi1>
    %broadcast_in_dim3A_591 = vector.broadcast %jit3A_588 : f32 to vector<400x32xf32>
    %select_n3A_592 = arith.select %broadcast_in_dim3A_590, %get3A_3, %broadcast_in_dim3A_591 : vector<400x32xi1>, vector<400x32xf32>
    %reduce_max3A_593 = arith.constant dense<0xFF800000> : vector<32xf32>
    %reduce_max3A_594 = vector.multi_reduction <maximumf>, %select_n3A_592, %reduce_max3A_593 [0] : vector<400x32xf32> to vector<32xf32>
    %broadcast_in_dim3A_595 = vector.shape_cast %reduce_max3A_594 : vector<32xf32> to vector<1x32xf32>
    %eq3A_596 = arith.constant 52 : i32
    %eq3A_597 = vector.broadcast %eq3A_596 : i32 to vector<400x1xi32>
    %eq3A_598 = arith.cmpi eq, %slice3A, %eq3A_597 : vector<400x1xi32>
    %jit3A_599 = arith.constant 0xFF800000 : f32
    %broadcast_in_dim3A_600 = vector.shape_cast %eq3A_598 : vector<400x1xi1> to vector<400x1xi1>
    %broadcast_in_dim3A_601 = vector.broadcast %broadcast_in_dim3A_600 : vector<400x1xi1> to vector<400x32xi1>
    %broadcast_in_dim3A_602 = vector.broadcast %jit3A_599 : f32 to vector<400x32xf32>
    %select_n3A_603 = arith.select %broadcast_in_dim3A_601, %get3A_3, %broadcast_in_dim3A_602 : vector<400x32xi1>, vector<400x32xf32>
    %reduce_max3A_604 = arith.constant dense<0xFF800000> : vector<32xf32>
    %reduce_max3A_605 = vector.multi_reduction <maximumf>, %select_n3A_603, %reduce_max3A_604 [0] : vector<400x32xf32> to vector<32xf32>
    %broadcast_in_dim3A_606 = vector.shape_cast %reduce_max3A_605 : vector<32xf32> to vector<1x32xf32>
    %eq3A_607 = arith.constant 53 : i32
    %eq3A_608 = vector.broadcast %eq3A_607 : i32 to vector<400x1xi32>
    %eq3A_609 = arith.cmpi eq, %slice3A, %eq3A_608 : vector<400x1xi32>
    %jit3A_610 = arith.constant 0xFF800000 : f32
    %broadcast_in_dim3A_611 = vector.shape_cast %eq3A_609 : vector<400x1xi1> to vector<400x1xi1>
    %broadcast_in_dim3A_612 = vector.broadcast %broadcast_in_dim3A_611 : vector<400x1xi1> to vector<400x32xi1>
    %broadcast_in_dim3A_613 = vector.broadcast %jit3A_610 : f32 to vector<400x32xf32>
    %select_n3A_614 = arith.select %broadcast_in_dim3A_612, %get3A_3, %broadcast_in_dim3A_613 : vector<400x32xi1>, vector<400x32xf32>
    %reduce_max3A_615 = arith.constant dense<0xFF800000> : vector<32xf32>
    %reduce_max3A_616 = vector.multi_reduction <maximumf>, %select_n3A_614, %reduce_max3A_615 [0] : vector<400x32xf32> to vector<32xf32>
    %broadcast_in_dim3A_617 = vector.shape_cast %reduce_max3A_616 : vector<32xf32> to vector<1x32xf32>
    %eq3A_618 = arith.constant 54 : i32
    %eq3A_619 = vector.broadcast %eq3A_618 : i32 to vector<400x1xi32>
    %eq3A_620 = arith.cmpi eq, %slice3A, %eq3A_619 : vector<400x1xi32>
    %jit3A_621 = arith.constant 0xFF800000 : f32
    %broadcast_in_dim3A_622 = vector.shape_cast %eq3A_620 : vector<400x1xi1> to vector<400x1xi1>
    %broadcast_in_dim3A_623 = vector.broadcast %broadcast_in_dim3A_622 : vector<400x1xi1> to vector<400x32xi1>
    %broadcast_in_dim3A_624 = vector.broadcast %jit3A_621 : f32 to vector<400x32xf32>
    %select_n3A_625 = arith.select %broadcast_in_dim3A_623, %get3A_3, %broadcast_in_dim3A_624 : vector<400x32xi1>, vector<400x32xf32>
    %reduce_max3A_626 = arith.constant dense<0xFF800000> : vector<32xf32>
    %reduce_max3A_627 = vector.multi_reduction <maximumf>, %select_n3A_625, %reduce_max3A_626 [0] : vector<400x32xf32> to vector<32xf32>
    %broadcast_in_dim3A_628 = vector.shape_cast %reduce_max3A_627 : vector<32xf32> to vector<1x32xf32>
    %eq3A_629 = arith.constant 55 : i32
    %eq3A_630 = vector.broadcast %eq3A_629 : i32 to vector<400x1xi32>
    %eq3A_631 = arith.cmpi eq, %slice3A, %eq3A_630 : vector<400x1xi32>
    %jit3A_632 = arith.constant 0xFF800000 : f32
    %broadcast_in_dim3A_633 = vector.shape_cast %eq3A_631 : vector<400x1xi1> to vector<400x1xi1>
    %broadcast_in_dim3A_634 = vector.broadcast %broadcast_in_dim3A_633 : vector<400x1xi1> to vector<400x32xi1>
    %broadcast_in_dim3A_635 = vector.broadcast %jit3A_632 : f32 to vector<400x32xf32>
    %select_n3A_636 = arith.select %broadcast_in_dim3A_634, %get3A_3, %broadcast_in_dim3A_635 : vector<400x32xi1>, vector<400x32xf32>
    %reduce_max3A_637 = arith.constant dense<0xFF800000> : vector<32xf32>
    %reduce_max3A_638 = vector.multi_reduction <maximumf>, %select_n3A_636, %reduce_max3A_637 [0] : vector<400x32xf32> to vector<32xf32>
    %broadcast_in_dim3A_639 = vector.shape_cast %reduce_max3A_638 : vector<32xf32> to vector<1x32xf32>
    %eq3A_640 = arith.constant 56 : i32
    %eq3A_641 = vector.broadcast %eq3A_640 : i32 to vector<400x1xi32>
    %eq3A_642 = arith.cmpi eq, %slice3A, %eq3A_641 : vector<400x1xi32>
    %jit3A_643 = arith.constant 0xFF800000 : f32
    %broadcast_in_dim3A_644 = vector.shape_cast %eq3A_642 : vector<400x1xi1> to vector<400x1xi1>
    %broadcast_in_dim3A_645 = vector.broadcast %broadcast_in_dim3A_644 : vector<400x1xi1> to vector<400x32xi1>
    %broadcast_in_dim3A_646 = vector.broadcast %jit3A_643 : f32 to vector<400x32xf32>
    %select_n3A_647 = arith.select %broadcast_in_dim3A_645, %get3A_3, %broadcast_in_dim3A_646 : vector<400x32xi1>, vector<400x32xf32>
    %reduce_max3A_648 = arith.constant dense<0xFF800000> : vector<32xf32>
    %reduce_max3A_649 = vector.multi_reduction <maximumf>, %select_n3A_647, %reduce_max3A_648 [0] : vector<400x32xf32> to vector<32xf32>
    %broadcast_in_dim3A_650 = vector.shape_cast %reduce_max3A_649 : vector<32xf32> to vector<1x32xf32>
    %eq3A_651 = arith.constant 57 : i32
    %eq3A_652 = vector.broadcast %eq3A_651 : i32 to vector<400x1xi32>
    %eq3A_653 = arith.cmpi eq, %slice3A, %eq3A_652 : vector<400x1xi32>
    %jit3A_654 = arith.constant 0xFF800000 : f32
    %broadcast_in_dim3A_655 = vector.shape_cast %eq3A_653 : vector<400x1xi1> to vector<400x1xi1>
    %broadcast_in_dim3A_656 = vector.broadcast %broadcast_in_dim3A_655 : vector<400x1xi1> to vector<400x32xi1>
    %broadcast_in_dim3A_657 = vector.broadcast %jit3A_654 : f32 to vector<400x32xf32>
    %select_n3A_658 = arith.select %broadcast_in_dim3A_656, %get3A_3, %broadcast_in_dim3A_657 : vector<400x32xi1>, vector<400x32xf32>
    %reduce_max3A_659 = arith.constant dense<0xFF800000> : vector<32xf32>
    %reduce_max3A_660 = vector.multi_reduction <maximumf>, %select_n3A_658, %reduce_max3A_659 [0] : vector<400x32xf32> to vector<32xf32>
    %broadcast_in_dim3A_661 = vector.shape_cast %reduce_max3A_660 : vector<32xf32> to vector<1x32xf32>
    %eq3A_662 = arith.constant 58 : i32
    %eq3A_663 = vector.broadcast %eq3A_662 : i32 to vector<400x1xi32>
    %eq3A_664 = arith.cmpi eq, %slice3A, %eq3A_663 : vector<400x1xi32>
    %jit3A_665 = arith.constant 0xFF800000 : f32
    %broadcast_in_dim3A_666 = vector.shape_cast %eq3A_664 : vector<400x1xi1> to vector<400x1xi1>
    %broadcast_in_dim3A_667 = vector.broadcast %broadcast_in_dim3A_666 : vector<400x1xi1> to vector<400x32xi1>
    %broadcast_in_dim3A_668 = vector.broadcast %jit3A_665 : f32 to vector<400x32xf32>
    %select_n3A_669 = arith.select %broadcast_in_dim3A_667, %get3A_3, %broadcast_in_dim3A_668 : vector<400x32xi1>, vector<400x32xf32>
    %reduce_max3A_670 = arith.constant dense<0xFF800000> : vector<32xf32>
    %reduce_max3A_671 = vector.multi_reduction <maximumf>, %select_n3A_669, %reduce_max3A_670 [0] : vector<400x32xf32> to vector<32xf32>
    %broadcast_in_dim3A_672 = vector.shape_cast %reduce_max3A_671 : vector<32xf32> to vector<1x32xf32>
    %eq3A_673 = arith.constant 59 : i32
    %eq3A_674 = vector.broadcast %eq3A_673 : i32 to vector<400x1xi32>
    %eq3A_675 = arith.cmpi eq, %slice3A, %eq3A_674 : vector<400x1xi32>
    %jit3A_676 = arith.constant 0xFF800000 : f32
    %broadcast_in_dim3A_677 = vector.shape_cast %eq3A_675 : vector<400x1xi1> to vector<400x1xi1>
    %broadcast_in_dim3A_678 = vector.broadcast %broadcast_in_dim3A_677 : vector<400x1xi1> to vector<400x32xi1>
    %broadcast_in_dim3A_679 = vector.broadcast %jit3A_676 : f32 to vector<400x32xf32>
    %select_n3A_680 = arith.select %broadcast_in_dim3A_678, %get3A_3, %broadcast_in_dim3A_679 : vector<400x32xi1>, vector<400x32xf32>
    %reduce_max3A_681 = arith.constant dense<0xFF800000> : vector<32xf32>
    %reduce_max3A_682 = vector.multi_reduction <maximumf>, %select_n3A_680, %reduce_max3A_681 [0] : vector<400x32xf32> to vector<32xf32>
    %broadcast_in_dim3A_683 = vector.shape_cast %reduce_max3A_682 : vector<32xf32> to vector<1x32xf32>
    %eq3A_684 = arith.constant 60 : i32
    %eq3A_685 = vector.broadcast %eq3A_684 : i32 to vector<400x1xi32>
    %eq3A_686 = arith.cmpi eq, %slice3A, %eq3A_685 : vector<400x1xi32>
    %jit3A_687 = arith.constant 0xFF800000 : f32
    %broadcast_in_dim3A_688 = vector.shape_cast %eq3A_686 : vector<400x1xi1> to vector<400x1xi1>
    %broadcast_in_dim3A_689 = vector.broadcast %broadcast_in_dim3A_688 : vector<400x1xi1> to vector<400x32xi1>
    %broadcast_in_dim3A_690 = vector.broadcast %jit3A_687 : f32 to vector<400x32xf32>
    %select_n3A_691 = arith.select %broadcast_in_dim3A_689, %get3A_3, %broadcast_in_dim3A_690 : vector<400x32xi1>, vector<400x32xf32>
    %reduce_max3A_692 = arith.constant dense<0xFF800000> : vector<32xf32>
    %reduce_max3A_693 = vector.multi_reduction <maximumf>, %select_n3A_691, %reduce_max3A_692 [0] : vector<400x32xf32> to vector<32xf32>
    %broadcast_in_dim3A_694 = vector.shape_cast %reduce_max3A_693 : vector<32xf32> to vector<1x32xf32>
    %eq3A_695 = arith.constant 61 : i32
    %eq3A_696 = vector.broadcast %eq3A_695 : i32 to vector<400x1xi32>
    %eq3A_697 = arith.cmpi eq, %slice3A, %eq3A_696 : vector<400x1xi32>
    %jit3A_698 = arith.constant 0xFF800000 : f32
    %broadcast_in_dim3A_699 = vector.shape_cast %eq3A_697 : vector<400x1xi1> to vector<400x1xi1>
    %broadcast_in_dim3A_700 = vector.broadcast %broadcast_in_dim3A_699 : vector<400x1xi1> to vector<400x32xi1>
    %broadcast_in_dim3A_701 = vector.broadcast %jit3A_698 : f32 to vector<400x32xf32>
    %select_n3A_702 = arith.select %broadcast_in_dim3A_700, %get3A_3, %broadcast_in_dim3A_701 : vector<400x32xi1>, vector<400x32xf32>
    %reduce_max3A_703 = arith.constant dense<0xFF800000> : vector<32xf32>
    %reduce_max3A_704 = vector.multi_reduction <maximumf>, %select_n3A_702, %reduce_max3A_703 [0] : vector<400x32xf32> to vector<32xf32>
    %broadcast_in_dim3A_705 = vector.shape_cast %reduce_max3A_704 : vector<32xf32> to vector<1x32xf32>
    %eq3A_706 = arith.constant 62 : i32
    %eq3A_707 = vector.broadcast %eq3A_706 : i32 to vector<400x1xi32>
    %eq3A_708 = arith.cmpi eq, %slice3A, %eq3A_707 : vector<400x1xi32>
    %jit3A_709 = arith.constant 0xFF800000 : f32
    %broadcast_in_dim3A_710 = vector.shape_cast %eq3A_708 : vector<400x1xi1> to vector<400x1xi1>
    %broadcast_in_dim3A_711 = vector.broadcast %broadcast_in_dim3A_710 : vector<400x1xi1> to vector<400x32xi1>
    %broadcast_in_dim3A_712 = vector.broadcast %jit3A_709 : f32 to vector<400x32xf32>
    %select_n3A_713 = arith.select %broadcast_in_dim3A_711, %get3A_3, %broadcast_in_dim3A_712 : vector<400x32xi1>, vector<400x32xf32>
    %reduce_max3A_714 = arith.constant dense<0xFF800000> : vector<32xf32>
    %reduce_max3A_715 = vector.multi_reduction <maximumf>, %select_n3A_713, %reduce_max3A_714 [0] : vector<400x32xf32> to vector<32xf32>
    %broadcast_in_dim3A_716 = vector.shape_cast %reduce_max3A_715 : vector<32xf32> to vector<1x32xf32>
    %eq3A_717 = arith.constant 63 : i32
    %eq3A_718 = vector.broadcast %eq3A_717 : i32 to vector<400x1xi32>
    %eq3A_719 = arith.cmpi eq, %slice3A, %eq3A_718 : vector<400x1xi32>
    %jit3A_720 = arith.constant 0xFF800000 : f32
    %broadcast_in_dim3A_721 = vector.shape_cast %eq3A_719 : vector<400x1xi1> to vector<400x1xi1>
    %broadcast_in_dim3A_722 = vector.broadcast %broadcast_in_dim3A_721 : vector<400x1xi1> to vector<400x32xi1>
    %broadcast_in_dim3A_723 = vector.broadcast %jit3A_720 : f32 to vector<400x32xf32>
    %select_n3A_724 = arith.select %broadcast_in_dim3A_722, %get3A_3, %broadcast_in_dim3A_723 : vector<400x32xi1>, vector<400x32xf32>
    %reduce_max3A_725 = arith.constant dense<0xFF800000> : vector<32xf32>
    %reduce_max3A_726 = vector.multi_reduction <maximumf>, %select_n3A_724, %reduce_max3A_725 [0] : vector<400x32xf32> to vector<32xf32>
    %broadcast_in_dim3A_727 = vector.shape_cast %reduce_max3A_726 : vector<32xf32> to vector<1x32xf32>
    %concatenate3A = tpu.concatenate %broadcast_in_dim3A_34, %broadcast_in_dim3A_45, %broadcast_in_dim3A_56, %broadcast_in_dim3A_67, %broadcast_in_dim3A_78, %broadcast_in_dim3A_89, %broadcast_in_dim3A_100, %broadcast_in_dim3A_111, %broadcast_in_dim3A_122, %broadcast_in_dim3A_133, %broadcast_in_dim3A_144, %broadcast_in_dim3A_155, %broadcast_in_dim3A_166, %broadcast_in_dim3A_177, %broadcast_in_dim3A_188, %broadcast_in_dim3A_199, %broadcast_in_dim3A_210, %broadcast_in_dim3A_221, %broadcast_in_dim3A_232, %broadcast_in_dim3A_243, %broadcast_in_dim3A_254, %broadcast_in_dim3A_265, %broadcast_in_dim3A_276, %broadcast_in_dim3A_287, %broadcast_in_dim3A_298, %broadcast_in_dim3A_309, %broadcast_in_dim3A_320, %broadcast_in_dim3A_331, %broadcast_in_dim3A_342, %broadcast_in_dim3A_353, %broadcast_in_dim3A_364, %broadcast_in_dim3A_375, %broadcast_in_dim3A_386, %broadcast_in_dim3A_397, %broadcast_in_dim3A_408, %broadcast_in_dim3A_419, %broadcast_in_dim3A_430, %broadcast_in_dim3A_441, %broadcast_in_dim3A_452, %broadcast_in_dim3A_463, %broadcast_in_dim3A_474, %broadcast_in_dim3A_485, %broadcast_in_dim3A_496, %broadcast_in_dim3A_507, %broadcast_in_dim3A_518, %broadcast_in_dim3A_529, %broadcast_in_dim3A_540, %broadcast_in_dim3A_551, %broadcast_in_dim3A_562, %broadcast_in_dim3A_573, %broadcast_in_dim3A_584, %broadcast_in_dim3A_595, %broadcast_in_dim3A_606, %broadcast_in_dim3A_617, %broadcast_in_dim3A_628, %broadcast_in_dim3A_639, %broadcast_in_dim3A_650, %broadcast_in_dim3A_661, %broadcast_in_dim3A_672, %broadcast_in_dim3A_683, %broadcast_in_dim3A_694, %broadcast_in_dim3A_705, %broadcast_in_dim3A_716, %broadcast_in_dim3A_727 in 0 : vector<1x32xf32>, vector<1x32xf32>, vector<1x32xf32>, vector<1x32xf32>, vector<1x32xf32>, vector<1x32xf32>, vector<1x32xf32>, vector<1x32xf32>, vector<1x32xf32>, vector<1x32xf32>, vector<1x32xf32>, vector<1x32xf32>, vector<1x32xf32>, vector<1x32xf32>, vector<1x32xf32>, vector<1x32xf32>, vector<1x32xf32>, vector<1x32xf32>, vector<1x32xf32>, vector<1x32xf32>, vector<1x32xf32>, vector<1x32xf32>, vector<1x32xf32>, vector<1x32xf32>, vector<1x32xf32>, vector<1x32xf32>, vector<1x32xf32>, vector<1x32xf32>, vector<1x32xf32>, vector<1x32xf32>, vector<1x32xf32>, vector<1x32xf32>, vector<1x32xf32>, vector<1x32xf32>, vector<1x32xf32>, vector<1x32xf32>, vector<1x32xf32>, vector<1x32xf32>, vector<1x32xf32>, vector<1x32xf32>, vector<1x32xf32>, vector<1x32xf32>, vector<1x32xf32>, vector<1x32xf32>, vector<1x32xf32>, vector<1x32xf32>, vector<1x32xf32>, vector<1x32xf32>, vector<1x32xf32>, vector<1x32xf32>, vector<1x32xf32>, vector<1x32xf32>, vector<1x32xf32>, vector<1x32xf32>, vector<1x32xf32>, vector<1x32xf32>, vector<1x32xf32>, vector<1x32xf32>, vector<1x32xf32>, vector<1x32xf32>, vector<1x32xf32>, vector<1x32xf32>, vector<1x32xf32>, vector<1x32xf32> -> vector<64x32xf32>
    %get3A_728 = arith.constant 0 : index
    %get3A_729 = arith.constant 0 : index
    %get3A_730 = vector.load %arg13[%get3A_728, %get3A_729] : memref<64x32xf32, #tpu.memory_space<vmem>>, vector<64x32xf32>
    %max3A = arith.maximumf %get3A_730, %concatenate3A : vector<64x32xf32>
    %swap3A_731 = arith.constant 0 : index
    %swap3A_732 = arith.constant 0 : index
    %swap3A_733 = vector.load %arg13[%swap3A_731, %swap3A_732] : memref<64x32xf32, #tpu.memory_space<vmem>>, vector<64x32xf32>
    tpu.vector_store %arg13[%swap3A_731, %swap3A_732], %max3A {strides = array<i32>} : memref<64x32xf32, #tpu.memory_space<vmem>>, vector<64x32xf32>,
    %get3A_734 = arith.constant 0 : index
    %get3A_735 = arith.constant 0 : index
    %get3A_736 = vector.load %arg11[%get3A_734, %get3A_735] : memref<64x32xf32, #tpu.memory_space<vmem>>, vector<64x32xf32>
    %get3A_737 = arith.constant 0 : index
    %get3A_738 = arith.constant 0 : index
    %get3A_739 = vector.load %arg12[%get3A_737, %get3A_738] : memref<64x32xf32, #tpu.memory_space<vmem>>, vector<64x32xf32>
    %max3A_740 = arith.constant 1.000000e+00 : f32
    %max3A_741 = vector.broadcast %max3A_740 : f32 to vector<64x32xf32>
    %max3A_742 = arith.maximumf %get3A_739, %max3A_741 : vector<64x32xf32>
    %div3A = arith.divf %get3A_736, %max3A_742 : vector<64x32xf32>
    %get3A_743 = arith.constant 0 : index
    %get3A_744 = arith.constant 0 : index
    %get3A_745 = vector.load %arg5[%get3A_743, %get3A_744] : memref<32x2xf32, #tpu.memory_space<vmem>>, vector<32x2xf32>
    %dot_general3A_746 = arith.constant dense<0.000000e+00> : vector<64x2xf32>
    %dot_general3A_747 = tpu.matmul %div3A, %get3A_745, %dot_general3A_746 {dimension_numbers = #tpu.dot_dimension_numbers<[1], [0], [0], [1], [0, 0, 1, 1], [], []>, transpose_lhs_hint = false} : vector<64x32xf32>, vector<32x2xf32>, vector<64x2xf32> -> vector<64x2xf32>
    %get3A_748 = arith.constant 0 : index
    %get3A_749 = arith.constant 0 : index
    %get3A_750 = vector.load %arg13[%get3A_748, %get3A_749] : memref<64x32xf32, #tpu.memory_space<vmem>>, vector<64x32xf32>
    %get3A_751 = arith.constant 0 : index
    %get3A_752 = arith.constant 0 : index
    %get3A_753 = vector.load %arg6[%get3A_751, %get3A_752] : memref<32x2xf32, #tpu.memory_space<vmem>>, vector<32x2xf32>
    %dot_general3A_754 = arith.constant dense<0.000000e+00> : vector<64x2xf32>
    %dot_general3A_755 = tpu.matmul %get3A_750, %get3A_753, %dot_general3A_754 {dimension_numbers = #tpu.dot_dimension_numbers<[1], [0], [0], [1], [0, 0, 1, 1], [], []>, transpose_lhs_hint = false} : vector<64x32xf32>, vector<32x2xf32>, vector<64x2xf32> -> vector<64x2xf32>
    %add3A_756 = arith.addf %dot_general3A_747, %dot_general3A_755 : vector<64x2xf32>
    %get3A_757 = arith.constant 0 : index
    %get3A_758 = arith.constant 0 : index
    %get3A_759 = vector.load %arg3[%get3A_757, %get3A_758] : memref<64x4xf32, #tpu.memory_space<vmem>>, vector<64x4xf32>
    %get3A_760 = arith.constant 0 : index
    %get3A_761 = arith.constant 0 : index
    %get3A_762 = vector.load %arg7[%get3A_760, %get3A_761] : memref<4x2xf32, #tpu.memory_space<vmem>>, vector<4x2xf32>
    %dot_general3A_763 = arith.constant dense<0.000000e+00> : vector<64x2xf32>
    %dot_general3A_764 = tpu.matmul %get3A_759, %get3A_762, %dot_general3A_763 {dimension_numbers = #tpu.dot_dimension_numbers<[1], [0], [0], [1], [0, 0, 1, 1], [], []>, transpose_lhs_hint = false} : vector<64x4xf32>, vector<4x2xf32>, vector<64x2xf32> -> vector<64x2xf32>
    %add3A_765 = arith.addf %add3A_756, %dot_general3A_764 : vector<64x2xf32>
    %get3A_766 = arith.constant 0 : index
    %get3A_767 = arith.constant 0 : index
    %get3A_768 = vector.load %arg4[%get3A_766, %get3A_767] : memref<64x1xf32, #tpu.memory_space<vmem>>, vector<64x1xf32>
    %get3A_769 = arith.constant 0 : index
    %get3A_770 = arith.constant 0 : index
    %get3A_771 = vector.load %arg8[%get3A_769, %get3A_770] : memref<1x2xf32, #tpu.memory_space<vmem>>, vector<1x2xf32>
    %dot_general3A_772 = arith.constant dense<0.000000e+00> : vector<64x2xf32>
    %dot_general3A_773 = tpu.matmul %get3A_768, %get3A_771, %dot_general3A_772 {dimension_numbers = #tpu.dot_dimension_numbers<[1], [0], [0], [1], [0, 0, 1, 1], [], []>, transpose_lhs_hint = false} : vector<64x1xf32>, vector<1x2xf32>, vector<64x2xf32> -> vector<64x2xf32>
    %add3A_774 = arith.addf %add3A_765, %dot_general3A_773 : vector<64x2xf32>
    %get3A_775 = arith.constant 0 : index
    %get3A_776 = arith.constant 0 : index
    %get3A_777 = vector.load %arg9[%get3A_775, %get3A_776] : memref<1x2xf32, #tpu.memory_space<vmem>>, vector<1x2xf32>
    %add3A_778 = vector.broadcast %get3A_777 : vector<1x2xf32> to vector<64x2xf32>
    %add3A_779 = arith.addf %add3A_774, %add3A_778 : vector<64x2xf32>
    %swap3A_780 = arith.constant 0 : index
    %swap3A_781 = arith.constant 0 : index
    %swap3A_782 = vector.load %arg10[%swap3A_780, %swap3A_781] : memref<64x2xf32, #tpu.memory_space<vmem>>, vector<64x2xf32>
    tpu.vector_store %arg10[%swap3A_780, %swap3A_781], %add3A_779 {strides = array<i32>} : memref<64x2xf32, #tpu.memory_space<vmem>>, vector<64x2xf32>,
    return
  }
  func.func @transform_0(%arg0: i32) -> (i32, i32) {
    %c0_i32 = arith.constant 0 : i32
    %c0_i32_0 = arith.constant 0 : i32
    return %arg0, %c0_i32 : i32, i32
  }
  func.func @transform_1(%arg0: i32) -> (i32, i32) {
    %c0_i32 = arith.constant 0 : i32
    %c0_i32_0 = arith.constant 0 : i32
    return %arg0, %c0_i32 : i32, i32
  }
  func.func @transform_2(%arg0: i32) -> (i32, i32) {
    %c0_i32 = arith.constant 0 : i32
    %c0_i32_0 = arith.constant 0 : i32
    %c0_i32_1 = arith.constant 0 : i32
    return %c0_i32, %c0_i32_0 : i32, i32
  }
  func.func @transform_3(%arg0: i32) -> (i32, i32) {
    %c0_i32 = arith.constant 0 : i32
    %c0_i32_0 = arith.constant 0 : i32
    %c0_i32_1 = arith.constant 0 : i32
    return %c0_i32, %c0_i32_0 : i32, i32
  }
  func.func @transform_4(%arg0: i32) -> (i32, i32) {
    %c0_i32 = arith.constant 0 : i32
    %c0_i32_0 = arith.constant 0 : i32
    %c0_i32_1 = arith.constant 0 : i32
    return %c0_i32, %c0_i32_0 : i32, i32
  }
  func.func @transform_5(%arg0: i32) -> (i32, i32) {
    %c0_i32 = arith.constant 0 : i32
    %c0_i32_0 = arith.constant 0 : i32
    %c0_i32_1 = arith.constant 0 : i32
    return %c0_i32, %c0_i32_0 : i32, i32
  }
  func.func @transform_6(%arg0: i32) -> (i32, i32) {
    %c0_i32 = arith.constant 0 : i32
    %c0_i32_0 = arith.constant 0 : i32
    %c0_i32_1 = arith.constant 0 : i32
    return %c0_i32, %c0_i32_0 : i32, i32
  }
  func.func @transform_7(%arg0: i32) -> (i32, i32) {
    %c0_i32 = arith.constant 0 : i32
    %c0_i32_0 = arith.constant 0 : i32
    %c0_i32_1 = arith.constant 0 : i32
    return %c0_i32, %c0_i32_0 : i32, i32
  }
  func.func @transform_8(%arg0: i32) -> (i32, i32) {
    %c0_i32 = arith.constant 0 : i32
    %c0_i32_0 = arith.constant 0 : i32
    %c0_i32_1 = arith.constant 0 : i32
    return %c0_i32, %c0_i32_0 : i32, i32
  }
  func.func @transform_9(%arg0: i32) -> (i32, i32) {
    %c0_i32 = arith.constant 0 : i32
    %c0_i32_0 = arith.constant 0 : i32
    %c0_i32_1 = arith.constant 0 : i32
    return %c0_i32, %c0_i32_0 : i32, i32
  }
}

</mosaic_0001>

<sc_bundles>
// kernel: kernel.15.cloned.1.call-start
scs
__scs_entry_jumppad:
0x0: {  	(pc) =	sbr.rel $0x88, $3  }
0x1: {  	(tag) =	ssettag $0x0;
	lr =	simm.s32 $0x1  }
0x2: {  	[smem:$0x3F81] =	sst lr;
	_ =	strace $0xD0000000  }
0x3: {  	_ = 	snop  }
0x4: {  	_ = 	snop  }
0x5: {  	_ = 	snop  }
0x6: {  	_ = 	snop  }
0x7: {  	_ = 	snop  }
__scs_overlays_trampoline_lowered:
0x8: {  	[smem:$0x3F90] =	sst s0  }
0x9: {  	[smem:$0x3F91] =	sst s1  }
0xa: {  	[smem:$0x3F92] =	sst s2  }
0xb: {  	[smem:$0x3F93] =	sst s3  }
0xc: {  	[smem:$0x3F94] =	sst s4  }
0xd: {  	[smem:$0x3F95] =	sst s5  }
0xe: {  	[smem:$0x3F96] =	sst s6  }
0xf: {  	[smem:$0x3F97] =	sst s7  }
0x10: {  	[smem:$0x3F98] =	sst s8  }
0x11: {  	[smem:$0x3F99] =	sst s9;
	s0 =	simm.s32 @!p0 $0x0  }
0x12: {  	s1 =	sld [smem:$0x3F7F];
	s0 =	simm.s32 @p0 $0x1  }
0x13: {  	[smem:$0x3F9A] =	sst s0;
	s0 =	simm.s32 @!p1 $0x0  }
0x14: {  	s2 =	sld [smem:$0x3F7E];
	s0 =	simm.s32 @p1 $0x1  }
0x15: {  	[smem:$0x3F9B] =	sst s0;
	s0 =	simm.s32 @!p2 $0x0  }
0x16: {  	s3 =	sld [smem:$0x3FDB];
	s0 =	simm.s32 @p2 $0x1  }
0x17: {  	s4 =	simm.s32 $0x1BF5;
	[smem:$0x3F9D] =	sst s0  }
0x18: {  	s0 =	sld [smem:$0x3F80];
	_ =	swait.ge [sflag:s4], $0x0  }
0x19: {  	s7 =	sld [smem:$0x3F81]  }
0x1a: {  	s8 =	sadd.s32 $0xFFFFE003, lr  }
0x1b: {  	s9 =	sadd.s32 $0xFFFFFEF7, lr;
	s5 =	simm.s32 $0xFFFFFFFF;
	p2 =	slt.u32 s8, $0xFFFFF086  }
0x1c: {  	p1 =	slt.u32 s9, $0xF7A;
	s5 =	simm.s32 @!p2 $0x0  }
0x1d: {  	s5 =	simm.s32 @p1 $0x1;
	p0 =	seq.s32 s7, s2  }
0x1e: {  	s7 =	smul.u32 @!p0 $0xF7A, s2;
	p2 =	seq.s32 @!p0 s5, $0x0  }
0x1f: {  	s9 =	smul.u32 $0xF7A, s1;
	s8 =	simm.s32 @!p0 $0x1BF5;
	p2 =	por !p2, p0  }
0x20: {  	[sflag:s8] =	ssyncset.s32 @!p0 $0xFFFFF086;
	s6 =	sadd.s32 @!p0 s3, s7;
	s7 =	simm.s32 @!p0 $0x108  }
0x21: {  	s3 =	sadd.s32 s3, s9;
	s6 =	sadd.s32 @!p0 $0x88, s6;
	s7 =	simm.s32 @p2 $0x1082  }
0x22: {  	[simem:s7], [sflag:s8] =	dma.local @!p0 [hbm:s6], $0xF7A  }
0x23: {  	s9 =	sor.u32 $0xD0000000, s2;
	s6 =	simm.s32 $0x108;
	_ =	swait.ge @!p0 [sflag:s8], $0x0  }
0x24: {  	s3 =	sadd.s32 $0x88, s3;
	s6 =	simm.s32 @!p1 $0x1082;
	[sflag:s4] =	ssyncset.s32 $0xFFFFF086  }
0x25: {  	[simem:s6], [sflag:s4] =	dma.local [hbm:s3], $0xF7A  }
0x26: {  	[smem:$0x3F81] =	sst s1;
	(tag) =	ssettag s2;
	_ =	strace s9  }
0x27: {  	s1 =	sld [smem:$0x3F91]  }
0x28: {  	s2 =	sld [smem:$0x3F92]  }
0x29: {  	s4 =	sld [smem:$0x3F94]  }
0x2a: {  	p0 =	seq.s32 s5, $0x0;
	s5 =	sld [smem:$0x3F95]  }
0x2b: {  	s6 =	sld [smem:$0x3F96]  }
0x2c: {  	s7 =	sld [smem:$0x3F97]  }
0x2d: {  	s3 =	simm.s32 $0x108;
	s8 =	sld [smem:$0x3F98]  }
0x2e: {  	s3 =	simm.s32 @!p0 $0x1082;
	s9 =	sld [smem:$0x3F99]  }
0x2f: {  	lr =	sadd.s32 s0, s3;
	s0 =	sld [smem:$0x3F90]  }
0x30: {  	s3 =	sld [smem:$0x3F93]  }
0x31: {  	[smem:$0x3F9C] =	sst s10  }
0x32: {  	s10 =	sld [smem:$0x3F9A];
	_ =	sdelay $0x3  }
0x33: {  	p0 =	seq.s32 s10, $0x1;
	s10 =	sld [smem:$0x3F9C];
	_ =	sdelay $0x3  }
0x34: {  	[smem:$0x3F9C] =	sst s10  }
0x35: {  	s10 =	sld [smem:$0x3F9B];
	_ =	sdelay $0x3  }
0x36: {  	p1 =	seq.s32 s10, $0x1;
	s10 =	sld [smem:$0x3F9C];
	_ =	sdelay $0x3  }
0x37: {  	[smem:$0x3F9C] =	sst s10  }
0x38: {  	s10 =	sld [smem:$0x3F9D]  }
0x39: {  	_ = 	snop;
	(pc) =	sbr.ind lr, $3  }
0x3a: {  	_ = 	snop  }
0x3b: {  	_ = 	snop  }
0x3c: {  	p2 =	seq.s32 s10, $0x1;
	s10 =	sld [smem:$0x3F9C]  }
0x3d: {  	_ =	shalt  }
0x3e: {  	_ =	shalt  }
0x3f: {  	_ =	shalt  }
0x40: {  	_ =	shalt  }
0x41: {  	_ =	shalt  }
0x42: {  	_ =	shalt  }
0x43: {  	_ =	shalt  }
0x44: {  	_ =	shalt  }
0x45: {  	_ =	shalt  }
0x46: {  	_ =	shalt  }
0x47: {  	_ =	shalt  }
0x48: {  	_ =	shalt  }
0x49: {  	_ =	shalt  }
0x4a: {  	_ =	shalt  }
0x4b: {  	_ =	shalt  }
0x4c: {  	_ =	shalt  }
0x4d: {  	_ =	shalt  }
0x4e: {  	_ =	shalt  }
0x4f: {  	_ =	shalt  }
0x50: {  	_ =	shalt  }
0x51: {  	_ =	shalt  }
0x52: {  	_ =	shalt  }
0x53: {  	_ =	shalt  }
0x54: {  	_ =	shalt  }
0x55: {  	_ =	shalt  }
0x56: {  	_ =	shalt  }
0x57: {  	_ =	shalt  }
0x58: {  	_ =	shalt  }
0x59: {  	_ =	shalt  }
0x5a: {  	_ =	shalt  }
0x5b: {  	_ =	shalt  }
0x5c: {  	_ =	shalt  }
0x5d: {  	_ =	shalt  }
0x5e: {  	_ =	shalt  }
0x5f: {  	_ =	shalt  }
0x60: {  	_ =	shalt  }
0x61: {  	_ =	shalt  }
0x62: {  	_ =	shalt  }
0x63: {  	_ =	shalt  }
0x64: {  	_ =	shalt  }
0x65: {  	_ =	shalt  }
0x66: {  	_ =	shalt  }
0x67: {  	_ =	shalt  }
0x68: {  	_ =	shalt  }
0x69: {  	_ =	shalt  }
0x6a: {  	_ =	shalt  }
0x6b: {  	_ =	shalt  }
0x6c: {  	_ =	shalt  }
0x6d: {  	_ =	shalt  }
0x6e: {  	_ =	shalt  }
0x6f: {  	_ =	shalt  }
0x70: {  	_ =	shalt  }
0x71: {  	_ =	shalt  }
0x72: {  	_ =	shalt  }
0x73: {  	_ =	shalt  }
0x74: {  	_ =	shalt  }
0x75: {  	_ =	shalt  }
0x76: {  	_ =	shalt  }
0x77: {  	_ =	shalt  }
0x78: {  	_ =	shalt  }
0x79: {  	_ =	shalt  }
0x7a: {  	_ =	shalt  }
0x7b: {  	_ =	shalt  }
0x7c: {  	_ =	shalt  }
0x7d: {  	_ =	shalt  }
0x7e: {  	_ =	shalt  }
0x7f: {  	_ =	shalt  }
0x80: {  	_ =	shalt  }
0x81: {  	_ =	shalt  }
0x82: {  	_ =	shalt  }
0x83: {  	_ =	shalt  }
0x84: {  	_ =	shalt  }
0x85: {  	_ =	shalt  }
0x86: {  	_ =	shalt  }
0x87: {  	_ =	shalt  }
.Lfunc_end0:
.L_simem_size_0:
called_computation_lowered:
.L_overlay_start_0:
0x88: {  	s2 =	sld [smem:$0x3FD9]  }
0x89: {  	s3 =	sld [smem:$0x3FFE];
	_ =	sdelay $0x1  }
0x8a: {  	s1 =	srdreg.scid  }
0x8b: {  	s0 =	sand.u32 $0x1, s1  }
0x8c: {  	s16 =	sshll.u32 s0, $0xA;
	s2 =	sadd.s32 s3, s2  }
0x8d: {  	s2 =	sadd.s32 s2, s16  }
0x8e: {  	[smem:$0x3FA8] =	sst s2  }
0x8f: {  	_ = 	snop  }
0x90: {  	(tm) =	ssettm $0x1  }
0x91: {  	s17 =	sld [smem:$0x3FFB];
	_ =	sdelay $0x3  }
0x92: {  	_ =	strace s17  }
0x93: {  	s2 =	sld [smem:$0x3FFC];
	_ =	sdelay $0x3  }
0x94: {  	_ =	strace s2  }
0x95: {  	s2 =	sld [smem:$0x3FFD];
	_ =	sdelay $0x3  }
0x96: {  	_ =	strace s2  }
0x97: {  	_ =	strace $0x8FFFFFFF  }
0x98: {  	s18 =	sld [smem:$0x3FDB];
	_ =	sdelay $0x1  }
0x99: {  	s19 =	simm.s32 $_scs_section_size  }
0x9a: {  	s4 =	simm.s32 $_size__tile_overlayer_lowered;
	s5 =	simm.s32 $_tile_overlayer_lowered  }
0x9b: {  	s22 =	simm.s32 $0x1BFF;
	s21 =	sshll.u32 s5, $0x1;
	s2 =	sadd.s32 s19, s18  }
0x9c: {  	s6 =	simm.s32 $0x0;
	s20 =	sshll.u32 s4, $0x1;
	s4 =	sadd.s32 s21, s2  }
0x9d: {  	[timem:s6], [sflag:s22] =	dma.local [hbm:s4], s20  }
0x9e: {  	_ =	swait.ge [sflag:s22], s20  }
0x9f: {  	s3 =	ssub.s32 $0x0, s20;
	[sflag:s22] =	ssyncset.done $0x0  }
0xa0: {  	[sflag:s22] =	ssyncadd.s32 s3;
	_ =	sdelay $0x1  }
0xa1: {  	s23 =	simm.s32 $0x1B8B  }
0xa2: {  	_ =	swait.ge [sflag:s23], $0x1  }
0xa3: {  	[sflag:s23] =	ssyncset.done $0x0  }
0xa4: {  	s25 =	simm.s32 $0x1B8E;
	s24 =	sld [smem:$0x3FFE];
	[sflag:s23] =	ssyncadd.s32 $0xFFFFFFFF  }
0xa5: {  	s26 =	simm.s32 $execute0_lowered;
	[smem:$0x3FD2] =	sst s25  }
0xa6: {  	s4 =	sshll.u32 s26, $0x1;
	_ =	strace $0x80000046;
	[dreg:$0x1] =	wrdreg $0xFFFFFFFF  }
0xa7: {  	s28 =	simm.s32 $_size_execute0_lowered;
	s2 =	sadd.s32 s2, s4;
	[dreg:$0x0] =	wrdreg $0x0  }
0xa8: {  	s4 =	sshll.u32 s28, $0x1;
	[dreg:$0x2] =	wrdreg s2  }
0xa9: {  	[dreg:$0x3] =	wrdreg s4  }
0xaa: {  	[dreg:$0x4] =	wrdreg $0xC0  }
0xab: {  	_ =	task [dreg:s6], $0x5FFFF  }
0xac: {  	[dreg:$0x1] =	wrdreg $0xFFFFFFFF  }
0xad: {  	[dreg:$0x0] =	wrdreg $0x60  }
0xae: {  	[dreg:$0x2] =	wrdreg s24  }
0xaf: {  	[dreg:$0x3] =	wrdreg $0x9  }
0xb0: {  	_ =	task.clear_ibuf [dreg:s6], $0x4FFFF;
	_ =	strace $0x90000046  }
0xb1: {  	s29 =	simm.s32 $0x9;
	_ =	strace $0x80000048  }
0xb2: {  	_ =	swait.ge [sflag:s29], $0x1  }
0xb3: {  	[sflag:s29] =	ssyncadd.s32 $0xFFFFFFFF  }
0xb4: {  	_ =	strace $0x90000048  }
0xb5: {  	_ =	sfence  }
0xb6: {  	s30 =	sld [smem:$0x0];
	_ =	sdelay $0x2  }
0xb7: {  	s31 =	sshll.u32 s1, $0xD;
	s1 =	sshrl.u32 s1, $0x2  }
0xb8: {  	s3 =	sand.u32 $0x4000, s31;
	s1 =	sadd.s32 s1, s30  }
0xb9: {  	s0 =	sor.u32 s3, s0;
	s1 =	sshll.u32 s1, $0x11  }
0xba: {  	s0 =	sor.u32 s1, s0  }
0xbb: {  	s0 =	sadd.s32 $0x8F2B, s0  }
0xbc: {  	[sflag:s0] =	ssyncadd.remote.s32 $0x1  }
0xbd: {  	_ =	sfence.sel $0xFFFF  }
0xbe: {  	[dreg:$0x0] =	wrdreg $0xFFFFFFFF;
	(pc) =	sbr.abs _section_cstart, $3  }
0xbf: {  	[dreg:$0x1] =	wrdreg $0xFFFFFFFF  }
0xc0: {  	_ =	task.clear_ibuf [dreg:s6], $0x2FFFF;
	_ =	strace $0x9FFFFFFF  }
0xc1: {  	(tm) =	ssettm $0x7FFFFFFF  }
tec
execute0_lowered:
.L_overlay_start_1:
0x0: {  	(tag) =	ssettag $0x1  }
0x1: {  	s1 =	srdreg.scid  }
0x2: {  	s0 =	stileid.u32;
	s4 =	rddreg [dreg:$0x0]  }
0x3: {  	s2 =	simm.s32 $0x0;
	s14 =	simm.s32 $0x1;
	s15 =	simm.s32 $0x2  }
0x4: {  	s16 =	simm.s32 $0x1380;
	s17 =	simm.s32 $0x0;
	s10 =	smul.u32 $0x50000, s0  }
0x5: {  	s5 =	sand.u32 $0x1, s1;
	s1 =	rddreg [dreg:$0x1];
	s25 =	smul.u32 $0x2800, s0  }
0x6: {  	s3 =	sshll.u32 s0, $0x1;
	[smem:$0x7FF] =	sst s2;
	s12 =	smul.u32 $0x28000, s5  }
0x7: {  	s13 =	sadd.s32 $0x37400, s4;
	s6 =	sor.u32 s5, s3;
	s28 =	smul.u32 $0x1400, s5  }
0x8: {  	_ =	strace $0x80000047;
	s9 =	ssub.s32 $0x2, s5;
	s7 =	smul.u32 $0x280, s6  }
0x9: {  	s3 =	sadd.s32 $0x2D400, s4;
	s8 =	smul.u32 $0x28000, s6;
	s11 =	sshrl.u32 s9, $0x1  }
0xa: {  	s29 =	smul.u32 $0x2800, s6;
	s9 =	ssub.s32 s9, s11;
	s30 =	sadd.s32 s12, s10  }
0xb: {  	s12 =	simm.s32 $0x80;
	s7 =	sadd.s32 s7, s4;
	s26 =	sshrl.u32 s8, $0x4  }
0xc: {  	s5 =	smax.u32 s9, $0x1;
	s8 =	sadd.s32 s28, s25;
	s9 =	sadd.s32 s13, s29  }
0xd: {  	s10 =	sshrl.u32 s30, $0x4;
	s4 =	sadd.s32 $0x32400, s7;
	s7 =	sadd.s32 s13, s26  }
0xe: {  	s11 =	sshll.u32 s8, $0x1;
	s8 =	sadd.s32 s10, s13;
	s10 =	simm.s32 $0x3  }
0xf: {  	s6 =	sadd.s32 $0x2600, s7;
	s7 =	sadd.s32 $0x2700, s9;
	s31 =	sadd.s32 s11, s13  }
0x10: {  	s11 =	simm.s32 $0x1400;
	s13 =	simm.s32 $0x1C00;
	s9 =	sadd.s32 $0x100, s31  }
.LBB2_1:
0x11: {  	[tilespmem:s2], [sflag:$0x3] =	stream.linear.gather [hbm4b:s4+s2], $0x1400, $0x38;
	[tilespmem:$0x2400] =	vst v63  }
0x12: {  	_ =	swait.ge [sflag:s10], $0x1400  }
0x13: {  	[sflag:s10] =	ssyncset.done $0x0  }
0x14: {  	[sflag:s10] =	ssyncadd.s32 $0xFFFFEC00  }
0x15: {  	[tilespmem:s11], [sflag:$0x1] =	stream.indirect.gather [hbm4b:s3+s12], $0x10, s2, s12, $0xb8;
	[tilespmem:$0x2400] =	vst v63  }
0x16: {  	_ = 	snop  }
0x17: {  	[tilespmem:s13], [sflag:$0x2] =	stream.indirect.gather [hbm4b:s3+s12], $0x10, s12, s12, $0xb8;
	[tilespmem:$0x2400] =	vst v63  }
0x18: {  	_ =	swait.ge [sflag:s14], $0x800  }
0x19: {  	[sflag:s14] =	ssyncset.done $0x0  }
0x1a: {  	s18 =	sadd.s32 $0x0, s8;
	[sflag:s14] =	ssyncadd.s32 $0xFFFFF800  }
0x1b: {  	[hbm4b:s18+s2] =	stream.linear.scatter [tilespmem:s11], [sflag:$0x3], $0x800, $0x38;
	[tilespmem:$0x2400] =	vst v63  }
0x1c: {  	_ =	swait.ge [sflag:s10], $0x800  }
0x1d: {  	[sflag:s10] =	ssyncset.done $0x0  }
0x1e: {  	s30 =	simm.s32 $0x100;
	[sflag:s10] =	ssyncadd.s32 $0xFFFFF800  }
0x1f: {  	[tilespmem:s11], [sflag:$0x1] =	stream.indirect.gather [hbm4b:s3+s12], $0x10, s30, s12, $0xb8;
	[tilespmem:$0x2400] =	vst v63  }
0x20: {  	_ =	swait.ge [sflag:s15], $0x800  }
0x21: {  	[sflag:s15] =	ssyncset.done $0x0  }
0x22: {  	s31 =	sadd.s32 $0x0, s9;
	[sflag:s15] =	ssyncadd.s32 $0xFFFFF800  }
0x23: {  	[hbm4b:s31+s2] =	stream.linear.scatter [tilespmem:s13], [sflag:$0x3], $0x800, $0x38;
	[tilespmem:$0x2400] =	vst v63  }
0x24: {  	_ =	swait.ge [sflag:s10], $0x800  }
0x25: {  	s19 =	simm.s32 $0x80;
	s18 =	simm.s32 $0x200;
	[sflag:s10] =	ssyncset.done $0x0  }
.LBB2_2:
0x26: {  	p0 =	sne.s32 s18, $0x2400;
	[sflag:s10] =	ssyncadd.s32 $0xFFFFF800;
	s19 =	sadd.s32 $0x100, s19  }
0x27: {  	[tilespmem:s13], [sflag:$0x2] =	stream.indirect.gather [hbm4b:s3+s12], $0x10, s19, s12, $0xb8;
	[tilespmem:$0x2400] =	vst v63  }
0x28: {  	s20 =	smov.u32 s18;
	s18 =	sadd.s32 $0x200, s18;
	_ =	swait.ge [sflag:s14], $0x800  }
0x29: {  	[sflag:s14] =	ssyncset.done $0x0  }
0x2a: {  	s21 =	sadd.s32 s20, s8;
	[sflag:s14] =	ssyncadd.s32 $0xFFFFF800  }
0x2b: {  	[hbm4b:s21+s2] =	stream.linear.scatter [tilespmem:s11], [sflag:$0x3], $0x800, $0x38;
	[tilespmem:$0x2400] =	vst v63  }
0x2c: {  	_ =	swait.ge [sflag:s10], $0x800  }
0x2d: {  	[sflag:s10] =	ssyncset.done $0x0  }
0x2e: {  	s21 =	sadd.s32 $0x80, s19;
	[sflag:s10] =	ssyncadd.s32 $0xFFFFF800  }
0x2f: {  	[tilespmem:s11], [sflag:$0x1] =	stream.indirect.gather [hbm4b:s3+s12], $0x10, s21, s12, $0xb8;
	[tilespmem:$0x2400] =	vst v63  }
0x30: {  	_ =	swait.ge [sflag:s15], $0x800  }
.Ltmp0:
0x31: {  	[sflag:s15] =	ssyncset.done $0x0;
	(pc) =	sbr.rel @p0 .LBB2_2-.Ltmp0, $4  }
0x32: {  	s20 =	sadd.s32 s20, s9;
	[sflag:s15] =	ssyncadd.s32 $0xFFFFF800  }
0x33: {  	[hbm4b:s20+s2] =	stream.linear.scatter [tilespmem:s13], [sflag:$0x3], $0x800, $0x38;
	[tilespmem:$0x2400] =	vst v63  }
0x34: {  	_ =	swait.ge [sflag:s10], $0x800  }
0x35: {  	[sflag:s10] =	ssyncset.done $0x0  }
0x36: {  	[sflag:s10] =	ssyncadd.s32 $0xFFFFF800  }
0x37: {  	[tilespmem:s13], [sflag:$0x2] =	stream.indirect.gather [hbm4b:s3+s12], $0x10, s16, s12, $0xb8;
	[tilespmem:$0x2400] =	vst v63  }
0x38: {  	_ =	swait.ge [sflag:s14], $0x800  }
0x39: {  	[sflag:s14] =	ssyncset.done $0x0  }
0x3a: {  	[sflag:s14] =	ssyncadd.s32 $0xFFFFF800  }
0x3b: {  	[hbm4b:s6+s2] =	stream.linear.scatter [tilespmem:s11], [sflag:$0x3], $0x800, $0x38;
	[tilespmem:$0x2400] =	vst v63  }
0x3c: {  	_ =	swait.ge [sflag:s10], $0x800  }
0x3d: {  	[sflag:s10] =	ssyncset.done $0x0  }
0x3e: {  	[sflag:s10] =	ssyncadd.s32 $0xFFFFF800  }
0x3f: {  	s17 =	sadd.s32 $0x1, s17;
	_ =	swait.ge [sflag:s15], $0x800  }
0x40: {  	p0 =	sne.s32 s17, s5;
	[sflag:s15] =	ssyncset.done $0x0  }
.Ltmp1:
0x41: {  	[sflag:s15] =	ssyncadd.s32 $0xFFFFF800;
	(pc) =	sbr.rel @p0 .LBB2_1-.Ltmp1, $4  }
0x42: {  	[hbm4b:s7+s2] =	stream.linear.scatter [tilespmem:s13], [sflag:$0x3], $0x800, $0x38;
	[tilespmem:$0x2400] =	vst v63  }
0x43: {  	_ =	swait.ge [sflag:s10], $0x800  }
0x44: {  	[sflag:s10] =	ssyncset.done $0x0  }
0x45: {  	[sflag:s10] =	ssyncadd.s32 $0xFFFFF800  }
0x46: {  	_ =	sfence.sel $0x180000  }
0x47: {  	[bflag:$0x0] =	sbarrier.arrive $0xFFFF  }
0x48: {  	p0 =	sne.s32 s0, $0x0;
	_ =	strace $0x90000047  }
0x49: {  	s0 =	sadd.s32 @!p0 $0x100000, s1;
	[bflag:$0x2] =	sbarrier.arrive $0xFFFF  }
0x4a: {  	[sflag:s0] =	ssyncadd.tile.s32 @!p0 $0x1;
	_ =	shalt  }
.Lfunc_end2:
_tile_overlayer_lowered:
.L_overlay_start_2:
0x4b: {  	(tag) =	ssettag $0x2  }
0x4c: {  	s0 =	rddreg [dreg:$0x0];
	s2 =	stileid.u32  }
0x4d: {  	s1 =	rddreg [dreg:$0x1];
	p0 =	sne.s32 s2, $0x0  }
0x4e: {  	s3 =	rddreg [dreg:$0x2];
	[bflag:$0x3] =	sbarrier.arrive $0xFFFF;
	s2 =	simm.s32 @!p0 $0x1C03  }
0x4f: {  	[timem:s3], [sflag:s2] =	dma.local @!p0 [hbm:s0], s1  }
0x50: {  	s0 =	simm.s32 @!p0 $0x3  }
0x51: {  	_ =	swait.ge @!p0 [sflag:s0], s1  }
0x52: {  	s1 =	ssub.s32 @!p0 $0x0, s1;
	[sflag:s0] =	ssyncset.done @!p0 $0x0  }
0x53: {  	[sflag:s0] =	ssyncadd.s32 @!p0 s1  }
0x54: {  	[bflag:$0x3] =	sbarrier.arrive $0xFFFF  }
0x55: {  	_ =	shalt  }

// kernel: kernel.18.cloned.1.call-start
scs
__scs_entry_jumppad:
0x0: {  	(pc) =	sbr.rel $0x88, $3  }
0x1: {  	(tag) =	ssettag $0x0;
	lr =	simm.s32 $0x1  }
0x2: {  	[smem:$0x3F81] =	sst lr;
	_ =	strace $0xD0000000  }
0x3: {  	_ = 	snop  }
0x4: {  	_ = 	snop  }
0x5: {  	_ = 	snop  }
0x6: {  	_ = 	snop  }
0x7: {  	_ = 	snop  }
__scs_overlays_trampoline_lowered:
0x8: {  	[smem:$0x3F90] =	sst s0  }
0x9: {  	[smem:$0x3F91] =	sst s1  }
0xa: {  	[smem:$0x3F92] =	sst s2  }
0xb: {  	[smem:$0x3F93] =	sst s3  }
0xc: {  	[smem:$0x3F94] =	sst s4  }
0xd: {  	[smem:$0x3F95] =	sst s5  }
0xe: {  	[smem:$0x3F96] =	sst s6  }
0xf: {  	[smem:$0x3F97] =	sst s7  }
0x10: {  	[smem:$0x3F98] =	sst s8  }
0x11: {  	[smem:$0x3F99] =	sst s9;
	s0 =	simm.s32 @!p0 $0x0  }
0x12: {  	s1 =	sld [smem:$0x3F7F];
	s0 =	simm.s32 @p0 $0x1  }
0x13: {  	[smem:$0x3F9A] =	sst s0;
	s0 =	simm.s32 @!p1 $0x0  }
0x14: {  	s2 =	sld [smem:$0x3F7E];
	s0 =	simm.s32 @p1 $0x1  }
0x15: {  	[smem:$0x3F9B] =	sst s0;
	s0 =	simm.s32 @!p2 $0x0  }
0x16: {  	s3 =	sld [smem:$0x3FDB];
	s0 =	simm.s32 @p2 $0x1  }
0x17: {  	s4 =	simm.s32 $0x1BF5;
	[smem:$0x3F9D] =	sst s0  }
0x18: {  	s0 =	sld [smem:$0x3F80];
	_ =	swait.ge [sflag:s4], $0x0  }
0x19: {  	s7 =	sld [smem:$0x3F81]  }
0x1a: {  	s8 =	sadd.s32 $0xFFFFE003, lr  }
0x1b: {  	s9 =	sadd.s32 $0xFFFFFEF7, lr;
	s5 =	simm.s32 $0xFFFFFFFF;
	p2 =	slt.u32 s8, $0xFFFFF086  }
0x1c: {  	p1 =	slt.u32 s9, $0xF7A;
	s5 =	simm.s32 @!p2 $0x0  }
0x1d: {  	s5 =	simm.s32 @p1 $0x1;
	p0 =	seq.s32 s7, s2  }
0x1e: {  	s7 =	smul.u32 @!p0 $0xF7A, s2;
	p2 =	seq.s32 @!p0 s5, $0x0  }
0x1f: {  	s9 =	smul.u32 $0xF7A, s1;
	s8 =	simm.s32 @!p0 $0x1BF5;
	p2 =	por !p2, p0  }
0x20: {  	[sflag:s8] =	ssyncset.s32 @!p0 $0xFFFFF086;
	s6 =	sadd.s32 @!p0 s3, s7;
	s7 =	simm.s32 @!p0 $0x108  }
0x21: {  	s3 =	sadd.s32 s3, s9;
	s6 =	sadd.s32 @!p0 $0x88, s6;
	s7 =	simm.s32 @p2 $0x1082  }
0x22: {  	[simem:s7], [sflag:s8] =	dma.local @!p0 [hbm:s6], $0xF7A  }
0x23: {  	s9 =	sor.u32 $0xD0000000, s2;
	s6 =	simm.s32 $0x108;
	_ =	swait.ge @!p0 [sflag:s8], $0x0  }
0x24: {  	s3 =	sadd.s32 $0x88, s3;
	s6 =	simm.s32 @!p1 $0x1082;
	[sflag:s4] =	ssyncset.s32 $0xFFFFF086  }
0x25: {  	[simem:s6], [sflag:s4] =	dma.local [hbm:s3], $0xF7A  }
0x26: {  	[smem:$0x3F81] =	sst s1;
	(tag) =	ssettag s2;
	_ =	strace s9  }
0x27: {  	s1 =	sld [smem:$0x3F91]  }
0x28: {  	s2 =	sld [smem:$0x3F92]  }
0x29: {  	s4 =	sld [smem:$0x3F94]  }
0x2a: {  	p0 =	seq.s32 s5, $0x0;
	s5 =	sld [smem:$0x3F95]  }
0x2b: {  	s6 =	sld [smem:$0x3F96]  }
0x2c: {  	s7 =	sld [smem:$0x3F97]  }
0x2d: {  	s3 =	simm.s32 $0x108;
	s8 =	sld [smem:$0x3F98]  }
0x2e: {  	s3 =	simm.s32 @!p0 $0x1082;
	s9 =	sld [smem:$0x3F99]  }
0x2f: {  	lr =	sadd.s32 s0, s3;
	s0 =	sld [smem:$0x3F90]  }
0x30: {  	s3 =	sld [smem:$0x3F93]  }
0x31: {  	[smem:$0x3F9C] =	sst s10  }
0x32: {  	s10 =	sld [smem:$0x3F9A];
	_ =	sdelay $0x3  }
0x33: {  	p0 =	seq.s32 s10, $0x1;
	s10 =	sld [smem:$0x3F9C];
	_ =	sdelay $0x3  }
0x34: {  	[smem:$0x3F9C] =	sst s10  }
0x35: {  	s10 =	sld [smem:$0x3F9B];
	_ =	sdelay $0x3  }
0x36: {  	p1 =	seq.s32 s10, $0x1;
	s10 =	sld [smem:$0x3F9C];
	_ =	sdelay $0x3  }
0x37: {  	[smem:$0x3F9C] =	sst s10  }
0x38: {  	s10 =	sld [smem:$0x3F9D]  }
0x39: {  	_ = 	snop;
	(pc) =	sbr.ind lr, $3  }
0x3a: {  	_ = 	snop  }
0x3b: {  	_ = 	snop  }
0x3c: {  	p2 =	seq.s32 s10, $0x1;
	s10 =	sld [smem:$0x3F9C]  }
0x3d: {  	_ =	shalt  }
0x3e: {  	_ =	shalt  }
0x3f: {  	_ =	shalt  }
0x40: {  	_ =	shalt  }
0x41: {  	_ =	shalt  }
0x42: {  	_ =	shalt  }
0x43: {  	_ =	shalt  }
0x44: {  	_ =	shalt  }
0x45: {  	_ =	shalt  }
0x46: {  	_ =	shalt  }
0x47: {  	_ =	shalt  }
0x48: {  	_ =	shalt  }
0x49: {  	_ =	shalt  }
0x4a: {  	_ =	shalt  }
0x4b: {  	_ =	shalt  }
0x4c: {  	_ =	shalt  }
0x4d: {  	_ =	shalt  }
0x4e: {  	_ =	shalt  }
0x4f: {  	_ =	shalt  }
0x50: {  	_ =	shalt  }
0x51: {  	_ =	shalt  }
0x52: {  	_ =	shalt  }
0x53: {  	_ =	shalt  }
0x54: {  	_ =	shalt  }
0x55: {  	_ =	shalt  }
0x56: {  	_ =	shalt  }
0x57: {  	_ =	shalt  }
0x58: {  	_ =	shalt  }
0x59: {  	_ =	shalt  }
0x5a: {  	_ =	shalt  }
0x5b: {  	_ =	shalt  }
0x5c: {  	_ =	shalt  }
0x5d: {  	_ =	shalt  }
0x5e: {  	_ =	shalt  }
0x5f: {  	_ =	shalt  }
0x60: {  	_ =	shalt  }
0x61: {  	_ =	shalt  }
0x62: {  	_ =	shalt  }
0x63: {  	_ =	shalt  }
0x64: {  	_ =	shalt  }
0x65: {  	_ =	shalt  }
0x66: {  	_ =	shalt  }
0x67: {  	_ =	shalt  }
0x68: {  	_ =	shalt  }
0x69: {  	_ =	shalt  }
0x6a: {  	_ =	shalt  }
0x6b: {  	_ =	shalt  }
0x6c: {  	_ =	shalt  }
0x6d: {  	_ =	shalt  }
0x6e: {  	_ =	shalt  }
0x6f: {  	_ =	shalt  }
0x70: {  	_ =	shalt  }
0x71: {  	_ =	shalt  }
0x72: {  	_ =	shalt  }
0x73: {  	_ =	shalt  }
0x74: {  	_ =	shalt  }
0x75: {  	_ =	shalt  }
0x76: {  	_ =	shalt  }
0x77: {  	_ =	shalt  }
0x78: {  	_ =	shalt  }
0x79: {  	_ =	shalt  }
0x7a: {  	_ =	shalt  }
0x7b: {  	_ =	shalt  }
0x7c: {  	_ =	shalt  }
0x7d: {  	_ =	shalt  }
0x7e: {  	_ =	shalt  }
0x7f: {  	_ =	shalt  }
0x80: {  	_ =	shalt  }
0x81: {  	_ =	shalt  }
0x82: {  	_ =	shalt  }
0x83: {  	_ =	shalt  }
0x84: {  	_ =	shalt  }
0x85: {  	_ =	shalt  }
0x86: {  	_ =	shalt  }
0x87: {  	_ =	shalt  }
.Lfunc_end0:
.L_simem_size_0:
called_computation.1_lowered:
.L_overlay_start_0:
0x88: {  	s2 =	sld [smem:$0x3FD9]  }
0x89: {  	s3 =	sld [smem:$0x3FFE];
	_ =	sdelay $0x1  }
0x8a: {  	s1 =	srdreg.scid  }
0x8b: {  	s0 =	sand.u32 $0x1, s1  }
0x8c: {  	s16 =	sshll.u32 s0, $0xA;
	s2 =	sadd.s32 s3, s2  }
0x8d: {  	s2 =	sadd.s32 s2, s16  }
0x8e: {  	[smem:$0x3FA8] =	sst s2  }
0x8f: {  	_ = 	snop  }
0x90: {  	(tm) =	ssettm $0x1  }
0x91: {  	s17 =	sld [smem:$0x3FFB];
	_ =	sdelay $0x3  }
0x92: {  	_ =	strace s17  }
0x93: {  	s2 =	sld [smem:$0x3FFC];
	_ =	sdelay $0x3  }
0x94: {  	_ =	strace s2  }
0x95: {  	s2 =	sld [smem:$0x3FFD];
	_ =	sdelay $0x3  }
0x96: {  	_ =	strace s2  }
0x97: {  	_ =	strace $0x8FFFFFFF  }
0x98: {  	s18 =	sld [smem:$0x3FDB];
	_ =	sdelay $0x1  }
0x99: {  	s19 =	simm.s32 $_scs_section_size  }
0x9a: {  	s4 =	simm.s32 $_size__tile_overlayer_lowered;
	s5 =	simm.s32 $_tile_overlayer_lowered  }
0x9b: {  	s22 =	simm.s32 $0x1BFF;
	s21 =	sshll.u32 s5, $0x1;
	s2 =	sadd.s32 s19, s18  }
0x9c: {  	s6 =	simm.s32 $0x0;
	s20 =	sshll.u32 s4, $0x1;
	s4 =	sadd.s32 s21, s2  }
0x9d: {  	[timem:s6], [sflag:s22] =	dma.local [hbm:s4], s20  }
0x9e: {  	_ =	swait.ge [sflag:s22], s20  }
0x9f: {  	s3 =	ssub.s32 $0x0, s20;
	[sflag:s22] =	ssyncset.done $0x0  }
0xa0: {  	[sflag:s22] =	ssyncadd.s32 s3;
	_ =	sdelay $0x1  }
0xa1: {  	s23 =	simm.s32 $0x1B8B  }
0xa2: {  	_ =	swait.ge [sflag:s23], $0x1  }
0xa3: {  	[sflag:s23] =	ssyncset.done $0x0  }
0xa4: {  	s25 =	simm.s32 $0x1B8E;
	s24 =	sld [smem:$0x3FFE];
	[sflag:s23] =	ssyncadd.s32 $0xFFFFFFFF  }
0xa5: {  	s26 =	simm.s32 $execute0_lowered;
	[smem:$0x3FD2] =	sst s25  }
0xa6: {  	s4 =	sshll.u32 s26, $0x1;
	_ =	strace $0x80000049;
	[dreg:$0x1] =	wrdreg $0xFFFFFFFF  }
0xa7: {  	s28 =	simm.s32 $_size_execute0_lowered;
	s2 =	sadd.s32 s2, s4;
	[dreg:$0x0] =	wrdreg $0x0  }
0xa8: {  	s4 =	sshll.u32 s28, $0x1;
	[dreg:$0x2] =	wrdreg s2  }
0xa9: {  	[dreg:$0x3] =	wrdreg s4  }
0xaa: {  	[dreg:$0x4] =	wrdreg $0xC0  }
0xab: {  	_ =	task [dreg:s6], $0x5FFFF  }
0xac: {  	[dreg:$0x1] =	wrdreg $0xFFFFFFFF  }
0xad: {  	[dreg:$0x0] =	wrdreg $0x60  }
0xae: {  	[dreg:$0x2] =	wrdreg s24  }
0xaf: {  	[dreg:$0x3] =	wrdreg $0x44000  }
0xb0: {  	[dreg:$0x4] =	wrdreg $0x92200  }
0xb1: {  	[dreg:$0x5] =	wrdreg $0x9  }
0xb2: {  	_ =	task.clear_ibuf [dreg:s6], $0x6FFFF;
	_ =	strace $0x90000049  }
0xb3: {  	s29 =	simm.s32 $0x9;
	_ =	strace $0x8000004B  }
0xb4: {  	_ =	swait.ge [sflag:s29], $0x1  }
0xb5: {  	[sflag:s29] =	ssyncadd.s32 $0xFFFFFFFF  }
0xb6: {  	_ =	strace $0x9000004B  }
0xb7: {  	_ =	sfence  }
0xb8: {  	s30 =	sld [smem:$0x0];
	_ =	sdelay $0x2  }
0xb9: {  	s31 =	sshll.u32 s1, $0xD;
	s1 =	sshrl.u32 s1, $0x2  }
0xba: {  	s3 =	sand.u32 $0x4000, s31;
	s1 =	sadd.s32 s1, s30  }
0xbb: {  	s0 =	sor.u32 s3, s0;
	s1 =	sshll.u32 s1, $0x11  }
0xbc: {  	s0 =	sor.u32 s1, s0  }
0xbd: {  	s0 =	sadd.s32 $0x8F2B, s0  }
0xbe: {  	[sflag:s0] =	ssyncadd.remote.s32 $0x1  }
0xbf: {  	_ =	sfence.sel $0xFFFF  }
0xc0: {  	[dreg:$0x0] =	wrdreg $0xFFFFFFFF;
	(pc) =	sbr.abs _section_cstart, $3  }
0xc1: {  	[dreg:$0x1] =	wrdreg $0xFFFFFFFF  }
0xc2: {  	_ =	task.clear_ibuf [dreg:s6], $0x2FFFF;
	_ =	strace $0x9FFFFFFF  }
0xc3: {  	(tm) =	ssettm $0x7FFFFFFF  }
tec
execute0_lowered:
.L_overlay_start_1:
0x0: {  	(tag) =	ssettag $0x1  }
0x1: {  	s0 =	srdreg.scid  }
0x2: {  	s15 =	stileid.u32;
	s1 =	rddreg [dreg:$0x0]  }
0x3: {  	s2 =	rddreg [dreg:$0x1];
	s4 =	simm.s32 $0x0;
	s8 =	smul.u32 $0x4E20, s15  }
0x4: {  	s18 =	simm.s32 $0x3;
	s30 =	simm.s32 $0x0;
	s6 =	smul.u32 $0x271, s15  }
0x5: {  	s0 =	sand.u32 $0x1, s0;
	s3 =	sshll.u32 s15, $0x1;
	s22 =	smul.u32 $0x50000, s15  }
0x6: {  	[smem:$0x7FF] =	sst s4;
	s23 =	sshll.u32 s15, $0x6;
	s15 =	smul.u32 $0x2800, s15  }
0x7: {  	s16 =	sadd.s32 $0x2FD400, s1;
	s19 =	sadd.s32 $0x2D400, s1;
	s9 =	smul.u32 $0x2710, s0  }
0x8: {  	s20 =	sor.u32 s0, s3;
	s3 =	rddreg [dreg:$0x2];
	s14 =	smul.u32 $0x28000, s0  }
0x9: {  	_ =	strace $0x8000004A;
	s21 =	ssub.s32 $0x2, s0;
	s0 =	smul.u32 $0x1400, s0  }
0xa: {  	[dreg:$0x4] =	wrdreg s19;
	s5 =	smul.u32 $0x280, s20;
	s7 =	sshrl.u32 s8, $0x3  }
0xb: {  	s11 =	sshrl.u32 s21, $0x1;
	s12 =	smul.u32 $0x5000, s20;
	s17 =	sadd.s32 s8, s2  }
0xc: {  	s19 =	sadd.s32 s8, s3;
	p0 =	seq.s32 s20, $0x1F;
	s7 =	sadd.s32 s7, s1  }
0xd: {  	s6 =	sadd.s32 s6, s9;
	s13 =	ssub.s32 s21, s11;
	s25 =	sadd.s32 s14, s22  }
0xe: {  	s17 =	sshrl.u32 s17, $0x3;
	s19 =	sshrl.u32 s19, $0x3;
	s21 =	simm.s32 $0x1400  }
0xf: {  	s22 =	simm.s32 $0x2400;
	s10 =	sadd.s32 s5, s1;
	s6 =	sshll.u32 s6, $0x2  }
0x10: {  	s9 =	sadd.s32 s16, s12;
	s26 =	sor.u32 $0x2000, s25;
	s12 =	sadd.s32 s0, s15  }
0x11: {  	s13 =	smax.u32 s13, $0x1;
	s25 =	simm.s32 $0x4;
	s1 =	sadd.s32 s6, s1  }
0x12: {  	s6 =	sadd.s32 $0x37400, s7;
	s7 =	sor.u32 $0x1C03, s23;
	s24 =	sadd.s32 $0x2F8400, s10  }
0x13: {  	s28 =	sshrl.u32 s26, $0x3;
	s29 =	sshll.u32 s12, $0x2;
	s14 =	sadd.s32 $0x4E00, s9  }
0x14: {  	s23 =	simm.s32 $0x1;
	s26 =	simm.s32 $0x2;
	[dreg:$0x5] =	wrdreg s24  }
0x15: {  	s10 =	sadd.s32 $0x54C00, s1;
	s11 =	sadd.s32 $0x41200, s1;
	s31 =	sadd.s32 s29, s16  }
0x16: {  	s15 =	sadd.s32 s28, s16;
	s24 =	simm.s32 $0x80;
	s16 =	sadd.s32 $0x200, s31  }
.LBB2_1:
0x17: {  	[spmem:s17], [sflag:s7] =	dma.local [hbm:s6], $0x9C4  }
0x18: {  	_ =	swait.ge [sflag:s18], $0x9C4  }
0x19: {  	[sflag:s18] =	ssyncset.done $0x0  }
0x1a: {  	[sflag:s18] =	ssyncadd.s32 $0xFFFFF63C  }
0x1b: {  	[spmem:s19], [sflag:s7] =	dma.local [hbm:s6], $0x9C4  }
0x1c: {  	_ =	swait.ge [sflag:s18], $0x9C4  }
0x1d: {  	[sflag:s18] =	ssyncset.done $0x0  }
0x1e: {  	s1 =	simm.s32 $0x3400;
	s0 =	rddreg [dreg:$0x4];
	[sflag:s18] =	ssyncadd.s32 $0xFFFFF63C  }
0x1f: {  	[tilespmem:s1], [sflag:$0x3] =	stream.linear.gather [hbm4b:s0+s4], $0x1000, $0x38;
	[tilespmem:$0xE040] =	vst v63  }
0x20: {  	_ =	swait.ge [sflag:s18], $0x1000  }
0x21: {  	[sflag:s18] =	ssyncset.done $0x0  }
0x22: {  	[sflag:s18] =	ssyncadd.s32 $0xFFFFF000  }
0x23: {  	[bflag:$0x0] =	sbarrier.arrive $0xFFFF  }
0x24: {  	s8 =	rddreg [dreg:$0x5]  }
0x25: {  	[tilespmem:s4], [sflag:$0x3] =	stream.linear.gather [hbm4b:s8+s4], $0x1400, $0x38;
	[tilespmem:$0xE040] =	vst v63  }
0x26: {  	_ =	swait.ge [sflag:s18], $0x1400  }
0x27: {  	[sflag:s18] =	ssyncset.done $0x0  }
0x28: {  	[sflag:s18] =	ssyncadd.s32 $0xFFFFEC00  }
0x29: {  	[tilespmem:s21], [sflag:$0x1] =	stream.linear.gather [hbm4b:s9+s4], $0x1000, $0x38;
	[tilespmem:$0xE040] =	vst v63  }
0x2a: {  	s20 =	sadd.s32 $0x0, s16  }
0x2b: {  	[tilespmem:s22], [sflag:$0x2] =	stream.linear.gather [hbm4b:s20+s4], $0x1000, $0x38;
	[tilespmem:$0xE040] =	vst v63  }
0x2c: {  	_ =	swait.ge [sflag:s23], $0x1000  }
0x2d: {  	[sflag:s23] =	ssyncset.done $0x0  }
0x2e: {  	s0 =	simm.s32 $0x0;
	[sflag:s23] =	ssyncadd.s32 $0xFFFFF000  }
0x2f: {  	[spmem:s2] =	stream.indirect.scatter.add.f32 [tilespmem:s21], [sflag:$0x4], $0x20, s0, s24, $0xb8;
	[tilespmem:$0xE040] =	vst v63  }
0x30: {  	p1 =	sgt.u32 s12, $0x270FF;
	_ =	swait.ge [sflag:s25], $0x1000  }
0x31: {  	s31 =	simm.s32 @!p1 $0x4;
	[sflag:s25] =	ssyncset.done $0x0  }
0x32: {  	s1 =	simm.s32 @!p1 $0x80;
	s20 =	simm.s32 @!p1 $0x3400;
	[sflag:s25] =	ssyncadd.s32 $0xFFFFF000  }
0x33: {  	[spmem:s3] =	stream.indirect.scatter.add.f32 @!p1 [tilespmem:s20], [sflag:$0x4], $0x20, s0, s1, $0xb8;
	[tilespmem:$0xE040] =	vst v63  }
0x34: {  	_ =	swait.ge @!p1 [sflag:s31], $0x1000  }
0x35: {  	[sflag:s31] =	ssyncset.done @!p1 $0x0  }
0x36: {  	s28 =	sadd.s32 $0x0, s15;
	[sflag:s31] =	ssyncadd.s32 @!p1 $0xFFFFF000  }
0x37: {  	[tilespmem:s21], [sflag:$0x1] =	stream.linear.gather [hbm4b:s28+s4], $0x1000, $0x38;
	[tilespmem:$0xE040] =	vst v63  }
0x38: {  	_ =	swait.ge [sflag:s26], $0x1000  }
0x39: {  	[sflag:s26] =	ssyncset.done $0x0  }
0x3a: {  	s0 =	simm.s32 $0x80;
	[sflag:s26] =	ssyncadd.s32 $0xFFFFF000  }
0x3b: {  	[spmem:s2] =	stream.indirect.scatter.add.f32 [tilespmem:s22], [sflag:$0x4], $0x20, s0, s24, $0xb8;
	[tilespmem:$0xE040] =	vst v63  }
0x3c: {  	s29 =	sadd.s32 $0x80, s12;
	_ =	swait.ge [sflag:s25], $0x1000  }
0x3d: {  	p2 =	sgt.u32 s29, $0x270FF;
	[sflag:s25] =	ssyncset.done $0x0  }
0x3e: {  	s1 =	simm.s32 @!p2 $0x80;
	s20 =	simm.s32 @!p2 $0x3400;
	[sflag:s25] =	ssyncadd.s32 $0xFFFFF000  }
0x3f: {  	[spmem:s3] =	stream.indirect.scatter.add.f32 @!p2 [tilespmem:s20], [sflag:$0x3], $0x20, s0, s1, $0xb8;
	[tilespmem:$0xE040] =	vst v63  }
0x40: {  	s31 =	sadd.s32 $0x100, s12;
	s20 =	simm.s32 @!p2 $0x3  }
0x41: {  	s1 =	simm.s32 $0x400;
	s0 =	simm.s32 $0x800;
	_ =	swait.ge @!p2 [sflag:s20], $0x1000  }
.LBB2_2:
0x42: {  	s28 =	sadd.s32 s1, s16  }
0x43: {  	[sflag:s20] =	ssyncset.done @!p2 $0x0;
	s29 =	smov.u32 s0;
	s0 =	sadd.s32 $0x400, s0  }
0x44: {  	p1 =	sne.s32 s0, $0x4C00;
	[sflag:s20] =	ssyncadd.s32 @!p2 $0xFFFFF000  }
0x45: {  	[tilespmem:s22], [sflag:$0x2] =	stream.linear.gather [hbm4b:s28+s4], $0x1000, $0x38;
	[tilespmem:$0xE040] =	vst v63  }
0x46: {  	_ =	swait.ge [sflag:s23], $0x1000  }
0x47: {  	s20 =	sshra.s32 s1, $0x2;
	[sflag:s23] =	ssyncset.done $0x0  }
0x48: {  	[sflag:s23] =	ssyncadd.s32 $0xFFFFF000  }
0x49: {  	[spmem:s2] =	stream.indirect.scatter.add.f32 [tilespmem:s21], [sflag:$0x4], $0x20, s20, s24, $0xb8;
	[tilespmem:$0xE040] =	vst v63  }
0x4a: {  	p2 =	sgt.u32 s31, $0x270FF;
	_ =	swait.ge [sflag:s25], $0x1000  }
0x4b: {  	s28 =	simm.s32 @!p2 $0x80;
	s5 =	simm.s32 @!p2 $0x3400;
	[sflag:s25] =	ssyncset.done $0x0  }
0x4c: {  	s8 =	simm.s32 @!p2 $0x4;
	[sflag:s25] =	ssyncadd.s32 $0xFFFFF000  }
0x4d: {  	[spmem:s3] =	stream.indirect.scatter.add.f32 @!p2 [tilespmem:s5], [sflag:$0x4], $0x20, s20, s28, $0xb8;
	[tilespmem:$0xE040] =	vst v63  }
0x4e: {  	_ =	swait.ge @!p2 [sflag:s8], $0x1000  }
0x4f: {  	s5 =	sadd.s32 s1, s15;
	s1 =	smov.u32 s29;
	[sflag:s8] =	ssyncset.done @!p2 $0x0  }
0x50: {  	[sflag:s8] =	ssyncadd.s32 @!p2 $0xFFFFF000  }
0x51: {  	[tilespmem:s21], [sflag:$0x1] =	stream.linear.gather [hbm4b:s5+s4], $0x1000, $0x38;
	[tilespmem:$0xE040] =	vst v63  }
0x52: {  	_ =	swait.ge [sflag:s26], $0x1000  }
0x53: {  	s5 =	sadd.s32 $0x80, s20;
	[sflag:s26] =	ssyncset.done $0x0  }
0x54: {  	s8 =	sadd.s32 $0x80, s31;
	[sflag:s26] =	ssyncadd.s32 $0xFFFFF000  }
0x55: {  	[spmem:s2] =	stream.indirect.scatter.add.f32 [tilespmem:s22], [sflag:$0x4], $0x20, s5, s24, $0xb8;
	[tilespmem:$0xE040] =	vst v63  }
.Ltmp0:
0x56: {  	p2 =	sgt.u32 s8, $0x270FF;
	_ =	swait.ge [sflag:s25], $0x1000;
	(pc) =	sbr.rel @p1 .LBB2_2-.Ltmp0, $4  }
0x57: {  	s8 =	simm.s32 @!p2 $0x80;
	s28 =	simm.s32 @!p2 $0x3400;
	[sflag:s25] =	ssyncset.done $0x0  }
0x58: {  	s20 =	simm.s32 @!p2 $0x3;
	[sflag:s25] =	ssyncadd.s32 $0xFFFFF000  }
0x59: {  	[spmem:s3] =	stream.indirect.scatter.add.f32 @!p2 [tilespmem:s28], [sflag:$0x3], $0x20, s5, s8, $0xb8;
	[tilespmem:$0xE040] =	vst v63  }
0x5a: {  	s31 =	sadd.s32 $0x100, s31;
	_ =	swait.ge @!p2 [sflag:s20], $0x1000  }
0x5b: {  	[sflag:s20] =	ssyncset.done @!p2 $0x0  }
0x5c: {  	s0 =	sadd.s32 s1, s16;
	[sflag:s20] =	ssyncadd.s32 @!p2 $0xFFFFF000  }
0x5d: {  	[tilespmem:s22], [sflag:$0x2] =	stream.linear.gather [hbm4b:s0+s4], $0x1000, $0x38;
	[tilespmem:$0xE040] =	vst v63  }
0x5e: {  	_ =	swait.ge [sflag:s23], $0x1000  }
0x5f: {  	[sflag:s23] =	ssyncset.done $0x0  }
0x60: {  	s0 =	sshra.s32 s1, $0x2;
	[sflag:s23] =	ssyncadd.s32 $0xFFFFF000  }
0x61: {  	[spmem:s2] =	stream.indirect.scatter.add.f32 [tilespmem:s21], [sflag:$0x4], $0x20, s0, s24, $0xb8;
	[tilespmem:$0xE040] =	vst v63  }
0x62: {  	_ =	swait.ge [sflag:s25], $0x1000  }
0x63: {  	p1 =	sgt.u32 s31, $0x270FF;
	[sflag:s25] =	ssyncset.done $0x0  }
0x64: {  	s5 =	simm.s32 @!p1 $0x80;
	s8 =	simm.s32 @!p1 $0x3400;
	[sflag:s25] =	ssyncadd.s32 $0xFFFFF000  }
0x65: {  	[spmem:s3] =	stream.indirect.scatter.add.f32 @!p1 [tilespmem:s8], [sflag:$0x4], $0x20, s0, s5, $0xb8;
	[tilespmem:$0xE040] =	vst v63  }
0x66: {  	s5 =	simm.s32 @!p1 $0x4  }
0x67: {  	_ =	swait.ge @!p1 [sflag:s5], $0x1000  }
0x68: {  	[sflag:s5] =	ssyncset.done @!p1 $0x0  }
0x69: {  	s20 =	sadd.s32 s1, s15;
	[sflag:s5] =	ssyncadd.s32 @!p1 $0xFFFFF000  }
0x6a: {  	[tilespmem:s21], [sflag:$0x1] =	stream.linear.gather [hbm4b:s20+s4], $0x1000, $0x38;
	[tilespmem:$0xE040] =	vst v63  }
0x6b: {  	_ =	swait.ge [sflag:s26], $0x1000  }
0x6c: {  	[sflag:s26] =	ssyncset.done $0x0  }
0x6d: {  	s0 =	sadd.s32 $0x80, s0;
	[sflag:s26] =	ssyncadd.s32 $0xFFFFF000  }
0x6e: {  	[spmem:s2] =	stream.indirect.scatter.add.f32 [tilespmem:s22], [sflag:$0x4], $0x20, s0, s24, $0xb8;
	[tilespmem:$0xE040] =	vst v63  }
0x6f: {  	s28 =	sadd.s32 $0x80, s31;
	_ =	swait.ge [sflag:s25], $0x1000  }
0x70: {  	p1 =	sgt.u32 s28, $0x270FF;
	[sflag:s25] =	ssyncset.done $0x0  }
0x71: {  	s1 =	simm.s32 @!p1 $0x80;
	s5 =	simm.s32 @!p1 $0x3400;
	[sflag:s25] =	ssyncadd.s32 $0xFFFFF000  }
0x72: {  	[spmem:s3] =	stream.indirect.scatter.add.f32 @!p1 [tilespmem:s5], [sflag:$0x3], $0x20, s0, s1, $0xb8;
	[tilespmem:$0xE040] =	vst v63  }
0x73: {  	s0 =	simm.s32 @!p1 $0x3  }
0x74: {  	_ =	swait.ge @!p1 [sflag:s0], $0x1000  }
0x75: {  	[sflag:s0] =	ssyncset.done @!p1 $0x0  }
0x76: {  	[sflag:s0] =	ssyncadd.s32 @!p1 $0xFFFFF000  }
0x77: {  	[tilespmem:s22], [sflag:$0x2] =	stream.linear.gather [hbm4b:s14+s4], $0x1000, $0x38;
	[tilespmem:$0xE040] =	vst v63  }
0x78: {  	_ =	swait.ge [sflag:s23], $0x1000  }
0x79: {  	[sflag:s23] =	ssyncset.done $0x0  }
0x7a: {  	s29 =	simm.s32 $0x1300;
	[sflag:s23] =	ssyncadd.s32 $0xFFFFF000  }
0x7b: {  	[spmem:s2] =	stream.indirect.scatter.add.f32 [tilespmem:s21], [sflag:$0x4], $0x20, s29, s24, $0xb8;
	[tilespmem:$0xE040] =	vst v63  }
0x7c: {  	_ =	swait.ge [sflag:s25], $0x1000  }
0x7d: {  	s1 =	simm.s32 @!p0 $0x1300;
	[sflag:s25] =	ssyncset.done $0x0  }
0x7e: {  	s5 =	simm.s32 @!p0 $0x3400;
	s0 =	simm.s32 @!p0 $0x80;
	[sflag:s25] =	ssyncadd.s32 $0xFFFFF000  }
0x7f: {  	[spmem:s3] =	stream.indirect.scatter.add.f32 @!p0 [tilespmem:s5], [sflag:$0x4], $0x20, s1, s0, $0xb8;
	[tilespmem:$0xE040] =	vst v63  }
0x80: {  	s1 =	simm.s32 @!p0 $0x4  }
0x81: {  	_ =	swait.ge @!p0 [sflag:s1], $0x1000  }
0x82: {  	[sflag:s1] =	ssyncset.done @!p0 $0x0  }
0x83: {  	[sflag:s1] =	ssyncadd.s32 @!p0 $0xFFFFF000  }
0x84: {  	_ =	swait.ge [sflag:s26], $0x1000  }
0x85: {  	[sflag:s26] =	ssyncset.done $0x0  }
0x86: {  	s31 =	simm.s32 $0x1380;
	[sflag:s26] =	ssyncadd.s32 $0xFFFFF000  }
0x87: {  	[spmem:s2] =	stream.indirect.scatter.add.f32 [tilespmem:s22], [sflag:$0x4], $0x20, s31, s24, $0xb8;
	[tilespmem:$0xE040] =	vst v63  }
0x88: {  	_ =	swait.ge [sflag:s25], $0x1000  }
0x89: {  	[sflag:s25] =	ssyncset.done $0x0  }
0x8a: {  	s1 =	simm.s32 @!p0 $0x1380;
	[sflag:s25] =	ssyncadd.s32 $0xFFFFF000  }
0x8b: {  	[spmem:s3] =	stream.indirect.scatter.add.f32 @!p0 [tilespmem:s5], [sflag:$0x3], $0x20, s1, s0, $0xb8;
	[tilespmem:$0xE040] =	vst v63  }
0x8c: {  	s0 =	simm.s32 @!p0 $0x3  }
0x8d: {  	_ =	swait.ge @!p0 [sflag:s0], $0x1000  }
0x8e: {  	[sflag:s0] =	ssyncset.done @!p0 $0x0  }
0x8f: {  	[sflag:s0] =	ssyncadd.s32 @!p0 $0xFFFFF000  }
0x90: {  	[bflag:$0x0] =	sbarrier.arrive $0xFFFF  }
0x91: {  	[hbm:s10], [sflag:s7] =	dma.local [spmem:s17], $0x9C4  }
0x92: {  	s30 =	sadd.s32 $0x1, s30;
	_ =	swait.ge [sflag:s18], $0x9C4  }
0x93: {  	p1 =	sne.s32 s30, s13;
	[sflag:s18] =	ssyncset.done $0x0  }
.Ltmp1:
0x94: {  	[sflag:s18] =	ssyncadd.s32 $0xFFFFF63C;
	(pc) =	sbr.rel @p1 .LBB2_1-.Ltmp1, $4  }
0x95: {  	[hbm:s11], [sflag:s7] =	dma.local [spmem:s19], $0x9C4  }
0x96: {  	_ =	swait.ge [sflag:s18], $0x9C4  }
0x97: {  	[sflag:s18] =	ssyncset.done $0x0  }
0x98: {  	[sflag:s18] =	ssyncadd.s32 $0xFFFFF63C  }
0x99: {  	_ =	sfence.sel $0x180000  }
0x9a: {  	[bflag:$0x0] =	sbarrier.arrive $0xFFFF  }
0x9b: {  	_ =	strace $0x9000004A  }
0x9c: {  	s0 =	stileid.u32;
	[bflag:$0x2] =	sbarrier.arrive $0xFFFF  }
0x9d: {  	p0 =	sne.s32 s0, $0x0;
	s0 =	rddreg [dreg:$0x3]  }
0x9e: {  	s0 =	sadd.s32 @!p0 $0x100000, s0  }
0x9f: {  	[sflag:s0] =	ssyncadd.tile.s32 @!p0 $0x1;
	_ =	shalt  }
.Lfunc_end2:
_tile_overlayer_lowered:
.L_overlay_start_2:
0xa0: {  	(tag) =	ssettag $0x2  }
0xa1: {  	s0 =	rddreg [dreg:$0x0];
	s2 =	stileid.u32  }
0xa2: {  	s1 =	rddreg [dreg:$0x1];
	p0 =	sne.s32 s2, $0x0  }
0xa3: {  	s3 =	rddreg [dreg:$0x2];
	[bflag:$0x3] =	sbarrier.arrive $0xFFFF;
	s2 =	simm.s32 @!p0 $0x1C03  }
0xa4: {  	[timem:s3], [sflag:s2] =	dma.local @!p0 [hbm:s0], s1  }
0xa5: {  	s0 =	simm.s32 @!p0 $0x3  }
0xa6: {  	_ =	swait.ge @!p0 [sflag:s0], s1  }
0xa7: {  	s1 =	ssub.s32 @!p0 $0x0, s1;
	[sflag:s0] =	ssyncset.done @!p0 $0x0  }
0xa8: {  	[sflag:s0] =	ssyncadd.s32 @!p0 s1  }
0xa9: {  	[bflag:$0x3] =	sbarrier.arrive $0xFFFF  }
0xaa: {  	_ =	shalt  }

// kernel: kernel.21.cloned.1.call-start
scs
__scs_entry_jumppad:
0x0: {  	(pc) =	sbr.rel $0x88, $3  }
0x1: {  	(tag) =	ssettag $0x0;
	lr =	simm.s32 $0x1  }
0x2: {  	[smem:$0x3F81] =	sst lr;
	_ =	strace $0xD0000000  }
0x3: {  	_ = 	snop  }
0x4: {  	_ = 	snop  }
0x5: {  	_ = 	snop  }
0x6: {  	_ = 	snop  }
0x7: {  	_ = 	snop  }
__scs_overlays_trampoline_lowered:
0x8: {  	[smem:$0x3F90] =	sst s0  }
0x9: {  	[smem:$0x3F91] =	sst s1  }
0xa: {  	[smem:$0x3F92] =	sst s2  }
0xb: {  	[smem:$0x3F93] =	sst s3  }
0xc: {  	[smem:$0x3F94] =	sst s4  }
0xd: {  	[smem:$0x3F95] =	sst s5  }
0xe: {  	[smem:$0x3F96] =	sst s6  }
0xf: {  	[smem:$0x3F97] =	sst s7  }
0x10: {  	[smem:$0x3F98] =	sst s8  }
0x11: {  	[smem:$0x3F99] =	sst s9;
	s0 =	simm.s32 @!p0 $0x0  }
0x12: {  	s1 =	sld [smem:$0x3F7F];
	s0 =	simm.s32 @p0 $0x1  }
0x13: {  	[smem:$0x3F9A] =	sst s0;
	s0 =	simm.s32 @!p1 $0x0  }
0x14: {  	s2 =	sld [smem:$0x3F7E];
	s0 =	simm.s32 @p1 $0x1  }
0x15: {  	[smem:$0x3F9B] =	sst s0;
	s0 =	simm.s32 @!p2 $0x0  }
0x16: {  	s3 =	sld [smem:$0x3FDB];
	s0 =	simm.s32 @p2 $0x1  }
0x17: {  	s4 =	simm.s32 $0x1BF5;
	[smem:$0x3F9D] =	sst s0  }
0x18: {  	s0 =	sld [smem:$0x3F80];
	_ =	swait.ge [sflag:s4], $0x0  }
0x19: {  	s7 =	sld [smem:$0x3F81]  }
0x1a: {  	s8 =	sadd.s32 $0xFFFFE003, lr  }
0x1b: {  	s9 =	sadd.s32 $0xFFFFFEF7, lr;
	s5 =	simm.s32 $0xFFFFFFFF;
	p2 =	slt.u32 s8, $0xFFFFF086  }
0x1c: {  	p1 =	slt.u32 s9, $0xF7A;
	s5 =	simm.s32 @!p2 $0x0  }
0x1d: {  	s5 =	simm.s32 @p1 $0x1;
	p0 =	seq.s32 s7, s2  }
0x1e: {  	s7 =	smul.u32 @!p0 $0xF7A, s2;
	p2 =	seq.s32 @!p0 s5, $0x0  }
0x1f: {  	s9 =	smul.u32 $0xF7A, s1;
	s8 =	simm.s32 @!p0 $0x1BF5;
	p2 =	por !p2, p0  }
0x20: {  	[sflag:s8] =	ssyncset.s32 @!p0 $0xFFFFF086;
	s6 =	sadd.s32 @!p0 s3, s7;
	s7 =	simm.s32 @!p0 $0x108  }
0x21: {  	s3 =	sadd.s32 s3, s9;
	s6 =	sadd.s32 @!p0 $0x88, s6;
	s7 =	simm.s32 @p2 $0x1082  }
0x22: {  	[simem:s7], [sflag:s8] =	dma.local @!p0 [hbm:s6], $0xF7A  }
0x23: {  	s9 =	sor.u32 $0xD0000000, s2;
	s6 =	simm.s32 $0x108;
	_ =	swait.ge @!p0 [sflag:s8], $0x0  }
0x24: {  	s3 =	sadd.s32 $0x88, s3;
	s6 =	simm.s32 @!p1 $0x1082;
	[sflag:s4] =	ssyncset.s32 $0xFFFFF086  }
0x25: {  	[simem:s6], [sflag:s4] =	dma.local [hbm:s3], $0xF7A  }
0x26: {  	[smem:$0x3F81] =	sst s1;
	(tag) =	ssettag s2;
	_ =	strace s9  }
0x27: {  	s1 =	sld [smem:$0x3F91]  }
0x28: {  	s2 =	sld [smem:$0x3F92]  }
0x29: {  	s4 =	sld [smem:$0x3F94]  }
0x2a: {  	p0 =	seq.s32 s5, $0x0;
	s5 =	sld [smem:$0x3F95]  }
0x2b: {  	s6 =	sld [smem:$0x3F96]  }
0x2c: {  	s7 =	sld [smem:$0x3F97]  }
0x2d: {  	s3 =	simm.s32 $0x108;
	s8 =	sld [smem:$0x3F98]  }
0x2e: {  	s3 =	simm.s32 @!p0 $0x1082;
	s9 =	sld [smem:$0x3F99]  }
0x2f: {  	lr =	sadd.s32 s0, s3;
	s0 =	sld [smem:$0x3F90]  }
0x30: {  	s3 =	sld [smem:$0x3F93]  }
0x31: {  	[smem:$0x3F9C] =	sst s10  }
0x32: {  	s10 =	sld [smem:$0x3F9A];
	_ =	sdelay $0x3  }
0x33: {  	p0 =	seq.s32 s10, $0x1;
	s10 =	sld [smem:$0x3F9C];
	_ =	sdelay $0x3  }
0x34: {  	[smem:$0x3F9C] =	sst s10  }
0x35: {  	s10 =	sld [smem:$0x3F9B];
	_ =	sdelay $0x3  }
0x36: {  	p1 =	seq.s32 s10, $0x1;
	s10 =	sld [smem:$0x3F9C];
	_ =	sdelay $0x3  }
0x37: {  	[smem:$0x3F9C] =	sst s10  }
0x38: {  	s10 =	sld [smem:$0x3F9D]  }
0x39: {  	_ = 	snop;
	(pc) =	sbr.ind lr, $3  }
0x3a: {  	_ = 	snop  }
0x3b: {  	_ = 	snop  }
0x3c: {  	p2 =	seq.s32 s10, $0x1;
	s10 =	sld [smem:$0x3F9C]  }
0x3d: {  	_ =	shalt  }
0x3e: {  	_ =	shalt  }
0x3f: {  	_ =	shalt  }
0x40: {  	_ =	shalt  }
0x41: {  	_ =	shalt  }
0x42: {  	_ =	shalt  }
0x43: {  	_ =	shalt  }
0x44: {  	_ =	shalt  }
0x45: {  	_ =	shalt  }
0x46: {  	_ =	shalt  }
0x47: {  	_ =	shalt  }
0x48: {  	_ =	shalt  }
0x49: {  	_ =	shalt  }
0x4a: {  	_ =	shalt  }
0x4b: {  	_ =	shalt  }
0x4c: {  	_ =	shalt  }
0x4d: {  	_ =	shalt  }
0x4e: {  	_ =	shalt  }
0x4f: {  	_ =	shalt  }
0x50: {  	_ =	shalt  }
0x51: {  	_ =	shalt  }
0x52: {  	_ =	shalt  }
0x53: {  	_ =	shalt  }
0x54: {  	_ =	shalt  }
0x55: {  	_ =	shalt  }
0x56: {  	_ =	shalt  }
0x57: {  	_ =	shalt  }
0x58: {  	_ =	shalt  }
0x59: {  	_ =	shalt  }
0x5a: {  	_ =	shalt  }
0x5b: {  	_ =	shalt  }
0x5c: {  	_ =	shalt  }
0x5d: {  	_ =	shalt  }
0x5e: {  	_ =	shalt  }
0x5f: {  	_ =	shalt  }
0x60: {  	_ =	shalt  }
0x61: {  	_ =	shalt  }
0x62: {  	_ =	shalt  }
0x63: {  	_ =	shalt  }
0x64: {  	_ =	shalt  }
0x65: {  	_ =	shalt  }
0x66: {  	_ =	shalt  }
0x67: {  	_ =	shalt  }
0x68: {  	_ =	shalt  }
0x69: {  	_ =	shalt  }
0x6a: {  	_ =	shalt  }
0x6b: {  	_ =	shalt  }
0x6c: {  	_ =	shalt  }
0x6d: {  	_ =	shalt  }
0x6e: {  	_ =	shalt  }
0x6f: {  	_ =	shalt  }
0x70: {  	_ =	shalt  }
0x71: {  	_ =	shalt  }
0x72: {  	_ =	shalt  }
0x73: {  	_ =	shalt  }
0x74: {  	_ =	shalt  }
0x75: {  	_ =	shalt  }
0x76: {  	_ =	shalt  }
0x77: {  	_ =	shalt  }
0x78: {  	_ =	shalt  }
0x79: {  	_ =	shalt  }
0x7a: {  	_ =	shalt  }
0x7b: {  	_ =	shalt  }
0x7c: {  	_ =	shalt  }
0x7d: {  	_ =	shalt  }
0x7e: {  	_ =	shalt  }
0x7f: {  	_ =	shalt  }
0x80: {  	_ =	shalt  }
0x81: {  	_ =	shalt  }
0x82: {  	_ =	shalt  }
0x83: {  	_ =	shalt  }
0x84: {  	_ =	shalt  }
0x85: {  	_ =	shalt  }
0x86: {  	_ =	shalt  }
0x87: {  	_ =	shalt  }
.Lfunc_end0:
.L_simem_size_0:
called_computation.2_lowered:
.L_overlay_start_0:
0x88: {  	s2 =	sld [smem:$0x3FD9]  }
0x89: {  	s3 =	sld [smem:$0x3FFE];
	_ =	sdelay $0x1  }
0x8a: {  	s1 =	srdreg.scid  }
0x8b: {  	s0 =	sand.u32 $0x1, s1  }
0x8c: {  	s16 =	sshll.u32 s0, $0xA;
	s2 =	sadd.s32 s3, s2  }
0x8d: {  	s2 =	sadd.s32 s2, s16  }
0x8e: {  	[smem:$0x3FA8] =	sst s2  }
0x8f: {  	_ = 	snop  }
0x90: {  	(tm) =	ssettm $0x1  }
0x91: {  	s17 =	sld [smem:$0x3FFB];
	_ =	sdelay $0x3  }
0x92: {  	_ =	strace s17  }
0x93: {  	s2 =	sld [smem:$0x3FFC];
	_ =	sdelay $0x3  }
0x94: {  	_ =	strace s2  }
0x95: {  	s2 =	sld [smem:$0x3FFD];
	_ =	sdelay $0x3  }
0x96: {  	_ =	strace s2  }
0x97: {  	_ =	strace $0x8FFFFFFF  }
0x98: {  	s18 =	sld [smem:$0x3FDB];
	_ =	sdelay $0x1  }
0x99: {  	s19 =	simm.s32 $_scs_section_size  }
0x9a: {  	s4 =	simm.s32 $_size__tile_overlayer_lowered;
	s5 =	simm.s32 $_tile_overlayer_lowered  }
0x9b: {  	s22 =	simm.s32 $0x1BFF;
	s21 =	sshll.u32 s5, $0x1;
	s2 =	sadd.s32 s19, s18  }
0x9c: {  	s6 =	simm.s32 $0x0;
	s20 =	sshll.u32 s4, $0x1;
	s4 =	sadd.s32 s21, s2  }
0x9d: {  	[timem:s6], [sflag:s22] =	dma.local [hbm:s4], s20  }
0x9e: {  	_ =	swait.ge [sflag:s22], s20  }
0x9f: {  	s3 =	ssub.s32 $0x0, s20;
	[sflag:s22] =	ssyncset.done $0x0  }
0xa0: {  	[sflag:s22] =	ssyncadd.s32 s3;
	_ =	sdelay $0x1  }
0xa1: {  	s23 =	simm.s32 $0x1B8B  }
0xa2: {  	_ =	swait.ge [sflag:s23], $0x1  }
0xa3: {  	[sflag:s23] =	ssyncset.done $0x0  }
0xa4: {  	s25 =	simm.s32 $0x1B8E;
	s24 =	sld [smem:$0x3FFE];
	[sflag:s23] =	ssyncadd.s32 $0xFFFFFFFF  }
0xa5: {  	s26 =	simm.s32 $execute0_lowered;
	[smem:$0x3FD2] =	sst s25  }
0xa6: {  	s4 =	sshll.u32 s26, $0x1;
	_ =	strace $0x8000004C;
	[dreg:$0x1] =	wrdreg $0xFFFFFFFF  }
0xa7: {  	s28 =	simm.s32 $_size_execute0_lowered;
	s2 =	sadd.s32 s2, s4;
	[dreg:$0x0] =	wrdreg $0x0  }
0xa8: {  	s4 =	sshll.u32 s28, $0x1;
	[dreg:$0x2] =	wrdreg s2  }
0xa9: {  	[dreg:$0x3] =	wrdreg s4  }
0xaa: {  	[dreg:$0x4] =	wrdreg $0xC0  }
0xab: {  	_ =	task [dreg:s6], $0x5FFFF  }
0xac: {  	[dreg:$0x1] =	wrdreg $0xFFFFFFFF  }
0xad: {  	[dreg:$0x0] =	wrdreg $0x60  }
0xae: {  	[dreg:$0x2] =	wrdreg s24  }
0xaf: {  	[dreg:$0x3] =	wrdreg $0x9  }
0xb0: {  	_ =	task.clear_ibuf [dreg:s6], $0x4FFFF;
	_ =	strace $0x9000004C  }
0xb1: {  	s29 =	simm.s32 $0x9;
	_ =	strace $0x8000004E  }
0xb2: {  	_ =	swait.ge [sflag:s29], $0x1  }
0xb3: {  	[sflag:s29] =	ssyncadd.s32 $0xFFFFFFFF  }
0xb4: {  	_ =	strace $0x9000004E  }
0xb5: {  	_ =	sfence  }
0xb6: {  	s30 =	sld [smem:$0x0];
	_ =	sdelay $0x2  }
0xb7: {  	s31 =	sshll.u32 s1, $0xD;
	s1 =	sshrl.u32 s1, $0x2  }
0xb8: {  	s3 =	sand.u32 $0x4000, s31;
	s1 =	sadd.s32 s1, s30  }
0xb9: {  	s0 =	sor.u32 s3, s0;
	s1 =	sshll.u32 s1, $0x11  }
0xba: {  	s0 =	sor.u32 s1, s0  }
0xbb: {  	s0 =	sadd.s32 $0x8F2B, s0  }
0xbc: {  	[sflag:s0] =	ssyncadd.remote.s32 $0x1  }
0xbd: {  	_ =	sfence.sel $0xFFFF  }
0xbe: {  	[dreg:$0x0] =	wrdreg $0xFFFFFFFF;
	(pc) =	sbr.abs _section_cstart, $3  }
0xbf: {  	[dreg:$0x1] =	wrdreg $0xFFFFFFFF  }
0xc0: {  	_ =	task.clear_ibuf [dreg:s6], $0x2FFFF;
	_ =	strace $0x9FFFFFFF  }
0xc1: {  	(tm) =	ssettm $0x7FFFFFFF  }
tec
execute0_lowered:
.L_overlay_start_1:
0x0: {  	(tag) =	ssettag $0x1  }
0x1: {  	s1 =	srdreg.scid  }
0x2: {  	s0 =	stileid.u32;
	s4 =	rddreg [dreg:$0x0]  }
0x3: {  	s2 =	simm.s32 $0x0;
	s14 =	simm.s32 $0x1;
	s15 =	simm.s32 $0x2  }
0x4: {  	s16 =	simm.s32 $0x1380;
	s17 =	simm.s32 $0x0;
	s10 =	smul.u32 $0x50000, s0  }
0x5: {  	s5 =	sand.u32 $0x1, s1;
	s1 =	rddreg [dreg:$0x1];
	s25 =	smul.u32 $0x2800, s0  }
0x6: {  	s3 =	sshll.u32 s0, $0x1;
	[smem:$0x7FF] =	sst s2;
	s12 =	smul.u32 $0x28000, s5  }
0x7: {  	s13 =	sadd.s32 $0x324600, s4;
	s6 =	sor.u32 s5, s3;
	s28 =	smul.u32 $0x1400, s5  }
0x8: {  	_ =	strace $0x8000004D;
	s9 =	ssub.s32 $0x2, s5;
	s7 =	smul.u32 $0x280, s6  }
0x9: {  	s3 =	sadd.s32 $0x2D400, s4;
	s8 =	smul.u32 $0x28000, s6;
	s11 =	sshrl.u32 s9, $0x1  }
0xa: {  	s29 =	smul.u32 $0x2800, s6;
	s9 =	ssub.s32 s9, s11;
	s30 =	sadd.s32 s12, s10  }
0xb: {  	s12 =	simm.s32 $0x80;
	s7 =	sadd.s32 s7, s4;
	s26 =	sshrl.u32 s8, $0x4  }
0xc: {  	s5 =	smax.u32 s9, $0x1;
	s8 =	sadd.s32 s28, s25;
	s9 =	sadd.s32 s13, s29  }
0xd: {  	s10 =	sshrl.u32 s30, $0x4;
	s4 =	sadd.s32 $0x32400, s7;
	s7 =	sadd.s32 s13, s26  }
0xe: {  	s11 =	sshll.u32 s8, $0x1;
	s8 =	sadd.s32 s10, s13;
	s10 =	simm.s32 $0x3  }
0xf: {  	s6 =	sadd.s32 $0x2600, s7;
	s7 =	sadd.s32 $0x2700, s9;
	s31 =	sadd.s32 s11, s13  }
0x10: {  	s11 =	simm.s32 $0x1400;
	s13 =	simm.s32 $0x1C00;
	s9 =	sadd.s32 $0x100, s31  }
.LBB2_1:
0x11: {  	[tilespmem:s2], [sflag:$0x3] =	stream.linear.gather [hbm4b:s4+s2], $0x1400, $0x38;
	[tilespmem:$0x2400] =	vst v63  }
0x12: {  	_ =	swait.ge [sflag:s10], $0x1400  }
0x13: {  	[sflag:s10] =	ssyncset.done $0x0  }
0x14: {  	[sflag:s10] =	ssyncadd.s32 $0xFFFFEC00  }
0x15: {  	[tilespmem:s11], [sflag:$0x1] =	stream.indirect.gather [hbm4b:s3+s12], $0x10, s2, s12, $0xb8;
	[tilespmem:$0x2400] =	vst v63  }
0x16: {  	_ = 	snop  }
0x17: {  	[tilespmem:s13], [sflag:$0x2] =	stream.indirect.gather [hbm4b:s3+s12], $0x10, s12, s12, $0xb8;
	[tilespmem:$0x2400] =	vst v63  }
0x18: {  	_ =	swait.ge [sflag:s14], $0x800  }
0x19: {  	[sflag:s14] =	ssyncset.done $0x0  }
0x1a: {  	s18 =	sadd.s32 $0x0, s8;
	[sflag:s14] =	ssyncadd.s32 $0xFFFFF800  }
0x1b: {  	[hbm4b:s18+s2] =	stream.linear.scatter [tilespmem:s11], [sflag:$0x3], $0x800, $0x38;
	[tilespmem:$0x2400] =	vst v63  }
0x1c: {  	_ =	swait.ge [sflag:s10], $0x800  }
0x1d: {  	[sflag:s10] =	ssyncset.done $0x0  }
0x1e: {  	s30 =	simm.s32 $0x100;
	[sflag:s10] =	ssyncadd.s32 $0xFFFFF800  }
0x1f: {  	[tilespmem:s11], [sflag:$0x1] =	stream.indirect.gather [hbm4b:s3+s12], $0x10, s30, s12, $0xb8;
	[tilespmem:$0x2400] =	vst v63  }
0x20: {  	_ =	swait.ge [sflag:s15], $0x800  }
0x21: {  	[sflag:s15] =	ssyncset.done $0x0  }
0x22: {  	s31 =	sadd.s32 $0x0, s9;
	[sflag:s15] =	ssyncadd.s32 $0xFFFFF800  }
0x23: {  	[hbm4b:s31+s2] =	stream.linear.scatter [tilespmem:s13], [sflag:$0x3], $0x800, $0x38;
	[tilespmem:$0x2400] =	vst v63  }
0x24: {  	_ =	swait.ge [sflag:s10], $0x800  }
0x25: {  	s19 =	simm.s32 $0x80;
	s18 =	simm.s32 $0x200;
	[sflag:s10] =	ssyncset.done $0x0  }
.LBB2_2:
0x26: {  	p0 =	sne.s32 s18, $0x2400;
	[sflag:s10] =	ssyncadd.s32 $0xFFFFF800;
	s19 =	sadd.s32 $0x100, s19  }
0x27: {  	[tilespmem:s13], [sflag:$0x2] =	stream.indirect.gather [hbm4b:s3+s12], $0x10, s19, s12, $0xb8;
	[tilespmem:$0x2400] =	vst v63  }
0x28: {  	s20 =	smov.u32 s18;
	s18 =	sadd.s32 $0x200, s18;
	_ =	swait.ge [sflag:s14], $0x800  }
0x29: {  	[sflag:s14] =	ssyncset.done $0x0  }
0x2a: {  	s21 =	sadd.s32 s20, s8;
	[sflag:s14] =	ssyncadd.s32 $0xFFFFF800  }
0x2b: {  	[hbm4b:s21+s2] =	stream.linear.scatter [tilespmem:s11], [sflag:$0x3], $0x800, $0x38;
	[tilespmem:$0x2400] =	vst v63  }
0x2c: {  	_ =	swait.ge [sflag:s10], $0x800  }
0x2d: {  	[sflag:s10] =	ssyncset.done $0x0  }
0x2e: {  	s21 =	sadd.s32 $0x80, s19;
	[sflag:s10] =	ssyncadd.s32 $0xFFFFF800  }
0x2f: {  	[tilespmem:s11], [sflag:$0x1] =	stream.indirect.gather [hbm4b:s3+s12], $0x10, s21, s12, $0xb8;
	[tilespmem:$0x2400] =	vst v63  }
0x30: {  	_ =	swait.ge [sflag:s15], $0x800  }
.Ltmp0:
0x31: {  	[sflag:s15] =	ssyncset.done $0x0;
	(pc) =	sbr.rel @p0 .LBB2_2-.Ltmp0, $4  }
0x32: {  	s20 =	sadd.s32 s20, s9;
	[sflag:s15] =	ssyncadd.s32 $0xFFFFF800  }
0x33: {  	[hbm4b:s20+s2] =	stream.linear.scatter [tilespmem:s13], [sflag:$0x3], $0x800, $0x38;
	[tilespmem:$0x2400] =	vst v63  }
0x34: {  	_ =	swait.ge [sflag:s10], $0x800  }
0x35: {  	[sflag:s10] =	ssyncset.done $0x0  }
0x36: {  	[sflag:s10] =	ssyncadd.s32 $0xFFFFF800  }
0x37: {  	[tilespmem:s13], [sflag:$0x2] =	stream.indirect.gather [hbm4b:s3+s12], $0x10, s16, s12, $0xb8;
	[tilespmem:$0x2400] =	vst v63  }
0x38: {  	_ =	swait.ge [sflag:s14], $0x800  }
0x39: {  	[sflag:s14] =	ssyncset.done $0x0  }
0x3a: {  	[sflag:s14] =	ssyncadd.s32 $0xFFFFF800  }
0x3b: {  	[hbm4b:s6+s2] =	stream.linear.scatter [tilespmem:s11], [sflag:$0x3], $0x800, $0x38;
	[tilespmem:$0x2400] =	vst v63  }
0x3c: {  	_ =	swait.ge [sflag:s10], $0x800  }
0x3d: {  	[sflag:s10] =	ssyncset.done $0x0  }
0x3e: {  	[sflag:s10] =	ssyncadd.s32 $0xFFFFF800  }
0x3f: {  	s17 =	sadd.s32 $0x1, s17;
	_ =	swait.ge [sflag:s15], $0x800  }
0x40: {  	p0 =	sne.s32 s17, s5;
	[sflag:s15] =	ssyncset.done $0x0  }
.Ltmp1:
0x41: {  	[sflag:s15] =	ssyncadd.s32 $0xFFFFF800;
	(pc) =	sbr.rel @p0 .LBB2_1-.Ltmp1, $4  }
0x42: {  	[hbm4b:s7+s2] =	stream.linear.scatter [tilespmem:s13], [sflag:$0x3], $0x800, $0x38;
	[tilespmem:$0x2400] =	vst v63  }
0x43: {  	_ =	swait.ge [sflag:s10], $0x800  }
0x44: {  	[sflag:s10] =	ssyncset.done $0x0  }
0x45: {  	[sflag:s10] =	ssyncadd.s32 $0xFFFFF800  }
0x46: {  	_ =	sfence.sel $0x180000  }
0x47: {  	[bflag:$0x0] =	sbarrier.arrive $0xFFFF  }
0x48: {  	p0 =	sne.s32 s0, $0x0;
	_ =	strace $0x9000004D  }
0x49: {  	s0 =	sadd.s32 @!p0 $0x100000, s1;
	[bflag:$0x2] =	sbarrier.arrive $0xFFFF  }
0x4a: {  	[sflag:s0] =	ssyncadd.tile.s32 @!p0 $0x1;
	_ =	shalt  }
.Lfunc_end2:
_tile_overlayer_lowered:
.L_overlay_start_2:
0x4b: {  	(tag) =	ssettag $0x2  }
0x4c: {  	s0 =	rddreg [dreg:$0x0];
	s2 =	stileid.u32  }
0x4d: {  	s1 =	rddreg [dreg:$0x1];
	p0 =	sne.s32 s2, $0x0  }
0x4e: {  	s3 =	rddreg [dreg:$0x2];
	[bflag:$0x3] =	sbarrier.arrive $0xFFFF;
	s2 =	simm.s32 @!p0 $0x1C03  }
0x4f: {  	[timem:s3], [sflag:s2] =	dma.local @!p0 [hbm:s0], s1  }
0x50: {  	s0 =	simm.s32 @!p0 $0x3  }
0x51: {  	_ =	swait.ge @!p0 [sflag:s0], s1  }
0x52: {  	s1 =	ssub.s32 @!p0 $0x0, s1;
	[sflag:s0] =	ssyncset.done @!p0 $0x0  }
0x53: {  	[sflag:s0] =	ssyncadd.s32 @!p0 s1  }
0x54: {  	[bflag:$0x3] =	sbarrier.arrive $0xFFFF  }
0x55: {  	_ =	shalt  }

// kernel: kernel.24.cloned.1.call-start
scs
__scs_entry_jumppad:
0x0: {  	(pc) =	sbr.rel $0x88, $3  }
0x1: {  	(tag) =	ssettag $0x0;
	lr =	simm.s32 $0x1  }
0x2: {  	[smem:$0x3F81] =	sst lr;
	_ =	strace $0xD0000000  }
0x3: {  	_ = 	snop  }
0x4: {  	_ = 	snop  }
0x5: {  	_ = 	snop  }
0x6: {  	_ = 	snop  }
0x7: {  	_ = 	snop  }
__scs_overlays_trampoline_lowered:
0x8: {  	[smem:$0x3F90] =	sst s0  }
0x9: {  	[smem:$0x3F91] =	sst s1  }
0xa: {  	[smem:$0x3F92] =	sst s2  }
0xb: {  	[smem:$0x3F93] =	sst s3  }
0xc: {  	[smem:$0x3F94] =	sst s4  }
0xd: {  	[smem:$0x3F95] =	sst s5  }
0xe: {  	[smem:$0x3F96] =	sst s6  }
0xf: {  	[smem:$0x3F97] =	sst s7  }
0x10: {  	[smem:$0x3F98] =	sst s8  }
0x11: {  	[smem:$0x3F99] =	sst s9;
	s0 =	simm.s32 @!p0 $0x0  }
0x12: {  	s1 =	sld [smem:$0x3F7F];
	s0 =	simm.s32 @p0 $0x1  }
0x13: {  	[smem:$0x3F9A] =	sst s0;
	s0 =	simm.s32 @!p1 $0x0  }
0x14: {  	s2 =	sld [smem:$0x3F7E];
	s0 =	simm.s32 @p1 $0x1  }
0x15: {  	[smem:$0x3F9B] =	sst s0;
	s0 =	simm.s32 @!p2 $0x0  }
0x16: {  	s3 =	sld [smem:$0x3FDB];
	s0 =	simm.s32 @p2 $0x1  }
0x17: {  	s4 =	simm.s32 $0x1BF5;
	[smem:$0x3F9D] =	sst s0  }
0x18: {  	s0 =	sld [smem:$0x3F80];
	_ =	swait.ge [sflag:s4], $0x0  }
0x19: {  	s7 =	sld [smem:$0x3F81]  }
0x1a: {  	s8 =	sadd.s32 $0xFFFFE003, lr  }
0x1b: {  	s9 =	sadd.s32 $0xFFFFFEF7, lr;
	s5 =	simm.s32 $0xFFFFFFFF;
	p2 =	slt.u32 s8, $0xFFFFF086  }
0x1c: {  	p1 =	slt.u32 s9, $0xF7A;
	s5 =	simm.s32 @!p2 $0x0  }
0x1d: {  	s5 =	simm.s32 @p1 $0x1;
	p0 =	seq.s32 s7, s2  }
0x1e: {  	s7 =	smul.u32 @!p0 $0xF7A, s2;
	p2 =	seq.s32 @!p0 s5, $0x0  }
0x1f: {  	s9 =	smul.u32 $0xF7A, s1;
	s8 =	simm.s32 @!p0 $0x1BF5;
	p2 =	por !p2, p0  }
0x20: {  	[sflag:s8] =	ssyncset.s32 @!p0 $0xFFFFF086;
	s6 =	sadd.s32 @!p0 s3, s7;
	s7 =	simm.s32 @!p0 $0x108  }
0x21: {  	s3 =	sadd.s32 s3, s9;
	s6 =	sadd.s32 @!p0 $0x88, s6;
	s7 =	simm.s32 @p2 $0x1082  }
0x22: {  	[simem:s7], [sflag:s8] =	dma.local @!p0 [hbm:s6], $0xF7A  }
0x23: {  	s9 =	sor.u32 $0xD0000000, s2;
	s6 =	simm.s32 $0x108;
	_ =	swait.ge @!p0 [sflag:s8], $0x0  }
0x24: {  	s3 =	sadd.s32 $0x88, s3;
	s6 =	simm.s32 @!p1 $0x1082;
	[sflag:s4] =	ssyncset.s32 $0xFFFFF086  }
0x25: {  	[simem:s6], [sflag:s4] =	dma.local [hbm:s3], $0xF7A  }
0x26: {  	[smem:$0x3F81] =	sst s1;
	(tag) =	ssettag s2;
	_ =	strace s9  }
0x27: {  	s1 =	sld [smem:$0x3F91]  }
0x28: {  	s2 =	sld [smem:$0x3F92]  }
0x29: {  	s4 =	sld [smem:$0x3F94]  }
0x2a: {  	p0 =	seq.s32 s5, $0x0;
	s5 =	sld [smem:$0x3F95]  }
0x2b: {  	s6 =	sld [smem:$0x3F96]  }
0x2c: {  	s7 =	sld [smem:$0x3F97]  }
0x2d: {  	s3 =	simm.s32 $0x108;
	s8 =	sld [smem:$0x3F98]  }
0x2e: {  	s3 =	simm.s32 @!p0 $0x1082;
	s9 =	sld [smem:$0x3F99]  }
0x2f: {  	lr =	sadd.s32 s0, s3;
	s0 =	sld [smem:$0x3F90]  }
0x30: {  	s3 =	sld [smem:$0x3F93]  }
0x31: {  	[smem:$0x3F9C] =	sst s10  }
0x32: {  	s10 =	sld [smem:$0x3F9A];
	_ =	sdelay $0x3  }
0x33: {  	p0 =	seq.s32 s10, $0x1;
	s10 =	sld [smem:$0x3F9C];
	_ =	sdelay $0x3  }
0x34: {  	[smem:$0x3F9C] =	sst s10  }
0x35: {  	s10 =	sld [smem:$0x3F9B];
	_ =	sdelay $0x3  }
0x36: {  	p1 =	seq.s32 s10, $0x1;
	s10 =	sld [smem:$0x3F9C];
	_ =	sdelay $0x3  }
0x37: {  	[smem:$0x3F9C] =	sst s10  }
0x38: {  	s10 =	sld [smem:$0x3F9D]  }
0x39: {  	_ = 	snop;
	(pc) =	sbr.ind lr, $3  }
0x3a: {  	_ = 	snop  }
0x3b: {  	_ = 	snop  }
0x3c: {  	p2 =	seq.s32 s10, $0x1;
	s10 =	sld [smem:$0x3F9C]  }
0x3d: {  	_ =	shalt  }
0x3e: {  	_ =	shalt  }
0x3f: {  	_ =	shalt  }
0x40: {  	_ =	shalt  }
0x41: {  	_ =	shalt  }
0x42: {  	_ =	shalt  }
0x43: {  	_ =	shalt  }
0x44: {  	_ =	shalt  }
0x45: {  	_ =	shalt  }
0x46: {  	_ =	shalt  }
0x47: {  	_ =	shalt  }
0x48: {  	_ =	shalt  }
0x49: {  	_ =	shalt  }
0x4a: {  	_ =	shalt  }
0x4b: {  	_ =	shalt  }
0x4c: {  	_ =	shalt  }
0x4d: {  	_ =	shalt  }
0x4e: {  	_ =	shalt  }
0x4f: {  	_ =	shalt  }
0x50: {  	_ =	shalt  }
0x51: {  	_ =	shalt  }
0x52: {  	_ =	shalt  }
0x53: {  	_ =	shalt  }
0x54: {  	_ =	shalt  }
0x55: {  	_ =	shalt  }
0x56: {  	_ =	shalt  }
0x57: {  	_ =	shalt  }
0x58: {  	_ =	shalt  }
0x59: {  	_ =	shalt  }
0x5a: {  	_ =	shalt  }
0x5b: {  	_ =	shalt  }
0x5c: {  	_ =	shalt  }
0x5d: {  	_ =	shalt  }
0x5e: {  	_ =	shalt  }
0x5f: {  	_ =	shalt  }
0x60: {  	_ =	shalt  }
0x61: {  	_ =	shalt  }
0x62: {  	_ =	shalt  }
0x63: {  	_ =	shalt  }
0x64: {  	_ =	shalt  }
0x65: {  	_ =	shalt  }
0x66: {  	_ =	shalt  }
0x67: {  	_ =	shalt  }
0x68: {  	_ =	shalt  }
0x69: {  	_ =	shalt  }
0x6a: {  	_ =	shalt  }
0x6b: {  	_ =	shalt  }
0x6c: {  	_ =	shalt  }
0x6d: {  	_ =	shalt  }
0x6e: {  	_ =	shalt  }
0x6f: {  	_ =	shalt  }
0x70: {  	_ =	shalt  }
0x71: {  	_ =	shalt  }
0x72: {  	_ =	shalt  }
0x73: {  	_ =	shalt  }
0x74: {  	_ =	shalt  }
0x75: {  	_ =	shalt  }
0x76: {  	_ =	shalt  }
0x77: {  	_ =	shalt  }
0x78: {  	_ =	shalt  }
0x79: {  	_ =	shalt  }
0x7a: {  	_ =	shalt  }
0x7b: {  	_ =	shalt  }
0x7c: {  	_ =	shalt  }
0x7d: {  	_ =	shalt  }
0x7e: {  	_ =	shalt  }
0x7f: {  	_ =	shalt  }
0x80: {  	_ =	shalt  }
0x81: {  	_ =	shalt  }
0x82: {  	_ =	shalt  }
0x83: {  	_ =	shalt  }
0x84: {  	_ =	shalt  }
0x85: {  	_ =	shalt  }
0x86: {  	_ =	shalt  }
0x87: {  	_ =	shalt  }
.Lfunc_end0:
.L_simem_size_0:
called_computation.3_lowered:
.L_overlay_start_0:
0x88: {  	s2 =	sld [smem:$0x3FD9]  }
0x89: {  	s3 =	sld [smem:$0x3FFE];
	_ =	sdelay $0x1  }
0x8a: {  	s1 =	srdreg.scid  }
0x8b: {  	s0 =	sand.u32 $0x1, s1  }
0x8c: {  	s16 =	sshll.u32 s0, $0xA;
	s2 =	sadd.s32 s3, s2  }
0x8d: {  	s2 =	sadd.s32 s2, s16  }
0x8e: {  	[smem:$0x3FA8] =	sst s2  }
0x8f: {  	_ = 	snop  }
0x90: {  	(tm) =	ssettm $0x1  }
0x91: {  	s17 =	sld [smem:$0x3FFB];
	_ =	sdelay $0x3  }
0x92: {  	_ =	strace s17  }
0x93: {  	s2 =	sld [smem:$0x3FFC];
	_ =	sdelay $0x3  }
0x94: {  	_ =	strace s2  }
0x95: {  	s2 =	sld [smem:$0x3FFD];
	_ =	sdelay $0x3  }
0x96: {  	_ =	strace s2  }
0x97: {  	_ =	strace $0x8FFFFFFF  }
0x98: {  	s18 =	sld [smem:$0x3FDB];
	_ =	sdelay $0x1  }
0x99: {  	s19 =	simm.s32 $_scs_section_size  }
0x9a: {  	s4 =	simm.s32 $_size__tile_overlayer_lowered;
	s5 =	simm.s32 $_tile_overlayer_lowered  }
0x9b: {  	s22 =	simm.s32 $0x1BFF;
	s21 =	sshll.u32 s5, $0x1;
	s2 =	sadd.s32 s19, s18  }
0x9c: {  	s6 =	simm.s32 $0x0;
	s20 =	sshll.u32 s4, $0x1;
	s4 =	sadd.s32 s21, s2  }
0x9d: {  	[timem:s6], [sflag:s22] =	dma.local [hbm:s4], s20  }
0x9e: {  	_ =	swait.ge [sflag:s22], s20  }
0x9f: {  	s3 =	ssub.s32 $0x0, s20;
	[sflag:s22] =	ssyncset.done $0x0  }
0xa0: {  	[sflag:s22] =	ssyncadd.s32 s3;
	_ =	sdelay $0x1  }
0xa1: {  	s23 =	simm.s32 $0x1B8B  }
0xa2: {  	_ =	swait.ge [sflag:s23], $0x1  }
0xa3: {  	[sflag:s23] =	ssyncset.done $0x0  }
0xa4: {  	s25 =	simm.s32 $0x1B8E;
	s24 =	sld [smem:$0x3FFE];
	[sflag:s23] =	ssyncadd.s32 $0xFFFFFFFF  }
0xa5: {  	s26 =	simm.s32 $execute0_lowered;
	[smem:$0x3FD2] =	sst s25  }
0xa6: {  	s4 =	sshll.u32 s26, $0x1;
	_ =	strace $0x8000004F;
	[dreg:$0x1] =	wrdreg $0xFFFFFFFF  }
0xa7: {  	s28 =	simm.s32 $_size_execute0_lowered;
	s2 =	sadd.s32 s2, s4;
	[dreg:$0x0] =	wrdreg $0x0  }
0xa8: {  	s4 =	sshll.u32 s28, $0x1;
	[dreg:$0x2] =	wrdreg s2  }
0xa9: {  	[dreg:$0x3] =	wrdreg s4  }
0xaa: {  	[dreg:$0x4] =	wrdreg $0xC0  }
0xab: {  	_ =	task [dreg:s6], $0x5FFFF  }
0xac: {  	[dreg:$0x1] =	wrdreg $0xFFFFFFFF  }
0xad: {  	[dreg:$0x0] =	wrdreg $0x60  }
0xae: {  	[dreg:$0x2] =	wrdreg s24  }
0xaf: {  	[dreg:$0x3] =	wrdreg $0x34000  }
0xb0: {  	[dreg:$0x4] =	wrdreg $0x9  }
0xb1: {  	_ =	task.clear_ibuf [dreg:s6], $0x5FFFF;
	_ =	strace $0x9000004F  }
0xb2: {  	s29 =	simm.s32 $0x9;
	_ =	strace $0x80000051  }
0xb3: {  	_ =	swait.ge [sflag:s29], $0x1  }
0xb4: {  	[sflag:s29] =	ssyncadd.s32 $0xFFFFFFFF  }
0xb5: {  	_ =	strace $0x90000051  }
0xb6: {  	_ =	sfence  }
0xb7: {  	s30 =	sld [smem:$0x0];
	_ =	sdelay $0x2  }
0xb8: {  	s31 =	sshll.u32 s1, $0xD;
	s1 =	sshrl.u32 s1, $0x2  }
0xb9: {  	s3 =	sand.u32 $0x4000, s31;
	s1 =	sadd.s32 s1, s30  }
0xba: {  	s0 =	sor.u32 s3, s0;
	s1 =	sshll.u32 s1, $0x11  }
0xbb: {  	s0 =	sor.u32 s1, s0  }
0xbc: {  	s0 =	sadd.s32 $0x8F2B, s0  }
0xbd: {  	[sflag:s0] =	ssyncadd.remote.s32 $0x1  }
0xbe: {  	_ =	sfence.sel $0xFFFF  }
0xbf: {  	[dreg:$0x0] =	wrdreg $0xFFFFFFFF;
	(pc) =	sbr.abs _section_cstart, $3  }
0xc0: {  	[dreg:$0x1] =	wrdreg $0xFFFFFFFF  }
0xc1: {  	_ =	task.clear_ibuf [dreg:s6], $0x2FFFF;
	_ =	strace $0x9FFFFFFF  }
0xc2: {  	(tm) =	ssettm $0x7FFFFFFF  }
0xc3: {  	_ =	shalt  }
tec
execute0_lowered:
.L_overlay_start_1:
0x0: {  	(tag) =	ssettag $0x1  }
0x1: {  	s1 =	srdreg.scid;
	s4 =	rddreg [dreg:$0x0]  }
0x2: {  	s0 =	stileid.u32;
	s2 =	rddreg [dreg:$0x1];
	s3 =	simm.s32 $0x0  }
0x3: {  	s18 =	simm.s32 $0x80;
	s19 =	simm.s32 $0x2;
	s8 =	smul.u32 $0x4E20, s0  }
0x4: {  	s20 =	simm.s32 $0x1300;
	s21 =	simm.s32 $0x1380;
	s9 =	smul.u32 $0x9C4, s0  }
0x5: {  	s22 =	simm.s32 $0x0;
	s5 =	sand.u32 $0x1, s1;
	s26 =	smul.u32 $0x50000, s0  }
0x6: {  	s23 =	sshll.u32 s0, $0x1;
	s1 =	rddreg [dreg:$0x2];
	s17 =	smul.u32 $0x2800, s0  }
0x7: {  	[smem:$0x7FF] =	sst s3;
	s11 =	sadd.s32 $0x324600, s4;
	s12 =	smul.u32 $0x9C40, s5  }
0x8: {  	s29 =	sshll.u32 s0, $0x6;
	s6 =	sor.u32 s5, s23;
	s15 =	smul.u32 $0x28000, s5  }
0x9: {  	_ =	strace $0x80000050;
	s25 =	ssub.s32 $0x2, s5;
	s30 =	smul.u32 $0x1400, s5  }
0xa: {  	s5 =	sor.u32 $0x1C03, s29;
	s7 =	smul.u32 $0x280, s6;
	s10 =	sshrl.u32 s8, $0x3  }
0xb: {  	s13 =	smul.u32 $0x5000, s6;
	s28 =	sshrl.u32 s25, $0x1;
	s16 =	sadd.s32 s8, s2  }
0xc: {  	s10 =	sadd.s32 s10, s4;
	s24 =	sadd.s32 s9, s12;
	s9 =	ssub.s32 s25, s28  }
0xd: {  	s12 =	sadd.s32 s15, s26;
	s15 =	simm.s32 $0x1400;
	s7 =	sadd.s32 s7, s4  }
0xe: {  	s14 =	sadd.s32 s24, s4;
	s4 =	sadd.s32 $0x37400, s10;
	s10 =	sadd.s32 s30, s17  }
0xf: {  	s9 =	smax.u32 s9, $0x1;
	s12 =	sor.u32 $0x2000, s12;
	s17 =	simm.s32 $0x1  }
0x10: {  	s6 =	sadd.s32 $0x2F8400, s7;
	s7 =	sadd.s32 s11, s13;
	s8 =	sadd.s32 $0x68400, s14  }
0x11: {  	s31 =	sshll.u32 s10, $0x2;
	s12 =	sshrl.u32 s12, $0x3;
	s14 =	simm.s32 $0x3  }
0x12: {  	s10 =	sadd.s32 $0x4E00, s7;
	s13 =	sadd.s32 s31, s11;
	s11 =	sadd.s32 s12, s11  }
0x13: {  	s12 =	sadd.s32 $0x200, s13;
	s13 =	sshrl.u32 s16, $0x3;
	s16 =	simm.s32 $0x2400  }
.LBB2_1:
0x14: {  	[spmem:s13], [sflag:s5] =	dma.local [hbm:s4], $0x9C4  }
0x15: {  	_ =	swait.ge [sflag:s14], $0x9C4  }
0x16: {  	[sflag:s14] =	ssyncset.done $0x0  }
0x17: {  	[sflag:s14] =	ssyncadd.s32 $0xFFFFF63C  }
0x18: {  	[bflag:$0x0] =	sbarrier.arrive $0xFFFF  }
0x19: {  	[tilespmem:s3], [sflag:$0x3] =	stream.linear.gather [hbm4b:s6+s3], $0x1400, $0x38;
	[tilespmem:$0x8220] =	vst v63  }
0x1a: {  	_ =	swait.ge [sflag:s14], $0x1400  }
0x1b: {  	[sflag:s14] =	ssyncset.done $0x0  }
0x1c: {  	[sflag:s14] =	ssyncadd.s32 $0xFFFFEC00  }
0x1d: {  	[tilespmem:s15], [sflag:$0x1] =	stream.linear.gather [hbm4b:s7+s3], $0x1000, $0x38;
	[tilespmem:$0x8220] =	vst v63  }
0x1e: {  	s23 =	sadd.s32 $0x0, s12  }
0x1f: {  	[tilespmem:s16], [sflag:$0x2] =	stream.linear.gather [hbm4b:s23+s3], $0x1000, $0x38;
	[tilespmem:$0x8220] =	vst v63  }
0x20: {  	_ =	swait.ge [sflag:s17], $0x1000  }
0x21: {  	[sflag:s17] =	ssyncset.done $0x0  }
0x22: {  	s29 =	simm.s32 $0x0;
	[sflag:s17] =	ssyncadd.s32 $0xFFFFF000  }
0x23: {  	[spmem:s2] =	stream.indirect.scatter.add.f32 [tilespmem:s15], [sflag:$0x3], $0x20, s29, s18, $0xb8;
	[tilespmem:$0x8220] =	vst v63  }
0x24: {  	_ =	swait.ge [sflag:s14], $0x1000  }
0x25: {  	[sflag:s14] =	ssyncset.done $0x0  }
0x26: {  	s30 =	sadd.s32 $0x0, s11;
	[sflag:s14] =	ssyncadd.s32 $0xFFFFF000  }
0x27: {  	[tilespmem:s15], [sflag:$0x1] =	stream.linear.gather [hbm4b:s30+s3], $0x1000, $0x38;
	[tilespmem:$0x8220] =	vst v63  }
0x28: {  	_ =	swait.ge [sflag:s19], $0x1000  }
0x29: {  	[sflag:s19] =	ssyncset.done $0x0  }
0x2a: {  	s31 =	simm.s32 $0x80;
	[sflag:s19] =	ssyncadd.s32 $0xFFFFF000  }
0x2b: {  	[spmem:s2] =	stream.indirect.scatter.add.f32 [tilespmem:s16], [sflag:$0x3], $0x20, s31, s18, $0xb8;
	[tilespmem:$0x8220] =	vst v63  }
0x2c: {  	_ =	swait.ge [sflag:s14], $0x1000  }
0x2d: {  	s24 =	simm.s32 $0x800;
	s23 =	simm.s32 $0x400;
	[sflag:s14] =	ssyncset.done $0x0  }
.LBB2_2:
0x2e: {  	s25 =	sadd.s32 s23, s12  }
0x2f: {  	[sflag:s14] =	ssyncadd.s32 $0xFFFFF000;
	s26 =	smov.u32 s24;
	s28 =	sadd.s32 $0x400, s24  }
0x30: {  	[tilespmem:s16], [sflag:$0x2] =	stream.linear.gather [hbm4b:s25+s3], $0x1000, $0x38;
	[tilespmem:$0x8220] =	vst v63  }
0x31: {  	p0 =	sne.s32 s24, $0x4800;
	_ =	swait.ge [sflag:s17], $0x1000  }
0x32: {  	[sflag:s17] =	ssyncset.done $0x0  }
0x33: {  	s24 =	sshra.s32 s23, $0x2;
	[sflag:s17] =	ssyncadd.s32 $0xFFFFF000  }
0x34: {  	[spmem:s2] =	stream.indirect.scatter.add.f32 [tilespmem:s15], [sflag:$0x3], $0x20, s24, s18, $0xb8;
	[tilespmem:$0x8220] =	vst v63  }
0x35: {  	_ =	swait.ge [sflag:s14], $0x1000  }
0x36: {  	[sflag:s14] =	ssyncset.done $0x0  }
0x37: {  	s25 =	sadd.s32 s23, s11;
	s23 =	smov.u32 s26;
	[sflag:s14] =	ssyncadd.s32 $0xFFFFF000  }
0x38: {  	[tilespmem:s15], [sflag:$0x1] =	stream.linear.gather [hbm4b:s25+s3], $0x1000, $0x38;
	[tilespmem:$0x8220] =	vst v63  }
0x39: {  	_ =	swait.ge [sflag:s19], $0x1000  }
.Ltmp0:
0x3a: {  	[sflag:s19] =	ssyncset.done $0x0;
	(pc) =	sbr.rel @p0 .LBB2_2-.Ltmp0, $4  }
0x3b: {  	s24 =	sadd.s32 $0x80, s24;
	[sflag:s19] =	ssyncadd.s32 $0xFFFFF000  }
0x3c: {  	[spmem:s2] =	stream.indirect.scatter.add.f32 [tilespmem:s16], [sflag:$0x3], $0x20, s24, s18, $0xb8;
	[tilespmem:$0x8220] =	vst v63  }
0x3d: {  	_ =	swait.ge [sflag:s14], $0x1000  }
0x3e: {  	s24 =	smov.u32 s28;
	[sflag:s14] =	ssyncset.done $0x0  }
0x3f: {  	s24 =	sadd.s32 s23, s12;
	[sflag:s14] =	ssyncadd.s32 $0xFFFFF000  }
0x40: {  	[tilespmem:s16], [sflag:$0x2] =	stream.linear.gather [hbm4b:s24+s3], $0x1000, $0x38;
	[tilespmem:$0x8220] =	vst v63  }
0x41: {  	_ =	swait.ge [sflag:s17], $0x1000  }
0x42: {  	[sflag:s17] =	ssyncset.done $0x0  }
0x43: {  	s29 =	sshra.s32 s23, $0x2;
	[sflag:s17] =	ssyncadd.s32 $0xFFFFF000  }
0x44: {  	[spmem:s2] =	stream.indirect.scatter.add.f32 [tilespmem:s15], [sflag:$0x3], $0x20, s29, s18, $0xb8;
	[tilespmem:$0x8220] =	vst v63  }
0x45: {  	_ =	swait.ge [sflag:s14], $0x1000  }
0x46: {  	[sflag:s14] =	ssyncset.done $0x0  }
0x47: {  	s30 =	sadd.s32 s23, s11;
	[sflag:s14] =	ssyncadd.s32 $0xFFFFF000  }
0x48: {  	[tilespmem:s15], [sflag:$0x1] =	stream.linear.gather [hbm4b:s30+s3], $0x1000, $0x38;
	[tilespmem:$0x8220] =	vst v63  }
0x49: {  	_ =	swait.ge [sflag:s19], $0x1000  }
0x4a: {  	[sflag:s19] =	ssyncset.done $0x0  }
0x4b: {  	s31 =	sadd.s32 $0x80, s29;
	[sflag:s19] =	ssyncadd.s32 $0xFFFFF000  }
0x4c: {  	[spmem:s2] =	stream.indirect.scatter.add.f32 [tilespmem:s16], [sflag:$0x3], $0x20, s31, s18, $0xb8;
	[tilespmem:$0x8220] =	vst v63  }
0x4d: {  	_ =	swait.ge [sflag:s14], $0x1000  }
0x4e: {  	[sflag:s14] =	ssyncset.done $0x0  }
0x4f: {  	[sflag:s14] =	ssyncadd.s32 $0xFFFFF000  }
0x50: {  	[tilespmem:s16], [sflag:$0x2] =	stream.linear.gather [hbm4b:s10+s3], $0x1000, $0x38;
	[tilespmem:$0x8220] =	vst v63  }
0x51: {  	_ =	swait.ge [sflag:s17], $0x1000  }
0x52: {  	[sflag:s17] =	ssyncset.done $0x0  }
0x53: {  	[sflag:s17] =	ssyncadd.s32 $0xFFFFF000  }
0x54: {  	[spmem:s2] =	stream.indirect.scatter.add.f32 [tilespmem:s15], [sflag:$0x3], $0x20, s20, s18, $0xb8;
	[tilespmem:$0x8220] =	vst v63  }
0x55: {  	_ =	swait.ge [sflag:s14], $0x1000  }
0x56: {  	[sflag:s14] =	ssyncset.done $0x0  }
0x57: {  	[sflag:s14] =	ssyncadd.s32 $0xFFFFF000  }
0x58: {  	_ =	swait.ge [sflag:s19], $0x1000  }
0x59: {  	[sflag:s19] =	ssyncset.done $0x0  }
0x5a: {  	[sflag:s19] =	ssyncadd.s32 $0xFFFFF000  }
0x5b: {  	[spmem:s2] =	stream.indirect.scatter.add.f32 [tilespmem:s16], [sflag:$0x3], $0x20, s21, s18, $0xb8;
	[tilespmem:$0x8220] =	vst v63  }
0x5c: {  	_ =	swait.ge [sflag:s14], $0x1000  }
0x5d: {  	s22 =	sadd.s32 $0x1, s22;
	[sflag:s14] =	ssyncset.done $0x0  }
0x5e: {  	p0 =	sne.s32 s22, s9;
	[sflag:s14] =	ssyncadd.s32 $0xFFFFF000  }
.Ltmp1:
0x5f: {  	[bflag:$0x0] =	sbarrier.arrive $0xFFFF;
	(pc) =	sbr.rel @p0 .LBB2_1-.Ltmp1, $4  }
0x60: {  	[hbm:s8], [sflag:s5] =	dma.local [spmem:s13], $0x9C4  }
0x61: {  	_ =	swait.ge [sflag:s14], $0x9C4  }
0x62: {  	[sflag:s14] =	ssyncset.done $0x0  }
0x63: {  	[sflag:s14] =	ssyncadd.s32 $0xFFFFF63C  }
0x64: {  	_ =	sfence.sel $0x180000  }
0x65: {  	[bflag:$0x0] =	sbarrier.arrive $0xFFFF  }
0x66: {  	p0 =	sne.s32 s0, $0x0;
	_ =	strace $0x90000050  }
0x67: {  	s0 =	sadd.s32 @!p0 $0x100000, s1;
	[bflag:$0x2] =	sbarrier.arrive $0xFFFF  }
0x68: {  	[sflag:s0] =	ssyncadd.tile.s32 @!p0 $0x1;
	_ =	shalt  }
.Lfunc_end2:
_tile_overlayer_lowered:
.L_overlay_start_2:
0x69: {  	(tag) =	ssettag $0x2  }
0x6a: {  	s0 =	rddreg [dreg:$0x0];
	s2 =	stileid.u32  }
0x6b: {  	s1 =	rddreg [dreg:$0x1];
	p0 =	sne.s32 s2, $0x0  }
0x6c: {  	s3 =	rddreg [dreg:$0x2];
	[bflag:$0x3] =	sbarrier.arrive $0xFFFF;
	s2 =	simm.s32 @!p0 $0x1C03  }
0x6d: {  	[timem:s3], [sflag:s2] =	dma.local @!p0 [hbm:s0], s1  }
0x6e: {  	s0 =	simm.s32 @!p0 $0x3  }
0x6f: {  	_ =	swait.ge @!p0 [sflag:s0], s1  }
0x70: {  	s1 =	ssub.s32 @!p0 $0x0, s1;
	[sflag:s0] =	ssyncset.done @!p0 $0x0  }
0x71: {  	[sflag:s0] =	ssyncadd.s32 @!p0 s1  }
0x72: {  	[bflag:$0x3] =	sbarrier.arrive $0xFFFF  }
0x73: {  	_ =	shalt  }

// kernel: kernel.27.cloned.1.call-start
scs
__scs_entry_jumppad:
0x0: {  	(pc) =	sbr.rel $0x88, $3  }
0x1: {  	(tag) =	ssettag $0x0;
	lr =	simm.s32 $0x1  }
0x2: {  	[smem:$0x3F81] =	sst lr;
	_ =	strace $0xD0000000  }
0x3: {  	_ = 	snop  }
0x4: {  	_ = 	snop  }
0x5: {  	_ = 	snop  }
0x6: {  	_ = 	snop  }
0x7: {  	_ = 	snop  }
__scs_overlays_trampoline_lowered:
0x8: {  	[smem:$0x3F90] =	sst s0  }
0x9: {  	[smem:$0x3F91] =	sst s1  }
0xa: {  	[smem:$0x3F92] =	sst s2  }
0xb: {  	[smem:$0x3F93] =	sst s3  }
0xc: {  	[smem:$0x3F94] =	sst s4  }
0xd: {  	[smem:$0x3F95] =	sst s5  }
0xe: {  	[smem:$0x3F96] =	sst s6  }
0xf: {  	[smem:$0x3F97] =	sst s7  }
0x10: {  	[smem:$0x3F98] =	sst s8  }
0x11: {  	[smem:$0x3F99] =	sst s9;
	s0 =	simm.s32 @!p0 $0x0  }
0x12: {  	s1 =	sld [smem:$0x3F7F];
	s0 =	simm.s32 @p0 $0x1  }
0x13: {  	[smem:$0x3F9A] =	sst s0;
	s0 =	simm.s32 @!p1 $0x0  }
0x14: {  	s2 =	sld [smem:$0x3F7E];
	s0 =	simm.s32 @p1 $0x1  }
0x15: {  	[smem:$0x3F9B] =	sst s0;
	s0 =	simm.s32 @!p2 $0x0  }
0x16: {  	s3 =	sld [smem:$0x3FDB];
	s0 =	simm.s32 @p2 $0x1  }
0x17: {  	s4 =	simm.s32 $0x1BF5;
	[smem:$0x3F9D] =	sst s0  }
0x18: {  	s0 =	sld [smem:$0x3F80];
	_ =	swait.ge [sflag:s4], $0x0  }
0x19: {  	s7 =	sld [smem:$0x3F81]  }
0x1a: {  	s8 =	sadd.s32 $0xFFFFE003, lr  }
0x1b: {  	s9 =	sadd.s32 $0xFFFFFEF7, lr;
	s5 =	simm.s32 $0xFFFFFFFF;
	p2 =	slt.u32 s8, $0xFFFFF086  }
0x1c: {  	p1 =	slt.u32 s9, $0xF7A;
	s5 =	simm.s32 @!p2 $0x0  }
0x1d: {  	s5 =	simm.s32 @p1 $0x1;
	p0 =	seq.s32 s7, s2  }
0x1e: {  	s7 =	smul.u32 @!p0 $0xF7A, s2;
	p2 =	seq.s32 @!p0 s5, $0x0  }
0x1f: {  	s9 =	smul.u32 $0xF7A, s1;
	s8 =	simm.s32 @!p0 $0x1BF5;
	p2 =	por !p2, p0  }
0x20: {  	[sflag:s8] =	ssyncset.s32 @!p0 $0xFFFFF086;
	s6 =	sadd.s32 @!p0 s3, s7;
	s7 =	simm.s32 @!p0 $0x108  }
0x21: {  	s3 =	sadd.s32 s3, s9;
	s6 =	sadd.s32 @!p0 $0x88, s6;
	s7 =	simm.s32 @p2 $0x1082  }
0x22: {  	[simem:s7], [sflag:s8] =	dma.local @!p0 [hbm:s6], $0xF7A  }
0x23: {  	s9 =	sor.u32 $0xD0000000, s2;
	s6 =	simm.s32 $0x108;
	_ =	swait.ge @!p0 [sflag:s8], $0x0  }
0x24: {  	s3 =	sadd.s32 $0x88, s3;
	s6 =	simm.s32 @!p1 $0x1082;
	[sflag:s4] =	ssyncset.s32 $0xFFFFF086  }
0x25: {  	[simem:s6], [sflag:s4] =	dma.local [hbm:s3], $0xF7A  }
0x26: {  	[smem:$0x3F81] =	sst s1;
	(tag) =	ssettag s2;
	_ =	strace s9  }
0x27: {  	s1 =	sld [smem:$0x3F91]  }
0x28: {  	s2 =	sld [smem:$0x3F92]  }
0x29: {  	s4 =	sld [smem:$0x3F94]  }
0x2a: {  	p0 =	seq.s32 s5, $0x0;
	s5 =	sld [smem:$0x3F95]  }
0x2b: {  	s6 =	sld [smem:$0x3F96]  }
0x2c: {  	s7 =	sld [smem:$0x3F97]  }
0x2d: {  	s3 =	simm.s32 $0x108;
	s8 =	sld [smem:$0x3F98]  }
0x2e: {  	s3 =	simm.s32 @!p0 $0x1082;
	s9 =	sld [smem:$0x3F99]  }
0x2f: {  	lr =	sadd.s32 s0, s3;
	s0 =	sld [smem:$0x3F90]  }
0x30: {  	s3 =	sld [smem:$0x3F93]  }
0x31: {  	[smem:$0x3F9C] =	sst s10  }
0x32: {  	s10 =	sld [smem:$0x3F9A];
	_ =	sdelay $0x3  }
0x33: {  	p0 =	seq.s32 s10, $0x1;
	s10 =	sld [smem:$0x3F9C];
	_ =	sdelay $0x3  }
0x34: {  	[smem:$0x3F9C] =	sst s10  }
0x35: {  	s10 =	sld [smem:$0x3F9B];
	_ =	sdelay $0x3  }
0x36: {  	p1 =	seq.s32 s10, $0x1;
	s10 =	sld [smem:$0x3F9C];
	_ =	sdelay $0x3  }
0x37: {  	[smem:$0x3F9C] =	sst s10  }
0x38: {  	s10 =	sld [smem:$0x3F9D]  }
0x39: {  	_ = 	snop;
	(pc) =	sbr.ind lr, $3  }
0x3a: {  	_ = 	snop  }
0x3b: {  	_ = 	snop  }
0x3c: {  	p2 =	seq.s32 s10, $0x1;
	s10 =	sld [smem:$0x3F9C]  }
0x3d: {  	_ =	shalt  }
0x3e: {  	_ =	shalt  }
0x3f: {  	_ =	shalt  }
0x40: {  	_ =	shalt  }
0x41: {  	_ =	shalt  }
0x42: {  	_ =	shalt  }
0x43: {  	_ =	shalt  }
0x44: {  	_ =	shalt  }
0x45: {  	_ =	shalt  }
0x46: {  	_ =	shalt  }
0x47: {  	_ =	shalt  }
0x48: {  	_ =	shalt  }
0x49: {  	_ =	shalt  }
0x4a: {  	_ =	shalt  }
0x4b: {  	_ =	shalt  }
0x4c: {  	_ =	shalt  }
0x4d: {  	_ =	shalt  }
0x4e: {  	_ =	shalt  }
0x4f: {  	_ =	shalt  }
0x50: {  	_ =	shalt  }
0x51: {  	_ =	shalt  }
0x52: {  	_ =	shalt  }
0x53: {  	_ =	shalt  }
0x54: {  	_ =	shalt  }
0x55: {  	_ =	shalt  }
0x56: {  	_ =	shalt  }
0x57: {  	_ =	shalt  }
0x58: {  	_ =	shalt  }
0x59: {  	_ =	shalt  }
0x5a: {  	_ =	shalt  }
0x5b: {  	_ =	shalt  }
0x5c: {  	_ =	shalt  }
0x5d: {  	_ =	shalt  }
0x5e: {  	_ =	shalt  }
0x5f: {  	_ =	shalt  }
0x60: {  	_ =	shalt  }
0x61: {  	_ =	shalt  }
0x62: {  	_ =	shalt  }
0x63: {  	_ =	shalt  }
0x64: {  	_ =	shalt  }
0x65: {  	_ =	shalt  }
0x66: {  	_ =	shalt  }
0x67: {  	_ =	shalt  }
0x68: {  	_ =	shalt  }
0x69: {  	_ =	shalt  }
0x6a: {  	_ =	shalt  }
0x6b: {  	_ =	shalt  }
0x6c: {  	_ =	shalt  }
0x6d: {  	_ =	shalt  }
0x6e: {  	_ =	shalt  }
0x6f: {  	_ =	shalt  }
0x70: {  	_ =	shalt  }
0x71: {  	_ =	shalt  }
0x72: {  	_ =	shalt  }
0x73: {  	_ =	shalt  }
0x74: {  	_ =	shalt  }
0x75: {  	_ =	shalt  }
0x76: {  	_ =	shalt  }
0x77: {  	_ =	shalt  }
0x78: {  	_ =	shalt  }
0x79: {  	_ =	shalt  }
0x7a: {  	_ =	shalt  }
0x7b: {  	_ =	shalt  }
0x7c: {  	_ =	shalt  }
0x7d: {  	_ =	shalt  }
0x7e: {  	_ =	shalt  }
0x7f: {  	_ =	shalt  }
0x80: {  	_ =	shalt  }
0x81: {  	_ =	shalt  }
0x82: {  	_ =	shalt  }
0x83: {  	_ =	shalt  }
0x84: {  	_ =	shalt  }
0x85: {  	_ =	shalt  }
0x86: {  	_ =	shalt  }
0x87: {  	_ =	shalt  }
.Lfunc_end0:
.L_simem_size_0:
called_computation.4_lowered:
.L_overlay_start_0:
0x88: {  	s2 =	sld [smem:$0x3FD9]  }
0x89: {  	s3 =	sld [smem:$0x3FFE];
	_ =	sdelay $0x1  }
0x8a: {  	s1 =	srdreg.scid  }
0x8b: {  	s0 =	sand.u32 $0x1, s1  }
0x8c: {  	s16 =	sshll.u32 s0, $0xA;
	s2 =	sadd.s32 s3, s2  }
0x8d: {  	s2 =	sadd.s32 s2, s16  }
0x8e: {  	[smem:$0x3FA8] =	sst s2  }
0x8f: {  	_ = 	snop  }
0x90: {  	(tm) =	ssettm $0x1  }
0x91: {  	s17 =	sld [smem:$0x3FFB];
	_ =	sdelay $0x3  }
0x92: {  	_ =	strace s17  }
0x93: {  	s2 =	sld [smem:$0x3FFC];
	_ =	sdelay $0x3  }
0x94: {  	_ =	strace s2  }
0x95: {  	s2 =	sld [smem:$0x3FFD];
	_ =	sdelay $0x3  }
0x96: {  	_ =	strace s2  }
0x97: {  	_ =	strace $0x8FFFFFFF  }
0x98: {  	s18 =	sld [smem:$0x3FDB];
	_ =	sdelay $0x1  }
0x99: {  	s19 =	simm.s32 $_scs_section_size  }
0x9a: {  	s4 =	simm.s32 $_size__tile_overlayer_lowered;
	s5 =	simm.s32 $_tile_overlayer_lowered  }
0x9b: {  	s22 =	simm.s32 $0x1BFF;
	s21 =	sshll.u32 s5, $0x1;
	s2 =	sadd.s32 s19, s18  }
0x9c: {  	s6 =	simm.s32 $0x0;
	s20 =	sshll.u32 s4, $0x1;
	s4 =	sadd.s32 s21, s2  }
0x9d: {  	[timem:s6], [sflag:s22] =	dma.local [hbm:s4], s20  }
0x9e: {  	_ =	swait.ge [sflag:s22], s20  }
0x9f: {  	s3 =	ssub.s32 $0x0, s20;
	[sflag:s22] =	ssyncset.done $0x0  }
0xa0: {  	[sflag:s22] =	ssyncadd.s32 s3;
	_ =	sdelay $0x1  }
0xa1: {  	s23 =	simm.s32 $0x1B8B  }
0xa2: {  	_ =	swait.ge [sflag:s23], $0x1  }
0xa3: {  	[sflag:s23] =	ssyncset.done $0x0  }
0xa4: {  	s25 =	simm.s32 $0x1B8E;
	s24 =	sld [smem:$0x3FFE];
	[sflag:s23] =	ssyncadd.s32 $0xFFFFFFFF  }
0xa5: {  	s26 =	simm.s32 $execute0_lowered;
	[smem:$0x3FD2] =	sst s25  }
0xa6: {  	s4 =	sshll.u32 s26, $0x1;
	_ =	strace $0x80000052;
	[dreg:$0x1] =	wrdreg $0xFFFFFFFF  }
0xa7: {  	s28 =	simm.s32 $_size_execute0_lowered;
	s2 =	sadd.s32 s2, s4;
	[dreg:$0x0] =	wrdreg $0x0  }
0xa8: {  	s4 =	sshll.u32 s28, $0x1;
	[dreg:$0x2] =	wrdreg s2  }
0xa9: {  	[dreg:$0x3] =	wrdreg s4  }
0xaa: {  	[dreg:$0x4] =	wrdreg $0xC0  }
0xab: {  	_ =	task [dreg:s6], $0x5FFFF  }
0xac: {  	[dreg:$0x1] =	wrdreg $0xFFFFFFFF  }
0xad: {  	[dreg:$0x0] =	wrdreg $0x60  }
0xae: {  	[dreg:$0x2] =	wrdreg s24  }
0xaf: {  	[dreg:$0x3] =	wrdreg $0x9  }
0xb0: {  	_ =	task.clear_ibuf [dreg:s6], $0x4FFFF;
	_ =	strace $0x90000052  }
0xb1: {  	s29 =	simm.s32 $0x9;
	_ =	strace $0x80000054  }
0xb2: {  	_ =	swait.ge [sflag:s29], $0x1  }
0xb3: {  	[sflag:s29] =	ssyncadd.s32 $0xFFFFFFFF  }
0xb4: {  	_ =	strace $0x90000054  }
0xb5: {  	_ =	sfence  }
0xb6: {  	s30 =	sld [smem:$0x0];
	_ =	sdelay $0x2  }
0xb7: {  	s31 =	sshll.u32 s1, $0xD;
	s1 =	sshrl.u32 s1, $0x2  }
0xb8: {  	s3 =	sand.u32 $0x4000, s31;
	s1 =	sadd.s32 s1, s30  }
0xb9: {  	s0 =	sor.u32 s3, s0;
	s1 =	sshll.u32 s1, $0x11  }
0xba: {  	s0 =	sor.u32 s1, s0  }
0xbb: {  	s0 =	sadd.s32 $0x8F2B, s0  }
0xbc: {  	[sflag:s0] =	ssyncadd.remote.s32 $0x1  }
0xbd: {  	_ =	sfence.sel $0xFFFF  }
0xbe: {  	[dreg:$0x0] =	wrdreg $0xFFFFFFFF;
	(pc) =	sbr.abs _section_cstart, $3  }
0xbf: {  	[dreg:$0x1] =	wrdreg $0xFFFFFFFF  }
0xc0: {  	_ =	task.clear_ibuf [dreg:s6], $0x2FFFF;
	_ =	strace $0x9FFFFFFF  }
0xc1: {  	(tm) =	ssettm $0x7FFFFFFF  }
tec
execute0_lowered:
.L_overlay_start_1:
0x0: {  	(tag) =	ssettag $0x1  }
0x1: {  	s1 =	srdreg.scid  }
0x2: {  	s0 =	stileid.u32;
	s4 =	rddreg [dreg:$0x0]  }
0x3: {  	s2 =	simm.s32 $0x0;
	s14 =	simm.s32 $0x1;
	s15 =	simm.s32 $0x2  }
0x4: {  	s16 =	simm.s32 $0x1380;
	s17 =	simm.s32 $0x0;
	s10 =	smul.u32 $0x50000, s0  }
0x5: {  	s5 =	sand.u32 $0x1, s1;
	s1 =	rddreg [dreg:$0x1];
	s25 =	smul.u32 $0x2800, s0  }
0x6: {  	s3 =	sshll.u32 s0, $0x1;
	[smem:$0x7FF] =	sst s2;
	s12 =	smul.u32 $0x28000, s5  }
0x7: {  	s13 =	sadd.s32 $0x324600, s4;
	s6 =	sor.u32 s5, s3;
	s28 =	smul.u32 $0x1400, s5  }
0x8: {  	_ =	strace $0x80000053;
	s9 =	ssub.s32 $0x2, s5;
	s7 =	smul.u32 $0x280, s6  }
0x9: {  	s3 =	sadd.s32 $0x68400, s4;
	s8 =	smul.u32 $0x28000, s6;
	s11 =	sshrl.u32 s9, $0x1  }
0xa: {  	s29 =	smul.u32 $0x2800, s6;
	s9 =	ssub.s32 s9, s11;
	s30 =	sadd.s32 s12, s10  }
0xb: {  	s12 =	simm.s32 $0x80;
	s7 =	sadd.s32 s7, s4;
	s26 =	sshrl.u32 s8, $0x4  }
0xc: {  	s5 =	smax.u32 s9, $0x1;
	s8 =	sadd.s32 s28, s25;
	s9 =	sadd.s32 s13, s29  }
0xd: {  	s10 =	sshrl.u32 s30, $0x4;
	s4 =	sadd.s32 $0x32400, s7;
	s7 =	sadd.s32 s13, s26  }
0xe: {  	s11 =	sshll.u32 s8, $0x1;
	s8 =	sadd.s32 s10, s13;
	s10 =	simm.s32 $0x3  }
0xf: {  	s6 =	sadd.s32 $0x2600, s7;
	s7 =	sadd.s32 $0x2700, s9;
	s31 =	sadd.s32 s11, s13  }
0x10: {  	s11 =	simm.s32 $0x1400;
	s13 =	simm.s32 $0x1C00;
	s9 =	sadd.s32 $0x100, s31  }
.LBB2_1:
0x11: {  	[tilespmem:s2], [sflag:$0x3] =	stream.linear.gather [hbm4b:s4+s2], $0x1400, $0x38;
	[tilespmem:$0x2400] =	vst v63  }
0x12: {  	_ =	swait.ge [sflag:s10], $0x1400  }
0x13: {  	[sflag:s10] =	ssyncset.done $0x0  }
0x14: {  	[sflag:s10] =	ssyncadd.s32 $0xFFFFEC00  }
0x15: {  	[tilespmem:s11], [sflag:$0x1] =	stream.indirect.gather [hbm4b:s3+s12], $0x10, s2, s12, $0xb8;
	[tilespmem:$0x2400] =	vst v63  }
0x16: {  	_ = 	snop  }
0x17: {  	[tilespmem:s13], [sflag:$0x2] =	stream.indirect.gather [hbm4b:s3+s12], $0x10, s12, s12, $0xb8;
	[tilespmem:$0x2400] =	vst v63  }
0x18: {  	_ =	swait.ge [sflag:s14], $0x800  }
0x19: {  	[sflag:s14] =	ssyncset.done $0x0  }
0x1a: {  	s18 =	sadd.s32 $0x0, s8;
	[sflag:s14] =	ssyncadd.s32 $0xFFFFF800  }
0x1b: {  	[hbm4b:s18+s2] =	stream.linear.scatter [tilespmem:s11], [sflag:$0x3], $0x800, $0x38;
	[tilespmem:$0x2400] =	vst v63  }
0x1c: {  	_ =	swait.ge [sflag:s10], $0x800  }
0x1d: {  	[sflag:s10] =	ssyncset.done $0x0  }
0x1e: {  	s30 =	simm.s32 $0x100;
	[sflag:s10] =	ssyncadd.s32 $0xFFFFF800  }
0x1f: {  	[tilespmem:s11], [sflag:$0x1] =	stream.indirect.gather [hbm4b:s3+s12], $0x10, s30, s12, $0xb8;
	[tilespmem:$0x2400] =	vst v63  }
0x20: {  	_ =	swait.ge [sflag:s15], $0x800  }
0x21: {  	[sflag:s15] =	ssyncset.done $0x0  }
0x22: {  	s31 =	sadd.s32 $0x0, s9;
	[sflag:s15] =	ssyncadd.s32 $0xFFFFF800  }
0x23: {  	[hbm4b:s31+s2] =	stream.linear.scatter [tilespmem:s13], [sflag:$0x3], $0x800, $0x38;
	[tilespmem:$0x2400] =	vst v63  }
0x24: {  	_ =	swait.ge [sflag:s10], $0x800  }
0x25: {  	s19 =	simm.s32 $0x80;
	s18 =	simm.s32 $0x200;
	[sflag:s10] =	ssyncset.done $0x0  }
.LBB2_2:
0x26: {  	p0 =	sne.s32 s18, $0x2400;
	[sflag:s10] =	ssyncadd.s32 $0xFFFFF800;
	s19 =	sadd.s32 $0x100, s19  }
0x27: {  	[tilespmem:s13], [sflag:$0x2] =	stream.indirect.gather [hbm4b:s3+s12], $0x10, s19, s12, $0xb8;
	[tilespmem:$0x2400] =	vst v63  }
0x28: {  	s20 =	smov.u32 s18;
	s18 =	sadd.s32 $0x200, s18;
	_ =	swait.ge [sflag:s14], $0x800  }
0x29: {  	[sflag:s14] =	ssyncset.done $0x0  }
0x2a: {  	s21 =	sadd.s32 s20, s8;
	[sflag:s14] =	ssyncadd.s32 $0xFFFFF800  }
0x2b: {  	[hbm4b:s21+s2] =	stream.linear.scatter [tilespmem:s11], [sflag:$0x3], $0x800, $0x38;
	[tilespmem:$0x2400] =	vst v63  }
0x2c: {  	_ =	swait.ge [sflag:s10], $0x800  }
0x2d: {  	[sflag:s10] =	ssyncset.done $0x0  }
0x2e: {  	s21 =	sadd.s32 $0x80, s19;
	[sflag:s10] =	ssyncadd.s32 $0xFFFFF800  }
0x2f: {  	[tilespmem:s11], [sflag:$0x1] =	stream.indirect.gather [hbm4b:s3+s12], $0x10, s21, s12, $0xb8;
	[tilespmem:$0x2400] =	vst v63  }
0x30: {  	_ =	swait.ge [sflag:s15], $0x800  }
.Ltmp0:
0x31: {  	[sflag:s15] =	ssyncset.done $0x0;
	(pc) =	sbr.rel @p0 .LBB2_2-.Ltmp0, $4  }
0x32: {  	s20 =	sadd.s32 s20, s9;
	[sflag:s15] =	ssyncadd.s32 $0xFFFFF800  }
0x33: {  	[hbm4b:s20+s2] =	stream.linear.scatter [tilespmem:s13], [sflag:$0x3], $0x800, $0x38;
	[tilespmem:$0x2400] =	vst v63  }
0x34: {  	_ =	swait.ge [sflag:s10], $0x800  }
0x35: {  	[sflag:s10] =	ssyncset.done $0x0  }
0x36: {  	[sflag:s10] =	ssyncadd.s32 $0xFFFFF800  }
0x37: {  	[tilespmem:s13], [sflag:$0x2] =	stream.indirect.gather [hbm4b:s3+s12], $0x10, s16, s12, $0xb8;
	[tilespmem:$0x2400] =	vst v63  }
0x38: {  	_ =	swait.ge [sflag:s14], $0x800  }
0x39: {  	[sflag:s14] =	ssyncset.done $0x0  }
0x3a: {  	[sflag:s14] =	ssyncadd.s32 $0xFFFFF800  }
0x3b: {  	[hbm4b:s6+s2] =	stream.linear.scatter [tilespmem:s11], [sflag:$0x3], $0x800, $0x38;
	[tilespmem:$0x2400] =	vst v63  }
0x3c: {  	_ =	swait.ge [sflag:s10], $0x800  }
0x3d: {  	[sflag:s10] =	ssyncset.done $0x0  }
0x3e: {  	[sflag:s10] =	ssyncadd.s32 $0xFFFFF800  }
0x3f: {  	s17 =	sadd.s32 $0x1, s17;
	_ =	swait.ge [sflag:s15], $0x800  }
0x40: {  	p0 =	sne.s32 s17, s5;
	[sflag:s15] =	ssyncset.done $0x0  }
.Ltmp1:
0x41: {  	[sflag:s15] =	ssyncadd.s32 $0xFFFFF800;
	(pc) =	sbr.rel @p0 .LBB2_1-.Ltmp1, $4  }
0x42: {  	[hbm4b:s7+s2] =	stream.linear.scatter [tilespmem:s13], [sflag:$0x3], $0x800, $0x38;
	[tilespmem:$0x2400] =	vst v63  }
0x43: {  	_ =	swait.ge [sflag:s10], $0x800  }
0x44: {  	[sflag:s10] =	ssyncset.done $0x0  }
0x45: {  	[sflag:s10] =	ssyncadd.s32 $0xFFFFF800  }
0x46: {  	_ =	sfence.sel $0x180000  }
0x47: {  	[bflag:$0x0] =	sbarrier.arrive $0xFFFF  }
0x48: {  	p0 =	sne.s32 s0, $0x0;
	_ =	strace $0x90000053  }
0x49: {  	s0 =	sadd.s32 @!p0 $0x100000, s1;
	[bflag:$0x2] =	sbarrier.arrive $0xFFFF  }
0x4a: {  	[sflag:s0] =	ssyncadd.tile.s32 @!p0 $0x1;
	_ =	shalt  }
.Lfunc_end2:
_tile_overlayer_lowered:
.L_overlay_start_2:
0x4b: {  	(tag) =	ssettag $0x2  }
0x4c: {  	s0 =	rddreg [dreg:$0x0];
	s2 =	stileid.u32  }
0x4d: {  	s1 =	rddreg [dreg:$0x1];
	p0 =	sne.s32 s2, $0x0  }
0x4e: {  	s3 =	rddreg [dreg:$0x2];
	[bflag:$0x3] =	sbarrier.arrive $0xFFFF;
	s2 =	simm.s32 @!p0 $0x1C03  }
0x4f: {  	[timem:s3], [sflag:s2] =	dma.local @!p0 [hbm:s0], s1  }
0x50: {  	s0 =	simm.s32 @!p0 $0x3  }
0x51: {  	_ =	swait.ge @!p0 [sflag:s0], s1  }
0x52: {  	s1 =	ssub.s32 @!p0 $0x0, s1;
	[sflag:s0] =	ssyncset.done @!p0 $0x0  }
0x53: {  	[sflag:s0] =	ssyncadd.s32 @!p0 s1  }
0x54: {  	[bflag:$0x3] =	sbarrier.arrive $0xFFFF  }
0x55: {  	_ =	shalt  }

// kernel: kernel.30.cloned.1.call-start
scs
__scs_entry_jumppad:
0x0: {  	(pc) =	sbr.rel $0x88, $3  }
0x1: {  	(tag) =	ssettag $0x0;
	lr =	simm.s32 $0x1  }
0x2: {  	[smem:$0x3F81] =	sst lr;
	_ =	strace $0xD0000000  }
0x3: {  	_ = 	snop  }
0x4: {  	_ = 	snop  }
0x5: {  	_ = 	snop  }
0x6: {  	_ = 	snop  }
0x7: {  	_ = 	snop  }
__scs_overlays_trampoline_lowered:
0x8: {  	[smem:$0x3F90] =	sst s0  }
0x9: {  	[smem:$0x3F91] =	sst s1  }
0xa: {  	[smem:$0x3F92] =	sst s2  }
0xb: {  	[smem:$0x3F93] =	sst s3  }
0xc: {  	[smem:$0x3F94] =	sst s4  }
0xd: {  	[smem:$0x3F95] =	sst s5  }
0xe: {  	[smem:$0x3F96] =	sst s6  }
0xf: {  	[smem:$0x3F97] =	sst s7  }
0x10: {  	[smem:$0x3F98] =	sst s8  }
0x11: {  	[smem:$0x3F99] =	sst s9;
	s0 =	simm.s32 @!p0 $0x0  }
0x12: {  	s1 =	sld [smem:$0x3F7F];
	s0 =	simm.s32 @p0 $0x1  }
0x13: {  	[smem:$0x3F9A] =	sst s0;
	s0 =	simm.s32 @!p1 $0x0  }
0x14: {  	s2 =	sld [smem:$0x3F7E];
	s0 =	simm.s32 @p1 $0x1  }
0x15: {  	[smem:$0x3F9B] =	sst s0;
	s0 =	simm.s32 @!p2 $0x0  }
0x16: {  	s3 =	sld [smem:$0x3FDB];
	s0 =	simm.s32 @p2 $0x1  }
0x17: {  	s4 =	simm.s32 $0x1BF5;
	[smem:$0x3F9D] =	sst s0  }
0x18: {  	s0 =	sld [smem:$0x3F80];
	_ =	swait.ge [sflag:s4], $0x0  }
0x19: {  	s7 =	sld [smem:$0x3F81]  }
0x1a: {  	s8 =	sadd.s32 $0xFFFFE003, lr  }
0x1b: {  	s9 =	sadd.s32 $0xFFFFFEF7, lr;
	s5 =	simm.s32 $0xFFFFFFFF;
	p2 =	slt.u32 s8, $0xFFFFF086  }
0x1c: {  	p1 =	slt.u32 s9, $0xF7A;
	s5 =	simm.s32 @!p2 $0x0  }
0x1d: {  	s5 =	simm.s32 @p1 $0x1;
	p0 =	seq.s32 s7, s2  }
0x1e: {  	s7 =	smul.u32 @!p0 $0xF7A, s2;
	p2 =	seq.s32 @!p0 s5, $0x0  }
0x1f: {  	s9 =	smul.u32 $0xF7A, s1;
	s8 =	simm.s32 @!p0 $0x1BF5;
	p2 =	por !p2, p0  }
0x20: {  	[sflag:s8] =	ssyncset.s32 @!p0 $0xFFFFF086;
	s6 =	sadd.s32 @!p0 s3, s7;
	s7 =	simm.s32 @!p0 $0x108  }
0x21: {  	s3 =	sadd.s32 s3, s9;
	s6 =	sadd.s32 @!p0 $0x88, s6;
	s7 =	simm.s32 @p2 $0x1082  }
0x22: {  	[simem:s7], [sflag:s8] =	dma.local @!p0 [hbm:s6], $0xF7A  }
0x23: {  	s9 =	sor.u32 $0xD0000000, s2;
	s6 =	simm.s32 $0x108;
	_ =	swait.ge @!p0 [sflag:s8], $0x0  }
0x24: {  	s3 =	sadd.s32 $0x88, s3;
	s6 =	simm.s32 @!p1 $0x1082;
	[sflag:s4] =	ssyncset.s32 $0xFFFFF086  }
0x25: {  	[simem:s6], [sflag:s4] =	dma.local [hbm:s3], $0xF7A  }
0x26: {  	[smem:$0x3F81] =	sst s1;
	(tag) =	ssettag s2;
	_ =	strace s9  }
0x27: {  	s1 =	sld [smem:$0x3F91]  }
0x28: {  	s2 =	sld [smem:$0x3F92]  }
0x29: {  	s4 =	sld [smem:$0x3F94]  }
0x2a: {  	p0 =	seq.s32 s5, $0x0;
	s5 =	sld [smem:$0x3F95]  }
0x2b: {  	s6 =	sld [smem:$0x3F96]  }
0x2c: {  	s7 =	sld [smem:$0x3F97]  }
0x2d: {  	s3 =	simm.s32 $0x108;
	s8 =	sld [smem:$0x3F98]  }
0x2e: {  	s3 =	simm.s32 @!p0 $0x1082;
	s9 =	sld [smem:$0x3F99]  }
0x2f: {  	lr =	sadd.s32 s0, s3;
	s0 =	sld [smem:$0x3F90]  }
0x30: {  	s3 =	sld [smem:$0x3F93]  }
0x31: {  	[smem:$0x3F9C] =	sst s10  }
0x32: {  	s10 =	sld [smem:$0x3F9A];
	_ =	sdelay $0x3  }
0x33: {  	p0 =	seq.s32 s10, $0x1;
	s10 =	sld [smem:$0x3F9C];
	_ =	sdelay $0x3  }
0x34: {  	[smem:$0x3F9C] =	sst s10  }
0x35: {  	s10 =	sld [smem:$0x3F9B];
	_ =	sdelay $0x3  }
0x36: {  	p1 =	seq.s32 s10, $0x1;
	s10 =	sld [smem:$0x3F9C];
	_ =	sdelay $0x3  }
0x37: {  	[smem:$0x3F9C] =	sst s10  }
0x38: {  	s10 =	sld [smem:$0x3F9D]  }
0x39: {  	_ = 	snop;
	(pc) =	sbr.ind lr, $3  }
0x3a: {  	_ = 	snop  }
0x3b: {  	_ = 	snop  }
0x3c: {  	p2 =	seq.s32 s10, $0x1;
	s10 =	sld [smem:$0x3F9C]  }
0x3d: {  	_ =	shalt  }
0x3e: {  	_ =	shalt  }
0x3f: {  	_ =	shalt  }
0x40: {  	_ =	shalt  }
0x41: {  	_ =	shalt  }
0x42: {  	_ =	shalt  }
0x43: {  	_ =	shalt  }
0x44: {  	_ =	shalt  }
0x45: {  	_ =	shalt  }
0x46: {  	_ =	shalt  }
0x47: {  	_ =	shalt  }
0x48: {  	_ =	shalt  }
0x49: {  	_ =	shalt  }
0x4a: {  	_ =	shalt  }
0x4b: {  	_ =	shalt  }
0x4c: {  	_ =	shalt  }
0x4d: {  	_ =	shalt  }
0x4e: {  	_ =	shalt  }
0x4f: {  	_ =	shalt  }
0x50: {  	_ =	shalt  }
0x51: {  	_ =	shalt  }
0x52: {  	_ =	shalt  }
0x53: {  	_ =	shalt  }
0x54: {  	_ =	shalt  }
0x55: {  	_ =	shalt  }
0x56: {  	_ =	shalt  }
0x57: {  	_ =	shalt  }
0x58: {  	_ =	shalt  }
0x59: {  	_ =	shalt  }
0x5a: {  	_ =	shalt  }
0x5b: {  	_ =	shalt  }
0x5c: {  	_ =	shalt  }
0x5d: {  	_ =	shalt  }
0x5e: {  	_ =	shalt  }
0x5f: {  	_ =	shalt  }
0x60: {  	_ =	shalt  }
0x61: {  	_ =	shalt  }
0x62: {  	_ =	shalt  }
0x63: {  	_ =	shalt  }
0x64: {  	_ =	shalt  }
0x65: {  	_ =	shalt  }
0x66: {  	_ =	shalt  }
0x67: {  	_ =	shalt  }
0x68: {  	_ =	shalt  }
0x69: {  	_ =	shalt  }
0x6a: {  	_ =	shalt  }
0x6b: {  	_ =	shalt  }
0x6c: {  	_ =	shalt  }
0x6d: {  	_ =	shalt  }
0x6e: {  	_ =	shalt  }
0x6f: {  	_ =	shalt  }
0x70: {  	_ =	shalt  }
0x71: {  	_ =	shalt  }
0x72: {  	_ =	shalt  }
0x73: {  	_ =	shalt  }
0x74: {  	_ =	shalt  }
0x75: {  	_ =	shalt  }
0x76: {  	_ =	shalt  }
0x77: {  	_ =	shalt  }
0x78: {  	_ =	shalt  }
0x79: {  	_ =	shalt  }
0x7a: {  	_ =	shalt  }
0x7b: {  	_ =	shalt  }
0x7c: {  	_ =	shalt  }
0x7d: {  	_ =	shalt  }
0x7e: {  	_ =	shalt  }
0x7f: {  	_ =	shalt  }
0x80: {  	_ =	shalt  }
0x81: {  	_ =	shalt  }
0x82: {  	_ =	shalt  }
0x83: {  	_ =	shalt  }
0x84: {  	_ =	shalt  }
0x85: {  	_ =	shalt  }
0x86: {  	_ =	shalt  }
0x87: {  	_ =	shalt  }
.Lfunc_end0:
.L_simem_size_0:
called_computation.5_lowered:
.L_overlay_start_0:
0x88: {  	s2 =	sld [smem:$0x3FD9]  }
0x89: {  	s3 =	sld [smem:$0x3FFE];
	_ =	sdelay $0x1  }
0x8a: {  	s1 =	srdreg.scid  }
0x8b: {  	s0 =	sand.u32 $0x1, s1  }
0x8c: {  	s16 =	sshll.u32 s0, $0xA;
	s2 =	sadd.s32 s3, s2  }
0x8d: {  	s2 =	sadd.s32 s2, s16  }
0x8e: {  	[smem:$0x3FA8] =	sst s2  }
0x8f: {  	_ = 	snop  }
0x90: {  	(tm) =	ssettm $0x1  }
0x91: {  	s17 =	sld [smem:$0x3FFB];
	_ =	sdelay $0x3  }
0x92: {  	_ =	strace s17  }
0x93: {  	s2 =	sld [smem:$0x3FFC];
	_ =	sdelay $0x3  }
0x94: {  	_ =	strace s2  }
0x95: {  	s2 =	sld [smem:$0x3FFD];
	_ =	sdelay $0x3  }
0x96: {  	_ =	strace s2  }
0x97: {  	_ =	strace $0x8FFFFFFF  }
0x98: {  	s18 =	sld [smem:$0x3FDB];
	_ =	sdelay $0x1  }
0x99: {  	s19 =	simm.s32 $_scs_section_size  }
0x9a: {  	s4 =	simm.s32 $_size__tile_overlayer_lowered;
	s5 =	simm.s32 $_tile_overlayer_lowered  }
0x9b: {  	s22 =	simm.s32 $0x1BFF;
	s21 =	sshll.u32 s5, $0x1;
	s2 =	sadd.s32 s19, s18  }
0x9c: {  	s6 =	simm.s32 $0x0;
	s20 =	sshll.u32 s4, $0x1;
	s4 =	sadd.s32 s21, s2  }
0x9d: {  	[timem:s6], [sflag:s22] =	dma.local [hbm:s4], s20  }
0x9e: {  	_ =	swait.ge [sflag:s22], s20  }
0x9f: {  	s3 =	ssub.s32 $0x0, s20;
	[sflag:s22] =	ssyncset.done $0x0  }
0xa0: {  	[sflag:s22] =	ssyncadd.s32 s3;
	_ =	sdelay $0x1  }
0xa1: {  	s23 =	simm.s32 $0x1B8B  }
0xa2: {  	_ =	swait.ge [sflag:s23], $0x1  }
0xa3: {  	[sflag:s23] =	ssyncset.done $0x0  }
0xa4: {  	s25 =	simm.s32 $0x1B8E;
	s24 =	sld [smem:$0x3FFE];
	[sflag:s23] =	ssyncadd.s32 $0xFFFFFFFF  }
0xa5: {  	s26 =	simm.s32 $execute0_lowered;
	[smem:$0x3FD2] =	sst s25  }
0xa6: {  	s4 =	sshll.u32 s26, $0x1;
	_ =	strace $0x80000055;
	[dreg:$0x1] =	wrdreg $0xFFFFFFFF  }
0xa7: {  	s28 =	simm.s32 $_size_execute0_lowered;
	s2 =	sadd.s32 s2, s4;
	[dreg:$0x0] =	wrdreg $0x0  }
0xa8: {  	s4 =	sshll.u32 s28, $0x1;
	[dreg:$0x2] =	wrdreg s2  }
0xa9: {  	[dreg:$0x3] =	wrdreg s4  }
0xaa: {  	[dreg:$0x4] =	wrdreg $0xC0  }
0xab: {  	_ =	task [dreg:s6], $0x5FFFF  }
0xac: {  	[dreg:$0x1] =	wrdreg $0xFFFFFFFF  }
0xad: {  	[dreg:$0x0] =	wrdreg $0x60  }
0xae: {  	[dreg:$0x2] =	wrdreg s24  }
0xaf: {  	[dreg:$0x3] =	wrdreg $0x34000  }
0xb0: {  	[dreg:$0x4] =	wrdreg $0x9  }
0xb1: {  	_ =	task.clear_ibuf [dreg:s6], $0x5FFFF;
	_ =	strace $0x90000055  }
0xb2: {  	s29 =	simm.s32 $0x9;
	_ =	strace $0x80000057  }
0xb3: {  	_ =	swait.ge [sflag:s29], $0x1  }
0xb4: {  	[sflag:s29] =	ssyncadd.s32 $0xFFFFFFFF  }
0xb5: {  	_ =	strace $0x90000057  }
0xb6: {  	_ =	sfence  }
0xb7: {  	s30 =	sld [smem:$0x0];
	_ =	sdelay $0x2  }
0xb8: {  	s31 =	sshll.u32 s1, $0xD;
	s1 =	sshrl.u32 s1, $0x2  }
0xb9: {  	s3 =	sand.u32 $0x4000, s31;
	s1 =	sadd.s32 s1, s30  }
0xba: {  	s0 =	sor.u32 s3, s0;
	s1 =	sshll.u32 s1, $0x11  }
0xbb: {  	s0 =	sor.u32 s1, s0  }
0xbc: {  	s0 =	sadd.s32 $0x8F2B, s0  }
0xbd: {  	[sflag:s0] =	ssyncadd.remote.s32 $0x1  }
0xbe: {  	_ =	sfence.sel $0xFFFF  }
0xbf: {  	[dreg:$0x0] =	wrdreg $0xFFFFFFFF;
	(pc) =	sbr.abs _section_cstart, $3  }
0xc0: {  	[dreg:$0x1] =	wrdreg $0xFFFFFFFF  }
0xc1: {  	_ =	task.clear_ibuf [dreg:s6], $0x2FFFF;
	_ =	strace $0x9FFFFFFF  }
0xc2: {  	(tm) =	ssettm $0x7FFFFFFF  }
0xc3: {  	_ =	shalt  }
tec
execute0_lowered:
.L_overlay_start_1:
0x0: {  	(tag) =	ssettag $0x1  }
0x1: {  	s1 =	srdreg.scid;
	s4 =	rddreg [dreg:$0x0]  }
0x2: {  	s0 =	stileid.u32;
	s2 =	rddreg [dreg:$0x1];
	s3 =	simm.s32 $0x0  }
0x3: {  	s18 =	simm.s32 $0x80;
	s19 =	simm.s32 $0x2;
	s8 =	smul.u32 $0x4E20, s0  }
0x4: {  	s20 =	simm.s32 $0x1300;
	s21 =	simm.s32 $0x1380;
	s9 =	smul.u32 $0x9C4, s0  }
0x5: {  	s22 =	simm.s32 $0x0;
	s5 =	sand.u32 $0x1, s1;
	s26 =	smul.u32 $0x50000, s0  }
0x6: {  	s23 =	sshll.u32 s0, $0x1;
	s1 =	rddreg [dreg:$0x2];
	s17 =	smul.u32 $0x2800, s0  }
0x7: {  	[smem:$0x7FF] =	sst s3;
	s11 =	sadd.s32 $0x324600, s4;
	s12 =	smul.u32 $0x9C40, s5  }
0x8: {  	s29 =	sshll.u32 s0, $0x6;
	s6 =	sor.u32 s5, s23;
	s15 =	smul.u32 $0x28000, s5  }
0x9: {  	_ =	strace $0x80000056;
	s25 =	ssub.s32 $0x2, s5;
	s30 =	smul.u32 $0x1400, s5  }
0xa: {  	s5 =	sor.u32 $0x1C03, s29;
	s7 =	smul.u32 $0x280, s6;
	s10 =	sshrl.u32 s8, $0x3  }
0xb: {  	s13 =	smul.u32 $0x5000, s6;
	s28 =	sshrl.u32 s25, $0x1;
	s16 =	sadd.s32 s8, s2  }
0xc: {  	s10 =	sadd.s32 s10, s4;
	s24 =	sadd.s32 s9, s12;
	s9 =	ssub.s32 s25, s28  }
0xd: {  	s12 =	sadd.s32 s15, s26;
	s15 =	simm.s32 $0x1400;
	s7 =	sadd.s32 s7, s4  }
0xe: {  	s14 =	sadd.s32 s24, s4;
	s4 =	sadd.s32 $0x37400, s10;
	s10 =	sadd.s32 s30, s17  }
0xf: {  	s9 =	smax.u32 s9, $0x1;
	s12 =	sor.u32 $0x2000, s12;
	s17 =	simm.s32 $0x1  }
0x10: {  	s6 =	sadd.s32 $0x2F8400, s7;
	s7 =	sadd.s32 s11, s13;
	s8 =	sadd.s32 $0x68400, s14  }
0x11: {  	s31 =	sshll.u32 s10, $0x2;
	s12 =	sshrl.u32 s12, $0x3;
	s14 =	simm.s32 $0x3  }
0x12: {  	s10 =	sadd.s32 $0x4E00, s7;
	s13 =	sadd.s32 s31, s11;
	s11 =	sadd.s32 s12, s11  }
0x13: {  	s12 =	sadd.s32 $0x200, s13;
	s13 =	sshrl.u32 s16, $0x3;
	s16 =	simm.s32 $0x2400  }
.LBB2_1:
0x14: {  	[spmem:s13], [sflag:s5] =	dma.local [hbm:s4], $0x9C4  }
0x15: {  	_ =	swait.ge [sflag:s14], $0x9C4  }
0x16: {  	[sflag:s14] =	ssyncset.done $0x0  }
0x17: {  	[sflag:s14] =	ssyncadd.s32 $0xFFFFF63C  }
0x18: {  	[bflag:$0x0] =	sbarrier.arrive $0xFFFF  }
0x19: {  	[tilespmem:s3], [sflag:$0x3] =	stream.linear.gather [hbm4b:s6+s3], $0x1400, $0x38;
	[tilespmem:$0x8220] =	vst v63  }
0x1a: {  	_ =	swait.ge [sflag:s14], $0x1400  }
0x1b: {  	[sflag:s14] =	ssyncset.done $0x0  }
0x1c: {  	[sflag:s14] =	ssyncadd.s32 $0xFFFFEC00  }
0x1d: {  	[tilespmem:s15], [sflag:$0x1] =	stream.linear.gather [hbm4b:s7+s3], $0x1000, $0x38;
	[tilespmem:$0x8220] =	vst v63  }
0x1e: {  	s23 =	sadd.s32 $0x0, s12  }
0x1f: {  	[tilespmem:s16], [sflag:$0x2] =	stream.linear.gather [hbm4b:s23+s3], $0x1000, $0x38;
	[tilespmem:$0x8220] =	vst v63  }
0x20: {  	_ =	swait.ge [sflag:s17], $0x1000  }
0x21: {  	[sflag:s17] =	ssyncset.done $0x0  }
0x22: {  	s29 =	simm.s32 $0x0;
	[sflag:s17] =	ssyncadd.s32 $0xFFFFF000  }
0x23: {  	[spmem:s2] =	stream.indirect.scatter.add.f32 [tilespmem:s15], [sflag:$0x3], $0x20, s29, s18, $0xb8;
	[tilespmem:$0x8220] =	vst v63  }
0x24: {  	_ =	swait.ge [sflag:s14], $0x1000  }
0x25: {  	[sflag:s14] =	ssyncset.done $0x0  }
0x26: {  	s30 =	sadd.s32 $0x0, s11;
	[sflag:s14] =	ssyncadd.s32 $0xFFFFF000  }
0x27: {  	[tilespmem:s15], [sflag:$0x1] =	stream.linear.gather [hbm4b:s30+s3], $0x1000, $0x38;
	[tilespmem:$0x8220] =	vst v63  }
0x28: {  	_ =	swait.ge [sflag:s19], $0x1000  }
0x29: {  	[sflag:s19] =	ssyncset.done $0x0  }
0x2a: {  	s31 =	simm.s32 $0x80;
	[sflag:s19] =	ssyncadd.s32 $0xFFFFF000  }
0x2b: {  	[spmem:s2] =	stream.indirect.scatter.add.f32 [tilespmem:s16], [sflag:$0x3], $0x20, s31, s18, $0xb8;
	[tilespmem:$0x8220] =	vst v63  }
0x2c: {  	_ =	swait.ge [sflag:s14], $0x1000  }
0x2d: {  	s24 =	simm.s32 $0x800;
	s23 =	simm.s32 $0x400;
	[sflag:s14] =	ssyncset.done $0x0  }
.LBB2_2:
0x2e: {  	s25 =	sadd.s32 s23, s12  }
0x2f: {  	[sflag:s14] =	ssyncadd.s32 $0xFFFFF000;
	s26 =	smov.u32 s24;
	s28 =	sadd.s32 $0x400, s24  }
0x30: {  	[tilespmem:s16], [sflag:$0x2] =	stream.linear.gather [hbm4b:s25+s3], $0x1000, $0x38;
	[tilespmem:$0x8220] =	vst v63  }
0x31: {  	p0 =	sne.s32 s24, $0x4800;
	_ =	swait.ge [sflag:s17], $0x1000  }
0x32: {  	[sflag:s17] =	ssyncset.done $0x0  }
0x33: {  	s24 =	sshra.s32 s23, $0x2;
	[sflag:s17] =	ssyncadd.s32 $0xFFFFF000  }
0x34: {  	[spmem:s2] =	stream.indirect.scatter.add.f32 [tilespmem:s15], [sflag:$0x3], $0x20, s24, s18, $0xb8;
	[tilespmem:$0x8220] =	vst v63  }
0x35: {  	_ =	swait.ge [sflag:s14], $0x1000  }
0x36: {  	[sflag:s14] =	ssyncset.done $0x0  }
0x37: {  	s25 =	sadd.s32 s23, s11;
	s23 =	smov.u32 s26;
	[sflag:s14] =	ssyncadd.s32 $0xFFFFF000  }
0x38: {  	[tilespmem:s15], [sflag:$0x1] =	stream.linear.gather [hbm4b:s25+s3], $0x1000, $0x38;
	[tilespmem:$0x8220] =	vst v63  }
0x39: {  	_ =	swait.ge [sflag:s19], $0x1000  }
.Ltmp0:
0x3a: {  	[sflag:s19] =	ssyncset.done $0x0;
	(pc) =	sbr.rel @p0 .LBB2_2-.Ltmp0, $4  }
0x3b: {  	s24 =	sadd.s32 $0x80, s24;
	[sflag:s19] =	ssyncadd.s32 $0xFFFFF000  }
0x3c: {  	[spmem:s2] =	stream.indirect.scatter.add.f32 [tilespmem:s16], [sflag:$0x3], $0x20, s24, s18, $0xb8;
	[tilespmem:$0x8220] =	vst v63  }
0x3d: {  	_ =	swait.ge [sflag:s14], $0x1000  }
0x3e: {  	s24 =	smov.u32 s28;
	[sflag:s14] =	ssyncset.done $0x0  }
0x3f: {  	s24 =	sadd.s32 s23, s12;
	[sflag:s14] =	ssyncadd.s32 $0xFFFFF000  }
0x40: {  	[tilespmem:s16], [sflag:$0x2] =	stream.linear.gather [hbm4b:s24+s3], $0x1000, $0x38;
	[tilespmem:$0x8220] =	vst v63  }
0x41: {  	_ =	swait.ge [sflag:s17], $0x1000  }
0x42: {  	[sflag:s17] =	ssyncset.done $0x0  }
0x43: {  	s29 =	sshra.s32 s23, $0x2;
	[sflag:s17] =	ssyncadd.s32 $0xFFFFF000  }
0x44: {  	[spmem:s2] =	stream.indirect.scatter.add.f32 [tilespmem:s15], [sflag:$0x3], $0x20, s29, s18, $0xb8;
	[tilespmem:$0x8220] =	vst v63  }
0x45: {  	_ =	swait.ge [sflag:s14], $0x1000  }
0x46: {  	[sflag:s14] =	ssyncset.done $0x0  }
0x47: {  	s30 =	sadd.s32 s23, s11;
	[sflag:s14] =	ssyncadd.s32 $0xFFFFF000  }
0x48: {  	[tilespmem:s15], [sflag:$0x1] =	stream.linear.gather [hbm4b:s30+s3], $0x1000, $0x38;
	[tilespmem:$0x8220] =	vst v63  }
0x49: {  	_ =	swait.ge [sflag:s19], $0x1000  }
0x4a: {  	[sflag:s19] =	ssyncset.done $0x0  }
0x4b: {  	s31 =	sadd.s32 $0x80, s29;
	[sflag:s19] =	ssyncadd.s32 $0xFFFFF000  }
0x4c: {  	[spmem:s2] =	stream.indirect.scatter.add.f32 [tilespmem:s16], [sflag:$0x3], $0x20, s31, s18, $0xb8;
	[tilespmem:$0x8220] =	vst v63  }
0x4d: {  	_ =	swait.ge [sflag:s14], $0x1000  }
0x4e: {  	[sflag:s14] =	ssyncset.done $0x0  }
0x4f: {  	[sflag:s14] =	ssyncadd.s32 $0xFFFFF000  }
0x50: {  	[tilespmem:s16], [sflag:$0x2] =	stream.linear.gather [hbm4b:s10+s3], $0x1000, $0x38;
	[tilespmem:$0x8220] =	vst v63  }
0x51: {  	_ =	swait.ge [sflag:s17], $0x1000  }
0x52: {  	[sflag:s17] =	ssyncset.done $0x0  }
0x53: {  	[sflag:s17] =	ssyncadd.s32 $0xFFFFF000  }
0x54: {  	[spmem:s2] =	stream.indirect.scatter.add.f32 [tilespmem:s15], [sflag:$0x3], $0x20, s20, s18, $0xb8;
	[tilespmem:$0x8220] =	vst v63  }
0x55: {  	_ =	swait.ge [sflag:s14], $0x1000  }
0x56: {  	[sflag:s14] =	ssyncset.done $0x0  }
0x57: {  	[sflag:s14] =	ssyncadd.s32 $0xFFFFF000  }
0x58: {  	_ =	swait.ge [sflag:s19], $0x1000  }
0x59: {  	[sflag:s19] =	ssyncset.done $0x0  }
0x5a: {  	[sflag:s19] =	ssyncadd.s32 $0xFFFFF000  }
0x5b: {  	[spmem:s2] =	stream.indirect.scatter.add.f32 [tilespmem:s16], [sflag:$0x3], $0x20, s21, s18, $0xb8;
	[tilespmem:$0x8220] =	vst v63  }
0x5c: {  	_ =	swait.ge [sflag:s14], $0x1000  }
0x5d: {  	s22 =	sadd.s32 $0x1, s22;
	[sflag:s14] =	ssyncset.done $0x0  }
0x5e: {  	p0 =	sne.s32 s22, s9;
	[sflag:s14] =	ssyncadd.s32 $0xFFFFF000  }
.Ltmp1:
0x5f: {  	[bflag:$0x0] =	sbarrier.arrive $0xFFFF;
	(pc) =	sbr.rel @p0 .LBB2_1-.Ltmp1, $4  }
0x60: {  	[hbm:s8], [sflag:s5] =	dma.local [spmem:s13], $0x9C4  }
0x61: {  	_ =	swait.ge [sflag:s14], $0x9C4  }
0x62: {  	[sflag:s14] =	ssyncset.done $0x0  }
0x63: {  	[sflag:s14] =	ssyncadd.s32 $0xFFFFF63C  }
0x64: {  	_ =	sfence.sel $0x180000  }
0x65: {  	[bflag:$0x0] =	sbarrier.arrive $0xFFFF  }
0x66: {  	p0 =	sne.s32 s0, $0x0;
	_ =	strace $0x90000056  }
0x67: {  	s0 =	sadd.s32 @!p0 $0x100000, s1;
	[bflag:$0x2] =	sbarrier.arrive $0xFFFF  }
0x68: {  	[sflag:s0] =	ssyncadd.tile.s32 @!p0 $0x1;
	_ =	shalt  }
.Lfunc_end2:
_tile_overlayer_lowered:
.L_overlay_start_2:
0x69: {  	(tag) =	ssettag $0x2  }
0x6a: {  	s0 =	rddreg [dreg:$0x0];
	s2 =	stileid.u32  }
0x6b: {  	s1 =	rddreg [dreg:$0x1];
	p0 =	sne.s32 s2, $0x0  }
0x6c: {  	s3 =	rddreg [dreg:$0x2];
	[bflag:$0x3] =	sbarrier.arrive $0xFFFF;
	s2 =	simm.s32 @!p0 $0x1C03  }
0x6d: {  	[timem:s3], [sflag:s2] =	dma.local @!p0 [hbm:s0], s1  }
0x6e: {  	s0 =	simm.s32 @!p0 $0x3  }
0x6f: {  	_ =	swait.ge @!p0 [sflag:s0], s1  }
0x70: {  	s1 =	ssub.s32 @!p0 $0x0, s1;
	[sflag:s0] =	ssyncset.done @!p0 $0x0  }
0x71: {  	[sflag:s0] =	ssyncadd.s32 @!p0 s1  }
0x72: {  	[bflag:$0x3] =	sbarrier.arrive $0xFFFF  }
0x73: {  	_ =	shalt  }

</sc_bundles>
